<compile_context>
chip_gen: v7x
topology: tpu7x:2x2x1
jax: 0.10.2.dev20260603
libtpu: 0.0.44.dev20260713+nightly
codegen_flags: <defaults>
</compile_context>

<pallas_src>
import functools

import jax
import jax.numpy as jnp
from jax import lax
from jax.experimental import pallas as pl
from jax.experimental.pallas import tpu as pltpu
from jax.experimental.pallas import tpu_sc as plsc

_B = 16
_TOTAL = 16384
_D = 1024
_NC = 2
_NS = 16
_NW = _NC * _NS
_S = 8192
_RPW = _S // _NW
_C = 32
_NCHUNK = _RPW // _C
_L = 16
_R = 1024
_NT = (_TOTAL - _S) // _R


def _sc_partials(flat, cu_seqlens):
    mesh = plsc.VectorSubcoreMesh(core_axis_name="c", subcore_axis_name="s")

    @functools.partial(
        pl.kernel,
        out_type=jax.ShapeDtypeStruct((_NW, _B, _D), jnp.float32),
        mesh=mesh,
        scratch_types=[
            pltpu.VMEM((_B,), jnp.int32),
            pltpu.SMEM((_B + 8,), jnp.int32),
            pltpu.VMEM((_C, _D), jnp.float32),
            pltpu.VMEM((_C, _D), jnp.float32),
            pltpu.VMEM((_B, _D), jnp.float32),
            pltpu.SemaphoreType.DMA,
            pltpu.SemaphoreType.DMA,
        ],
    )
    def body(flat_hbm, cu_hbm, out_hbm, cu_v, cu_s, buf0, buf1, acc,
             sem0, sem1):
        wid = lax.axis_index("s") * _NC + lax.axis_index("c")
        row0 = wid * _RPW

        def chunk_src(cc):
            return flat_hbm.at[pl.ds(pl.multiple_of(row0 + cc * _C, _C), _C), :]

        pltpu.make_async_copy(chunk_src(0), buf0, sem0).start()
        pltpu.make_async_copy(chunk_src(1), buf1, sem1).start()
        pltpu.sync_copy(cu_hbm.at[pl.ds(0, _B)], cu_v)

        vlo = cu_v[pl.ds(0, _L)]
        for j in range(_L):
            cu_s[j] = vlo[j]
        cu_s[_B] = jnp.int32(_TOTAL)

        zero = jnp.zeros((_L,), jnp.float32)

        for j in range(_B):
            def zbody(g, _, j=j):
                acc[j, pl.ds(g * (4 * _L) + 0 * _L, _L)] = zero
                acc[j, pl.ds(g * (4 * _L) + 1 * _L, _L)] = zero
                acc[j, pl.ds(g * (4 * _L) + 2 * _L, _L)] = zero
                acc[j, pl.ds(g * (4 * _L) + 3 * _L, _L)] = zero
                return 0

            lax.fori_loop(0, _D // (4 * _L), zbody, 0)

        def advance(j, pos):
            def step(_, jj):
                jn = jnp.minimum(jj + 1, _B)
                return jnp.where(cu_s[jn] <= pos, jn, jj)

            return lax.fori_loop(0, _B, step, j)

        def accum_run(buf, seg, o, n):
            def gbody(gg, _):
                gbase = gg * (4 * _L)
                a0 = acc[seg, pl.ds(gbase + 0 * _L, _L)]
                a1 = acc[seg, pl.ds(gbase + 1 * _L, _L)]
                a2 = acc[seg, pl.ds(gbase + 2 * _L, _L)]
                a3 = acc[seg, pl.ds(gbase + 3 * _L, _L)]

                def rbody(r, accs):
                    x0, x1, x2, x3 = accs
                    return (
                        x0 + buf[o + r, pl.ds(gbase + 0 * _L, _L)],
                        x1 + buf[o + r, pl.ds(gbase + 1 * _L, _L)],
                        x2 + buf[o + r, pl.ds(gbase + 2 * _L, _L)],
                        x3 + buf[o + r, pl.ds(gbase + 3 * _L, _L)],
                    )

                a0, a1, a2, a3 = lax.fori_loop(0, n, rbody, (a0, a1, a2, a3))
                acc[seg, pl.ds(gbase + 0 * _L, _L)] = a0
                acc[seg, pl.ds(gbase + 1 * _L, _L)] = a1
                acc[seg, pl.ds(gbase + 2 * _L, _L)] = a2
                acc[seg, pl.ds(gbase + 3 * _L, _L)] = a3
                return 0

            lax.fori_loop(0, _D // (4 * _L), gbody, 0)

        def process(cc, buf, jcur):
            base = row0 + cc * _C
            end = base + _C

            @pl.when(cu_s[jcur + 1] >= end)
            def _():
                def gbody(gg, _):
                    gbase = gg * (4 * _L)
                    a0 = acc[jcur, pl.ds(gbase + 0 * _L, _L)]
                    a1 = acc[jcur, pl.ds(gbase + 1 * _L, _L)]
                    a2 = acc[jcur, pl.ds(gbase + 2 * _L, _L)]
                    a3 = acc[jcur, pl.ds(gbase + 3 * _L, _L)]
                    for r in range(_C):
                        a0 = a0 + buf[r, pl.ds(gbase + 0 * _L, _L)]
                        a1 = a1 + buf[r, pl.ds(gbase + 1 * _L, _L)]
                        a2 = a2 + buf[r, pl.ds(gbase + 2 * _L, _L)]
                        a3 = a3 + buf[r, pl.ds(gbase + 3 * _L, _L)]
                    acc[jcur, pl.ds(gbase + 0 * _L, _L)] = a0
                    acc[jcur, pl.ds(gbase + 1 * _L, _L)] = a1
                    acc[jcur, pl.ds(gbase + 2 * _L, _L)] = a2
                    acc[jcur, pl.ds(gbase + 3 * _L, _L)] = a3
                    return 0

                lax.fori_loop(0, _D // (4 * _L), gbody, 0)

            @pl.when(cu_s[jcur + 1] < end)
            def _():
                def run(i, _):
                    j = jnp.minimum(jcur + i, _B - 1)
                    lo = jnp.maximum(cu_s[j], base)
                    hi = jnp.minimum(cu_s[j + 1], end)
                    n = jnp.maximum(hi - lo, 0)

                    @pl.when(jnp.logical_and(n > 0, jcur + i < _B))
                    def _():
                        accum_run(buf, j, lo - base, n)

                    return 0

                lax.fori_loop(0, _B, run, 0)

            return advance(jcur, end)

        def pair(i, jcur):
            cc = i * 2
            pltpu.make_async_copy(chunk_src(0), buf0, sem0).wait()
            jcur = process(cc, buf0, jcur)

            @pl.when(cc + 2 < _NCHUNK)
            def _():
                pltpu.make_async_copy(chunk_src(cc + 2), buf0, sem0).start()

            pltpu.make_async_copy(chunk_src(1), buf1, sem1).wait()
            jcur = process(cc + 1, buf1, jcur)

            @pl.when(cc + 3 < _NCHUNK)
            def _():
                pltpu.make_async_copy(chunk_src(cc + 3), buf1, sem1).start()

            return jcur

        lax.fori_loop(0, _NCHUNK // 2, pair, advance(jnp.int32(0), row0))
        pltpu.sync_copy(acc, out_hbm.at[wid])

    return body(flat, cu_seqlens)


def _tc_tail_sums(flat, one_hot):

    def body(oh_ref, x_ref, o_ref):
        @pl.when(pl.program_id(0) == 0)
        def _():
            o_ref[...] = jnp.zeros_like(o_ref)

        o_ref[...] += lax.dot_general(
            oh_ref[...], x_ref[...],
            (((1,), (0,)), ((), ())),
            precision=lax.Precision.HIGHEST,
            preferred_element_type=jnp.float32)

    return pl.pallas_call(
        body,
        grid=(_NT,),
        in_specs=[
            pl.BlockSpec((_B, _R), lambda i: (0, i)),
            pl.BlockSpec((_R, _D), lambda i: (_S // _R + i, 0)),
        ],
        out_specs=pl.BlockSpec((_B, _D), lambda i: (0, 0)),
        out_shape=jax.ShapeDtypeStruct((_B, _D), jnp.float32),
    )(one_hot, flat)


def _fold(partials, tail):

    def body(p_ref, t_ref, o_ref):
        o_ref[...] = jnp.sum(p_ref[...], axis=0) + t_ref[...]

    return pl.pallas_call(
        body,
        out_shape=jax.ShapeDtypeStruct((_B, _D), jnp.float32),
    )(partials, tail)


def kernel(flat, cu_seqlens):
    cu = cu_seqlens.astype(jnp.int32)
    rows = jnp.arange(_S, _TOTAL, dtype=jnp.int32)[None, :]
    one_hot = ((rows >= cu[:-1, None]) & (rows < cu[1:, None])
               ).astype(jnp.float32)
    partials = _sc_partials(flat, cu)
    tail = _tc_tail_sums(flat, one_hot)
    return _fold(partials, tail)

# --- scband reference (transcript-rebuilt; emitter-appended) ---
"""Pipeline reference for scband-permop-ragged-16552803958995 (READ-ONLY COPY).

The authoritative reference and input builder live on the scoring server;
editing this copy changes nothing except your own understanding.
"""

import jax, jax.numpy as jnp
import numpy as np

B = 16
TOTAL = 16384
D = 1024

def setup_inputs(seed: int = 0) -> dict:
    key = jax.random.key(seed)
    k1, k2 = jax.random.split(key)
    flat = jax.random.normal(k1, (TOTAL, D), dtype=jnp.float32)
    # ragged boundaries: B+1 cumulative sequence lengths, endpoints pinned to 0 and TOTAL
    cuts = jnp.sort(jax.random.randint(k2, (B - 1,), 0, TOTAL)).astype(jnp.int32)
    cu_seqlens = jnp.concatenate([
        jnp.array([0], dtype=jnp.int32),
        cuts,
        jnp.array([TOTAL], dtype=jnp.int32),
    ])
    return {"flat": flat, "cu_seqlens": cu_seqlens}

def reference(flat, cu_seqlens):
    # PermopRagged: sum-pool each ragged segment -> (B, C).
    # Equivalent to torch.stack([x.sum(dim=0) for x in split(flat, cu_seqlens)])
    total = flat.shape[0]
    num_segments = cu_seqlens.shape[0] - 1
    # token i belongs to segment j iff cu[j] <= i < cu[j+1]
    seg_ids = jnp.searchsorted(cu_seqlens[1:], jnp.arange(total), side='right')
    out = jax.ops.segment_sum(flat, seg_ids, num_segments=num_segments)
    return out

if __name__ == "__main__":
    import jax
    _d = setup_inputs()
    print(jax.jit(kernel)(*tuple(_d.values())))

</pallas_src>

<mosaic_0001>
#map = affine_map<(d0, d1) -> (0, 0)>
#map1 = affine_map<(d0, d1) -> (0)>
#map2 = affine_map<(d0, d1) -> (0, 0, 0)>
module attributes {stable_mosaic.version = 14 : i64} {
  func.func @body(%arg0: i32, %arg1: i32, %arg2: memref<16384x1024xf32, #tpu.memory_space<hbm>>, %arg3: memref<17xi32, #tpu.memory_space<hbm>>, %arg4: memref<32x16x1024xf32, #tpu.memory_space<hbm>>, %arg5: memref<16xi32, #tpu.memory_space<vmem>>, %arg6: memref<24xi32, #tpu.memory_space<smem>>, %arg7: memref<32x1024xf32, #tpu.memory_space<vmem>>, %arg8: memref<32x1024xf32, #tpu.memory_space<vmem>>, %arg9: memref<16x1024xf32, #tpu.memory_space<vmem>>, %arg10: memref<!tpu.dma_semaphore, #tpu.memory_space<semaphore_mem>>, %arg11: memref<!tpu.dma_semaphore, #tpu.memory_space<semaphore_mem>>) attributes {dimension_semantics = [#tpu.dimension_semantics<core_parallel>, #tpu.dimension_semantics<subcore_parallel>], iteration_bounds = array<i64: 2, 16>, scalar_prefetch = 0 : i64, scratch_operands = 7 : i64, tpu.core_type = #tpu.core_type<sc_vector_subcore>, window_params = [{transform_indices = #map}, {transform_indices = #map1}, {transform_indices = #map2}]} {
    %mul3A = arith.constant 2 : i32
    %mul3A_0 = arith.muli %arg1, %mul3A : i32
    %add3A = arith.addi %mul3A_0, %arg0 : i32
    %mul3A_1 = arith.constant 256 : i32
    %mul3A_2 = arith.muli %add3A, %mul3A_1 : i32
    %add3A_3 = arith.constant 0 : i32
    %add3A_4 = arith.addi %mul3A_2, %add3A_3 : i32
    %multiple_of3A = tpu.assume_multiple %add3A_4, 32 : i32
    %dma_start3A = arith.constant 0 : i32
    %dma_start3A_5 = tpu.memref_slice %arg2[%multiple_of3A, %dma_start3A] : memref<16384x1024xf32, #tpu.memory_space<hbm>> -> memref<32x1024xf32, #tpu.memory_space<hbm>>
    %dma_start3A_6 = arith.constant 0 : i32
    %dma_start3A_7 = tpu.memref_slice %arg2[%multiple_of3A, %dma_start3A_6] : memref<16384x1024xf32, #tpu.memory_space<hbm>> -> memref<32x1024xf32, #tpu.memory_space<hbm>>
    tpu.enqueue_dma source(%dma_start3A_7 : memref<32x1024xf32, #tpu.memory_space<hbm>>) target(%arg7 : memref<32x1024xf32, #tpu.memory_space<vmem>>) target_semaphore(%arg10 : memref<!tpu.dma_semaphore, #tpu.memory_space<semaphore_mem>>)
    %add3A_8 = arith.constant 32 : i32
    %add3A_9 = arith.addi %mul3A_2, %add3A_8 : i32
    %multiple_of3A_10 = tpu.assume_multiple %add3A_9, 32 : i32
    %dma_start3A_11 = arith.constant 0 : i32
    %dma_start3A_12 = tpu.memref_slice %arg2[%multiple_of3A_10, %dma_start3A_11] : memref<16384x1024xf32, #tpu.memory_space<hbm>> -> memref<32x1024xf32, #tpu.memory_space<hbm>>
    %dma_start3A_13 = arith.constant 0 : i32
    %dma_start3A_14 = tpu.memref_slice %arg2[%multiple_of3A_10, %dma_start3A_13] : memref<16384x1024xf32, #tpu.memory_space<hbm>> -> memref<32x1024xf32, #tpu.memory_space<hbm>>
    tpu.enqueue_dma source(%dma_start3A_14 : memref<32x1024xf32, #tpu.memory_space<hbm>>) target(%arg8 : memref<32x1024xf32, #tpu.memory_space<vmem>>) target_semaphore(%arg11 : memref<!tpu.dma_semaphore, #tpu.memory_space<semaphore_mem>>)
    "tpu.region"() ({
      %run_scoped3A = tpu.sem_alloc : memref<!tpu.dma_semaphore, #tpu.memory_space<semaphore_mem>>
      %dma_start3A_223 = arith.constant 0 : i32
      %dma_start3A_224 = tpu.memref_slice %arg3[%dma_start3A_223] : memref<17xi32, #tpu.memory_space<hbm>> -> memref<16xi32, #tpu.memory_space<hbm>>
      %dma_start3A_225 = arith.constant 0 : i32
      %dma_start3A_226 = tpu.memref_slice %arg3[%dma_start3A_225] : memref<17xi32, #tpu.memory_space<hbm>> -> memref<16xi32, #tpu.memory_space<hbm>>
      tpu.enqueue_dma source(%dma_start3A_226 : memref<16xi32, #tpu.memory_space<hbm>>) target(%arg5 : memref<16xi32, #tpu.memory_space<vmem>>) target_semaphore(%run_scoped3A : memref<!tpu.dma_semaphore, #tpu.memory_space<semaphore_mem>>)
      %dma_wait3A = arith.constant 0 : i32
      %dma_wait3A_227 = tpu.memref_slice %arg3[%dma_wait3A] : memref<17xi32, #tpu.memory_space<hbm>> -> memref<16xi32, #tpu.memory_space<hbm>>
      %dma_wait3A_228 = arith.constant 0 : i32
      %dma_wait3A_229 = tpu.memref_slice %arg3[%dma_wait3A_228] : memref<17xi32, #tpu.memory_space<hbm>> -> memref<16xi32, #tpu.memory_space<hbm>>
      tpu.wait_dma2 semaphore(%run_scoped3A : memref<!tpu.dma_semaphore, #tpu.memory_space<semaphore_mem>>) src(%dma_wait3A_229 : memref<16xi32, #tpu.memory_space<hbm>>) dst(%arg5 : memref<16xi32, #tpu.memory_space<vmem>>)
      tpu.yield
    }) : () -> ()
    %get3A = arith.constant 0 : index
    %get3A_15 = tpu.vector_load %arg5[%get3A] {strides = array<i32>} : memref<16xi32, #tpu.memory_space<vmem>>, vector<16xi32>,
    %get3A_16 = vector.shape_cast %get3A_15 : vector<16xi32> to vector<16xi32>
    %slice3A = vector.extract_strided_slice %get3A_16 {offsets = [0], sizes = [1], strides = [1]} : vector<16xi32> to vector<1xi32>
    %squeeze3A = vector.extract %slice3A[0] : i32 from vector<1xi32>
    %swap3A = arith.constant 0 : i32
    %swap3A_17 = arith.index_cast %swap3A : i32 to index
    %swap3A_18 = memref.load %arg6[%swap3A_17] : memref<24xi32, #tpu.memory_space<smem>>
    memref.store %squeeze3A, %arg6[%swap3A_17] : memref<24xi32, #tpu.memory_space<smem>>
    %slice3A_19 = vector.extract_strided_slice %get3A_16 {offsets = [1], sizes = [1], strides = [1]} : vector<16xi32> to vector<1xi32>
    %squeeze3A_20 = vector.extract %slice3A_19[0] : i32 from vector<1xi32>
    %swap3A_21 = arith.constant 1 : i32
    %swap3A_22 = arith.index_cast %swap3A_21 : i32 to index
    %swap3A_23 = memref.load %arg6[%swap3A_22] : memref<24xi32, #tpu.memory_space<smem>>
    memref.store %squeeze3A_20, %arg6[%swap3A_22] : memref<24xi32, #tpu.memory_space<smem>>
    %slice3A_24 = vector.extract_strided_slice %get3A_16 {offsets = [2], sizes = [1], strides = [1]} : vector<16xi32> to vector<1xi32>
    %squeeze3A_25 = vector.extract %slice3A_24[0] : i32 from vector<1xi32>
    %swap3A_26 = arith.constant 2 : i32
    %swap3A_27 = arith.index_cast %swap3A_26 : i32 to index
    %swap3A_28 = memref.load %arg6[%swap3A_27] : memref<24xi32, #tpu.memory_space<smem>>
    memref.store %squeeze3A_25, %arg6[%swap3A_27] : memref<24xi32, #tpu.memory_space<smem>>
    %slice3A_29 = vector.extract_strided_slice %get3A_16 {offsets = [3], sizes = [1], strides = [1]} : vector<16xi32> to vector<1xi32>
    %squeeze3A_30 = vector.extract %slice3A_29[0] : i32 from vector<1xi32>
    %swap3A_31 = arith.constant 3 : i32
    %swap3A_32 = arith.index_cast %swap3A_31 : i32 to index
    %swap3A_33 = memref.load %arg6[%swap3A_32] : memref<24xi32, #tpu.memory_space<smem>>
    memref.store %squeeze3A_30, %arg6[%swap3A_32] : memref<24xi32, #tpu.memory_space<smem>>
    %slice3A_34 = vector.extract_strided_slice %get3A_16 {offsets = [4], sizes = [1], strides = [1]} : vector<16xi32> to vector<1xi32>
    %squeeze3A_35 = vector.extract %slice3A_34[0] : i32 from vector<1xi32>
    %swap3A_36 = arith.constant 4 : i32
    %swap3A_37 = arith.index_cast %swap3A_36 : i32 to index
    %swap3A_38 = memref.load %arg6[%swap3A_37] : memref<24xi32, #tpu.memory_space<smem>>
    memref.store %squeeze3A_35, %arg6[%swap3A_37] : memref<24xi32, #tpu.memory_space<smem>>
    %slice3A_39 = vector.extract_strided_slice %get3A_16 {offsets = [5], sizes = [1], strides = [1]} : vector<16xi32> to vector<1xi32>
    %squeeze3A_40 = vector.extract %slice3A_39[0] : i32 from vector<1xi32>
    %swap3A_41 = arith.constant 5 : i32
    %swap3A_42 = arith.index_cast %swap3A_41 : i32 to index
    %swap3A_43 = memref.load %arg6[%swap3A_42] : memref<24xi32, #tpu.memory_space<smem>>
    memref.store %squeeze3A_40, %arg6[%swap3A_42] : memref<24xi32, #tpu.memory_space<smem>>
    %slice3A_44 = vector.extract_strided_slice %get3A_16 {offsets = [6], sizes = [1], strides = [1]} : vector<16xi32> to vector<1xi32>
    %squeeze3A_45 = vector.extract %slice3A_44[0] : i32 from vector<1xi32>
    %swap3A_46 = arith.constant 6 : i32
    %swap3A_47 = arith.index_cast %swap3A_46 : i32 to index
    %swap3A_48 = memref.load %arg6[%swap3A_47] : memref<24xi32, #tpu.memory_space<smem>>
    memref.store %squeeze3A_45, %arg6[%swap3A_47] : memref<24xi32, #tpu.memory_space<smem>>
    %slice3A_49 = vector.extract_strided_slice %get3A_16 {offsets = [7], sizes = [1], strides = [1]} : vector<16xi32> to vector<1xi32>
    %squeeze3A_50 = vector.extract %slice3A_49[0] : i32 from vector<1xi32>
    %swap3A_51 = arith.constant 7 : i32
    %swap3A_52 = arith.index_cast %swap3A_51 : i32 to index
    %swap3A_53 = memref.load %arg6[%swap3A_52] : memref<24xi32, #tpu.memory_space<smem>>
    memref.store %squeeze3A_50, %arg6[%swap3A_52] : memref<24xi32, #tpu.memory_space<smem>>
    %slice3A_54 = vector.extract_strided_slice %get3A_16 {offsets = [8], sizes = [1], strides = [1]} : vector<16xi32> to vector<1xi32>
    %squeeze3A_55 = vector.extract %slice3A_54[0] : i32 from vector<1xi32>
    %swap3A_56 = arith.constant 8 : i32
    %swap3A_57 = arith.index_cast %swap3A_56 : i32 to index
    %swap3A_58 = memref.load %arg6[%swap3A_57] : memref<24xi32, #tpu.memory_space<smem>>
    memref.store %squeeze3A_55, %arg6[%swap3A_57] : memref<24xi32, #tpu.memory_space<smem>>
    %slice3A_59 = vector.extract_strided_slice %get3A_16 {offsets = [9], sizes = [1], strides = [1]} : vector<16xi32> to vector<1xi32>
    %squeeze3A_60 = vector.extract %slice3A_59[0] : i32 from vector<1xi32>
    %swap3A_61 = arith.constant 9 : i32
    %swap3A_62 = arith.index_cast %swap3A_61 : i32 to index
    %swap3A_63 = memref.load %arg6[%swap3A_62] : memref<24xi32, #tpu.memory_space<smem>>
    memref.store %squeeze3A_60, %arg6[%swap3A_62] : memref<24xi32, #tpu.memory_space<smem>>
    %slice3A_64 = vector.extract_strided_slice %get3A_16 {offsets = [10], sizes = [1], strides = [1]} : vector<16xi32> to vector<1xi32>
    %squeeze3A_65 = vector.extract %slice3A_64[0] : i32 from vector<1xi32>
    %swap3A_66 = arith.constant 10 : i32
    %swap3A_67 = arith.index_cast %swap3A_66 : i32 to index
    %swap3A_68 = memref.load %arg6[%swap3A_67] : memref<24xi32, #tpu.memory_space<smem>>
    memref.store %squeeze3A_65, %arg6[%swap3A_67] : memref<24xi32, #tpu.memory_space<smem>>
    %slice3A_69 = vector.extract_strided_slice %get3A_16 {offsets = [11], sizes = [1], strides = [1]} : vector<16xi32> to vector<1xi32>
    %squeeze3A_70 = vector.extract %slice3A_69[0] : i32 from vector<1xi32>
    %swap3A_71 = arith.constant 11 : i32
    %swap3A_72 = arith.index_cast %swap3A_71 : i32 to index
    %swap3A_73 = memref.load %arg6[%swap3A_72] : memref<24xi32, #tpu.memory_space<smem>>
    memref.store %squeeze3A_70, %arg6[%swap3A_72] : memref<24xi32, #tpu.memory_space<smem>>
    %slice3A_74 = vector.extract_strided_slice %get3A_16 {offsets = [12], sizes = [1], strides = [1]} : vector<16xi32> to vector<1xi32>
    %squeeze3A_75 = vector.extract %slice3A_74[0] : i32 from vector<1xi32>
    %swap3A_76 = arith.constant 12 : i32
    %swap3A_77 = arith.index_cast %swap3A_76 : i32 to index
    %swap3A_78 = memref.load %arg6[%swap3A_77] : memref<24xi32, #tpu.memory_space<smem>>
    memref.store %squeeze3A_75, %arg6[%swap3A_77] : memref<24xi32, #tpu.memory_space<smem>>
    %slice3A_79 = vector.extract_strided_slice %get3A_16 {offsets = [13], sizes = [1], strides = [1]} : vector<16xi32> to vector<1xi32>
    %squeeze3A_80 = vector.extract %slice3A_79[0] : i32 from vector<1xi32>
    %swap3A_81 = arith.constant 13 : i32
    %swap3A_82 = arith.index_cast %swap3A_81 : i32 to index
    %swap3A_83 = memref.load %arg6[%swap3A_82] : memref<24xi32, #tpu.memory_space<smem>>
    memref.store %squeeze3A_80, %arg6[%swap3A_82] : memref<24xi32, #tpu.memory_space<smem>>
    %slice3A_84 = vector.extract_strided_slice %get3A_16 {offsets = [14], sizes = [1], strides = [1]} : vector<16xi32> to vector<1xi32>
    %squeeze3A_85 = vector.extract %slice3A_84[0] : i32 from vector<1xi32>
    %swap3A_86 = arith.constant 14 : i32
    %swap3A_87 = arith.index_cast %swap3A_86 : i32 to index
    %swap3A_88 = memref.load %arg6[%swap3A_87] : memref<24xi32, #tpu.memory_space<smem>>
    memref.store %squeeze3A_85, %arg6[%swap3A_87] : memref<24xi32, #tpu.memory_space<smem>>
    %slice3A_89 = vector.extract_strided_slice %get3A_16 {offsets = [15], sizes = [1], strides = [1]} : vector<16xi32> to vector<1xi32>
    %squeeze3A_90 = vector.extract %slice3A_89[0] : i32 from vector<1xi32>
    %swap3A_91 = arith.constant 15 : i32
    %swap3A_92 = arith.index_cast %swap3A_91 : i32 to index
    %swap3A_93 = memref.load %arg6[%swap3A_92] : memref<24xi32, #tpu.memory_space<smem>>
    memref.store %squeeze3A_90, %arg6[%swap3A_92] : memref<24xi32, #tpu.memory_space<smem>>
    %swap3A_94 = arith.constant 16384 : i32
    %swap3A_95 = arith.constant 16 : i32
    %swap3A_96 = arith.index_cast %swap3A_95 : i32 to index
    %swap3A_97 = memref.load %arg6[%swap3A_96] : memref<24xi32, #tpu.memory_space<smem>>
    memref.store %swap3A_94, %arg6[%swap3A_96] : memref<24xi32, #tpu.memory_space<smem>>
    %broadcast_in_dim3A = arith.constant 0.000000e+00 : f32
    %broadcast_in_dim3A_98 = vector.broadcast %broadcast_in_dim3A : f32 to vector<16xf32>
    %scan3A = arith.constant 0 : i32
    %scan3A_99 = arith.constant 0 : i32
    %scan3A_100 = arith.constant 16 : i32
    %scan3A_101 = arith.addi %scan3A_99, %scan3A_100 : i32
    %scan3A_102 = arith.constant 1 : i32
    %scan3A_103 = scf.for %scan3A_223 = %scan3A_99 to %scan3A_101 step %scan3A_102 iter_args(%scan3A_224 = %scan3A) -> (i32)  : i32 {
      %mul3A_225 = arith.constant 64 : i32
      %mul3A_226 = arith.muli %scan3A_223, %mul3A_225 : i32
      %add3A_227 = arith.constant 0 : i32
      %add3A_228 = arith.addi %mul3A_226, %add3A_227 : i32
      %swap3A_229 = arith.constant 0 : i32
      %swap3A_230 = arith.index_cast %swap3A_229 : i32 to index
      %swap3A_231 = arith.index_cast %add3A_228 : i32 to index
      %swap3A_232 = tpu.vector_load %arg9[%swap3A_230, %swap3A_231] {strides = array<i32>} : memref<16x1024xf32, #tpu.memory_space<vmem>>, vector<1x16xf32>,
      %swap3A_233 = vector.shape_cast %swap3A_232 : vector<1x16xf32> to vector<16xf32>
      %swap3A_234 = vector.shape_cast %broadcast_in_dim3A_98 : vector<16xf32> to vector<1x16xf32>
      tpu.vector_store %arg9[%swap3A_230, %swap3A_231], %swap3A_234 {strides = array<i32>} : memref<16x1024xf32, #tpu.memory_space<vmem>>, vector<1x16xf32>,
      %mul3A_235 = arith.constant 64 : i32
      %mul3A_236 = arith.muli %scan3A_223, %mul3A_235 : i32
      %add3A_237 = arith.constant 16 : i32
      %add3A_238 = arith.addi %mul3A_236, %add3A_237 : i32
      %swap3A_239 = arith.constant 0 : i32
      %swap3A_240 = arith.index_cast %swap3A_239 : i32 to index
      %swap3A_241 = arith.index_cast %add3A_238 : i32 to index
      %swap3A_242 = tpu.vector_load %arg9[%swap3A_240, %swap3A_241] {strides = array<i32>} : memref<16x1024xf32, #tpu.memory_space<vmem>>, vector<1x16xf32>,
      %swap3A_243 = vector.shape_cast %swap3A_242 : vector<1x16xf32> to vector<16xf32>
      %swap3A_244 = vector.shape_cast %broadcast_in_dim3A_98 : vector<16xf32> to vector<1x16xf32>
      tpu.vector_store %arg9[%swap3A_240, %swap3A_241], %swap3A_244 {strides = array<i32>} : memref<16x1024xf32, #tpu.memory_space<vmem>>, vector<1x16xf32>,
      %mul3A_245 = arith.constant 64 : i32
      %mul3A_246 = arith.muli %scan3A_223, %mul3A_245 : i32
      %add3A_247 = arith.constant 32 : i32
      %add3A_248 = arith.addi %mul3A_246, %add3A_247 : i32
      %swap3A_249 = arith.constant 0 : i32
      %swap3A_250 = arith.index_cast %swap3A_249 : i32 to index
      %swap3A_251 = arith.index_cast %add3A_248 : i32 to index
      %swap3A_252 = tpu.vector_load %arg9[%swap3A_250, %swap3A_251] {strides = array<i32>} : memref<16x1024xf32, #tpu.memory_space<vmem>>, vector<1x16xf32>,
      %swap3A_253 = vector.shape_cast %swap3A_252 : vector<1x16xf32> to vector<16xf32>
      %swap3A_254 = vector.shape_cast %broadcast_in_dim3A_98 : vector<16xf32> to vector<1x16xf32>
      tpu.vector_store %arg9[%swap3A_250, %swap3A_251], %swap3A_254 {strides = array<i32>} : memref<16x1024xf32, #tpu.memory_space<vmem>>, vector<1x16xf32>,
      %mul3A_255 = arith.constant 64 : i32
      %mul3A_256 = arith.muli %scan3A_223, %mul3A_255 : i32
      %add3A_257 = arith.constant 48 : i32
      %add3A_258 = arith.addi %mul3A_256, %add3A_257 : i32
      %swap3A_259 = arith.constant 0 : i32
      %swap3A_260 = arith.index_cast %swap3A_259 : i32 to index
      %swap3A_261 = arith.index_cast %add3A_258 : i32 to index
      %swap3A_262 = tpu.vector_load %arg9[%swap3A_260, %swap3A_261] {strides = array<i32>} : memref<16x1024xf32, #tpu.memory_space<vmem>>, vector<1x16xf32>,
      %swap3A_263 = vector.shape_cast %swap3A_262 : vector<1x16xf32> to vector<16xf32>
      %swap3A_264 = vector.shape_cast %broadcast_in_dim3A_98 : vector<16xf32> to vector<1x16xf32>
      tpu.vector_store %arg9[%swap3A_260, %swap3A_261], %swap3A_264 {strides = array<i32>} : memref<16x1024xf32, #tpu.memory_space<vmem>>, vector<1x16xf32>,
      %scan3A_265 = arith.constant 0 : i32
      scf.yield %scan3A_265 : i32
    }
    %scan3A_104 = arith.constant 16 : i32
    %scan3A_105 = arith.constant 0 : i32
    %scan3A_106 = arith.constant 0 : i32
    %scan3A_107 = arith.constant 16 : i32
    %scan3A_108 = arith.addi %scan3A_106, %scan3A_107 : i32
    %scan3A_109 = arith.constant 1 : i32
    %scan3A_110 = scf.for %scan3A_223 = %scan3A_106 to %scan3A_108 step %scan3A_109 iter_args(%scan3A_224 = %scan3A_105) -> (i32)  : i32 {
      %mul3A_225 = arith.constant 64 : i32
      %mul3A_226 = arith.muli %scan3A_223, %mul3A_225 : i32
      %add3A_227 = arith.constant 0 : i32
      %add3A_228 = arith.addi %mul3A_226, %add3A_227 : i32
      %swap3A_229 = arith.constant 1 : i32
      %swap3A_230 = arith.index_cast %swap3A_229 : i32 to index
      %swap3A_231 = arith.index_cast %add3A_228 : i32 to index
      %swap3A_232 = tpu.vector_load %arg9[%swap3A_230, %swap3A_231] {strides = array<i32>} : memref<16x1024xf32, #tpu.memory_space<vmem>>, vector<1x16xf32>,
      %swap3A_233 = vector.shape_cast %swap3A_232 : vector<1x16xf32> to vector<16xf32>
      %swap3A_234 = vector.shape_cast %broadcast_in_dim3A_98 : vector<16xf32> to vector<1x16xf32>
      tpu.vector_store %arg9[%swap3A_230, %swap3A_231], %swap3A_234 {strides = array<i32>} : memref<16x1024xf32, #tpu.memory_space<vmem>>, vector<1x16xf32>,
      %mul3A_235 = arith.constant 64 : i32
      %mul3A_236 = arith.muli %scan3A_223, %mul3A_235 : i32
      %add3A_237 = arith.constant 16 : i32
      %add3A_238 = arith.addi %mul3A_236, %add3A_237 : i32
      %swap3A_239 = arith.constant 1 : i32
      %swap3A_240 = arith.index_cast %swap3A_239 : i32 to index
      %swap3A_241 = arith.index_cast %add3A_238 : i32 to index
      %swap3A_242 = tpu.vector_load %arg9[%swap3A_240, %swap3A_241] {strides = array<i32>} : memref<16x1024xf32, #tpu.memory_space<vmem>>, vector<1x16xf32>,
      %swap3A_243 = vector.shape_cast %swap3A_242 : vector<1x16xf32> to vector<16xf32>
      %swap3A_244 = vector.shape_cast %broadcast_in_dim3A_98 : vector<16xf32> to vector<1x16xf32>
      tpu.vector_store %arg9[%swap3A_240, %swap3A_241], %swap3A_244 {strides = array<i32>} : memref<16x1024xf32, #tpu.memory_space<vmem>>, vector<1x16xf32>,
      %mul3A_245 = arith.constant 64 : i32
      %mul3A_246 = arith.muli %scan3A_223, %mul3A_245 : i32
      %add3A_247 = arith.constant 32 : i32
      %add3A_248 = arith.addi %mul3A_246, %add3A_247 : i32
      %swap3A_249 = arith.constant 1 : i32
      %swap3A_250 = arith.index_cast %swap3A_249 : i32 to index
      %swap3A_251 = arith.index_cast %add3A_248 : i32 to index
      %swap3A_252 = tpu.vector_load %arg9[%swap3A_250, %swap3A_251] {strides = array<i32>} : memref<16x1024xf32, #tpu.memory_space<vmem>>, vector<1x16xf32>,
      %swap3A_253 = vector.shape_cast %swap3A_252 : vector<1x16xf32> to vector<16xf32>
      %swap3A_254 = vector.shape_cast %broadcast_in_dim3A_98 : vector<16xf32> to vector<1x16xf32>
      tpu.vector_store %arg9[%swap3A_250, %swap3A_251], %swap3A_254 {strides = array<i32>} : memref<16x1024xf32, #tpu.memory_space<vmem>>, vector<1x16xf32>,
      %mul3A_255 = arith.constant 64 : i32
      %mul3A_256 = arith.muli %scan3A_223, %mul3A_255 : i32
      %add3A_257 = arith.constant 48 : i32
      %add3A_258 = arith.addi %mul3A_256, %add3A_257 : i32
      %swap3A_259 = arith.constant 1 : i32
      %swap3A_260 = arith.index_cast %swap3A_259 : i32 to index
      %swap3A_261 = arith.index_cast %add3A_258 : i32 to index
      %swap3A_262 = tpu.vector_load %arg9[%swap3A_260, %swap3A_261] {strides = array<i32>} : memref<16x1024xf32, #tpu.memory_space<vmem>>, vector<1x16xf32>,
      %swap3A_263 = vector.shape_cast %swap3A_262 : vector<1x16xf32> to vector<16xf32>
      %swap3A_264 = vector.shape_cast %broadcast_in_dim3A_98 : vector<16xf32> to vector<1x16xf32>
      tpu.vector_store %arg9[%swap3A_260, %swap3A_261], %swap3A_264 {strides = array<i32>} : memref<16x1024xf32, #tpu.memory_space<vmem>>, vector<1x16xf32>,
      %scan3A_265 = arith.constant 0 : i32
      scf.yield %scan3A_265 : i32
    }
    %scan3A_111 = arith.constant 16 : i32
    %scan3A_112 = arith.constant 0 : i32
    %scan3A_113 = arith.constant 0 : i32
    %scan3A_114 = arith.constant 16 : i32
    %scan3A_115 = arith.addi %scan3A_113, %scan3A_114 : i32
    %scan3A_116 = arith.constant 1 : i32
    %scan3A_117 = scf.for %scan3A_223 = %scan3A_113 to %scan3A_115 step %scan3A_116 iter_args(%scan3A_224 = %scan3A_112) -> (i32)  : i32 {
      %mul3A_225 = arith.constant 64 : i32
      %mul3A_226 = arith.muli %scan3A_223, %mul3A_225 : i32
      %add3A_227 = arith.constant 0 : i32
      %add3A_228 = arith.addi %mul3A_226, %add3A_227 : i32
      %swap3A_229 = arith.constant 2 : i32
      %swap3A_230 = arith.index_cast %swap3A_229 : i32 to index
      %swap3A_231 = arith.index_cast %add3A_228 : i32 to index
      %swap3A_232 = tpu.vector_load %arg9[%swap3A_230, %swap3A_231] {strides = array<i32>} : memref<16x1024xf32, #tpu.memory_space<vmem>>, vector<1x16xf32>,
      %swap3A_233 = vector.shape_cast %swap3A_232 : vector<1x16xf32> to vector<16xf32>
      %swap3A_234 = vector.shape_cast %broadcast_in_dim3A_98 : vector<16xf32> to vector<1x16xf32>
      tpu.vector_store %arg9[%swap3A_230, %swap3A_231], %swap3A_234 {strides = array<i32>} : memref<16x1024xf32, #tpu.memory_space<vmem>>, vector<1x16xf32>,
      %mul3A_235 = arith.constant 64 : i32
      %mul3A_236 = arith.muli %scan3A_223, %mul3A_235 : i32
      %add3A_237 = arith.constant 16 : i32
      %add3A_238 = arith.addi %mul3A_236, %add3A_237 : i32
      %swap3A_239 = arith.constant 2 : i32
      %swap3A_240 = arith.index_cast %swap3A_239 : i32 to index
      %swap3A_241 = arith.index_cast %add3A_238 : i32 to index
      %swap3A_242 = tpu.vector_load %arg9[%swap3A_240, %swap3A_241] {strides = array<i32>} : memref<16x1024xf32, #tpu.memory_space<vmem>>, vector<1x16xf32>,
      %swap3A_243 = vector.shape_cast %swap3A_242 : vector<1x16xf32> to vector<16xf32>
      %swap3A_244 = vector.shape_cast %broadcast_in_dim3A_98 : vector<16xf32> to vector<1x16xf32>
      tpu.vector_store %arg9[%swap3A_240, %swap3A_241], %swap3A_244 {strides = array<i32>} : memref<16x1024xf32, #tpu.memory_space<vmem>>, vector<1x16xf32>,
      %mul3A_245 = arith.constant 64 : i32
      %mul3A_246 = arith.muli %scan3A_223, %mul3A_245 : i32
      %add3A_247 = arith.constant 32 : i32
      %add3A_248 = arith.addi %mul3A_246, %add3A_247 : i32
      %swap3A_249 = arith.constant 2 : i32
      %swap3A_250 = arith.index_cast %swap3A_249 : i32 to index
      %swap3A_251 = arith.index_cast %add3A_248 : i32 to index
      %swap3A_252 = tpu.vector_load %arg9[%swap3A_250, %swap3A_251] {strides = array<i32>} : memref<16x1024xf32, #tpu.memory_space<vmem>>, vector<1x16xf32>,
      %swap3A_253 = vector.shape_cast %swap3A_252 : vector<1x16xf32> to vector<16xf32>
      %swap3A_254 = vector.shape_cast %broadcast_in_dim3A_98 : vector<16xf32> to vector<1x16xf32>
      tpu.vector_store %arg9[%swap3A_250, %swap3A_251], %swap3A_254 {strides = array<i32>} : memref<16x1024xf32, #tpu.memory_space<vmem>>, vector<1x16xf32>,
      %mul3A_255 = arith.constant 64 : i32
      %mul3A_256 = arith.muli %scan3A_223, %mul3A_255 : i32
      %add3A_257 = arith.constant 48 : i32
      %add3A_258 = arith.addi %mul3A_256, %add3A_257 : i32
      %swap3A_259 = arith.constant 2 : i32
      %swap3A_260 = arith.index_cast %swap3A_259 : i32 to index
      %swap3A_261 = arith.index_cast %add3A_258 : i32 to index
      %swap3A_262 = tpu.vector_load %arg9[%swap3A_260, %swap3A_261] {strides = array<i32>} : memref<16x1024xf32, #tpu.memory_space<vmem>>, vector<1x16xf32>,
      %swap3A_263 = vector.shape_cast %swap3A_262 : vector<1x16xf32> to vector<16xf32>
      %swap3A_264 = vector.shape_cast %broadcast_in_dim3A_98 : vector<16xf32> to vector<1x16xf32>
      tpu.vector_store %arg9[%swap3A_260, %swap3A_261], %swap3A_264 {strides = array<i32>} : memref<16x1024xf32, #tpu.memory_space<vmem>>, vector<1x16xf32>,
      %scan3A_265 = arith.constant 0 : i32
      scf.yield %scan3A_265 : i32
    }
    %scan3A_118 = arith.constant 16 : i32
    %scan3A_119 = arith.constant 0 : i32
    %scan3A_120 = arith.constant 0 : i32
    %scan3A_121 = arith.constant 16 : i32
    %scan3A_122 = arith.addi %scan3A_120, %scan3A_121 : i32
    %scan3A_123 = arith.constant 1 : i32
    %scan3A_124 = scf.for %scan3A_223 = %scan3A_120 to %scan3A_122 step %scan3A_123 iter_args(%scan3A_224 = %scan3A_119) -> (i32)  : i32 {
      %mul3A_225 = arith.constant 64 : i32
      %mul3A_226 = arith.muli %scan3A_223, %mul3A_225 : i32
      %add3A_227 = arith.constant 0 : i32
      %add3A_228 = arith.addi %mul3A_226, %add3A_227 : i32
      %swap3A_229 = arith.constant 3 : i32
      %swap3A_230 = arith.index_cast %swap3A_229 : i32 to index
      %swap3A_231 = arith.index_cast %add3A_228 : i32 to index
      %swap3A_232 = tpu.vector_load %arg9[%swap3A_230, %swap3A_231] {strides = array<i32>} : memref<16x1024xf32, #tpu.memory_space<vmem>>, vector<1x16xf32>,
      %swap3A_233 = vector.shape_cast %swap3A_232 : vector<1x16xf32> to vector<16xf32>
      %swap3A_234 = vector.shape_cast %broadcast_in_dim3A_98 : vector<16xf32> to vector<1x16xf32>
      tpu.vector_store %arg9[%swap3A_230, %swap3A_231], %swap3A_234 {strides = array<i32>} : memref<16x1024xf32, #tpu.memory_space<vmem>>, vector<1x16xf32>,
      %mul3A_235 = arith.constant 64 : i32
      %mul3A_236 = arith.muli %scan3A_223, %mul3A_235 : i32
      %add3A_237 = arith.constant 16 : i32
      %add3A_238 = arith.addi %mul3A_236, %add3A_237 : i32
      %swap3A_239 = arith.constant 3 : i32
      %swap3A_240 = arith.index_cast %swap3A_239 : i32 to index
      %swap3A_241 = arith.index_cast %add3A_238 : i32 to index
      %swap3A_242 = tpu.vector_load %arg9[%swap3A_240, %swap3A_241] {strides = array<i32>} : memref<16x1024xf32, #tpu.memory_space<vmem>>, vector<1x16xf32>,
      %swap3A_243 = vector.shape_cast %swap3A_242 : vector<1x16xf32> to vector<16xf32>
      %swap3A_244 = vector.shape_cast %broadcast_in_dim3A_98 : vector<16xf32> to vector<1x16xf32>
      tpu.vector_store %arg9[%swap3A_240, %swap3A_241], %swap3A_244 {strides = array<i32>} : memref<16x1024xf32, #tpu.memory_space<vmem>>, vector<1x16xf32>,
      %mul3A_245 = arith.constant 64 : i32
      %mul3A_246 = arith.muli %scan3A_223, %mul3A_245 : i32
      %add3A_247 = arith.constant 32 : i32
      %add3A_248 = arith.addi %mul3A_246, %add3A_247 : i32
      %swap3A_249 = arith.constant 3 : i32
      %swap3A_250 = arith.index_cast %swap3A_249 : i32 to index
      %swap3A_251 = arith.index_cast %add3A_248 : i32 to index
      %swap3A_252 = tpu.vector_load %arg9[%swap3A_250, %swap3A_251] {strides = array<i32>} : memref<16x1024xf32, #tpu.memory_space<vmem>>, vector<1x16xf32>,
      %swap3A_253 = vector.shape_cast %swap3A_252 : vector<1x16xf32> to vector<16xf32>
      %swap3A_254 = vector.shape_cast %broadcast_in_dim3A_98 : vector<16xf32> to vector<1x16xf32>
      tpu.vector_store %arg9[%swap3A_250, %swap3A_251], %swap3A_254 {strides = array<i32>} : memref<16x1024xf32, #tpu.memory_space<vmem>>, vector<1x16xf32>,
      %mul3A_255 = arith.constant 64 : i32
      %mul3A_256 = arith.muli %scan3A_223, %mul3A_255 : i32
      %add3A_257 = arith.constant 48 : i32
      %add3A_258 = arith.addi %mul3A_256, %add3A_257 : i32
      %swap3A_259 = arith.constant 3 : i32
      %swap3A_260 = arith.index_cast %swap3A_259 : i32 to index
      %swap3A_261 = arith.index_cast %add3A_258 : i32 to index
      %swap3A_262 = tpu.vector_load %arg9[%swap3A_260, %swap3A_261] {strides = array<i32>} : memref<16x1024xf32, #tpu.memory_space<vmem>>, vector<1x16xf32>,
      %swap3A_263 = vector.shape_cast %swap3A_262 : vector<1x16xf32> to vector<16xf32>
      %swap3A_264 = vector.shape_cast %broadcast_in_dim3A_98 : vector<16xf32> to vector<1x16xf32>
      tpu.vector_store %arg9[%swap3A_260, %swap3A_261], %swap3A_264 {strides = array<i32>} : memref<16x1024xf32, #tpu.memory_space<vmem>>, vector<1x16xf32>,
      %scan3A_265 = arith.constant 0 : i32
      scf.yield %scan3A_265 : i32
    }
    %scan3A_125 = arith.constant 16 : i32
    %scan3A_126 = arith.constant 0 : i32
    %scan3A_127 = arith.constant 0 : i32
    %scan3A_128 = arith.constant 16 : i32
    %scan3A_129 = arith.addi %scan3A_127, %scan3A_128 : i32
    %scan3A_130 = arith.constant 1 : i32
    %scan3A_131 = scf.for %scan3A_223 = %scan3A_127 to %scan3A_129 step %scan3A_130 iter_args(%scan3A_224 = %scan3A_126) -> (i32)  : i32 {
      %mul3A_225 = arith.constant 64 : i32
      %mul3A_226 = arith.muli %scan3A_223, %mul3A_225 : i32
      %add3A_227 = arith.constant 0 : i32
      %add3A_228 = arith.addi %mul3A_226, %add3A_227 : i32
      %swap3A_229 = arith.constant 4 : i32
      %swap3A_230 = arith.index_cast %swap3A_229 : i32 to index
      %swap3A_231 = arith.index_cast %add3A_228 : i32 to index
      %swap3A_232 = tpu.vector_load %arg9[%swap3A_230, %swap3A_231] {strides = array<i32>} : memref<16x1024xf32, #tpu.memory_space<vmem>>, vector<1x16xf32>,
      %swap3A_233 = vector.shape_cast %swap3A_232 : vector<1x16xf32> to vector<16xf32>
      %swap3A_234 = vector.shape_cast %broadcast_in_dim3A_98 : vector<16xf32> to vector<1x16xf32>
      tpu.vector_store %arg9[%swap3A_230, %swap3A_231], %swap3A_234 {strides = array<i32>} : memref<16x1024xf32, #tpu.memory_space<vmem>>, vector<1x16xf32>,
      %mul3A_235 = arith.constant 64 : i32
      %mul3A_236 = arith.muli %scan3A_223, %mul3A_235 : i32
      %add3A_237 = arith.constant 16 : i32
      %add3A_238 = arith.addi %mul3A_236, %add3A_237 : i32
      %swap3A_239 = arith.constant 4 : i32
      %swap3A_240 = arith.index_cast %swap3A_239 : i32 to index
      %swap3A_241 = arith.index_cast %add3A_238 : i32 to index
      %swap3A_242 = tpu.vector_load %arg9[%swap3A_240, %swap3A_241] {strides = array<i32>} : memref<16x1024xf32, #tpu.memory_space<vmem>>, vector<1x16xf32>,
      %swap3A_243 = vector.shape_cast %swap3A_242 : vector<1x16xf32> to vector<16xf32>
      %swap3A_244 = vector.shape_cast %broadcast_in_dim3A_98 : vector<16xf32> to vector<1x16xf32>
      tpu.vector_store %arg9[%swap3A_240, %swap3A_241], %swap3A_244 {strides = array<i32>} : memref<16x1024xf32, #tpu.memory_space<vmem>>, vector<1x16xf32>,
      %mul3A_245 = arith.constant 64 : i32
      %mul3A_246 = arith.muli %scan3A_223, %mul3A_245 : i32
      %add3A_247 = arith.constant 32 : i32
      %add3A_248 = arith.addi %mul3A_246, %add3A_247 : i32
      %swap3A_249 = arith.constant 4 : i32
      %swap3A_250 = arith.index_cast %swap3A_249 : i32 to index
      %swap3A_251 = arith.index_cast %add3A_248 : i32 to index
      %swap3A_252 = tpu.vector_load %arg9[%swap3A_250, %swap3A_251] {strides = array<i32>} : memref<16x1024xf32, #tpu.memory_space<vmem>>, vector<1x16xf32>,
      %swap3A_253 = vector.shape_cast %swap3A_252 : vector<1x16xf32> to vector<16xf32>
      %swap3A_254 = vector.shape_cast %broadcast_in_dim3A_98 : vector<16xf32> to vector<1x16xf32>
      tpu.vector_store %arg9[%swap3A_250, %swap3A_251], %swap3A_254 {strides = array<i32>} : memref<16x1024xf32, #tpu.memory_space<vmem>>, vector<1x16xf32>,
      %mul3A_255 = arith.constant 64 : i32
      %mul3A_256 = arith.muli %scan3A_223, %mul3A_255 : i32
      %add3A_257 = arith.constant 48 : i32
      %add3A_258 = arith.addi %mul3A_256, %add3A_257 : i32
      %swap3A_259 = arith.constant 4 : i32
      %swap3A_260 = arith.index_cast %swap3A_259 : i32 to index
      %swap3A_261 = arith.index_cast %add3A_258 : i32 to index
      %swap3A_262 = tpu.vector_load %arg9[%swap3A_260, %swap3A_261] {strides = array<i32>} : memref<16x1024xf32, #tpu.memory_space<vmem>>, vector<1x16xf32>,
      %swap3A_263 = vector.shape_cast %swap3A_262 : vector<1x16xf32> to vector<16xf32>
      %swap3A_264 = vector.shape_cast %broadcast_in_dim3A_98 : vector<16xf32> to vector<1x16xf32>
      tpu.vector_store %arg9[%swap3A_260, %swap3A_261], %swap3A_264 {strides = array<i32>} : memref<16x1024xf32, #tpu.memory_space<vmem>>, vector<1x16xf32>,
      %scan3A_265 = arith.constant 0 : i32
      scf.yield %scan3A_265 : i32
    }
    %scan3A_132 = arith.constant 16 : i32
    %scan3A_133 = arith.constant 0 : i32
    %scan3A_134 = arith.constant 0 : i32
    %scan3A_135 = arith.constant 16 : i32
    %scan3A_136 = arith.addi %scan3A_134, %scan3A_135 : i32
    %scan3A_137 = arith.constant 1 : i32
    %scan3A_138 = scf.for %scan3A_223 = %scan3A_134 to %scan3A_136 step %scan3A_137 iter_args(%scan3A_224 = %scan3A_133) -> (i32)  : i32 {
      %mul3A_225 = arith.constant 64 : i32
      %mul3A_226 = arith.muli %scan3A_223, %mul3A_225 : i32
      %add3A_227 = arith.constant 0 : i32
      %add3A_228 = arith.addi %mul3A_226, %add3A_227 : i32
      %swap3A_229 = arith.constant 5 : i32
      %swap3A_230 = arith.index_cast %swap3A_229 : i32 to index
      %swap3A_231 = arith.index_cast %add3A_228 : i32 to index
      %swap3A_232 = tpu.vector_load %arg9[%swap3A_230, %swap3A_231] {strides = array<i32>} : memref<16x1024xf32, #tpu.memory_space<vmem>>, vector<1x16xf32>,
      %swap3A_233 = vector.shape_cast %swap3A_232 : vector<1x16xf32> to vector<16xf32>
      %swap3A_234 = vector.shape_cast %broadcast_in_dim3A_98 : vector<16xf32> to vector<1x16xf32>
      tpu.vector_store %arg9[%swap3A_230, %swap3A_231], %swap3A_234 {strides = array<i32>} : memref<16x1024xf32, #tpu.memory_space<vmem>>, vector<1x16xf32>,
      %mul3A_235 = arith.constant 64 : i32
      %mul3A_236 = arith.muli %scan3A_223, %mul3A_235 : i32
      %add3A_237 = arith.constant 16 : i32
      %add3A_238 = arith.addi %mul3A_236, %add3A_237 : i32
      %swap3A_239 = arith.constant 5 : i32
      %swap3A_240 = arith.index_cast %swap3A_239 : i32 to index
      %swap3A_241 = arith.index_cast %add3A_238 : i32 to index
      %swap3A_242 = tpu.vector_load %arg9[%swap3A_240, %swap3A_241] {strides = array<i32>} : memref<16x1024xf32, #tpu.memory_space<vmem>>, vector<1x16xf32>,
      %swap3A_243 = vector.shape_cast %swap3A_242 : vector<1x16xf32> to vector<16xf32>
      %swap3A_244 = vector.shape_cast %broadcast_in_dim3A_98 : vector<16xf32> to vector<1x16xf32>
      tpu.vector_store %arg9[%swap3A_240, %swap3A_241], %swap3A_244 {strides = array<i32>} : memref<16x1024xf32, #tpu.memory_space<vmem>>, vector<1x16xf32>,
      %mul3A_245 = arith.constant 64 : i32
      %mul3A_246 = arith.muli %scan3A_223, %mul3A_245 : i32
      %add3A_247 = arith.constant 32 : i32
      %add3A_248 = arith.addi %mul3A_246, %add3A_247 : i32
      %swap3A_249 = arith.constant 5 : i32
      %swap3A_250 = arith.index_cast %swap3A_249 : i32 to index
      %swap3A_251 = arith.index_cast %add3A_248 : i32 to index
      %swap3A_252 = tpu.vector_load %arg9[%swap3A_250, %swap3A_251] {strides = array<i32>} : memref<16x1024xf32, #tpu.memory_space<vmem>>, vector<1x16xf32>,
      %swap3A_253 = vector.shape_cast %swap3A_252 : vector<1x16xf32> to vector<16xf32>
      %swap3A_254 = vector.shape_cast %broadcast_in_dim3A_98 : vector<16xf32> to vector<1x16xf32>
      tpu.vector_store %arg9[%swap3A_250, %swap3A_251], %swap3A_254 {strides = array<i32>} : memref<16x1024xf32, #tpu.memory_space<vmem>>, vector<1x16xf32>,
      %mul3A_255 = arith.constant 64 : i32
      %mul3A_256 = arith.muli %scan3A_223, %mul3A_255 : i32
      %add3A_257 = arith.constant 48 : i32
      %add3A_258 = arith.addi %mul3A_256, %add3A_257 : i32
      %swap3A_259 = arith.constant 5 : i32
      %swap3A_260 = arith.index_cast %swap3A_259 : i32 to index
      %swap3A_261 = arith.index_cast %add3A_258 : i32 to index
      %swap3A_262 = tpu.vector_load %arg9[%swap3A_260, %swap3A_261] {strides = array<i32>} : memref<16x1024xf32, #tpu.memory_space<vmem>>, vector<1x16xf32>,
      %swap3A_263 = vector.shape_cast %swap3A_262 : vector<1x16xf32> to vector<16xf32>
      %swap3A_264 = vector.shape_cast %broadcast_in_dim3A_98 : vector<16xf32> to vector<1x16xf32>
      tpu.vector_store %arg9[%swap3A_260, %swap3A_261], %swap3A_264 {strides = array<i32>} : memref<16x1024xf32, #tpu.memory_space<vmem>>, vector<1x16xf32>,
      %scan3A_265 = arith.constant 0 : i32
      scf.yield %scan3A_265 : i32
    }
    %scan3A_139 = arith.constant 16 : i32
    %scan3A_140 = arith.constant 0 : i32
    %scan3A_141 = arith.constant 0 : i32
    %scan3A_142 = arith.constant 16 : i32
    %scan3A_143 = arith.addi %scan3A_141, %scan3A_142 : i32
    %scan3A_144 = arith.constant 1 : i32
    %scan3A_145 = scf.for %scan3A_223 = %scan3A_141 to %scan3A_143 step %scan3A_144 iter_args(%scan3A_224 = %scan3A_140) -> (i32)  : i32 {
      %mul3A_225 = arith.constant 64 : i32
      %mul3A_226 = arith.muli %scan3A_223, %mul3A_225 : i32
      %add3A_227 = arith.constant 0 : i32
      %add3A_228 = arith.addi %mul3A_226, %add3A_227 : i32
      %swap3A_229 = arith.constant 6 : i32
      %swap3A_230 = arith.index_cast %swap3A_229 : i32 to index
      %swap3A_231 = arith.index_cast %add3A_228 : i32 to index
      %swap3A_232 = tpu.vector_load %arg9[%swap3A_230, %swap3A_231] {strides = array<i32>} : memref<16x1024xf32, #tpu.memory_space<vmem>>, vector<1x16xf32>,
      %swap3A_233 = vector.shape_cast %swap3A_232 : vector<1x16xf32> to vector<16xf32>
      %swap3A_234 = vector.shape_cast %broadcast_in_dim3A_98 : vector<16xf32> to vector<1x16xf32>
      tpu.vector_store %arg9[%swap3A_230, %swap3A_231], %swap3A_234 {strides = array<i32>} : memref<16x1024xf32, #tpu.memory_space<vmem>>, vector<1x16xf32>,
      %mul3A_235 = arith.constant 64 : i32
      %mul3A_236 = arith.muli %scan3A_223, %mul3A_235 : i32
      %add3A_237 = arith.constant 16 : i32
      %add3A_238 = arith.addi %mul3A_236, %add3A_237 : i32
      %swap3A_239 = arith.constant 6 : i32
      %swap3A_240 = arith.index_cast %swap3A_239 : i32 to index
      %swap3A_241 = arith.index_cast %add3A_238 : i32 to index
      %swap3A_242 = tpu.vector_load %arg9[%swap3A_240, %swap3A_241] {strides = array<i32>} : memref<16x1024xf32, #tpu.memory_space<vmem>>, vector<1x16xf32>,
      %swap3A_243 = vector.shape_cast %swap3A_242 : vector<1x16xf32> to vector<16xf32>
      %swap3A_244 = vector.shape_cast %broadcast_in_dim3A_98 : vector<16xf32> to vector<1x16xf32>
      tpu.vector_store %arg9[%swap3A_240, %swap3A_241], %swap3A_244 {strides = array<i32>} : memref<16x1024xf32, #tpu.memory_space<vmem>>, vector<1x16xf32>,
      %mul3A_245 = arith.constant 64 : i32
      %mul3A_246 = arith.muli %scan3A_223, %mul3A_245 : i32
      %add3A_247 = arith.constant 32 : i32
      %add3A_248 = arith.addi %mul3A_246, %add3A_247 : i32
      %swap3A_249 = arith.constant 6 : i32
      %swap3A_250 = arith.index_cast %swap3A_249 : i32 to index
      %swap3A_251 = arith.index_cast %add3A_248 : i32 to index
      %swap3A_252 = tpu.vector_load %arg9[%swap3A_250, %swap3A_251] {strides = array<i32>} : memref<16x1024xf32, #tpu.memory_space<vmem>>, vector<1x16xf32>,
      %swap3A_253 = vector.shape_cast %swap3A_252 : vector<1x16xf32> to vector<16xf32>
      %swap3A_254 = vector.shape_cast %broadcast_in_dim3A_98 : vector<16xf32> to vector<1x16xf32>
      tpu.vector_store %arg9[%swap3A_250, %swap3A_251], %swap3A_254 {strides = array<i32>} : memref<16x1024xf32, #tpu.memory_space<vmem>>, vector<1x16xf32>,
      %mul3A_255 = arith.constant 64 : i32
      %mul3A_256 = arith.muli %scan3A_223, %mul3A_255 : i32
      %add3A_257 = arith.constant 48 : i32
      %add3A_258 = arith.addi %mul3A_256, %add3A_257 : i32
      %swap3A_259 = arith.constant 6 : i32
      %swap3A_260 = arith.index_cast %swap3A_259 : i32 to index
      %swap3A_261 = arith.index_cast %add3A_258 : i32 to index
      %swap3A_262 = tpu.vector_load %arg9[%swap3A_260, %swap3A_261] {strides = array<i32>} : memref<16x1024xf32, #tpu.memory_space<vmem>>, vector<1x16xf32>,
      %swap3A_263 = vector.shape_cast %swap3A_262 : vector<1x16xf32> to vector<16xf32>
      %swap3A_264 = vector.shape_cast %broadcast_in_dim3A_98 : vector<16xf32> to vector<1x16xf32>
      tpu.vector_store %arg9[%swap3A_260, %swap3A_261], %swap3A_264 {strides = array<i32>} : memref<16x1024xf32, #tpu.memory_space<vmem>>, vector<1x16xf32>,
      %scan3A_265 = arith.constant 0 : i32
      scf.yield %scan3A_265 : i32
    }
    %scan3A_146 = arith.constant 16 : i32
    %scan3A_147 = arith.constant 0 : i32
    %scan3A_148 = arith.constant 0 : i32
    %scan3A_149 = arith.constant 16 : i32
    %scan3A_150 = arith.addi %scan3A_148, %scan3A_149 : i32
    %scan3A_151 = arith.constant 1 : i32
    %scan3A_152 = scf.for %scan3A_223 = %scan3A_148 to %scan3A_150 step %scan3A_151 iter_args(%scan3A_224 = %scan3A_147) -> (i32)  : i32 {
      %mul3A_225 = arith.constant 64 : i32
      %mul3A_226 = arith.muli %scan3A_223, %mul3A_225 : i32
      %add3A_227 = arith.constant 0 : i32
      %add3A_228 = arith.addi %mul3A_226, %add3A_227 : i32
      %swap3A_229 = arith.constant 7 : i32
      %swap3A_230 = arith.index_cast %swap3A_229 : i32 to index
      %swap3A_231 = arith.index_cast %add3A_228 : i32 to index
      %swap3A_232 = tpu.vector_load %arg9[%swap3A_230, %swap3A_231] {strides = array<i32>} : memref<16x1024xf32, #tpu.memory_space<vmem>>, vector<1x16xf32>,
      %swap3A_233 = vector.shape_cast %swap3A_232 : vector<1x16xf32> to vector<16xf32>
      %swap3A_234 = vector.shape_cast %broadcast_in_dim3A_98 : vector<16xf32> to vector<1x16xf32>
      tpu.vector_store %arg9[%swap3A_230, %swap3A_231], %swap3A_234 {strides = array<i32>} : memref<16x1024xf32, #tpu.memory_space<vmem>>, vector<1x16xf32>,
      %mul3A_235 = arith.constant 64 : i32
      %mul3A_236 = arith.muli %scan3A_223, %mul3A_235 : i32
      %add3A_237 = arith.constant 16 : i32
      %add3A_238 = arith.addi %mul3A_236, %add3A_237 : i32
      %swap3A_239 = arith.constant 7 : i32
      %swap3A_240 = arith.index_cast %swap3A_239 : i32 to index
      %swap3A_241 = arith.index_cast %add3A_238 : i32 to index
      %swap3A_242 = tpu.vector_load %arg9[%swap3A_240, %swap3A_241] {strides = array<i32>} : memref<16x1024xf32, #tpu.memory_space<vmem>>, vector<1x16xf32>,
      %swap3A_243 = vector.shape_cast %swap3A_242 : vector<1x16xf32> to vector<16xf32>
      %swap3A_244 = vector.shape_cast %broadcast_in_dim3A_98 : vector<16xf32> to vector<1x16xf32>
      tpu.vector_store %arg9[%swap3A_240, %swap3A_241], %swap3A_244 {strides = array<i32>} : memref<16x1024xf32, #tpu.memory_space<vmem>>, vector<1x16xf32>,
      %mul3A_245 = arith.constant 64 : i32
      %mul3A_246 = arith.muli %scan3A_223, %mul3A_245 : i32
      %add3A_247 = arith.constant 32 : i32
      %add3A_248 = arith.addi %mul3A_246, %add3A_247 : i32
      %swap3A_249 = arith.constant 7 : i32
      %swap3A_250 = arith.index_cast %swap3A_249 : i32 to index
      %swap3A_251 = arith.index_cast %add3A_248 : i32 to index
      %swap3A_252 = tpu.vector_load %arg9[%swap3A_250, %swap3A_251] {strides = array<i32>} : memref<16x1024xf32, #tpu.memory_space<vmem>>, vector<1x16xf32>,
      %swap3A_253 = vector.shape_cast %swap3A_252 : vector<1x16xf32> to vector<16xf32>
      %swap3A_254 = vector.shape_cast %broadcast_in_dim3A_98 : vector<16xf32> to vector<1x16xf32>
      tpu.vector_store %arg9[%swap3A_250, %swap3A_251], %swap3A_254 {strides = array<i32>} : memref<16x1024xf32, #tpu.memory_space<vmem>>, vector<1x16xf32>,
      %mul3A_255 = arith.constant 64 : i32
      %mul3A_256 = arith.muli %scan3A_223, %mul3A_255 : i32
      %add3A_257 = arith.constant 48 : i32
      %add3A_258 = arith.addi %mul3A_256, %add3A_257 : i32
      %swap3A_259 = arith.constant 7 : i32
      %swap3A_260 = arith.index_cast %swap3A_259 : i32 to index
      %swap3A_261 = arith.index_cast %add3A_258 : i32 to index
      %swap3A_262 = tpu.vector_load %arg9[%swap3A_260, %swap3A_261] {strides = array<i32>} : memref<16x1024xf32, #tpu.memory_space<vmem>>, vector<1x16xf32>,
      %swap3A_263 = vector.shape_cast %swap3A_262 : vector<1x16xf32> to vector<16xf32>
      %swap3A_264 = vector.shape_cast %broadcast_in_dim3A_98 : vector<16xf32> to vector<1x16xf32>
      tpu.vector_store %arg9[%swap3A_260, %swap3A_261], %swap3A_264 {strides = array<i32>} : memref<16x1024xf32, #tpu.memory_space<vmem>>, vector<1x16xf32>,
      %scan3A_265 = arith.constant 0 : i32
      scf.yield %scan3A_265 : i32
    }
    %scan3A_153 = arith.constant 16 : i32
    %scan3A_154 = arith.constant 0 : i32
    %scan3A_155 = arith.constant 0 : i32
    %scan3A_156 = arith.constant 16 : i32
    %scan3A_157 = arith.addi %scan3A_155, %scan3A_156 : i32
    %scan3A_158 = arith.constant 1 : i32
    %scan3A_159 = scf.for %scan3A_223 = %scan3A_155 to %scan3A_157 step %scan3A_158 iter_args(%scan3A_224 = %scan3A_154) -> (i32)  : i32 {
      %mul3A_225 = arith.constant 64 : i32
      %mul3A_226 = arith.muli %scan3A_223, %mul3A_225 : i32
      %add3A_227 = arith.constant 0 : i32
      %add3A_228 = arith.addi %mul3A_226, %add3A_227 : i32
      %swap3A_229 = arith.constant 8 : i32
      %swap3A_230 = arith.index_cast %swap3A_229 : i32 to index
      %swap3A_231 = arith.index_cast %add3A_228 : i32 to index
      %swap3A_232 = tpu.vector_load %arg9[%swap3A_230, %swap3A_231] {strides = array<i32>} : memref<16x1024xf32, #tpu.memory_space<vmem>>, vector<1x16xf32>,
      %swap3A_233 = vector.shape_cast %swap3A_232 : vector<1x16xf32> to vector<16xf32>
      %swap3A_234 = vector.shape_cast %broadcast_in_dim3A_98 : vector<16xf32> to vector<1x16xf32>
      tpu.vector_store %arg9[%swap3A_230, %swap3A_231], %swap3A_234 {strides = array<i32>} : memref<16x1024xf32, #tpu.memory_space<vmem>>, vector<1x16xf32>,
      %mul3A_235 = arith.constant 64 : i32
      %mul3A_236 = arith.muli %scan3A_223, %mul3A_235 : i32
      %add3A_237 = arith.constant 16 : i32
      %add3A_238 = arith.addi %mul3A_236, %add3A_237 : i32
      %swap3A_239 = arith.constant 8 : i32
      %swap3A_240 = arith.index_cast %swap3A_239 : i32 to index
      %swap3A_241 = arith.index_cast %add3A_238 : i32 to index
      %swap3A_242 = tpu.vector_load %arg9[%swap3A_240, %swap3A_241] {strides = array<i32>} : memref<16x1024xf32, #tpu.memory_space<vmem>>, vector<1x16xf32>,
      %swap3A_243 = vector.shape_cast %swap3A_242 : vector<1x16xf32> to vector<16xf32>
      %swap3A_244 = vector.shape_cast %broadcast_in_dim3A_98 : vector<16xf32> to vector<1x16xf32>
      tpu.vector_store %arg9[%swap3A_240, %swap3A_241], %swap3A_244 {strides = array<i32>} : memref<16x1024xf32, #tpu.memory_space<vmem>>, vector<1x16xf32>,
      %mul3A_245 = arith.constant 64 : i32
      %mul3A_246 = arith.muli %scan3A_223, %mul3A_245 : i32
      %add3A_247 = arith.constant 32 : i32
      %add3A_248 = arith.addi %mul3A_246, %add3A_247 : i32
      %swap3A_249 = arith.constant 8 : i32
      %swap3A_250 = arith.index_cast %swap3A_249 : i32 to index
      %swap3A_251 = arith.index_cast %add3A_248 : i32 to index
      %swap3A_252 = tpu.vector_load %arg9[%swap3A_250, %swap3A_251] {strides = array<i32>} : memref<16x1024xf32, #tpu.memory_space<vmem>>, vector<1x16xf32>,
      %swap3A_253 = vector.shape_cast %swap3A_252 : vector<1x16xf32> to vector<16xf32>
      %swap3A_254 = vector.shape_cast %broadcast_in_dim3A_98 : vector<16xf32> to vector<1x16xf32>
      tpu.vector_store %arg9[%swap3A_250, %swap3A_251], %swap3A_254 {strides = array<i32>} : memref<16x1024xf32, #tpu.memory_space<vmem>>, vector<1x16xf32>,
      %mul3A_255 = arith.constant 64 : i32
      %mul3A_256 = arith.muli %scan3A_223, %mul3A_255 : i32
      %add3A_257 = arith.constant 48 : i32
      %add3A_258 = arith.addi %mul3A_256, %add3A_257 : i32
      %swap3A_259 = arith.constant 8 : i32
      %swap3A_260 = arith.index_cast %swap3A_259 : i32 to index
      %swap3A_261 = arith.index_cast %add3A_258 : i32 to index
      %swap3A_262 = tpu.vector_load %arg9[%swap3A_260, %swap3A_261] {strides = array<i32>} : memref<16x1024xf32, #tpu.memory_space<vmem>>, vector<1x16xf32>,
      %swap3A_263 = vector.shape_cast %swap3A_262 : vector<1x16xf32> to vector<16xf32>
      %swap3A_264 = vector.shape_cast %broadcast_in_dim3A_98 : vector<16xf32> to vector<1x16xf32>
      tpu.vector_store %arg9[%swap3A_260, %swap3A_261], %swap3A_264 {strides = array<i32>} : memref<16x1024xf32, #tpu.memory_space<vmem>>, vector<1x16xf32>,
      %scan3A_265 = arith.constant 0 : i32
      scf.yield %scan3A_265 : i32
    }
    %scan3A_160 = arith.constant 16 : i32
    %scan3A_161 = arith.constant 0 : i32
    %scan3A_162 = arith.constant 0 : i32
    %scan3A_163 = arith.constant 16 : i32
    %scan3A_164 = arith.addi %scan3A_162, %scan3A_163 : i32
    %scan3A_165 = arith.constant 1 : i32
    %scan3A_166 = scf.for %scan3A_223 = %scan3A_162 to %scan3A_164 step %scan3A_165 iter_args(%scan3A_224 = %scan3A_161) -> (i32)  : i32 {
      %mul3A_225 = arith.constant 64 : i32
      %mul3A_226 = arith.muli %scan3A_223, %mul3A_225 : i32
      %add3A_227 = arith.constant 0 : i32
      %add3A_228 = arith.addi %mul3A_226, %add3A_227 : i32
      %swap3A_229 = arith.constant 9 : i32
      %swap3A_230 = arith.index_cast %swap3A_229 : i32 to index
      %swap3A_231 = arith.index_cast %add3A_228 : i32 to index
      %swap3A_232 = tpu.vector_load %arg9[%swap3A_230, %swap3A_231] {strides = array<i32>} : memref<16x1024xf32, #tpu.memory_space<vmem>>, vector<1x16xf32>,
      %swap3A_233 = vector.shape_cast %swap3A_232 : vector<1x16xf32> to vector<16xf32>
      %swap3A_234 = vector.shape_cast %broadcast_in_dim3A_98 : vector<16xf32> to vector<1x16xf32>
      tpu.vector_store %arg9[%swap3A_230, %swap3A_231], %swap3A_234 {strides = array<i32>} : memref<16x1024xf32, #tpu.memory_space<vmem>>, vector<1x16xf32>,
      %mul3A_235 = arith.constant 64 : i32
      %mul3A_236 = arith.muli %scan3A_223, %mul3A_235 : i32
      %add3A_237 = arith.constant 16 : i32
      %add3A_238 = arith.addi %mul3A_236, %add3A_237 : i32
      %swap3A_239 = arith.constant 9 : i32
      %swap3A_240 = arith.index_cast %swap3A_239 : i32 to index
      %swap3A_241 = arith.index_cast %add3A_238 : i32 to index
      %swap3A_242 = tpu.vector_load %arg9[%swap3A_240, %swap3A_241] {strides = array<i32>} : memref<16x1024xf32, #tpu.memory_space<vmem>>, vector<1x16xf32>,
      %swap3A_243 = vector.shape_cast %swap3A_242 : vector<1x16xf32> to vector<16xf32>
      %swap3A_244 = vector.shape_cast %broadcast_in_dim3A_98 : vector<16xf32> to vector<1x16xf32>
      tpu.vector_store %arg9[%swap3A_240, %swap3A_241], %swap3A_244 {strides = array<i32>} : memref<16x1024xf32, #tpu.memory_space<vmem>>, vector<1x16xf32>,
      %mul3A_245 = arith.constant 64 : i32
      %mul3A_246 = arith.muli %scan3A_223, %mul3A_245 : i32
      %add3A_247 = arith.constant 32 : i32
      %add3A_248 = arith.addi %mul3A_246, %add3A_247 : i32
      %swap3A_249 = arith.constant 9 : i32
      %swap3A_250 = arith.index_cast %swap3A_249 : i32 to index
      %swap3A_251 = arith.index_cast %add3A_248 : i32 to index
      %swap3A_252 = tpu.vector_load %arg9[%swap3A_250, %swap3A_251] {strides = array<i32>} : memref<16x1024xf32, #tpu.memory_space<vmem>>, vector<1x16xf32>,
      %swap3A_253 = vector.shape_cast %swap3A_252 : vector<1x16xf32> to vector<16xf32>
      %swap3A_254 = vector.shape_cast %broadcast_in_dim3A_98 : vector<16xf32> to vector<1x16xf32>
      tpu.vector_store %arg9[%swap3A_250, %swap3A_251], %swap3A_254 {strides = array<i32>} : memref<16x1024xf32, #tpu.memory_space<vmem>>, vector<1x16xf32>,
      %mul3A_255 = arith.constant 64 : i32
      %mul3A_256 = arith.muli %scan3A_223, %mul3A_255 : i32
      %add3A_257 = arith.constant 48 : i32
      %add3A_258 = arith.addi %mul3A_256, %add3A_257 : i32
      %swap3A_259 = arith.constant 9 : i32
      %swap3A_260 = arith.index_cast %swap3A_259 : i32 to index
      %swap3A_261 = arith.index_cast %add3A_258 : i32 to index
      %swap3A_262 = tpu.vector_load %arg9[%swap3A_260, %swap3A_261] {strides = array<i32>} : memref<16x1024xf32, #tpu.memory_space<vmem>>, vector<1x16xf32>,
      %swap3A_263 = vector.shape_cast %swap3A_262 : vector<1x16xf32> to vector<16xf32>
      %swap3A_264 = vector.shape_cast %broadcast_in_dim3A_98 : vector<16xf32> to vector<1x16xf32>
      tpu.vector_store %arg9[%swap3A_260, %swap3A_261], %swap3A_264 {strides = array<i32>} : memref<16x1024xf32, #tpu.memory_space<vmem>>, vector<1x16xf32>,
      %scan3A_265 = arith.constant 0 : i32
      scf.yield %scan3A_265 : i32
    }
    %scan3A_167 = arith.constant 16 : i32
    %scan3A_168 = arith.constant 0 : i32
    %scan3A_169 = arith.constant 0 : i32
    %scan3A_170 = arith.constant 16 : i32
    %scan3A_171 = arith.addi %scan3A_169, %scan3A_170 : i32
    %scan3A_172 = arith.constant 1 : i32
    %scan3A_173 = scf.for %scan3A_223 = %scan3A_169 to %scan3A_171 step %scan3A_172 iter_args(%scan3A_224 = %scan3A_168) -> (i32)  : i32 {
      %mul3A_225 = arith.constant 64 : i32
      %mul3A_226 = arith.muli %scan3A_223, %mul3A_225 : i32
      %add3A_227 = arith.constant 0 : i32
      %add3A_228 = arith.addi %mul3A_226, %add3A_227 : i32
      %swap3A_229 = arith.constant 10 : i32
      %swap3A_230 = arith.index_cast %swap3A_229 : i32 to index
      %swap3A_231 = arith.index_cast %add3A_228 : i32 to index
      %swap3A_232 = tpu.vector_load %arg9[%swap3A_230, %swap3A_231] {strides = array<i32>} : memref<16x1024xf32, #tpu.memory_space<vmem>>, vector<1x16xf32>,
      %swap3A_233 = vector.shape_cast %swap3A_232 : vector<1x16xf32> to vector<16xf32>
      %swap3A_234 = vector.shape_cast %broadcast_in_dim3A_98 : vector<16xf32> to vector<1x16xf32>
      tpu.vector_store %arg9[%swap3A_230, %swap3A_231], %swap3A_234 {strides = array<i32>} : memref<16x1024xf32, #tpu.memory_space<vmem>>, vector<1x16xf32>,
      %mul3A_235 = arith.constant 64 : i32
      %mul3A_236 = arith.muli %scan3A_223, %mul3A_235 : i32
      %add3A_237 = arith.constant 16 : i32
      %add3A_238 = arith.addi %mul3A_236, %add3A_237 : i32
      %swap3A_239 = arith.constant 10 : i32
      %swap3A_240 = arith.index_cast %swap3A_239 : i32 to index
      %swap3A_241 = arith.index_cast %add3A_238 : i32 to index
      %swap3A_242 = tpu.vector_load %arg9[%swap3A_240, %swap3A_241] {strides = array<i32>} : memref<16x1024xf32, #tpu.memory_space<vmem>>, vector<1x16xf32>,
      %swap3A_243 = vector.shape_cast %swap3A_242 : vector<1x16xf32> to vector<16xf32>
      %swap3A_244 = vector.shape_cast %broadcast_in_dim3A_98 : vector<16xf32> to vector<1x16xf32>
      tpu.vector_store %arg9[%swap3A_240, %swap3A_241], %swap3A_244 {strides = array<i32>} : memref<16x1024xf32, #tpu.memory_space<vmem>>, vector<1x16xf32>,
      %mul3A_245 = arith.constant 64 : i32
      %mul3A_246 = arith.muli %scan3A_223, %mul3A_245 : i32
      %add3A_247 = arith.constant 32 : i32
      %add3A_248 = arith.addi %mul3A_246, %add3A_247 : i32
      %swap3A_249 = arith.constant 10 : i32
      %swap3A_250 = arith.index_cast %swap3A_249 : i32 to index
      %swap3A_251 = arith.index_cast %add3A_248 : i32 to index
      %swap3A_252 = tpu.vector_load %arg9[%swap3A_250, %swap3A_251] {strides = array<i32>} : memref<16x1024xf32, #tpu.memory_space<vmem>>, vector<1x16xf32>,
      %swap3A_253 = vector.shape_cast %swap3A_252 : vector<1x16xf32> to vector<16xf32>
      %swap3A_254 = vector.shape_cast %broadcast_in_dim3A_98 : vector<16xf32> to vector<1x16xf32>
      tpu.vector_store %arg9[%swap3A_250, %swap3A_251], %swap3A_254 {strides = array<i32>} : memref<16x1024xf32, #tpu.memory_space<vmem>>, vector<1x16xf32>,
      %mul3A_255 = arith.constant 64 : i32
      %mul3A_256 = arith.muli %scan3A_223, %mul3A_255 : i32
      %add3A_257 = arith.constant 48 : i32
      %add3A_258 = arith.addi %mul3A_256, %add3A_257 : i32
      %swap3A_259 = arith.constant 10 : i32
      %swap3A_260 = arith.index_cast %swap3A_259 : i32 to index
      %swap3A_261 = arith.index_cast %add3A_258 : i32 to index
      %swap3A_262 = tpu.vector_load %arg9[%swap3A_260, %swap3A_261] {strides = array<i32>} : memref<16x1024xf32, #tpu.memory_space<vmem>>, vector<1x16xf32>,
      %swap3A_263 = vector.shape_cast %swap3A_262 : vector<1x16xf32> to vector<16xf32>
      %swap3A_264 = vector.shape_cast %broadcast_in_dim3A_98 : vector<16xf32> to vector<1x16xf32>
      tpu.vector_store %arg9[%swap3A_260, %swap3A_261], %swap3A_264 {strides = array<i32>} : memref<16x1024xf32, #tpu.memory_space<vmem>>, vector<1x16xf32>,
      %scan3A_265 = arith.constant 0 : i32
      scf.yield %scan3A_265 : i32
    }
    %scan3A_174 = arith.constant 16 : i32
    %scan3A_175 = arith.constant 0 : i32
    %scan3A_176 = arith.constant 0 : i32
    %scan3A_177 = arith.constant 16 : i32
    %scan3A_178 = arith.addi %scan3A_176, %scan3A_177 : i32
    %scan3A_179 = arith.constant 1 : i32
    %scan3A_180 = scf.for %scan3A_223 = %scan3A_176 to %scan3A_178 step %scan3A_179 iter_args(%scan3A_224 = %scan3A_175) -> (i32)  : i32 {
      %mul3A_225 = arith.constant 64 : i32
      %mul3A_226 = arith.muli %scan3A_223, %mul3A_225 : i32
      %add3A_227 = arith.constant 0 : i32
      %add3A_228 = arith.addi %mul3A_226, %add3A_227 : i32
      %swap3A_229 = arith.constant 11 : i32
      %swap3A_230 = arith.index_cast %swap3A_229 : i32 to index
      %swap3A_231 = arith.index_cast %add3A_228 : i32 to index
      %swap3A_232 = tpu.vector_load %arg9[%swap3A_230, %swap3A_231] {strides = array<i32>} : memref<16x1024xf32, #tpu.memory_space<vmem>>, vector<1x16xf32>,
      %swap3A_233 = vector.shape_cast %swap3A_232 : vector<1x16xf32> to vector<16xf32>
      %swap3A_234 = vector.shape_cast %broadcast_in_dim3A_98 : vector<16xf32> to vector<1x16xf32>
      tpu.vector_store %arg9[%swap3A_230, %swap3A_231], %swap3A_234 {strides = array<i32>} : memref<16x1024xf32, #tpu.memory_space<vmem>>, vector<1x16xf32>,
      %mul3A_235 = arith.constant 64 : i32
      %mul3A_236 = arith.muli %scan3A_223, %mul3A_235 : i32
      %add3A_237 = arith.constant 16 : i32
      %add3A_238 = arith.addi %mul3A_236, %add3A_237 : i32
      %swap3A_239 = arith.constant 11 : i32
      %swap3A_240 = arith.index_cast %swap3A_239 : i32 to index
      %swap3A_241 = arith.index_cast %add3A_238 : i32 to index
      %swap3A_242 = tpu.vector_load %arg9[%swap3A_240, %swap3A_241] {strides = array<i32>} : memref<16x1024xf32, #tpu.memory_space<vmem>>, vector<1x16xf32>,
      %swap3A_243 = vector.shape_cast %swap3A_242 : vector<1x16xf32> to vector<16xf32>
      %swap3A_244 = vector.shape_cast %broadcast_in_dim3A_98 : vector<16xf32> to vector<1x16xf32>
      tpu.vector_store %arg9[%swap3A_240, %swap3A_241], %swap3A_244 {strides = array<i32>} : memref<16x1024xf32, #tpu.memory_space<vmem>>, vector<1x16xf32>,
      %mul3A_245 = arith.constant 64 : i32
      %mul3A_246 = arith.muli %scan3A_223, %mul3A_245 : i32
      %add3A_247 = arith.constant 32 : i32
      %add3A_248 = arith.addi %mul3A_246, %add3A_247 : i32
      %swap3A_249 = arith.constant 11 : i32
      %swap3A_250 = arith.index_cast %swap3A_249 : i32 to index
      %swap3A_251 = arith.index_cast %add3A_248 : i32 to index
      %swap3A_252 = tpu.vector_load %arg9[%swap3A_250, %swap3A_251] {strides = array<i32>} : memref<16x1024xf32, #tpu.memory_space<vmem>>, vector<1x16xf32>,
      %swap3A_253 = vector.shape_cast %swap3A_252 : vector<1x16xf32> to vector<16xf32>
      %swap3A_254 = vector.shape_cast %broadcast_in_dim3A_98 : vector<16xf32> to vector<1x16xf32>
      tpu.vector_store %arg9[%swap3A_250, %swap3A_251], %swap3A_254 {strides = array<i32>} : memref<16x1024xf32, #tpu.memory_space<vmem>>, vector<1x16xf32>,
      %mul3A_255 = arith.constant 64 : i32
      %mul3A_256 = arith.muli %scan3A_223, %mul3A_255 : i32
      %add3A_257 = arith.constant 48 : i32
      %add3A_258 = arith.addi %mul3A_256, %add3A_257 : i32
      %swap3A_259 = arith.constant 11 : i32
      %swap3A_260 = arith.index_cast %swap3A_259 : i32 to index
      %swap3A_261 = arith.index_cast %add3A_258 : i32 to index
      %swap3A_262 = tpu.vector_load %arg9[%swap3A_260, %swap3A_261] {strides = array<i32>} : memref<16x1024xf32, #tpu.memory_space<vmem>>, vector<1x16xf32>,
      %swap3A_263 = vector.shape_cast %swap3A_262 : vector<1x16xf32> to vector<16xf32>
      %swap3A_264 = vector.shape_cast %broadcast_in_dim3A_98 : vector<16xf32> to vector<1x16xf32>
      tpu.vector_store %arg9[%swap3A_260, %swap3A_261], %swap3A_264 {strides = array<i32>} : memref<16x1024xf32, #tpu.memory_space<vmem>>, vector<1x16xf32>,
      %scan3A_265 = arith.constant 0 : i32
      scf.yield %scan3A_265 : i32
    }
    %scan3A_181 = arith.constant 16 : i32
    %scan3A_182 = arith.constant 0 : i32
    %scan3A_183 = arith.constant 0 : i32
    %scan3A_184 = arith.constant 16 : i32
    %scan3A_185 = arith.addi %scan3A_183, %scan3A_184 : i32
    %scan3A_186 = arith.constant 1 : i32
    %scan3A_187 = scf.for %scan3A_223 = %scan3A_183 to %scan3A_185 step %scan3A_186 iter_args(%scan3A_224 = %scan3A_182) -> (i32)  : i32 {
      %mul3A_225 = arith.constant 64 : i32
      %mul3A_226 = arith.muli %scan3A_223, %mul3A_225 : i32
      %add3A_227 = arith.constant 0 : i32
      %add3A_228 = arith.addi %mul3A_226, %add3A_227 : i32
      %swap3A_229 = arith.constant 12 : i32
      %swap3A_230 = arith.index_cast %swap3A_229 : i32 to index
      %swap3A_231 = arith.index_cast %add3A_228 : i32 to index
      %swap3A_232 = tpu.vector_load %arg9[%swap3A_230, %swap3A_231] {strides = array<i32>} : memref<16x1024xf32, #tpu.memory_space<vmem>>, vector<1x16xf32>,
      %swap3A_233 = vector.shape_cast %swap3A_232 : vector<1x16xf32> to vector<16xf32>
      %swap3A_234 = vector.shape_cast %broadcast_in_dim3A_98 : vector<16xf32> to vector<1x16xf32>
      tpu.vector_store %arg9[%swap3A_230, %swap3A_231], %swap3A_234 {strides = array<i32>} : memref<16x1024xf32, #tpu.memory_space<vmem>>, vector<1x16xf32>,
      %mul3A_235 = arith.constant 64 : i32
      %mul3A_236 = arith.muli %scan3A_223, %mul3A_235 : i32
      %add3A_237 = arith.constant 16 : i32
      %add3A_238 = arith.addi %mul3A_236, %add3A_237 : i32
      %swap3A_239 = arith.constant 12 : i32
      %swap3A_240 = arith.index_cast %swap3A_239 : i32 to index
      %swap3A_241 = arith.index_cast %add3A_238 : i32 to index
      %swap3A_242 = tpu.vector_load %arg9[%swap3A_240, %swap3A_241] {strides = array<i32>} : memref<16x1024xf32, #tpu.memory_space<vmem>>, vector<1x16xf32>,
      %swap3A_243 = vector.shape_cast %swap3A_242 : vector<1x16xf32> to vector<16xf32>
      %swap3A_244 = vector.shape_cast %broadcast_in_dim3A_98 : vector<16xf32> to vector<1x16xf32>
      tpu.vector_store %arg9[%swap3A_240, %swap3A_241], %swap3A_244 {strides = array<i32>} : memref<16x1024xf32, #tpu.memory_space<vmem>>, vector<1x16xf32>,
      %mul3A_245 = arith.constant 64 : i32
      %mul3A_246 = arith.muli %scan3A_223, %mul3A_245 : i32
      %add3A_247 = arith.constant 32 : i32
      %add3A_248 = arith.addi %mul3A_246, %add3A_247 : i32
      %swap3A_249 = arith.constant 12 : i32
      %swap3A_250 = arith.index_cast %swap3A_249 : i32 to index
      %swap3A_251 = arith.index_cast %add3A_248 : i32 to index
      %swap3A_252 = tpu.vector_load %arg9[%swap3A_250, %swap3A_251] {strides = array<i32>} : memref<16x1024xf32, #tpu.memory_space<vmem>>, vector<1x16xf32>,
      %swap3A_253 = vector.shape_cast %swap3A_252 : vector<1x16xf32> to vector<16xf32>
      %swap3A_254 = vector.shape_cast %broadcast_in_dim3A_98 : vector<16xf32> to vector<1x16xf32>
      tpu.vector_store %arg9[%swap3A_250, %swap3A_251], %swap3A_254 {strides = array<i32>} : memref<16x1024xf32, #tpu.memory_space<vmem>>, vector<1x16xf32>,
      %mul3A_255 = arith.constant 64 : i32
      %mul3A_256 = arith.muli %scan3A_223, %mul3A_255 : i32
      %add3A_257 = arith.constant 48 : i32
      %add3A_258 = arith.addi %mul3A_256, %add3A_257 : i32
      %swap3A_259 = arith.constant 12 : i32
      %swap3A_260 = arith.index_cast %swap3A_259 : i32 to index
      %swap3A_261 = arith.index_cast %add3A_258 : i32 to index
      %swap3A_262 = tpu.vector_load %arg9[%swap3A_260, %swap3A_261] {strides = array<i32>} : memref<16x1024xf32, #tpu.memory_space<vmem>>, vector<1x16xf32>,
      %swap3A_263 = vector.shape_cast %swap3A_262 : vector<1x16xf32> to vector<16xf32>
      %swap3A_264 = vector.shape_cast %broadcast_in_dim3A_98 : vector<16xf32> to vector<1x16xf32>
      tpu.vector_store %arg9[%swap3A_260, %swap3A_261], %swap3A_264 {strides = array<i32>} : memref<16x1024xf32, #tpu.memory_space<vmem>>, vector<1x16xf32>,
      %scan3A_265 = arith.constant 0 : i32
      scf.yield %scan3A_265 : i32
    }
    %scan3A_188 = arith.constant 16 : i32
    %scan3A_189 = arith.constant 0 : i32
    %scan3A_190 = arith.constant 0 : i32
    %scan3A_191 = arith.constant 16 : i32
    %scan3A_192 = arith.addi %scan3A_190, %scan3A_191 : i32
    %scan3A_193 = arith.constant 1 : i32
    %scan3A_194 = scf.for %scan3A_223 = %scan3A_190 to %scan3A_192 step %scan3A_193 iter_args(%scan3A_224 = %scan3A_189) -> (i32)  : i32 {
      %mul3A_225 = arith.constant 64 : i32
      %mul3A_226 = arith.muli %scan3A_223, %mul3A_225 : i32
      %add3A_227 = arith.constant 0 : i32
      %add3A_228 = arith.addi %mul3A_226, %add3A_227 : i32
      %swap3A_229 = arith.constant 13 : i32
      %swap3A_230 = arith.index_cast %swap3A_229 : i32 to index
      %swap3A_231 = arith.index_cast %add3A_228 : i32 to index
      %swap3A_232 = tpu.vector_load %arg9[%swap3A_230, %swap3A_231] {strides = array<i32>} : memref<16x1024xf32, #tpu.memory_space<vmem>>, vector<1x16xf32>,
      %swap3A_233 = vector.shape_cast %swap3A_232 : vector<1x16xf32> to vector<16xf32>
      %swap3A_234 = vector.shape_cast %broadcast_in_dim3A_98 : vector<16xf32> to vector<1x16xf32>
      tpu.vector_store %arg9[%swap3A_230, %swap3A_231], %swap3A_234 {strides = array<i32>} : memref<16x1024xf32, #tpu.memory_space<vmem>>, vector<1x16xf32>,
      %mul3A_235 = arith.constant 64 : i32
      %mul3A_236 = arith.muli %scan3A_223, %mul3A_235 : i32
      %add3A_237 = arith.constant 16 : i32
      %add3A_238 = arith.addi %mul3A_236, %add3A_237 : i32
      %swap3A_239 = arith.constant 13 : i32
      %swap3A_240 = arith.index_cast %swap3A_239 : i32 to index
      %swap3A_241 = arith.index_cast %add3A_238 : i32 to index
      %swap3A_242 = tpu.vector_load %arg9[%swap3A_240, %swap3A_241] {strides = array<i32>} : memref<16x1024xf32, #tpu.memory_space<vmem>>, vector<1x16xf32>,
      %swap3A_243 = vector.shape_cast %swap3A_242 : vector<1x16xf32> to vector<16xf32>
      %swap3A_244 = vector.shape_cast %broadcast_in_dim3A_98 : vector<16xf32> to vector<1x16xf32>
      tpu.vector_store %arg9[%swap3A_240, %swap3A_241], %swap3A_244 {strides = array<i32>} : memref<16x1024xf32, #tpu.memory_space<vmem>>, vector<1x16xf32>,
      %mul3A_245 = arith.constant 64 : i32
      %mul3A_246 = arith.muli %scan3A_223, %mul3A_245 : i32
      %add3A_247 = arith.constant 32 : i32
      %add3A_248 = arith.addi %mul3A_246, %add3A_247 : i32
      %swap3A_249 = arith.constant 13 : i32
      %swap3A_250 = arith.index_cast %swap3A_249 : i32 to index
      %swap3A_251 = arith.index_cast %add3A_248 : i32 to index
      %swap3A_252 = tpu.vector_load %arg9[%swap3A_250, %swap3A_251] {strides = array<i32>} : memref<16x1024xf32, #tpu.memory_space<vmem>>, vector<1x16xf32>,
      %swap3A_253 = vector.shape_cast %swap3A_252 : vector<1x16xf32> to vector<16xf32>
      %swap3A_254 = vector.shape_cast %broadcast_in_dim3A_98 : vector<16xf32> to vector<1x16xf32>
      tpu.vector_store %arg9[%swap3A_250, %swap3A_251], %swap3A_254 {strides = array<i32>} : memref<16x1024xf32, #tpu.memory_space<vmem>>, vector<1x16xf32>,
      %mul3A_255 = arith.constant 64 : i32
      %mul3A_256 = arith.muli %scan3A_223, %mul3A_255 : i32
      %add3A_257 = arith.constant 48 : i32
      %add3A_258 = arith.addi %mul3A_256, %add3A_257 : i32
      %swap3A_259 = arith.constant 13 : i32
      %swap3A_260 = arith.index_cast %swap3A_259 : i32 to index
      %swap3A_261 = arith.index_cast %add3A_258 : i32 to index
      %swap3A_262 = tpu.vector_load %arg9[%swap3A_260, %swap3A_261] {strides = array<i32>} : memref<16x1024xf32, #tpu.memory_space<vmem>>, vector<1x16xf32>,
      %swap3A_263 = vector.shape_cast %swap3A_262 : vector<1x16xf32> to vector<16xf32>
      %swap3A_264 = vector.shape_cast %broadcast_in_dim3A_98 : vector<16xf32> to vector<1x16xf32>
      tpu.vector_store %arg9[%swap3A_260, %swap3A_261], %swap3A_264 {strides = array<i32>} : memref<16x1024xf32, #tpu.memory_space<vmem>>, vector<1x16xf32>,
      %scan3A_265 = arith.constant 0 : i32
      scf.yield %scan3A_265 : i32
    }
    %scan3A_195 = arith.constant 16 : i32
    %scan3A_196 = arith.constant 0 : i32
    %scan3A_197 = arith.constant 0 : i32
    %scan3A_198 = arith.constant 16 : i32
    %scan3A_199 = arith.addi %scan3A_197, %scan3A_198 : i32
    %scan3A_200 = arith.constant 1 : i32
    %scan3A_201 = scf.for %scan3A_223 = %scan3A_197 to %scan3A_199 step %scan3A_200 iter_args(%scan3A_224 = %scan3A_196) -> (i32)  : i32 {
      %mul3A_225 = arith.constant 64 : i32
      %mul3A_226 = arith.muli %scan3A_223, %mul3A_225 : i32
      %add3A_227 = arith.constant 0 : i32
      %add3A_228 = arith.addi %mul3A_226, %add3A_227 : i32
      %swap3A_229 = arith.constant 14 : i32
      %swap3A_230 = arith.index_cast %swap3A_229 : i32 to index
      %swap3A_231 = arith.index_cast %add3A_228 : i32 to index
      %swap3A_232 = tpu.vector_load %arg9[%swap3A_230, %swap3A_231] {strides = array<i32>} : memref<16x1024xf32, #tpu.memory_space<vmem>>, vector<1x16xf32>,
      %swap3A_233 = vector.shape_cast %swap3A_232 : vector<1x16xf32> to vector<16xf32>
      %swap3A_234 = vector.shape_cast %broadcast_in_dim3A_98 : vector<16xf32> to vector<1x16xf32>
      tpu.vector_store %arg9[%swap3A_230, %swap3A_231], %swap3A_234 {strides = array<i32>} : memref<16x1024xf32, #tpu.memory_space<vmem>>, vector<1x16xf32>,
      %mul3A_235 = arith.constant 64 : i32
      %mul3A_236 = arith.muli %scan3A_223, %mul3A_235 : i32
      %add3A_237 = arith.constant 16 : i32
      %add3A_238 = arith.addi %mul3A_236, %add3A_237 : i32
      %swap3A_239 = arith.constant 14 : i32
      %swap3A_240 = arith.index_cast %swap3A_239 : i32 to index
      %swap3A_241 = arith.index_cast %add3A_238 : i32 to index
      %swap3A_242 = tpu.vector_load %arg9[%swap3A_240, %swap3A_241] {strides = array<i32>} : memref<16x1024xf32, #tpu.memory_space<vmem>>, vector<1x16xf32>,
      %swap3A_243 = vector.shape_cast %swap3A_242 : vector<1x16xf32> to vector<16xf32>
      %swap3A_244 = vector.shape_cast %broadcast_in_dim3A_98 : vector<16xf32> to vector<1x16xf32>
      tpu.vector_store %arg9[%swap3A_240, %swap3A_241], %swap3A_244 {strides = array<i32>} : memref<16x1024xf32, #tpu.memory_space<vmem>>, vector<1x16xf32>,
      %mul3A_245 = arith.constant 64 : i32
      %mul3A_246 = arith.muli %scan3A_223, %mul3A_245 : i32
      %add3A_247 = arith.constant 32 : i32
      %add3A_248 = arith.addi %mul3A_246, %add3A_247 : i32
      %swap3A_249 = arith.constant 14 : i32
      %swap3A_250 = arith.index_cast %swap3A_249 : i32 to index
      %swap3A_251 = arith.index_cast %add3A_248 : i32 to index
      %swap3A_252 = tpu.vector_load %arg9[%swap3A_250, %swap3A_251] {strides = array<i32>} : memref<16x1024xf32, #tpu.memory_space<vmem>>, vector<1x16xf32>,
      %swap3A_253 = vector.shape_cast %swap3A_252 : vector<1x16xf32> to vector<16xf32>
      %swap3A_254 = vector.shape_cast %broadcast_in_dim3A_98 : vector<16xf32> to vector<1x16xf32>
      tpu.vector_store %arg9[%swap3A_250, %swap3A_251], %swap3A_254 {strides = array<i32>} : memref<16x1024xf32, #tpu.memory_space<vmem>>, vector<1x16xf32>,
      %mul3A_255 = arith.constant 64 : i32
      %mul3A_256 = arith.muli %scan3A_223, %mul3A_255 : i32
      %add3A_257 = arith.constant 48 : i32
      %add3A_258 = arith.addi %mul3A_256, %add3A_257 : i32
      %swap3A_259 = arith.constant 14 : i32
      %swap3A_260 = arith.index_cast %swap3A_259 : i32 to index
      %swap3A_261 = arith.index_cast %add3A_258 : i32 to index
      %swap3A_262 = tpu.vector_load %arg9[%swap3A_260, %swap3A_261] {strides = array<i32>} : memref<16x1024xf32, #tpu.memory_space<vmem>>, vector<1x16xf32>,
      %swap3A_263 = vector.shape_cast %swap3A_262 : vector<1x16xf32> to vector<16xf32>
      %swap3A_264 = vector.shape_cast %broadcast_in_dim3A_98 : vector<16xf32> to vector<1x16xf32>
      tpu.vector_store %arg9[%swap3A_260, %swap3A_261], %swap3A_264 {strides = array<i32>} : memref<16x1024xf32, #tpu.memory_space<vmem>>, vector<1x16xf32>,
      %scan3A_265 = arith.constant 0 : i32
      scf.yield %scan3A_265 : i32
    }
    %scan3A_202 = arith.constant 16 : i32
    %scan3A_203 = arith.constant 0 : i32
    %scan3A_204 = arith.constant 0 : i32
    %scan3A_205 = arith.constant 16 : i32
    %scan3A_206 = arith.addi %scan3A_204, %scan3A_205 : i32
    %scan3A_207 = arith.constant 1 : i32
    %scan3A_208 = scf.for %scan3A_223 = %scan3A_204 to %scan3A_206 step %scan3A_207 iter_args(%scan3A_224 = %scan3A_203) -> (i32)  : i32 {
      %mul3A_225 = arith.constant 64 : i32
      %mul3A_226 = arith.muli %scan3A_223, %mul3A_225 : i32
      %add3A_227 = arith.constant 0 : i32
      %add3A_228 = arith.addi %mul3A_226, %add3A_227 : i32
      %swap3A_229 = arith.constant 15 : i32
      %swap3A_230 = arith.index_cast %swap3A_229 : i32 to index
      %swap3A_231 = arith.index_cast %add3A_228 : i32 to index
      %swap3A_232 = tpu.vector_load %arg9[%swap3A_230, %swap3A_231] {strides = array<i32>} : memref<16x1024xf32, #tpu.memory_space<vmem>>, vector<1x16xf32>,
      %swap3A_233 = vector.shape_cast %swap3A_232 : vector<1x16xf32> to vector<16xf32>
      %swap3A_234 = vector.shape_cast %broadcast_in_dim3A_98 : vector<16xf32> to vector<1x16xf32>
      tpu.vector_store %arg9[%swap3A_230, %swap3A_231], %swap3A_234 {strides = array<i32>} : memref<16x1024xf32, #tpu.memory_space<vmem>>, vector<1x16xf32>,
      %mul3A_235 = arith.constant 64 : i32
      %mul3A_236 = arith.muli %scan3A_223, %mul3A_235 : i32
      %add3A_237 = arith.constant 16 : i32
      %add3A_238 = arith.addi %mul3A_236, %add3A_237 : i32
      %swap3A_239 = arith.constant 15 : i32
      %swap3A_240 = arith.index_cast %swap3A_239 : i32 to index
      %swap3A_241 = arith.index_cast %add3A_238 : i32 to index
      %swap3A_242 = tpu.vector_load %arg9[%swap3A_240, %swap3A_241] {strides = array<i32>} : memref<16x1024xf32, #tpu.memory_space<vmem>>, vector<1x16xf32>,
      %swap3A_243 = vector.shape_cast %swap3A_242 : vector<1x16xf32> to vector<16xf32>
      %swap3A_244 = vector.shape_cast %broadcast_in_dim3A_98 : vector<16xf32> to vector<1x16xf32>
      tpu.vector_store %arg9[%swap3A_240, %swap3A_241], %swap3A_244 {strides = array<i32>} : memref<16x1024xf32, #tpu.memory_space<vmem>>, vector<1x16xf32>,
      %mul3A_245 = arith.constant 64 : i32
      %mul3A_246 = arith.muli %scan3A_223, %mul3A_245 : i32
      %add3A_247 = arith.constant 32 : i32
      %add3A_248 = arith.addi %mul3A_246, %add3A_247 : i32
      %swap3A_249 = arith.constant 15 : i32
      %swap3A_250 = arith.index_cast %swap3A_249 : i32 to index
      %swap3A_251 = arith.index_cast %add3A_248 : i32 to index
      %swap3A_252 = tpu.vector_load %arg9[%swap3A_250, %swap3A_251] {strides = array<i32>} : memref<16x1024xf32, #tpu.memory_space<vmem>>, vector<1x16xf32>,
      %swap3A_253 = vector.shape_cast %swap3A_252 : vector<1x16xf32> to vector<16xf32>
      %swap3A_254 = vector.shape_cast %broadcast_in_dim3A_98 : vector<16xf32> to vector<1x16xf32>
      tpu.vector_store %arg9[%swap3A_250, %swap3A_251], %swap3A_254 {strides = array<i32>} : memref<16x1024xf32, #tpu.memory_space<vmem>>, vector<1x16xf32>,
      %mul3A_255 = arith.constant 64 : i32
      %mul3A_256 = arith.muli %scan3A_223, %mul3A_255 : i32
      %add3A_257 = arith.constant 48 : i32
      %add3A_258 = arith.addi %mul3A_256, %add3A_257 : i32
      %swap3A_259 = arith.constant 15 : i32
      %swap3A_260 = arith.index_cast %swap3A_259 : i32 to index
      %swap3A_261 = arith.index_cast %add3A_258 : i32 to index
      %swap3A_262 = tpu.vector_load %arg9[%swap3A_260, %swap3A_261] {strides = array<i32>} : memref<16x1024xf32, #tpu.memory_space<vmem>>, vector<1x16xf32>,
      %swap3A_263 = vector.shape_cast %swap3A_262 : vector<1x16xf32> to vector<16xf32>
      %swap3A_264 = vector.shape_cast %broadcast_in_dim3A_98 : vector<16xf32> to vector<1x16xf32>
      tpu.vector_store %arg9[%swap3A_260, %swap3A_261], %swap3A_264 {strides = array<i32>} : memref<16x1024xf32, #tpu.memory_space<vmem>>, vector<1x16xf32>,
      %scan3A_265 = arith.constant 0 : i32
      scf.yield %scan3A_265 : i32
    }
    %scan3A_209 = arith.constant 16 : i32
    %scan3A_210 = arith.constant 0 : i32
    %scan3A_211 = arith.constant 0 : i32
    %scan3A_212 = arith.constant 16 : i32
    %scan3A_213 = arith.addi %scan3A_211, %scan3A_212 : i32
    %scan3A_214 = arith.constant 1 : i32
    %scan3A_215 = scf.for %scan3A_223 = %scan3A_211 to %scan3A_213 step %scan3A_214 iter_args(%scan3A_224 = %scan3A_210) -> (i32)  : i32 {
      %add3A_225 = arith.constant 1 : i32
      %add3A_226 = arith.addi %scan3A_224, %add3A_225 : i32
      %min3A = arith.constant 16 : i32
      %min3A_227 = arith.minsi %add3A_226, %min3A : i32
      %get3A_228 = arith.index_cast %min3A_227 : i32 to index
      %get3A_229 = memref.load %arg6[%get3A_228] : memref<24xi32, #tpu.memory_space<smem>>
      %le3A = arith.cmpi sle, %get3A_229, %mul3A_2 : i32
      %select_n3A = arith.select %le3A, %min3A_227, %scan3A_224 : i32
      scf.yield %select_n3A : i32
    }
    %scan3A_216 = arith.constant 16 : i32
    %scan3A_217 = arith.constant 0 : i32
    %scan3A_218 = arith.constant 4 : i32
    %scan3A_219 = arith.addi %scan3A_217, %scan3A_218 : i32
    %scan3A_220 = arith.constant 1 : i32
    %scan3A_221 = scf.for %scan3A_223 = %scan3A_217 to %scan3A_219 step %scan3A_220 iter_args(%scan3A_224 = %scan3A_215) -> (i32)  : i32 {
      %mul3A_225 = arith.constant 2 : i32
      %mul3A_226 = arith.muli %scan3A_223, %mul3A_225 : i32
      %add3A_227 = arith.constant 0 : i32
      %add3A_228 = arith.addi %mul3A_2, %add3A_227 : i32
      %multiple_of3A_229 = tpu.assume_multiple %add3A_228, 32 : i32
      %dma_wait3A = arith.constant 0 : i32
      %dma_wait3A_230 = tpu.memref_slice %arg2[%multiple_of3A_229, %dma_wait3A] : memref<16384x1024xf32, #tpu.memory_space<hbm>> -> memref<32x1024xf32, #tpu.memory_space<hbm>>
      %dma_wait3A_231 = arith.constant 0 : i32
      %dma_wait3A_232 = tpu.memref_slice %arg2[%multiple_of3A_229, %dma_wait3A_231] : memref<16384x1024xf32, #tpu.memory_space<hbm>> -> memref<32x1024xf32, #tpu.memory_space<hbm>>
      tpu.wait_dma2 semaphore(%arg10 : memref<!tpu.dma_semaphore, #tpu.memory_space<semaphore_mem>>) src(%dma_wait3A_232 : memref<32x1024xf32, #tpu.memory_space<hbm>>) dst(%arg7 : memref<32x1024xf32, #tpu.memory_space<vmem>>)
      %mul3A_233 = arith.constant 32 : i32
      %mul3A_234 = arith.muli %mul3A_226, %mul3A_233 : i32
      %add3A_235 = arith.addi %mul3A_2, %mul3A_234 : i32
      %add3A_236 = arith.constant 32 : i32
      %add3A_237 = arith.addi %add3A_235, %add3A_236 : i32
      %add3A_238 = arith.constant 1 : i32
      %add3A_239 = arith.addi %scan3A_224, %add3A_238 : i32
      %get3A_240 = arith.index_cast %add3A_239 : i32 to index
      %get3A_241 = memref.load %arg6[%get3A_240] : memref<24xi32, #tpu.memory_space<smem>>
      %ge3A = arith.cmpi sge, %get3A_241, %add3A_237 : i32
      %convert_element_type3A = arith.extui %ge3A : i1 to i32
      %cond3A = arith.constant 0 : i32
      %cond3A_242 = arith.cmpi ne, %convert_element_type3A, %cond3A : i32
      scf.if %cond3A_242 {
        %scan3A_306 = arith.constant 0 : i32
        %scan3A_307 = arith.constant 0 : i32
        %scan3A_308 = arith.constant 16 : i32
        %scan3A_309 = arith.addi %scan3A_307, %scan3A_308 : i32
        %scan3A_310 = arith.constant 1 : i32
        %scan3A_311 = scf.for %scan3A_313 = %scan3A_307 to %scan3A_309 step %scan3A_310 iter_args(%scan3A_314 = %scan3A_306) -> (i32)  : i32 {
          %mul3A_315 = arith.constant 64 : i32
          %mul3A_316 = arith.muli %scan3A_313, %mul3A_315 : i32
          %add3A_317 = arith.constant 0 : i32
          %add3A_318 = arith.addi %mul3A_316, %add3A_317 : i32
          %get3A_319 = arith.index_cast %scan3A_224 : i32 to index
          %get3A_320 = arith.index_cast %add3A_318 : i32 to index
          %get3A_321 = tpu.vector_load %arg9[%get3A_319, %get3A_320] {strides = array<i32>} : memref<16x1024xf32, #tpu.memory_space<vmem>>, vector<1x16xf32>,
          %get3A_322 = vector.shape_cast %get3A_321 : vector<1x16xf32> to vector<16xf32>
          %add3A_323 = arith.constant 16 : i32
          %add3A_324 = arith.addi %mul3A_316, %add3A_323 : i32
          %get3A_325 = arith.index_cast %scan3A_224 : i32 to index
          %get3A_326 = arith.index_cast %add3A_324 : i32 to index
          %get3A_327 = tpu.vector_load %arg9[%get3A_325, %get3A_326] {strides = array<i32>} : memref<16x1024xf32, #tpu.memory_space<vmem>>, vector<1x16xf32>,
          %get3A_328 = vector.shape_cast %get3A_327 : vector<1x16xf32> to vector<16xf32>
          %add3A_329 = arith.constant 32 : i32
          %add3A_330 = arith.addi %mul3A_316, %add3A_329 : i32
          %get3A_331 = arith.index_cast %scan3A_224 : i32 to index
          %get3A_332 = arith.index_cast %add3A_330 : i32 to index
          %get3A_333 = tpu.vector_load %arg9[%get3A_331, %get3A_332] {strides = array<i32>} : memref<16x1024xf32, #tpu.memory_space<vmem>>, vector<1x16xf32>,
          %get3A_334 = vector.shape_cast %get3A_333 : vector<1x16xf32> to vector<16xf32>
          %add3A_335 = arith.constant 48 : i32
          %add3A_336 = arith.addi %mul3A_316, %add3A_335 : i32
          %get3A_337 = arith.index_cast %scan3A_224 : i32 to index
          %get3A_338 = arith.index_cast %add3A_336 : i32 to index
          %get3A_339 = tpu.vector_load %arg9[%get3A_337, %get3A_338] {strides = array<i32>} : memref<16x1024xf32, #tpu.memory_space<vmem>>, vector<1x16xf32>,
          %get3A_340 = vector.shape_cast %get3A_339 : vector<1x16xf32> to vector<16xf32>
          %add3A_341 = arith.constant 0 : i32
          %add3A_342 = arith.addi %mul3A_316, %add3A_341 : i32
          %get3A_343 = arith.constant 0 : i32
          %get3A_344 = arith.index_cast %get3A_343 : i32 to index
          %get3A_345 = arith.index_cast %add3A_342 : i32 to index
          %get3A_346 = tpu.vector_load %arg7[%get3A_344, %get3A_345] {strides = array<i32>} : memref<32x1024xf32, #tpu.memory_space<vmem>>, vector<1x16xf32>,
          %get3A_347 = vector.shape_cast %get3A_346 : vector<1x16xf32> to vector<16xf32>
          %add3A_348 = arith.addf %get3A_322, %get3A_347 : vector<16xf32>
          %add3A_349 = arith.constant 16 : i32
          %add3A_350 = arith.addi %mul3A_316, %add3A_349 : i32
          %get3A_351 = arith.constant 0 : i32
          %get3A_352 = arith.index_cast %get3A_351 : i32 to index
          %get3A_353 = arith.index_cast %add3A_350 : i32 to index
          %get3A_354 = tpu.vector_load %arg7[%get3A_352, %get3A_353] {strides = array<i32>} : memref<32x1024xf32, #tpu.memory_space<vmem>>, vector<1x16xf32>,
          %get3A_355 = vector.shape_cast %get3A_354 : vector<1x16xf32> to vector<16xf32>
          %add3A_356 = arith.addf %get3A_328, %get3A_355 : vector<16xf32>
          %add3A_357 = arith.constant 32 : i32
          %add3A_358 = arith.addi %mul3A_316, %add3A_357 : i32
          %get3A_359 = arith.constant 0 : i32
          %get3A_360 = arith.index_cast %get3A_359 : i32 to index
          %get3A_361 = arith.index_cast %add3A_358 : i32 to index
          %get3A_362 = tpu.vector_load %arg7[%get3A_360, %get3A_361] {strides = array<i32>} : memref<32x1024xf32, #tpu.memory_space<vmem>>, vector<1x16xf32>,
          %get3A_363 = vector.shape_cast %get3A_362 : vector<1x16xf32> to vector<16xf32>
          %add3A_364 = arith.addf %get3A_334, %get3A_363 : vector<16xf32>
          %add3A_365 = arith.constant 48 : i32
          %add3A_366 = arith.addi %mul3A_316, %add3A_365 : i32
          %get3A_367 = arith.constant 0 : i32
          %get3A_368 = arith.index_cast %get3A_367 : i32 to index
          %get3A_369 = arith.index_cast %add3A_366 : i32 to index
          %get3A_370 = tpu.vector_load %arg7[%get3A_368, %get3A_369] {strides = array<i32>} : memref<32x1024xf32, #tpu.memory_space<vmem>>, vector<1x16xf32>,
          %get3A_371 = vector.shape_cast %get3A_370 : vector<1x16xf32> to vector<16xf32>
          %add3A_372 = arith.addf %get3A_340, %get3A_371 : vector<16xf32>
          %add3A_373 = arith.constant 0 : i32
          %add3A_374 = arith.addi %mul3A_316, %add3A_373 : i32
          %get3A_375 = arith.constant 1 : i32
          %get3A_376 = arith.index_cast %get3A_375 : i32 to index
          %get3A_377 = arith.index_cast %add3A_374 : i32 to index
          %get3A_378 = tpu.vector_load %arg7[%get3A_376, %get3A_377] {strides = array<i32>} : memref<32x1024xf32, #tpu.memory_space<vmem>>, vector<1x16xf32>,
          %get3A_379 = vector.shape_cast %get3A_378 : vector<1x16xf32> to vector<16xf32>
          %add3A_380 = arith.addf %add3A_348, %get3A_379 : vector<16xf32>
          %add3A_381 = arith.constant 16 : i32
          %add3A_382 = arith.addi %mul3A_316, %add3A_381 : i32
          %get3A_383 = arith.constant 1 : i32
          %get3A_384 = arith.index_cast %get3A_383 : i32 to index
          %get3A_385 = arith.index_cast %add3A_382 : i32 to index
          %get3A_386 = tpu.vector_load %arg7[%get3A_384, %get3A_385] {strides = array<i32>} : memref<32x1024xf32, #tpu.memory_space<vmem>>, vector<1x16xf32>,
          %get3A_387 = vector.shape_cast %get3A_386 : vector<1x16xf32> to vector<16xf32>
          %add3A_388 = arith.addf %add3A_356, %get3A_387 : vector<16xf32>
          %add3A_389 = arith.constant 32 : i32
          %add3A_390 = arith.addi %mul3A_316, %add3A_389 : i32
          %get3A_391 = arith.constant 1 : i32
          %get3A_392 = arith.index_cast %get3A_391 : i32 to index
          %get3A_393 = arith.index_cast %add3A_390 : i32 to index
          %get3A_394 = tpu.vector_load %arg7[%get3A_392, %get3A_393] {strides = array<i32>} : memref<32x1024xf32, #tpu.memory_space<vmem>>, vector<1x16xf32>,
          %get3A_395 = vector.shape_cast %get3A_394 : vector<1x16xf32> to vector<16xf32>
          %add3A_396 = arith.addf %add3A_364, %get3A_395 : vector<16xf32>
          %add3A_397 = arith.constant 48 : i32
          %add3A_398 = arith.addi %mul3A_316, %add3A_397 : i32
          %get3A_399 = arith.constant 1 : i32
          %get3A_400 = arith.index_cast %get3A_399 : i32 to index
          %get3A_401 = arith.index_cast %add3A_398 : i32 to index
          %get3A_402 = tpu.vector_load %arg7[%get3A_400, %get3A_401] {strides = array<i32>} : memref<32x1024xf32, #tpu.memory_space<vmem>>, vector<1x16xf32>,
          %get3A_403 = vector.shape_cast %get3A_402 : vector<1x16xf32> to vector<16xf32>
          %add3A_404 = arith.addf %add3A_372, %get3A_403 : vector<16xf32>
          %add3A_405 = arith.constant 0 : i32
          %add3A_406 = arith.addi %mul3A_316, %add3A_405 : i32
          %get3A_407 = arith.constant 2 : i32
          %get3A_408 = arith.index_cast %get3A_407 : i32 to index
          %get3A_409 = arith.index_cast %add3A_406 : i32 to index
          %get3A_410 = tpu.vector_load %arg7[%get3A_408, %get3A_409] {strides = array<i32>} : memref<32x1024xf32, #tpu.memory_space<vmem>>, vector<1x16xf32>,
          %get3A_411 = vector.shape_cast %get3A_410 : vector<1x16xf32> to vector<16xf32>
          %add3A_412 = arith.addf %add3A_380, %get3A_411 : vector<16xf32>
          %add3A_413 = arith.constant 16 : i32
          %add3A_414 = arith.addi %mul3A_316, %add3A_413 : i32
          %get3A_415 = arith.constant 2 : i32
          %get3A_416 = arith.index_cast %get3A_415 : i32 to index
          %get3A_417 = arith.index_cast %add3A_414 : i32 to index
          %get3A_418 = tpu.vector_load %arg7[%get3A_416, %get3A_417] {strides = array<i32>} : memref<32x1024xf32, #tpu.memory_space<vmem>>, vector<1x16xf32>,
          %get3A_419 = vector.shape_cast %get3A_418 : vector<1x16xf32> to vector<16xf32>
          %add3A_420 = arith.addf %add3A_388, %get3A_419 : vector<16xf32>
          %add3A_421 = arith.constant 32 : i32
          %add3A_422 = arith.addi %mul3A_316, %add3A_421 : i32
          %get3A_423 = arith.constant 2 : i32
          %get3A_424 = arith.index_cast %get3A_423 : i32 to index
          %get3A_425 = arith.index_cast %add3A_422 : i32 to index
          %get3A_426 = tpu.vector_load %arg7[%get3A_424, %get3A_425] {strides = array<i32>} : memref<32x1024xf32, #tpu.memory_space<vmem>>, vector<1x16xf32>,
          %get3A_427 = vector.shape_cast %get3A_426 : vector<1x16xf32> to vector<16xf32>
          %add3A_428 = arith.addf %add3A_396, %get3A_427 : vector<16xf32>
          %add3A_429 = arith.constant 48 : i32
          %add3A_430 = arith.addi %mul3A_316, %add3A_429 : i32
          %get3A_431 = arith.constant 2 : i32
          %get3A_432 = arith.index_cast %get3A_431 : i32 to index
          %get3A_433 = arith.index_cast %add3A_430 : i32 to index
          %get3A_434 = tpu.vector_load %arg7[%get3A_432, %get3A_433] {strides = array<i32>} : memref<32x1024xf32, #tpu.memory_space<vmem>>, vector<1x16xf32>,
          %get3A_435 = vector.shape_cast %get3A_434 : vector<1x16xf32> to vector<16xf32>
          %add3A_436 = arith.addf %add3A_404, %get3A_435 : vector<16xf32>
          %add3A_437 = arith.constant 0 : i32
          %add3A_438 = arith.addi %mul3A_316, %add3A_437 : i32
          %get3A_439 = arith.constant 3 : i32
          %get3A_440 = arith.index_cast %get3A_439 : i32 to index
          %get3A_441 = arith.index_cast %add3A_438 : i32 to index
          %get3A_442 = tpu.vector_load %arg7[%get3A_440, %get3A_441] {strides = array<i32>} : memref<32x1024xf32, #tpu.memory_space<vmem>>, vector<1x16xf32>,
          %get3A_443 = vector.shape_cast %get3A_442 : vector<1x16xf32> to vector<16xf32>
          %add3A_444 = arith.addf %add3A_412, %get3A_443 : vector<16xf32>
          %add3A_445 = arith.constant 16 : i32
          %add3A_446 = arith.addi %mul3A_316, %add3A_445 : i32
          %get3A_447 = arith.constant 3 : i32
          %get3A_448 = arith.index_cast %get3A_447 : i32 to index
          %get3A_449 = arith.index_cast %add3A_446 : i32 to index
          %get3A_450 = tpu.vector_load %arg7[%get3A_448, %get3A_449] {strides = array<i32>} : memref<32x1024xf32, #tpu.memory_space<vmem>>, vector<1x16xf32>,
          %get3A_451 = vector.shape_cast %get3A_450 : vector<1x16xf32> to vector<16xf32>
          %add3A_452 = arith.addf %add3A_420, %get3A_451 : vector<16xf32>
          %add3A_453 = arith.constant 32 : i32
          %add3A_454 = arith.addi %mul3A_316, %add3A_453 : i32
          %get3A_455 = arith.constant 3 : i32
          %get3A_456 = arith.index_cast %get3A_455 : i32 to index
          %get3A_457 = arith.index_cast %add3A_454 : i32 to index
          %get3A_458 = tpu.vector_load %arg7[%get3A_456, %get3A_457] {strides = array<i32>} : memref<32x1024xf32, #tpu.memory_space<vmem>>, vector<1x16xf32>,
          %get3A_459 = vector.shape_cast %get3A_458 : vector<1x16xf32> to vector<16xf32>
          %add3A_460 = arith.addf %add3A_428, %get3A_459 : vector<16xf32>
          %add3A_461 = arith.constant 48 : i32
          %add3A_462 = arith.addi %mul3A_316, %add3A_461 : i32
          %get3A_463 = arith.constant 3 : i32
          %get3A_464 = arith.index_cast %get3A_463 : i32 to index
          %get3A_465 = arith.index_cast %add3A_462 : i32 to index
          %get3A_466 = tpu.vector_load %arg7[%get3A_464, %get3A_465] {strides = array<i32>} : memref<32x1024xf32, #tpu.memory_space<vmem>>, vector<1x16xf32>,
          %get3A_467 = vector.shape_cast %get3A_466 : vector<1x16xf32> to vector<16xf32>
          %add3A_468 = arith.addf %add3A_436, %get3A_467 : vector<16xf32>
          %add3A_469 = arith.constant 0 : i32
          %add3A_470 = arith.addi %mul3A_316, %add3A_469 : i32
          %get3A_471 = arith.constant 4 : i32
          %get3A_472 = arith.index_cast %get3A_471 : i32 to index
          %get3A_473 = arith.index_cast %add3A_470 : i32 to index
          %get3A_474 = tpu.vector_load %arg7[%get3A_472, %get3A_473] {strides = array<i32>} : memref<32x1024xf32, #tpu.memory_space<vmem>>, vector<1x16xf32>,
          %get3A_475 = vector.shape_cast %get3A_474 : vector<1x16xf32> to vector<16xf32>
          %add3A_476 = arith.addf %add3A_444, %get3A_475 : vector<16xf32>
          %add3A_477 = arith.constant 16 : i32
          %add3A_478 = arith.addi %mul3A_316, %add3A_477 : i32
          %get3A_479 = arith.constant 4 : i32
          %get3A_480 = arith.index_cast %get3A_479 : i32 to index
          %get3A_481 = arith.index_cast %add3A_478 : i32 to index
          %get3A_482 = tpu.vector_load %arg7[%get3A_480, %get3A_481] {strides = array<i32>} : memref<32x1024xf32, #tpu.memory_space<vmem>>, vector<1x16xf32>,
          %get3A_483 = vector.shape_cast %get3A_482 : vector<1x16xf32> to vector<16xf32>
          %add3A_484 = arith.addf %add3A_452, %get3A_483 : vector<16xf32>
          %add3A_485 = arith.constant 32 : i32
          %add3A_486 = arith.addi %mul3A_316, %add3A_485 : i32
          %get3A_487 = arith.constant 4 : i32
          %get3A_488 = arith.index_cast %get3A_487 : i32 to index
          %get3A_489 = arith.index_cast %add3A_486 : i32 to index
          %get3A_490 = tpu.vector_load %arg7[%get3A_488, %get3A_489] {strides = array<i32>} : memref<32x1024xf32, #tpu.memory_space<vmem>>, vector<1x16xf32>,
          %get3A_491 = vector.shape_cast %get3A_490 : vector<1x16xf32> to vector<16xf32>
          %add3A_492 = arith.addf %add3A_460, %get3A_491 : vector<16xf32>
          %add3A_493 = arith.constant 48 : i32
          %add3A_494 = arith.addi %mul3A_316, %add3A_493 : i32
          %get3A_495 = arith.constant 4 : i32
          %get3A_496 = arith.index_cast %get3A_495 : i32 to index
          %get3A_497 = arith.index_cast %add3A_494 : i32 to index
          %get3A_498 = tpu.vector_load %arg7[%get3A_496, %get3A_497] {strides = array<i32>} : memref<32x1024xf32, #tpu.memory_space<vmem>>, vector<1x16xf32>,
          %get3A_499 = vector.shape_cast %get3A_498 : vector<1x16xf32> to vector<16xf32>
          %add3A_500 = arith.addf %add3A_468, %get3A_499 : vector<16xf32>
          %add3A_501 = arith.constant 0 : i32
          %add3A_502 = arith.addi %mul3A_316, %add3A_501 : i32
          %get3A_503 = arith.constant 5 : i32
          %get3A_504 = arith.index_cast %get3A_503 : i32 to index
          %get3A_505 = arith.index_cast %add3A_502 : i32 to index
          %get3A_506 = tpu.vector_load %arg7[%get3A_504, %get3A_505] {strides = array<i32>} : memref<32x1024xf32, #tpu.memory_space<vmem>>, vector<1x16xf32>,
          %get3A_507 = vector.shape_cast %get3A_506 : vector<1x16xf32> to vector<16xf32>
          %add3A_508 = arith.addf %add3A_476, %get3A_507 : vector<16xf32>
          %add3A_509 = arith.constant 16 : i32
          %add3A_510 = arith.addi %mul3A_316, %add3A_509 : i32
          %get3A_511 = arith.constant 5 : i32
          %get3A_512 = arith.index_cast %get3A_511 : i32 to index
          %get3A_513 = arith.index_cast %add3A_510 : i32 to index
          %get3A_514 = tpu.vector_load %arg7[%get3A_512, %get3A_513] {strides = array<i32>} : memref<32x1024xf32, #tpu.memory_space<vmem>>, vector<1x16xf32>,
          %get3A_515 = vector.shape_cast %get3A_514 : vector<1x16xf32> to vector<16xf32>
          %add3A_516 = arith.addf %add3A_484, %get3A_515 : vector<16xf32>
          %add3A_517 = arith.constant 32 : i32
          %add3A_518 = arith.addi %mul3A_316, %add3A_517 : i32
          %get3A_519 = arith.constant 5 : i32
          %get3A_520 = arith.index_cast %get3A_519 : i32 to index
          %get3A_521 = arith.index_cast %add3A_518 : i32 to index
          %get3A_522 = tpu.vector_load %arg7[%get3A_520, %get3A_521] {strides = array<i32>} : memref<32x1024xf32, #tpu.memory_space<vmem>>, vector<1x16xf32>,
          %get3A_523 = vector.shape_cast %get3A_522 : vector<1x16xf32> to vector<16xf32>
          %add3A_524 = arith.addf %add3A_492, %get3A_523 : vector<16xf32>
          %add3A_525 = arith.constant 48 : i32
          %add3A_526 = arith.addi %mul3A_316, %add3A_525 : i32
          %get3A_527 = arith.constant 5 : i32
          %get3A_528 = arith.index_cast %get3A_527 : i32 to index
          %get3A_529 = arith.index_cast %add3A_526 : i32 to index
          %get3A_530 = tpu.vector_load %arg7[%get3A_528, %get3A_529] {strides = array<i32>} : memref<32x1024xf32, #tpu.memory_space<vmem>>, vector<1x16xf32>,
          %get3A_531 = vector.shape_cast %get3A_530 : vector<1x16xf32> to vector<16xf32>
          %add3A_532 = arith.addf %add3A_500, %get3A_531 : vector<16xf32>
          %add3A_533 = arith.constant 0 : i32
          %add3A_534 = arith.addi %mul3A_316, %add3A_533 : i32
          %get3A_535 = arith.constant 6 : i32
          %get3A_536 = arith.index_cast %get3A_535 : i32 to index
          %get3A_537 = arith.index_cast %add3A_534 : i32 to index
          %get3A_538 = tpu.vector_load %arg7[%get3A_536, %get3A_537] {strides = array<i32>} : memref<32x1024xf32, #tpu.memory_space<vmem>>, vector<1x16xf32>,
          %get3A_539 = vector.shape_cast %get3A_538 : vector<1x16xf32> to vector<16xf32>
          %add3A_540 = arith.addf %add3A_508, %get3A_539 : vector<16xf32>
          %add3A_541 = arith.constant 16 : i32
          %add3A_542 = arith.addi %mul3A_316, %add3A_541 : i32
          %get3A_543 = arith.constant 6 : i32
          %get3A_544 = arith.index_cast %get3A_543 : i32 to index
          %get3A_545 = arith.index_cast %add3A_542 : i32 to index
          %get3A_546 = tpu.vector_load %arg7[%get3A_544, %get3A_545] {strides = array<i32>} : memref<32x1024xf32, #tpu.memory_space<vmem>>, vector<1x16xf32>,
          %get3A_547 = vector.shape_cast %get3A_546 : vector<1x16xf32> to vector<16xf32>
          %add3A_548 = arith.addf %add3A_516, %get3A_547 : vector<16xf32>
          %add3A_549 = arith.constant 32 : i32
          %add3A_550 = arith.addi %mul3A_316, %add3A_549 : i32
          %get3A_551 = arith.constant 6 : i32
          %get3A_552 = arith.index_cast %get3A_551 : i32 to index
          %get3A_553 = arith.index_cast %add3A_550 : i32 to index
          %get3A_554 = tpu.vector_load %arg7[%get3A_552, %get3A_553] {strides = array<i32>} : memref<32x1024xf32, #tpu.memory_space<vmem>>, vector<1x16xf32>,
          %get3A_555 = vector.shape_cast %get3A_554 : vector<1x16xf32> to vector<16xf32>
          %add3A_556 = arith.addf %add3A_524, %get3A_555 : vector<16xf32>
          %add3A_557 = arith.constant 48 : i32
          %add3A_558 = arith.addi %mul3A_316, %add3A_557 : i32
          %get3A_559 = arith.constant 6 : i32
          %get3A_560 = arith.index_cast %get3A_559 : i32 to index
          %get3A_561 = arith.index_cast %add3A_558 : i32 to index
          %get3A_562 = tpu.vector_load %arg7[%get3A_560, %get3A_561] {strides = array<i32>} : memref<32x1024xf32, #tpu.memory_space<vmem>>, vector<1x16xf32>,
          %get3A_563 = vector.shape_cast %get3A_562 : vector<1x16xf32> to vector<16xf32>
          %add3A_564 = arith.addf %add3A_532, %get3A_563 : vector<16xf32>
          %add3A_565 = arith.constant 0 : i32
          %add3A_566 = arith.addi %mul3A_316, %add3A_565 : i32
          %get3A_567 = arith.constant 7 : i32
          %get3A_568 = arith.index_cast %get3A_567 : i32 to index
          %get3A_569 = arith.index_cast %add3A_566 : i32 to index
          %get3A_570 = tpu.vector_load %arg7[%get3A_568, %get3A_569] {strides = array<i32>} : memref<32x1024xf32, #tpu.memory_space<vmem>>, vector<1x16xf32>,
          %get3A_571 = vector.shape_cast %get3A_570 : vector<1x16xf32> to vector<16xf32>
          %add3A_572 = arith.addf %add3A_540, %get3A_571 : vector<16xf32>
          %add3A_573 = arith.constant 16 : i32
          %add3A_574 = arith.addi %mul3A_316, %add3A_573 : i32
          %get3A_575 = arith.constant 7 : i32
          %get3A_576 = arith.index_cast %get3A_575 : i32 to index
          %get3A_577 = arith.index_cast %add3A_574 : i32 to index
          %get3A_578 = tpu.vector_load %arg7[%get3A_576, %get3A_577] {strides = array<i32>} : memref<32x1024xf32, #tpu.memory_space<vmem>>, vector<1x16xf32>,
          %get3A_579 = vector.shape_cast %get3A_578 : vector<1x16xf32> to vector<16xf32>
          %add3A_580 = arith.addf %add3A_548, %get3A_579 : vector<16xf32>
          %add3A_581 = arith.constant 32 : i32
          %add3A_582 = arith.addi %mul3A_316, %add3A_581 : i32
          %get3A_583 = arith.constant 7 : i32
          %get3A_584 = arith.index_cast %get3A_583 : i32 to index
          %get3A_585 = arith.index_cast %add3A_582 : i32 to index
          %get3A_586 = tpu.vector_load %arg7[%get3A_584, %get3A_585] {strides = array<i32>} : memref<32x1024xf32, #tpu.memory_space<vmem>>, vector<1x16xf32>,
          %get3A_587 = vector.shape_cast %get3A_586 : vector<1x16xf32> to vector<16xf32>
          %add3A_588 = arith.addf %add3A_556, %get3A_587 : vector<16xf32>
          %add3A_589 = arith.constant 48 : i32
          %add3A_590 = arith.addi %mul3A_316, %add3A_589 : i32
          %get3A_591 = arith.constant 7 : i32
          %get3A_592 = arith.index_cast %get3A_591 : i32 to index
          %get3A_593 = arith.index_cast %add3A_590 : i32 to index
          %get3A_594 = tpu.vector_load %arg7[%get3A_592, %get3A_593] {strides = array<i32>} : memref<32x1024xf32, #tpu.memory_space<vmem>>, vector<1x16xf32>,
          %get3A_595 = vector.shape_cast %get3A_594 : vector<1x16xf32> to vector<16xf32>
          %add3A_596 = arith.addf %add3A_564, %get3A_595 : vector<16xf32>
          %add3A_597 = arith.constant 0 : i32
          %add3A_598 = arith.addi %mul3A_316, %add3A_597 : i32
          %get3A_599 = arith.constant 8 : i32
          %get3A_600 = arith.index_cast %get3A_599 : i32 to index
          %get3A_601 = arith.index_cast %add3A_598 : i32 to index
          %get3A_602 = tpu.vector_load %arg7[%get3A_600, %get3A_601] {strides = array<i32>} : memref<32x1024xf32, #tpu.memory_space<vmem>>, vector<1x16xf32>,
          %get3A_603 = vector.shape_cast %get3A_602 : vector<1x16xf32> to vector<16xf32>
          %add3A_604 = arith.addf %add3A_572, %get3A_603 : vector<16xf32>
          %add3A_605 = arith.constant 16 : i32
          %add3A_606 = arith.addi %mul3A_316, %add3A_605 : i32
          %get3A_607 = arith.constant 8 : i32
          %get3A_608 = arith.index_cast %get3A_607 : i32 to index
          %get3A_609 = arith.index_cast %add3A_606 : i32 to index
          %get3A_610 = tpu.vector_load %arg7[%get3A_608, %get3A_609] {strides = array<i32>} : memref<32x1024xf32, #tpu.memory_space<vmem>>, vector<1x16xf32>,
          %get3A_611 = vector.shape_cast %get3A_610 : vector<1x16xf32> to vector<16xf32>
          %add3A_612 = arith.addf %add3A_580, %get3A_611 : vector<16xf32>
          %add3A_613 = arith.constant 32 : i32
          %add3A_614 = arith.addi %mul3A_316, %add3A_613 : i32
          %get3A_615 = arith.constant 8 : i32
          %get3A_616 = arith.index_cast %get3A_615 : i32 to index
          %get3A_617 = arith.index_cast %add3A_614 : i32 to index
          %get3A_618 = tpu.vector_load %arg7[%get3A_616, %get3A_617] {strides = array<i32>} : memref<32x1024xf32, #tpu.memory_space<vmem>>, vector<1x16xf32>,
          %get3A_619 = vector.shape_cast %get3A_618 : vector<1x16xf32> to vector<16xf32>
          %add3A_620 = arith.addf %add3A_588, %get3A_619 : vector<16xf32>
          %add3A_621 = arith.constant 48 : i32
          %add3A_622 = arith.addi %mul3A_316, %add3A_621 : i32
          %get3A_623 = arith.constant 8 : i32
          %get3A_624 = arith.index_cast %get3A_623 : i32 to index
          %get3A_625 = arith.index_cast %add3A_622 : i32 to index
          %get3A_626 = tpu.vector_load %arg7[%get3A_624, %get3A_625] {strides = array<i32>} : memref<32x1024xf32, #tpu.memory_space<vmem>>, vector<1x16xf32>,
          %get3A_627 = vector.shape_cast %get3A_626 : vector<1x16xf32> to vector<16xf32>
          %add3A_628 = arith.addf %add3A_596, %get3A_627 : vector<16xf32>
          %add3A_629 = arith.constant 0 : i32
          %add3A_630 = arith.addi %mul3A_316, %add3A_629 : i32
          %get3A_631 = arith.constant 9 : i32
          %get3A_632 = arith.index_cast %get3A_631 : i32 to index
          %get3A_633 = arith.index_cast %add3A_630 : i32 to index
          %get3A_634 = tpu.vector_load %arg7[%get3A_632, %get3A_633] {strides = array<i32>} : memref<32x1024xf32, #tpu.memory_space<vmem>>, vector<1x16xf32>,
          %get3A_635 = vector.shape_cast %get3A_634 : vector<1x16xf32> to vector<16xf32>
          %add3A_636 = arith.addf %add3A_604, %get3A_635 : vector<16xf32>
          %add3A_637 = arith.constant 16 : i32
          %add3A_638 = arith.addi %mul3A_316, %add3A_637 : i32
          %get3A_639 = arith.constant 9 : i32
          %get3A_640 = arith.index_cast %get3A_639 : i32 to index
          %get3A_641 = arith.index_cast %add3A_638 : i32 to index
          %get3A_642 = tpu.vector_load %arg7[%get3A_640, %get3A_641] {strides = array<i32>} : memref<32x1024xf32, #tpu.memory_space<vmem>>, vector<1x16xf32>,
          %get3A_643 = vector.shape_cast %get3A_642 : vector<1x16xf32> to vector<16xf32>
          %add3A_644 = arith.addf %add3A_612, %get3A_643 : vector<16xf32>
          %add3A_645 = arith.constant 32 : i32
          %add3A_646 = arith.addi %mul3A_316, %add3A_645 : i32
          %get3A_647 = arith.constant 9 : i32
          %get3A_648 = arith.index_cast %get3A_647 : i32 to index
          %get3A_649 = arith.index_cast %add3A_646 : i32 to index
          %get3A_650 = tpu.vector_load %arg7[%get3A_648, %get3A_649] {strides = array<i32>} : memref<32x1024xf32, #tpu.memory_space<vmem>>, vector<1x16xf32>,
          %get3A_651 = vector.shape_cast %get3A_650 : vector<1x16xf32> to vector<16xf32>
          %add3A_652 = arith.addf %add3A_620, %get3A_651 : vector<16xf32>
          %add3A_653 = arith.constant 48 : i32
          %add3A_654 = arith.addi %mul3A_316, %add3A_653 : i32
          %get3A_655 = arith.constant 9 : i32
          %get3A_656 = arith.index_cast %get3A_655 : i32 to index
          %get3A_657 = arith.index_cast %add3A_654 : i32 to index
          %get3A_658 = tpu.vector_load %arg7[%get3A_656, %get3A_657] {strides = array<i32>} : memref<32x1024xf32, #tpu.memory_space<vmem>>, vector<1x16xf32>,
          %get3A_659 = vector.shape_cast %get3A_658 : vector<1x16xf32> to vector<16xf32>
          %add3A_660 = arith.addf %add3A_628, %get3A_659 : vector<16xf32>
          %add3A_661 = arith.constant 0 : i32
          %add3A_662 = arith.addi %mul3A_316, %add3A_661 : i32
          %get3A_663 = arith.constant 10 : i32
          %get3A_664 = arith.index_cast %get3A_663 : i32 to index
          %get3A_665 = arith.index_cast %add3A_662 : i32 to index
          %get3A_666 = tpu.vector_load %arg7[%get3A_664, %get3A_665] {strides = array<i32>} : memref<32x1024xf32, #tpu.memory_space<vmem>>, vector<1x16xf32>,
          %get3A_667 = vector.shape_cast %get3A_666 : vector<1x16xf32> to vector<16xf32>
          %add3A_668 = arith.addf %add3A_636, %get3A_667 : vector<16xf32>
          %add3A_669 = arith.constant 16 : i32
          %add3A_670 = arith.addi %mul3A_316, %add3A_669 : i32
          %get3A_671 = arith.constant 10 : i32
          %get3A_672 = arith.index_cast %get3A_671 : i32 to index
          %get3A_673 = arith.index_cast %add3A_670 : i32 to index
          %get3A_674 = tpu.vector_load %arg7[%get3A_672, %get3A_673] {strides = array<i32>} : memref<32x1024xf32, #tpu.memory_space<vmem>>, vector<1x16xf32>,
          %get3A_675 = vector.shape_cast %get3A_674 : vector<1x16xf32> to vector<16xf32>
          %add3A_676 = arith.addf %add3A_644, %get3A_675 : vector<16xf32>
          %add3A_677 = arith.constant 32 : i32
          %add3A_678 = arith.addi %mul3A_316, %add3A_677 : i32
          %get3A_679 = arith.constant 10 : i32
          %get3A_680 = arith.index_cast %get3A_679 : i32 to index
          %get3A_681 = arith.index_cast %add3A_678 : i32 to index
          %get3A_682 = tpu.vector_load %arg7[%get3A_680, %get3A_681] {strides = array<i32>} : memref<32x1024xf32, #tpu.memory_space<vmem>>, vector<1x16xf32>,
          %get3A_683 = vector.shape_cast %get3A_682 : vector<1x16xf32> to vector<16xf32>
          %add3A_684 = arith.addf %add3A_652, %get3A_683 : vector<16xf32>
          %add3A_685 = arith.constant 48 : i32
          %add3A_686 = arith.addi %mul3A_316, %add3A_685 : i32
          %get3A_687 = arith.constant 10 : i32
          %get3A_688 = arith.index_cast %get3A_687 : i32 to index
          %get3A_689 = arith.index_cast %add3A_686 : i32 to index
          %get3A_690 = tpu.vector_load %arg7[%get3A_688, %get3A_689] {strides = array<i32>} : memref<32x1024xf32, #tpu.memory_space<vmem>>, vector<1x16xf32>,
          %get3A_691 = vector.shape_cast %get3A_690 : vector<1x16xf32> to vector<16xf32>
          %add3A_692 = arith.addf %add3A_660, %get3A_691 : vector<16xf32>
          %add3A_693 = arith.constant 0 : i32
          %add3A_694 = arith.addi %mul3A_316, %add3A_693 : i32
          %get3A_695 = arith.constant 11 : i32
          %get3A_696 = arith.index_cast %get3A_695 : i32 to index
          %get3A_697 = arith.index_cast %add3A_694 : i32 to index
          %get3A_698 = tpu.vector_load %arg7[%get3A_696, %get3A_697] {strides = array<i32>} : memref<32x1024xf32, #tpu.memory_space<vmem>>, vector<1x16xf32>,
          %get3A_699 = vector.shape_cast %get3A_698 : vector<1x16xf32> to vector<16xf32>
          %add3A_700 = arith.addf %add3A_668, %get3A_699 : vector<16xf32>
          %add3A_701 = arith.constant 16 : i32
          %add3A_702 = arith.addi %mul3A_316, %add3A_701 : i32
          %get3A_703 = arith.constant 11 : i32
          %get3A_704 = arith.index_cast %get3A_703 : i32 to index
          %get3A_705 = arith.index_cast %add3A_702 : i32 to index
          %get3A_706 = tpu.vector_load %arg7[%get3A_704, %get3A_705] {strides = array<i32>} : memref<32x1024xf32, #tpu.memory_space<vmem>>, vector<1x16xf32>,
          %get3A_707 = vector.shape_cast %get3A_706 : vector<1x16xf32> to vector<16xf32>
          %add3A_708 = arith.addf %add3A_676, %get3A_707 : vector<16xf32>
          %add3A_709 = arith.constant 32 : i32
          %add3A_710 = arith.addi %mul3A_316, %add3A_709 : i32
          %get3A_711 = arith.constant 11 : i32
          %get3A_712 = arith.index_cast %get3A_711 : i32 to index
          %get3A_713 = arith.index_cast %add3A_710 : i32 to index
          %get3A_714 = tpu.vector_load %arg7[%get3A_712, %get3A_713] {strides = array<i32>} : memref<32x1024xf32, #tpu.memory_space<vmem>>, vector<1x16xf32>,
          %get3A_715 = vector.shape_cast %get3A_714 : vector<1x16xf32> to vector<16xf32>
          %add3A_716 = arith.addf %add3A_684, %get3A_715 : vector<16xf32>
          %add3A_717 = arith.constant 48 : i32
          %add3A_718 = arith.addi %mul3A_316, %add3A_717 : i32
          %get3A_719 = arith.constant 11 : i32
          %get3A_720 = arith.index_cast %get3A_719 : i32 to index
          %get3A_721 = arith.index_cast %add3A_718 : i32 to index
          %get3A_722 = tpu.vector_load %arg7[%get3A_720, %get3A_721] {strides = array<i32>} : memref<32x1024xf32, #tpu.memory_space<vmem>>, vector<1x16xf32>,
          %get3A_723 = vector.shape_cast %get3A_722 : vector<1x16xf32> to vector<16xf32>
          %add3A_724 = arith.addf %add3A_692, %get3A_723 : vector<16xf32>
          %add3A_725 = arith.constant 0 : i32
          %add3A_726 = arith.addi %mul3A_316, %add3A_725 : i32
          %get3A_727 = arith.constant 12 : i32
          %get3A_728 = arith.index_cast %get3A_727 : i32 to index
          %get3A_729 = arith.index_cast %add3A_726 : i32 to index
          %get3A_730 = tpu.vector_load %arg7[%get3A_728, %get3A_729] {strides = array<i32>} : memref<32x1024xf32, #tpu.memory_space<vmem>>, vector<1x16xf32>,
          %get3A_731 = vector.shape_cast %get3A_730 : vector<1x16xf32> to vector<16xf32>
          %add3A_732 = arith.addf %add3A_700, %get3A_731 : vector<16xf32>
          %add3A_733 = arith.constant 16 : i32
          %add3A_734 = arith.addi %mul3A_316, %add3A_733 : i32
          %get3A_735 = arith.constant 12 : i32
          %get3A_736 = arith.index_cast %get3A_735 : i32 to index
          %get3A_737 = arith.index_cast %add3A_734 : i32 to index
          %get3A_738 = tpu.vector_load %arg7[%get3A_736, %get3A_737] {strides = array<i32>} : memref<32x1024xf32, #tpu.memory_space<vmem>>, vector<1x16xf32>,
          %get3A_739 = vector.shape_cast %get3A_738 : vector<1x16xf32> to vector<16xf32>
          %add3A_740 = arith.addf %add3A_708, %get3A_739 : vector<16xf32>
          %add3A_741 = arith.constant 32 : i32
          %add3A_742 = arith.addi %mul3A_316, %add3A_741 : i32
          %get3A_743 = arith.constant 12 : i32
          %get3A_744 = arith.index_cast %get3A_743 : i32 to index
          %get3A_745 = arith.index_cast %add3A_742 : i32 to index
          %get3A_746 = tpu.vector_load %arg7[%get3A_744, %get3A_745] {strides = array<i32>} : memref<32x1024xf32, #tpu.memory_space<vmem>>, vector<1x16xf32>,
          %get3A_747 = vector.shape_cast %get3A_746 : vector<1x16xf32> to vector<16xf32>
          %add3A_748 = arith.addf %add3A_716, %get3A_747 : vector<16xf32>
          %add3A_749 = arith.constant 48 : i32
          %add3A_750 = arith.addi %mul3A_316, %add3A_749 : i32
          %get3A_751 = arith.constant 12 : i32
          %get3A_752 = arith.index_cast %get3A_751 : i32 to index
          %get3A_753 = arith.index_cast %add3A_750 : i32 to index
          %get3A_754 = tpu.vector_load %arg7[%get3A_752, %get3A_753] {strides = array<i32>} : memref<32x1024xf32, #tpu.memory_space<vmem>>, vector<1x16xf32>,
          %get3A_755 = vector.shape_cast %get3A_754 : vector<1x16xf32> to vector<16xf32>
          %add3A_756 = arith.addf %add3A_724, %get3A_755 : vector<16xf32>
          %add3A_757 = arith.constant 0 : i32
          %add3A_758 = arith.addi %mul3A_316, %add3A_757 : i32
          %get3A_759 = arith.constant 13 : i32
          %get3A_760 = arith.index_cast %get3A_759 : i32 to index
          %get3A_761 = arith.index_cast %add3A_758 : i32 to index
          %get3A_762 = tpu.vector_load %arg7[%get3A_760, %get3A_761] {strides = array<i32>} : memref<32x1024xf32, #tpu.memory_space<vmem>>, vector<1x16xf32>,
          %get3A_763 = vector.shape_cast %get3A_762 : vector<1x16xf32> to vector<16xf32>
          %add3A_764 = arith.addf %add3A_732, %get3A_763 : vector<16xf32>
          %add3A_765 = arith.constant 16 : i32
          %add3A_766 = arith.addi %mul3A_316, %add3A_765 : i32
          %get3A_767 = arith.constant 13 : i32
          %get3A_768 = arith.index_cast %get3A_767 : i32 to index
          %get3A_769 = arith.index_cast %add3A_766 : i32 to index
          %get3A_770 = tpu.vector_load %arg7[%get3A_768, %get3A_769] {strides = array<i32>} : memref<32x1024xf32, #tpu.memory_space<vmem>>, vector<1x16xf32>,
          %get3A_771 = vector.shape_cast %get3A_770 : vector<1x16xf32> to vector<16xf32>
          %add3A_772 = arith.addf %add3A_740, %get3A_771 : vector<16xf32>
          %add3A_773 = arith.constant 32 : i32
          %add3A_774 = arith.addi %mul3A_316, %add3A_773 : i32
          %get3A_775 = arith.constant 13 : i32
          %get3A_776 = arith.index_cast %get3A_775 : i32 to index
          %get3A_777 = arith.index_cast %add3A_774 : i32 to index
          %get3A_778 = tpu.vector_load %arg7[%get3A_776, %get3A_777] {strides = array<i32>} : memref<32x1024xf32, #tpu.memory_space<vmem>>, vector<1x16xf32>,
          %get3A_779 = vector.shape_cast %get3A_778 : vector<1x16xf32> to vector<16xf32>
          %add3A_780 = arith.addf %add3A_748, %get3A_779 : vector<16xf32>
          %add3A_781 = arith.constant 48 : i32
          %add3A_782 = arith.addi %mul3A_316, %add3A_781 : i32
          %get3A_783 = arith.constant 13 : i32
          %get3A_784 = arith.index_cast %get3A_783 : i32 to index
          %get3A_785 = arith.index_cast %add3A_782 : i32 to index
          %get3A_786 = tpu.vector_load %arg7[%get3A_784, %get3A_785] {strides = array<i32>} : memref<32x1024xf32, #tpu.memory_space<vmem>>, vector<1x16xf32>,
          %get3A_787 = vector.shape_cast %get3A_786 : vector<1x16xf32> to vector<16xf32>
          %add3A_788 = arith.addf %add3A_756, %get3A_787 : vector<16xf32>
          %add3A_789 = arith.constant 0 : i32
          %add3A_790 = arith.addi %mul3A_316, %add3A_789 : i32
          %get3A_791 = arith.constant 14 : i32
          %get3A_792 = arith.index_cast %get3A_791 : i32 to index
          %get3A_793 = arith.index_cast %add3A_790 : i32 to index
          %get3A_794 = tpu.vector_load %arg7[%get3A_792, %get3A_793] {strides = array<i32>} : memref<32x1024xf32, #tpu.memory_space<vmem>>, vector<1x16xf32>,
          %get3A_795 = vector.shape_cast %get3A_794 : vector<1x16xf32> to vector<16xf32>
          %add3A_796 = arith.addf %add3A_764, %get3A_795 : vector<16xf32>
          %add3A_797 = arith.constant 16 : i32
          %add3A_798 = arith.addi %mul3A_316, %add3A_797 : i32
          %get3A_799 = arith.constant 14 : i32
          %get3A_800 = arith.index_cast %get3A_799 : i32 to index
          %get3A_801 = arith.index_cast %add3A_798 : i32 to index
          %get3A_802 = tpu.vector_load %arg7[%get3A_800, %get3A_801] {strides = array<i32>} : memref<32x1024xf32, #tpu.memory_space<vmem>>, vector<1x16xf32>,
          %get3A_803 = vector.shape_cast %get3A_802 : vector<1x16xf32> to vector<16xf32>
          %add3A_804 = arith.addf %add3A_772, %get3A_803 : vector<16xf32>
          %add3A_805 = arith.constant 32 : i32
          %add3A_806 = arith.addi %mul3A_316, %add3A_805 : i32
          %get3A_807 = arith.constant 14 : i32
          %get3A_808 = arith.index_cast %get3A_807 : i32 to index
          %get3A_809 = arith.index_cast %add3A_806 : i32 to index
          %get3A_810 = tpu.vector_load %arg7[%get3A_808, %get3A_809] {strides = array<i32>} : memref<32x1024xf32, #tpu.memory_space<vmem>>, vector<1x16xf32>,
          %get3A_811 = vector.shape_cast %get3A_810 : vector<1x16xf32> to vector<16xf32>
          %add3A_812 = arith.addf %add3A_780, %get3A_811 : vector<16xf32>
          %add3A_813 = arith.constant 48 : i32
          %add3A_814 = arith.addi %mul3A_316, %add3A_813 : i32
          %get3A_815 = arith.constant 14 : i32
          %get3A_816 = arith.index_cast %get3A_815 : i32 to index
          %get3A_817 = arith.index_cast %add3A_814 : i32 to index
          %get3A_818 = tpu.vector_load %arg7[%get3A_816, %get3A_817] {strides = array<i32>} : memref<32x1024xf32, #tpu.memory_space<vmem>>, vector<1x16xf32>,
          %get3A_819 = vector.shape_cast %get3A_818 : vector<1x16xf32> to vector<16xf32>
          %add3A_820 = arith.addf %add3A_788, %get3A_819 : vector<16xf32>
          %add3A_821 = arith.constant 0 : i32
          %add3A_822 = arith.addi %mul3A_316, %add3A_821 : i32
          %get3A_823 = arith.constant 15 : i32
          %get3A_824 = arith.index_cast %get3A_823 : i32 to index
          %get3A_825 = arith.index_cast %add3A_822 : i32 to index
          %get3A_826 = tpu.vector_load %arg7[%get3A_824, %get3A_825] {strides = array<i32>} : memref<32x1024xf32, #tpu.memory_space<vmem>>, vector<1x16xf32>,
          %get3A_827 = vector.shape_cast %get3A_826 : vector<1x16xf32> to vector<16xf32>
          %add3A_828 = arith.addf %add3A_796, %get3A_827 : vector<16xf32>
          %add3A_829 = arith.constant 16 : i32
          %add3A_830 = arith.addi %mul3A_316, %add3A_829 : i32
          %get3A_831 = arith.constant 15 : i32
          %get3A_832 = arith.index_cast %get3A_831 : i32 to index
          %get3A_833 = arith.index_cast %add3A_830 : i32 to index
          %get3A_834 = tpu.vector_load %arg7[%get3A_832, %get3A_833] {strides = array<i32>} : memref<32x1024xf32, #tpu.memory_space<vmem>>, vector<1x16xf32>,
          %get3A_835 = vector.shape_cast %get3A_834 : vector<1x16xf32> to vector<16xf32>
          %add3A_836 = arith.addf %add3A_804, %get3A_835 : vector<16xf32>
          %add3A_837 = arith.constant 32 : i32
          %add3A_838 = arith.addi %mul3A_316, %add3A_837 : i32
          %get3A_839 = arith.constant 15 : i32
          %get3A_840 = arith.index_cast %get3A_839 : i32 to index
          %get3A_841 = arith.index_cast %add3A_838 : i32 to index
          %get3A_842 = tpu.vector_load %arg7[%get3A_840, %get3A_841] {strides = array<i32>} : memref<32x1024xf32, #tpu.memory_space<vmem>>, vector<1x16xf32>,
          %get3A_843 = vector.shape_cast %get3A_842 : vector<1x16xf32> to vector<16xf32>
          %add3A_844 = arith.addf %add3A_812, %get3A_843 : vector<16xf32>
          %add3A_845 = arith.constant 48 : i32
          %add3A_846 = arith.addi %mul3A_316, %add3A_845 : i32
          %get3A_847 = arith.constant 15 : i32
          %get3A_848 = arith.index_cast %get3A_847 : i32 to index
          %get3A_849 = arith.index_cast %add3A_846 : i32 to index
          %get3A_850 = tpu.vector_load %arg7[%get3A_848, %get3A_849] {strides = array<i32>} : memref<32x1024xf32, #tpu.memory_space<vmem>>, vector<1x16xf32>,
          %get3A_851 = vector.shape_cast %get3A_850 : vector<1x16xf32> to vector<16xf32>
          %add3A_852 = arith.addf %add3A_820, %get3A_851 : vector<16xf32>
          %add3A_853 = arith.constant 0 : i32
          %add3A_854 = arith.addi %mul3A_316, %add3A_853 : i32
          %get3A_855 = arith.constant 16 : i32
          %get3A_856 = arith.index_cast %get3A_855 : i32 to index
          %get3A_857 = arith.index_cast %add3A_854 : i32 to index
          %get3A_858 = tpu.vector_load %arg7[%get3A_856, %get3A_857] {strides = array<i32>} : memref<32x1024xf32, #tpu.memory_space<vmem>>, vector<1x16xf32>,
          %get3A_859 = vector.shape_cast %get3A_858 : vector<1x16xf32> to vector<16xf32>
          %add3A_860 = arith.addf %add3A_828, %get3A_859 : vector<16xf32>
          %add3A_861 = arith.constant 16 : i32
          %add3A_862 = arith.addi %mul3A_316, %add3A_861 : i32
          %get3A_863 = arith.constant 16 : i32
          %get3A_864 = arith.index_cast %get3A_863 : i32 to index
          %get3A_865 = arith.index_cast %add3A_862 : i32 to index
          %get3A_866 = tpu.vector_load %arg7[%get3A_864, %get3A_865] {strides = array<i32>} : memref<32x1024xf32, #tpu.memory_space<vmem>>, vector<1x16xf32>,
          %get3A_867 = vector.shape_cast %get3A_866 : vector<1x16xf32> to vector<16xf32>
          %add3A_868 = arith.addf %add3A_836, %get3A_867 : vector<16xf32>
          %add3A_869 = arith.constant 32 : i32
          %add3A_870 = arith.addi %mul3A_316, %add3A_869 : i32
          %get3A_871 = arith.constant 16 : i32
          %get3A_872 = arith.index_cast %get3A_871 : i32 to index
          %get3A_873 = arith.index_cast %add3A_870 : i32 to index
          %get3A_874 = tpu.vector_load %arg7[%get3A_872, %get3A_873] {strides = array<i32>} : memref<32x1024xf32, #tpu.memory_space<vmem>>, vector<1x16xf32>,
          %get3A_875 = vector.shape_cast %get3A_874 : vector<1x16xf32> to vector<16xf32>
          %add3A_876 = arith.addf %add3A_844, %get3A_875 : vector<16xf32>
          %add3A_877 = arith.constant 48 : i32
          %add3A_878 = arith.addi %mul3A_316, %add3A_877 : i32
          %get3A_879 = arith.constant 16 : i32
          %get3A_880 = arith.index_cast %get3A_879 : i32 to index
          %get3A_881 = arith.index_cast %add3A_878 : i32 to index
          %get3A_882 = tpu.vector_load %arg7[%get3A_880, %get3A_881] {strides = array<i32>} : memref<32x1024xf32, #tpu.memory_space<vmem>>, vector<1x16xf32>,
          %get3A_883 = vector.shape_cast %get3A_882 : vector<1x16xf32> to vector<16xf32>
          %add3A_884 = arith.addf %add3A_852, %get3A_883 : vector<16xf32>
          %add3A_885 = arith.constant 0 : i32
          %add3A_886 = arith.addi %mul3A_316, %add3A_885 : i32
          %get3A_887 = arith.constant 17 : i32
          %get3A_888 = arith.index_cast %get3A_887 : i32 to index
          %get3A_889 = arith.index_cast %add3A_886 : i32 to index
          %get3A_890 = tpu.vector_load %arg7[%get3A_888, %get3A_889] {strides = array<i32>} : memref<32x1024xf32, #tpu.memory_space<vmem>>, vector<1x16xf32>,
          %get3A_891 = vector.shape_cast %get3A_890 : vector<1x16xf32> to vector<16xf32>
          %add3A_892 = arith.addf %add3A_860, %get3A_891 : vector<16xf32>
          %add3A_893 = arith.constant 16 : i32
          %add3A_894 = arith.addi %mul3A_316, %add3A_893 : i32
          %get3A_895 = arith.constant 17 : i32
          %get3A_896 = arith.index_cast %get3A_895 : i32 to index
          %get3A_897 = arith.index_cast %add3A_894 : i32 to index
          %get3A_898 = tpu.vector_load %arg7[%get3A_896, %get3A_897] {strides = array<i32>} : memref<32x1024xf32, #tpu.memory_space<vmem>>, vector<1x16xf32>,
          %get3A_899 = vector.shape_cast %get3A_898 : vector<1x16xf32> to vector<16xf32>
          %add3A_900 = arith.addf %add3A_868, %get3A_899 : vector<16xf32>
          %add3A_901 = arith.constant 32 : i32
          %add3A_902 = arith.addi %mul3A_316, %add3A_901 : i32
          %get3A_903 = arith.constant 17 : i32
          %get3A_904 = arith.index_cast %get3A_903 : i32 to index
          %get3A_905 = arith.index_cast %add3A_902 : i32 to index
          %get3A_906 = tpu.vector_load %arg7[%get3A_904, %get3A_905] {strides = array<i32>} : memref<32x1024xf32, #tpu.memory_space<vmem>>, vector<1x16xf32>,
          %get3A_907 = vector.shape_cast %get3A_906 : vector<1x16xf32> to vector<16xf32>
          %add3A_908 = arith.addf %add3A_876, %get3A_907 : vector<16xf32>
          %add3A_909 = arith.constant 48 : i32
          %add3A_910 = arith.addi %mul3A_316, %add3A_909 : i32
          %get3A_911 = arith.constant 17 : i32
          %get3A_912 = arith.index_cast %get3A_911 : i32 to index
          %get3A_913 = arith.index_cast %add3A_910 : i32 to index
          %get3A_914 = tpu.vector_load %arg7[%get3A_912, %get3A_913] {strides = array<i32>} : memref<32x1024xf32, #tpu.memory_space<vmem>>, vector<1x16xf32>,
          %get3A_915 = vector.shape_cast %get3A_914 : vector<1x16xf32> to vector<16xf32>
          %add3A_916 = arith.addf %add3A_884, %get3A_915 : vector<16xf32>
          %add3A_917 = arith.constant 0 : i32
          %add3A_918 = arith.addi %mul3A_316, %add3A_917 : i32
          %get3A_919 = arith.constant 18 : i32
          %get3A_920 = arith.index_cast %get3A_919 : i32 to index
          %get3A_921 = arith.index_cast %add3A_918 : i32 to index
          %get3A_922 = tpu.vector_load %arg7[%get3A_920, %get3A_921] {strides = array<i32>} : memref<32x1024xf32, #tpu.memory_space<vmem>>, vector<1x16xf32>,
          %get3A_923 = vector.shape_cast %get3A_922 : vector<1x16xf32> to vector<16xf32>
          %add3A_924 = arith.addf %add3A_892, %get3A_923 : vector<16xf32>
          %add3A_925 = arith.constant 16 : i32
          %add3A_926 = arith.addi %mul3A_316, %add3A_925 : i32
          %get3A_927 = arith.constant 18 : i32
          %get3A_928 = arith.index_cast %get3A_927 : i32 to index
          %get3A_929 = arith.index_cast %add3A_926 : i32 to index
          %get3A_930 = tpu.vector_load %arg7[%get3A_928, %get3A_929] {strides = array<i32>} : memref<32x1024xf32, #tpu.memory_space<vmem>>, vector<1x16xf32>,
          %get3A_931 = vector.shape_cast %get3A_930 : vector<1x16xf32> to vector<16xf32>
          %add3A_932 = arith.addf %add3A_900, %get3A_931 : vector<16xf32>
          %add3A_933 = arith.constant 32 : i32
          %add3A_934 = arith.addi %mul3A_316, %add3A_933 : i32
          %get3A_935 = arith.constant 18 : i32
          %get3A_936 = arith.index_cast %get3A_935 : i32 to index
          %get3A_937 = arith.index_cast %add3A_934 : i32 to index
          %get3A_938 = tpu.vector_load %arg7[%get3A_936, %get3A_937] {strides = array<i32>} : memref<32x1024xf32, #tpu.memory_space<vmem>>, vector<1x16xf32>,
          %get3A_939 = vector.shape_cast %get3A_938 : vector<1x16xf32> to vector<16xf32>
          %add3A_940 = arith.addf %add3A_908, %get3A_939 : vector<16xf32>
          %add3A_941 = arith.constant 48 : i32
          %add3A_942 = arith.addi %mul3A_316, %add3A_941 : i32
          %get3A_943 = arith.constant 18 : i32
          %get3A_944 = arith.index_cast %get3A_943 : i32 to index
          %get3A_945 = arith.index_cast %add3A_942 : i32 to index
          %get3A_946 = tpu.vector_load %arg7[%get3A_944, %get3A_945] {strides = array<i32>} : memref<32x1024xf32, #tpu.memory_space<vmem>>, vector<1x16xf32>,
          %get3A_947 = vector.shape_cast %get3A_946 : vector<1x16xf32> to vector<16xf32>
          %add3A_948 = arith.addf %add3A_916, %get3A_947 : vector<16xf32>
          %add3A_949 = arith.constant 0 : i32
          %add3A_950 = arith.addi %mul3A_316, %add3A_949 : i32
          %get3A_951 = arith.constant 19 : i32
          %get3A_952 = arith.index_cast %get3A_951 : i32 to index
          %get3A_953 = arith.index_cast %add3A_950 : i32 to index
          %get3A_954 = tpu.vector_load %arg7[%get3A_952, %get3A_953] {strides = array<i32>} : memref<32x1024xf32, #tpu.memory_space<vmem>>, vector<1x16xf32>,
          %get3A_955 = vector.shape_cast %get3A_954 : vector<1x16xf32> to vector<16xf32>
          %add3A_956 = arith.addf %add3A_924, %get3A_955 : vector<16xf32>
          %add3A_957 = arith.constant 16 : i32
          %add3A_958 = arith.addi %mul3A_316, %add3A_957 : i32
          %get3A_959 = arith.constant 19 : i32
          %get3A_960 = arith.index_cast %get3A_959 : i32 to index
          %get3A_961 = arith.index_cast %add3A_958 : i32 to index
          %get3A_962 = tpu.vector_load %arg7[%get3A_960, %get3A_961] {strides = array<i32>} : memref<32x1024xf32, #tpu.memory_space<vmem>>, vector<1x16xf32>,
          %get3A_963 = vector.shape_cast %get3A_962 : vector<1x16xf32> to vector<16xf32>
          %add3A_964 = arith.addf %add3A_932, %get3A_963 : vector<16xf32>
          %add3A_965 = arith.constant 32 : i32
          %add3A_966 = arith.addi %mul3A_316, %add3A_965 : i32
          %get3A_967 = arith.constant 19 : i32
          %get3A_968 = arith.index_cast %get3A_967 : i32 to index
          %get3A_969 = arith.index_cast %add3A_966 : i32 to index
          %get3A_970 = tpu.vector_load %arg7[%get3A_968, %get3A_969] {strides = array<i32>} : memref<32x1024xf32, #tpu.memory_space<vmem>>, vector<1x16xf32>,
          %get3A_971 = vector.shape_cast %get3A_970 : vector<1x16xf32> to vector<16xf32>
          %add3A_972 = arith.addf %add3A_940, %get3A_971 : vector<16xf32>
          %add3A_973 = arith.constant 48 : i32
          %add3A_974 = arith.addi %mul3A_316, %add3A_973 : i32
          %get3A_975 = arith.constant 19 : i32
          %get3A_976 = arith.index_cast %get3A_975 : i32 to index
          %get3A_977 = arith.index_cast %add3A_974 : i32 to index
          %get3A_978 = tpu.vector_load %arg7[%get3A_976, %get3A_977] {strides = array<i32>} : memref<32x1024xf32, #tpu.memory_space<vmem>>, vector<1x16xf32>,
          %get3A_979 = vector.shape_cast %get3A_978 : vector<1x16xf32> to vector<16xf32>
          %add3A_980 = arith.addf %add3A_948, %get3A_979 : vector<16xf32>
          %add3A_981 = arith.constant 0 : i32
          %add3A_982 = arith.addi %mul3A_316, %add3A_981 : i32
          %get3A_983 = arith.constant 20 : i32
          %get3A_984 = arith.index_cast %get3A_983 : i32 to index
          %get3A_985 = arith.index_cast %add3A_982 : i32 to index
          %get3A_986 = tpu.vector_load %arg7[%get3A_984, %get3A_985] {strides = array<i32>} : memref<32x1024xf32, #tpu.memory_space<vmem>>, vector<1x16xf32>,
          %get3A_987 = vector.shape_cast %get3A_986 : vector<1x16xf32> to vector<16xf32>
          %add3A_988 = arith.addf %add3A_956, %get3A_987 : vector<16xf32>
          %add3A_989 = arith.constant 16 : i32
          %add3A_990 = arith.addi %mul3A_316, %add3A_989 : i32
          %get3A_991 = arith.constant 20 : i32
          %get3A_992 = arith.index_cast %get3A_991 : i32 to index
          %get3A_993 = arith.index_cast %add3A_990 : i32 to index
          %get3A_994 = tpu.vector_load %arg7[%get3A_992, %get3A_993] {strides = array<i32>} : memref<32x1024xf32, #tpu.memory_space<vmem>>, vector<1x16xf32>,
          %get3A_995 = vector.shape_cast %get3A_994 : vector<1x16xf32> to vector<16xf32>
          %add3A_996 = arith.addf %add3A_964, %get3A_995 : vector<16xf32>
          %add3A_997 = arith.constant 32 : i32
          %add3A_998 = arith.addi %mul3A_316, %add3A_997 : i32
          %get3A_999 = arith.constant 20 : i32
          %get3A_1000 = arith.index_cast %get3A_999 : i32 to index
          %get3A_1001 = arith.index_cast %add3A_998 : i32 to index
          %get3A_1002 = tpu.vector_load %arg7[%get3A_1000, %get3A_1001] {strides = array<i32>} : memref<32x1024xf32, #tpu.memory_space<vmem>>, vector<1x16xf32>,
          %get3A_1003 = vector.shape_cast %get3A_1002 : vector<1x16xf32> to vector<16xf32>
          %add3A_1004 = arith.addf %add3A_972, %get3A_1003 : vector<16xf32>
          %add3A_1005 = arith.constant 48 : i32
          %add3A_1006 = arith.addi %mul3A_316, %add3A_1005 : i32
          %get3A_1007 = arith.constant 20 : i32
          %get3A_1008 = arith.index_cast %get3A_1007 : i32 to index
          %get3A_1009 = arith.index_cast %add3A_1006 : i32 to index
          %get3A_1010 = tpu.vector_load %arg7[%get3A_1008, %get3A_1009] {strides = array<i32>} : memref<32x1024xf32, #tpu.memory_space<vmem>>, vector<1x16xf32>,
          %get3A_1011 = vector.shape_cast %get3A_1010 : vector<1x16xf32> to vector<16xf32>
          %add3A_1012 = arith.addf %add3A_980, %get3A_1011 : vector<16xf32>
          %add3A_1013 = arith.constant 0 : i32
          %add3A_1014 = arith.addi %mul3A_316, %add3A_1013 : i32
          %get3A_1015 = arith.constant 21 : i32
          %get3A_1016 = arith.index_cast %get3A_1015 : i32 to index
          %get3A_1017 = arith.index_cast %add3A_1014 : i32 to index
          %get3A_1018 = tpu.vector_load %arg7[%get3A_1016, %get3A_1017] {strides = array<i32>} : memref<32x1024xf32, #tpu.memory_space<vmem>>, vector<1x16xf32>,
          %get3A_1019 = vector.shape_cast %get3A_1018 : vector<1x16xf32> to vector<16xf32>
          %add3A_1020 = arith.addf %add3A_988, %get3A_1019 : vector<16xf32>
          %add3A_1021 = arith.constant 16 : i32
          %add3A_1022 = arith.addi %mul3A_316, %add3A_1021 : i32
          %get3A_1023 = arith.constant 21 : i32
          %get3A_1024 = arith.index_cast %get3A_1023 : i32 to index
          %get3A_1025 = arith.index_cast %add3A_1022 : i32 to index
          %get3A_1026 = tpu.vector_load %arg7[%get3A_1024, %get3A_1025] {strides = array<i32>} : memref<32x1024xf32, #tpu.memory_space<vmem>>, vector<1x16xf32>,
          %get3A_1027 = vector.shape_cast %get3A_1026 : vector<1x16xf32> to vector<16xf32>
          %add3A_1028 = arith.addf %add3A_996, %get3A_1027 : vector<16xf32>
          %add3A_1029 = arith.constant 32 : i32
          %add3A_1030 = arith.addi %mul3A_316, %add3A_1029 : i32
          %get3A_1031 = arith.constant 21 : i32
          %get3A_1032 = arith.index_cast %get3A_1031 : i32 to index
          %get3A_1033 = arith.index_cast %add3A_1030 : i32 to index
          %get3A_1034 = tpu.vector_load %arg7[%get3A_1032, %get3A_1033] {strides = array<i32>} : memref<32x1024xf32, #tpu.memory_space<vmem>>, vector<1x16xf32>,
          %get3A_1035 = vector.shape_cast %get3A_1034 : vector<1x16xf32> to vector<16xf32>
          %add3A_1036 = arith.addf %add3A_1004, %get3A_1035 : vector<16xf32>
          %add3A_1037 = arith.constant 48 : i32
          %add3A_1038 = arith.addi %mul3A_316, %add3A_1037 : i32
          %get3A_1039 = arith.constant 21 : i32
          %get3A_1040 = arith.index_cast %get3A_1039 : i32 to index
          %get3A_1041 = arith.index_cast %add3A_1038 : i32 to index
          %get3A_1042 = tpu.vector_load %arg7[%get3A_1040, %get3A_1041] {strides = array<i32>} : memref<32x1024xf32, #tpu.memory_space<vmem>>, vector<1x16xf32>,
          %get3A_1043 = vector.shape_cast %get3A_1042 : vector<1x16xf32> to vector<16xf32>
          %add3A_1044 = arith.addf %add3A_1012, %get3A_1043 : vector<16xf32>
          %add3A_1045 = arith.constant 0 : i32
          %add3A_1046 = arith.addi %mul3A_316, %add3A_1045 : i32
          %get3A_1047 = arith.constant 22 : i32
          %get3A_1048 = arith.index_cast %get3A_1047 : i32 to index
          %get3A_1049 = arith.index_cast %add3A_1046 : i32 to index
          %get3A_1050 = tpu.vector_load %arg7[%get3A_1048, %get3A_1049] {strides = array<i32>} : memref<32x1024xf32, #tpu.memory_space<vmem>>, vector<1x16xf32>,
          %get3A_1051 = vector.shape_cast %get3A_1050 : vector<1x16xf32> to vector<16xf32>
          %add3A_1052 = arith.addf %add3A_1020, %get3A_1051 : vector<16xf32>
          %add3A_1053 = arith.constant 16 : i32
          %add3A_1054 = arith.addi %mul3A_316, %add3A_1053 : i32
          %get3A_1055 = arith.constant 22 : i32
          %get3A_1056 = arith.index_cast %get3A_1055 : i32 to index
          %get3A_1057 = arith.index_cast %add3A_1054 : i32 to index
          %get3A_1058 = tpu.vector_load %arg7[%get3A_1056, %get3A_1057] {strides = array<i32>} : memref<32x1024xf32, #tpu.memory_space<vmem>>, vector<1x16xf32>,
          %get3A_1059 = vector.shape_cast %get3A_1058 : vector<1x16xf32> to vector<16xf32>
          %add3A_1060 = arith.addf %add3A_1028, %get3A_1059 : vector<16xf32>
          %add3A_1061 = arith.constant 32 : i32
          %add3A_1062 = arith.addi %mul3A_316, %add3A_1061 : i32
          %get3A_1063 = arith.constant 22 : i32
          %get3A_1064 = arith.index_cast %get3A_1063 : i32 to index
          %get3A_1065 = arith.index_cast %add3A_1062 : i32 to index
          %get3A_1066 = tpu.vector_load %arg7[%get3A_1064, %get3A_1065] {strides = array<i32>} : memref<32x1024xf32, #tpu.memory_space<vmem>>, vector<1x16xf32>,
          %get3A_1067 = vector.shape_cast %get3A_1066 : vector<1x16xf32> to vector<16xf32>
          %add3A_1068 = arith.addf %add3A_1036, %get3A_1067 : vector<16xf32>
          %add3A_1069 = arith.constant 48 : i32
          %add3A_1070 = arith.addi %mul3A_316, %add3A_1069 : i32
          %get3A_1071 = arith.constant 22 : i32
          %get3A_1072 = arith.index_cast %get3A_1071 : i32 to index
          %get3A_1073 = arith.index_cast %add3A_1070 : i32 to index
          %get3A_1074 = tpu.vector_load %arg7[%get3A_1072, %get3A_1073] {strides = array<i32>} : memref<32x1024xf32, #tpu.memory_space<vmem>>, vector<1x16xf32>,
          %get3A_1075 = vector.shape_cast %get3A_1074 : vector<1x16xf32> to vector<16xf32>
          %add3A_1076 = arith.addf %add3A_1044, %get3A_1075 : vector<16xf32>
          %add3A_1077 = arith.constant 0 : i32
          %add3A_1078 = arith.addi %mul3A_316, %add3A_1077 : i32
          %get3A_1079 = arith.constant 23 : i32
          %get3A_1080 = arith.index_cast %get3A_1079 : i32 to index
          %get3A_1081 = arith.index_cast %add3A_1078 : i32 to index
          %get3A_1082 = tpu.vector_load %arg7[%get3A_1080, %get3A_1081] {strides = array<i32>} : memref<32x1024xf32, #tpu.memory_space<vmem>>, vector<1x16xf32>,
          %get3A_1083 = vector.shape_cast %get3A_1082 : vector<1x16xf32> to vector<16xf32>
          %add3A_1084 = arith.addf %add3A_1052, %get3A_1083 : vector<16xf32>
          %add3A_1085 = arith.constant 16 : i32
          %add3A_1086 = arith.addi %mul3A_316, %add3A_1085 : i32
          %get3A_1087 = arith.constant 23 : i32
          %get3A_1088 = arith.index_cast %get3A_1087 : i32 to index
          %get3A_1089 = arith.index_cast %add3A_1086 : i32 to index
          %get3A_1090 = tpu.vector_load %arg7[%get3A_1088, %get3A_1089] {strides = array<i32>} : memref<32x1024xf32, #tpu.memory_space<vmem>>, vector<1x16xf32>,
          %get3A_1091 = vector.shape_cast %get3A_1090 : vector<1x16xf32> to vector<16xf32>
          %add3A_1092 = arith.addf %add3A_1060, %get3A_1091 : vector<16xf32>
          %add3A_1093 = arith.constant 32 : i32
          %add3A_1094 = arith.addi %mul3A_316, %add3A_1093 : i32
          %get3A_1095 = arith.constant 23 : i32
          %get3A_1096 = arith.index_cast %get3A_1095 : i32 to index
          %get3A_1097 = arith.index_cast %add3A_1094 : i32 to index
          %get3A_1098 = tpu.vector_load %arg7[%get3A_1096, %get3A_1097] {strides = array<i32>} : memref<32x1024xf32, #tpu.memory_space<vmem>>, vector<1x16xf32>,
          %get3A_1099 = vector.shape_cast %get3A_1098 : vector<1x16xf32> to vector<16xf32>
          %add3A_1100 = arith.addf %add3A_1068, %get3A_1099 : vector<16xf32>
          %add3A_1101 = arith.constant 48 : i32
          %add3A_1102 = arith.addi %mul3A_316, %add3A_1101 : i32
          %get3A_1103 = arith.constant 23 : i32
          %get3A_1104 = arith.index_cast %get3A_1103 : i32 to index
          %get3A_1105 = arith.index_cast %add3A_1102 : i32 to index
          %get3A_1106 = tpu.vector_load %arg7[%get3A_1104, %get3A_1105] {strides = array<i32>} : memref<32x1024xf32, #tpu.memory_space<vmem>>, vector<1x16xf32>,
          %get3A_1107 = vector.shape_cast %get3A_1106 : vector<1x16xf32> to vector<16xf32>
          %add3A_1108 = arith.addf %add3A_1076, %get3A_1107 : vector<16xf32>
          %add3A_1109 = arith.constant 0 : i32
          %add3A_1110 = arith.addi %mul3A_316, %add3A_1109 : i32
          %get3A_1111 = arith.constant 24 : i32
          %get3A_1112 = arith.index_cast %get3A_1111 : i32 to index
          %get3A_1113 = arith.index_cast %add3A_1110 : i32 to index
          %get3A_1114 = tpu.vector_load %arg7[%get3A_1112, %get3A_1113] {strides = array<i32>} : memref<32x1024xf32, #tpu.memory_space<vmem>>, vector<1x16xf32>,
          %get3A_1115 = vector.shape_cast %get3A_1114 : vector<1x16xf32> to vector<16xf32>
          %add3A_1116 = arith.addf %add3A_1084, %get3A_1115 : vector<16xf32>
          %add3A_1117 = arith.constant 16 : i32
          %add3A_1118 = arith.addi %mul3A_316, %add3A_1117 : i32
          %get3A_1119 = arith.constant 24 : i32
          %get3A_1120 = arith.index_cast %get3A_1119 : i32 to index
          %get3A_1121 = arith.index_cast %add3A_1118 : i32 to index
          %get3A_1122 = tpu.vector_load %arg7[%get3A_1120, %get3A_1121] {strides = array<i32>} : memref<32x1024xf32, #tpu.memory_space<vmem>>, vector<1x16xf32>,
          %get3A_1123 = vector.shape_cast %get3A_1122 : vector<1x16xf32> to vector<16xf32>
          %add3A_1124 = arith.addf %add3A_1092, %get3A_1123 : vector<16xf32>
          %add3A_1125 = arith.constant 32 : i32
          %add3A_1126 = arith.addi %mul3A_316, %add3A_1125 : i32
          %get3A_1127 = arith.constant 24 : i32
          %get3A_1128 = arith.index_cast %get3A_1127 : i32 to index
          %get3A_1129 = arith.index_cast %add3A_1126 : i32 to index
          %get3A_1130 = tpu.vector_load %arg7[%get3A_1128, %get3A_1129] {strides = array<i32>} : memref<32x1024xf32, #tpu.memory_space<vmem>>, vector<1x16xf32>,
          %get3A_1131 = vector.shape_cast %get3A_1130 : vector<1x16xf32> to vector<16xf32>
          %add3A_1132 = arith.addf %add3A_1100, %get3A_1131 : vector<16xf32>
          %add3A_1133 = arith.constant 48 : i32
          %add3A_1134 = arith.addi %mul3A_316, %add3A_1133 : i32
          %get3A_1135 = arith.constant 24 : i32
          %get3A_1136 = arith.index_cast %get3A_1135 : i32 to index
          %get3A_1137 = arith.index_cast %add3A_1134 : i32 to index
          %get3A_1138 = tpu.vector_load %arg7[%get3A_1136, %get3A_1137] {strides = array<i32>} : memref<32x1024xf32, #tpu.memory_space<vmem>>, vector<1x16xf32>,
          %get3A_1139 = vector.shape_cast %get3A_1138 : vector<1x16xf32> to vector<16xf32>
          %add3A_1140 = arith.addf %add3A_1108, %get3A_1139 : vector<16xf32>
          %add3A_1141 = arith.constant 0 : i32
          %add3A_1142 = arith.addi %mul3A_316, %add3A_1141 : i32
          %get3A_1143 = arith.constant 25 : i32
          %get3A_1144 = arith.index_cast %get3A_1143 : i32 to index
          %get3A_1145 = arith.index_cast %add3A_1142 : i32 to index
          %get3A_1146 = tpu.vector_load %arg7[%get3A_1144, %get3A_1145] {strides = array<i32>} : memref<32x1024xf32, #tpu.memory_space<vmem>>, vector<1x16xf32>,
          %get3A_1147 = vector.shape_cast %get3A_1146 : vector<1x16xf32> to vector<16xf32>
          %add3A_1148 = arith.addf %add3A_1116, %get3A_1147 : vector<16xf32>
          %add3A_1149 = arith.constant 16 : i32
          %add3A_1150 = arith.addi %mul3A_316, %add3A_1149 : i32
          %get3A_1151 = arith.constant 25 : i32
          %get3A_1152 = arith.index_cast %get3A_1151 : i32 to index
          %get3A_1153 = arith.index_cast %add3A_1150 : i32 to index
          %get3A_1154 = tpu.vector_load %arg7[%get3A_1152, %get3A_1153] {strides = array<i32>} : memref<32x1024xf32, #tpu.memory_space<vmem>>, vector<1x16xf32>,
          %get3A_1155 = vector.shape_cast %get3A_1154 : vector<1x16xf32> to vector<16xf32>
          %add3A_1156 = arith.addf %add3A_1124, %get3A_1155 : vector<16xf32>
          %add3A_1157 = arith.constant 32 : i32
          %add3A_1158 = arith.addi %mul3A_316, %add3A_1157 : i32
          %get3A_1159 = arith.constant 25 : i32
          %get3A_1160 = arith.index_cast %get3A_1159 : i32 to index
          %get3A_1161 = arith.index_cast %add3A_1158 : i32 to index
          %get3A_1162 = tpu.vector_load %arg7[%get3A_1160, %get3A_1161] {strides = array<i32>} : memref<32x1024xf32, #tpu.memory_space<vmem>>, vector<1x16xf32>,
          %get3A_1163 = vector.shape_cast %get3A_1162 : vector<1x16xf32> to vector<16xf32>
          %add3A_1164 = arith.addf %add3A_1132, %get3A_1163 : vector<16xf32>
          %add3A_1165 = arith.constant 48 : i32
          %add3A_1166 = arith.addi %mul3A_316, %add3A_1165 : i32
          %get3A_1167 = arith.constant 25 : i32
          %get3A_1168 = arith.index_cast %get3A_1167 : i32 to index
          %get3A_1169 = arith.index_cast %add3A_1166 : i32 to index
          %get3A_1170 = tpu.vector_load %arg7[%get3A_1168, %get3A_1169] {strides = array<i32>} : memref<32x1024xf32, #tpu.memory_space<vmem>>, vector<1x16xf32>,
          %get3A_1171 = vector.shape_cast %get3A_1170 : vector<1x16xf32> to vector<16xf32>
          %add3A_1172 = arith.addf %add3A_1140, %get3A_1171 : vector<16xf32>
          %add3A_1173 = arith.constant 0 : i32
          %add3A_1174 = arith.addi %mul3A_316, %add3A_1173 : i32
          %get3A_1175 = arith.constant 26 : i32
          %get3A_1176 = arith.index_cast %get3A_1175 : i32 to index
          %get3A_1177 = arith.index_cast %add3A_1174 : i32 to index
          %get3A_1178 = tpu.vector_load %arg7[%get3A_1176, %get3A_1177] {strides = array<i32>} : memref<32x1024xf32, #tpu.memory_space<vmem>>, vector<1x16xf32>,
          %get3A_1179 = vector.shape_cast %get3A_1178 : vector<1x16xf32> to vector<16xf32>
          %add3A_1180 = arith.addf %add3A_1148, %get3A_1179 : vector<16xf32>
          %add3A_1181 = arith.constant 16 : i32
          %add3A_1182 = arith.addi %mul3A_316, %add3A_1181 : i32
          %get3A_1183 = arith.constant 26 : i32
          %get3A_1184 = arith.index_cast %get3A_1183 : i32 to index
          %get3A_1185 = arith.index_cast %add3A_1182 : i32 to index
          %get3A_1186 = tpu.vector_load %arg7[%get3A_1184, %get3A_1185] {strides = array<i32>} : memref<32x1024xf32, #tpu.memory_space<vmem>>, vector<1x16xf32>,
          %get3A_1187 = vector.shape_cast %get3A_1186 : vector<1x16xf32> to vector<16xf32>
          %add3A_1188 = arith.addf %add3A_1156, %get3A_1187 : vector<16xf32>
          %add3A_1189 = arith.constant 32 : i32
          %add3A_1190 = arith.addi %mul3A_316, %add3A_1189 : i32
          %get3A_1191 = arith.constant 26 : i32
          %get3A_1192 = arith.index_cast %get3A_1191 : i32 to index
          %get3A_1193 = arith.index_cast %add3A_1190 : i32 to index
          %get3A_1194 = tpu.vector_load %arg7[%get3A_1192, %get3A_1193] {strides = array<i32>} : memref<32x1024xf32, #tpu.memory_space<vmem>>, vector<1x16xf32>,
          %get3A_1195 = vector.shape_cast %get3A_1194 : vector<1x16xf32> to vector<16xf32>
          %add3A_1196 = arith.addf %add3A_1164, %get3A_1195 : vector<16xf32>
          %add3A_1197 = arith.constant 48 : i32
          %add3A_1198 = arith.addi %mul3A_316, %add3A_1197 : i32
          %get3A_1199 = arith.constant 26 : i32
          %get3A_1200 = arith.index_cast %get3A_1199 : i32 to index
          %get3A_1201 = arith.index_cast %add3A_1198 : i32 to index
          %get3A_1202 = tpu.vector_load %arg7[%get3A_1200, %get3A_1201] {strides = array<i32>} : memref<32x1024xf32, #tpu.memory_space<vmem>>, vector<1x16xf32>,
          %get3A_1203 = vector.shape_cast %get3A_1202 : vector<1x16xf32> to vector<16xf32>
          %add3A_1204 = arith.addf %add3A_1172, %get3A_1203 : vector<16xf32>
          %add3A_1205 = arith.constant 0 : i32
          %add3A_1206 = arith.addi %mul3A_316, %add3A_1205 : i32
          %get3A_1207 = arith.constant 27 : i32
          %get3A_1208 = arith.index_cast %get3A_1207 : i32 to index
          %get3A_1209 = arith.index_cast %add3A_1206 : i32 to index
          %get3A_1210 = tpu.vector_load %arg7[%get3A_1208, %get3A_1209] {strides = array<i32>} : memref<32x1024xf32, #tpu.memory_space<vmem>>, vector<1x16xf32>,
          %get3A_1211 = vector.shape_cast %get3A_1210 : vector<1x16xf32> to vector<16xf32>
          %add3A_1212 = arith.addf %add3A_1180, %get3A_1211 : vector<16xf32>
          %add3A_1213 = arith.constant 16 : i32
          %add3A_1214 = arith.addi %mul3A_316, %add3A_1213 : i32
          %get3A_1215 = arith.constant 27 : i32
          %get3A_1216 = arith.index_cast %get3A_1215 : i32 to index
          %get3A_1217 = arith.index_cast %add3A_1214 : i32 to index
          %get3A_1218 = tpu.vector_load %arg7[%get3A_1216, %get3A_1217] {strides = array<i32>} : memref<32x1024xf32, #tpu.memory_space<vmem>>, vector<1x16xf32>,
          %get3A_1219 = vector.shape_cast %get3A_1218 : vector<1x16xf32> to vector<16xf32>
          %add3A_1220 = arith.addf %add3A_1188, %get3A_1219 : vector<16xf32>
          %add3A_1221 = arith.constant 32 : i32
          %add3A_1222 = arith.addi %mul3A_316, %add3A_1221 : i32
          %get3A_1223 = arith.constant 27 : i32
          %get3A_1224 = arith.index_cast %get3A_1223 : i32 to index
          %get3A_1225 = arith.index_cast %add3A_1222 : i32 to index
          %get3A_1226 = tpu.vector_load %arg7[%get3A_1224, %get3A_1225] {strides = array<i32>} : memref<32x1024xf32, #tpu.memory_space<vmem>>, vector<1x16xf32>,
          %get3A_1227 = vector.shape_cast %get3A_1226 : vector<1x16xf32> to vector<16xf32>
          %add3A_1228 = arith.addf %add3A_1196, %get3A_1227 : vector<16xf32>
          %add3A_1229 = arith.constant 48 : i32
          %add3A_1230 = arith.addi %mul3A_316, %add3A_1229 : i32
          %get3A_1231 = arith.constant 27 : i32
          %get3A_1232 = arith.index_cast %get3A_1231 : i32 to index
          %get3A_1233 = arith.index_cast %add3A_1230 : i32 to index
          %get3A_1234 = tpu.vector_load %arg7[%get3A_1232, %get3A_1233] {strides = array<i32>} : memref<32x1024xf32, #tpu.memory_space<vmem>>, vector<1x16xf32>,
          %get3A_1235 = vector.shape_cast %get3A_1234 : vector<1x16xf32> to vector<16xf32>
          %add3A_1236 = arith.addf %add3A_1204, %get3A_1235 : vector<16xf32>
          %add3A_1237 = arith.constant 0 : i32
          %add3A_1238 = arith.addi %mul3A_316, %add3A_1237 : i32
          %get3A_1239 = arith.constant 28 : i32
          %get3A_1240 = arith.index_cast %get3A_1239 : i32 to index
          %get3A_1241 = arith.index_cast %add3A_1238 : i32 to index
          %get3A_1242 = tpu.vector_load %arg7[%get3A_1240, %get3A_1241] {strides = array<i32>} : memref<32x1024xf32, #tpu.memory_space<vmem>>, vector<1x16xf32>,
          %get3A_1243 = vector.shape_cast %get3A_1242 : vector<1x16xf32> to vector<16xf32>
          %add3A_1244 = arith.addf %add3A_1212, %get3A_1243 : vector<16xf32>
          %add3A_1245 = arith.constant 16 : i32
          %add3A_1246 = arith.addi %mul3A_316, %add3A_1245 : i32
          %get3A_1247 = arith.constant 28 : i32
          %get3A_1248 = arith.index_cast %get3A_1247 : i32 to index
          %get3A_1249 = arith.index_cast %add3A_1246 : i32 to index
          %get3A_1250 = tpu.vector_load %arg7[%get3A_1248, %get3A_1249] {strides = array<i32>} : memref<32x1024xf32, #tpu.memory_space<vmem>>, vector<1x16xf32>,
          %get3A_1251 = vector.shape_cast %get3A_1250 : vector<1x16xf32> to vector<16xf32>
          %add3A_1252 = arith.addf %add3A_1220, %get3A_1251 : vector<16xf32>
          %add3A_1253 = arith.constant 32 : i32
          %add3A_1254 = arith.addi %mul3A_316, %add3A_1253 : i32
          %get3A_1255 = arith.constant 28 : i32
          %get3A_1256 = arith.index_cast %get3A_1255 : i32 to index
          %get3A_1257 = arith.index_cast %add3A_1254 : i32 to index
          %get3A_1258 = tpu.vector_load %arg7[%get3A_1256, %get3A_1257] {strides = array<i32>} : memref<32x1024xf32, #tpu.memory_space<vmem>>, vector<1x16xf32>,
          %get3A_1259 = vector.shape_cast %get3A_1258 : vector<1x16xf32> to vector<16xf32>
          %add3A_1260 = arith.addf %add3A_1228, %get3A_1259 : vector<16xf32>
          %add3A_1261 = arith.constant 48 : i32
          %add3A_1262 = arith.addi %mul3A_316, %add3A_1261 : i32
          %get3A_1263 = arith.constant 28 : i32
          %get3A_1264 = arith.index_cast %get3A_1263 : i32 to index
          %get3A_1265 = arith.index_cast %add3A_1262 : i32 to index
          %get3A_1266 = tpu.vector_load %arg7[%get3A_1264, %get3A_1265] {strides = array<i32>} : memref<32x1024xf32, #tpu.memory_space<vmem>>, vector<1x16xf32>,
          %get3A_1267 = vector.shape_cast %get3A_1266 : vector<1x16xf32> to vector<16xf32>
          %add3A_1268 = arith.addf %add3A_1236, %get3A_1267 : vector<16xf32>
          %add3A_1269 = arith.constant 0 : i32
          %add3A_1270 = arith.addi %mul3A_316, %add3A_1269 : i32
          %get3A_1271 = arith.constant 29 : i32
          %get3A_1272 = arith.index_cast %get3A_1271 : i32 to index
          %get3A_1273 = arith.index_cast %add3A_1270 : i32 to index
          %get3A_1274 = tpu.vector_load %arg7[%get3A_1272, %get3A_1273] {strides = array<i32>} : memref<32x1024xf32, #tpu.memory_space<vmem>>, vector<1x16xf32>,
          %get3A_1275 = vector.shape_cast %get3A_1274 : vector<1x16xf32> to vector<16xf32>
          %add3A_1276 = arith.addf %add3A_1244, %get3A_1275 : vector<16xf32>
          %add3A_1277 = arith.constant 16 : i32
          %add3A_1278 = arith.addi %mul3A_316, %add3A_1277 : i32
          %get3A_1279 = arith.constant 29 : i32
          %get3A_1280 = arith.index_cast %get3A_1279 : i32 to index
          %get3A_1281 = arith.index_cast %add3A_1278 : i32 to index
          %get3A_1282 = tpu.vector_load %arg7[%get3A_1280, %get3A_1281] {strides = array<i32>} : memref<32x1024xf32, #tpu.memory_space<vmem>>, vector<1x16xf32>,
          %get3A_1283 = vector.shape_cast %get3A_1282 : vector<1x16xf32> to vector<16xf32>
          %add3A_1284 = arith.addf %add3A_1252, %get3A_1283 : vector<16xf32>
          %add3A_1285 = arith.constant 32 : i32
          %add3A_1286 = arith.addi %mul3A_316, %add3A_1285 : i32
          %get3A_1287 = arith.constant 29 : i32
          %get3A_1288 = arith.index_cast %get3A_1287 : i32 to index
          %get3A_1289 = arith.index_cast %add3A_1286 : i32 to index
          %get3A_1290 = tpu.vector_load %arg7[%get3A_1288, %get3A_1289] {strides = array<i32>} : memref<32x1024xf32, #tpu.memory_space<vmem>>, vector<1x16xf32>,
          %get3A_1291 = vector.shape_cast %get3A_1290 : vector<1x16xf32> to vector<16xf32>
          %add3A_1292 = arith.addf %add3A_1260, %get3A_1291 : vector<16xf32>
          %add3A_1293 = arith.constant 48 : i32
          %add3A_1294 = arith.addi %mul3A_316, %add3A_1293 : i32
          %get3A_1295 = arith.constant 29 : i32
          %get3A_1296 = arith.index_cast %get3A_1295 : i32 to index
          %get3A_1297 = arith.index_cast %add3A_1294 : i32 to index
          %get3A_1298 = tpu.vector_load %arg7[%get3A_1296, %get3A_1297] {strides = array<i32>} : memref<32x1024xf32, #tpu.memory_space<vmem>>, vector<1x16xf32>,
          %get3A_1299 = vector.shape_cast %get3A_1298 : vector<1x16xf32> to vector<16xf32>
          %add3A_1300 = arith.addf %add3A_1268, %get3A_1299 : vector<16xf32>
          %add3A_1301 = arith.constant 0 : i32
          %add3A_1302 = arith.addi %mul3A_316, %add3A_1301 : i32
          %get3A_1303 = arith.constant 30 : i32
          %get3A_1304 = arith.index_cast %get3A_1303 : i32 to index
          %get3A_1305 = arith.index_cast %add3A_1302 : i32 to index
          %get3A_1306 = tpu.vector_load %arg7[%get3A_1304, %get3A_1305] {strides = array<i32>} : memref<32x1024xf32, #tpu.memory_space<vmem>>, vector<1x16xf32>,
          %get3A_1307 = vector.shape_cast %get3A_1306 : vector<1x16xf32> to vector<16xf32>
          %add3A_1308 = arith.addf %add3A_1276, %get3A_1307 : vector<16xf32>
          %add3A_1309 = arith.constant 16 : i32
          %add3A_1310 = arith.addi %mul3A_316, %add3A_1309 : i32
          %get3A_1311 = arith.constant 30 : i32
          %get3A_1312 = arith.index_cast %get3A_1311 : i32 to index
          %get3A_1313 = arith.index_cast %add3A_1310 : i32 to index
          %get3A_1314 = tpu.vector_load %arg7[%get3A_1312, %get3A_1313] {strides = array<i32>} : memref<32x1024xf32, #tpu.memory_space<vmem>>, vector<1x16xf32>,
          %get3A_1315 = vector.shape_cast %get3A_1314 : vector<1x16xf32> to vector<16xf32>
          %add3A_1316 = arith.addf %add3A_1284, %get3A_1315 : vector<16xf32>
          %add3A_1317 = arith.constant 32 : i32
          %add3A_1318 = arith.addi %mul3A_316, %add3A_1317 : i32
          %get3A_1319 = arith.constant 30 : i32
          %get3A_1320 = arith.index_cast %get3A_1319 : i32 to index
          %get3A_1321 = arith.index_cast %add3A_1318 : i32 to index
          %get3A_1322 = tpu.vector_load %arg7[%get3A_1320, %get3A_1321] {strides = array<i32>} : memref<32x1024xf32, #tpu.memory_space<vmem>>, vector<1x16xf32>,
          %get3A_1323 = vector.shape_cast %get3A_1322 : vector<1x16xf32> to vector<16xf32>
          %add3A_1324 = arith.addf %add3A_1292, %get3A_1323 : vector<16xf32>
          %add3A_1325 = arith.constant 48 : i32
          %add3A_1326 = arith.addi %mul3A_316, %add3A_1325 : i32
          %get3A_1327 = arith.constant 30 : i32
          %get3A_1328 = arith.index_cast %get3A_1327 : i32 to index
          %get3A_1329 = arith.index_cast %add3A_1326 : i32 to index
          %get3A_1330 = tpu.vector_load %arg7[%get3A_1328, %get3A_1329] {strides = array<i32>} : memref<32x1024xf32, #tpu.memory_space<vmem>>, vector<1x16xf32>,
          %get3A_1331 = vector.shape_cast %get3A_1330 : vector<1x16xf32> to vector<16xf32>
          %add3A_1332 = arith.addf %add3A_1300, %get3A_1331 : vector<16xf32>
          %add3A_1333 = arith.constant 0 : i32
          %add3A_1334 = arith.addi %mul3A_316, %add3A_1333 : i32
          %get3A_1335 = arith.constant 31 : i32
          %get3A_1336 = arith.index_cast %get3A_1335 : i32 to index
          %get3A_1337 = arith.index_cast %add3A_1334 : i32 to index
          %get3A_1338 = tpu.vector_load %arg7[%get3A_1336, %get3A_1337] {strides = array<i32>} : memref<32x1024xf32, #tpu.memory_space<vmem>>, vector<1x16xf32>,
          %get3A_1339 = vector.shape_cast %get3A_1338 : vector<1x16xf32> to vector<16xf32>
          %add3A_1340 = arith.addf %add3A_1308, %get3A_1339 : vector<16xf32>
          %add3A_1341 = arith.constant 16 : i32
          %add3A_1342 = arith.addi %mul3A_316, %add3A_1341 : i32
          %get3A_1343 = arith.constant 31 : i32
          %get3A_1344 = arith.index_cast %get3A_1343 : i32 to index
          %get3A_1345 = arith.index_cast %add3A_1342 : i32 to index
          %get3A_1346 = tpu.vector_load %arg7[%get3A_1344, %get3A_1345] {strides = array<i32>} : memref<32x1024xf32, #tpu.memory_space<vmem>>, vector<1x16xf32>,
          %get3A_1347 = vector.shape_cast %get3A_1346 : vector<1x16xf32> to vector<16xf32>
          %add3A_1348 = arith.addf %add3A_1316, %get3A_1347 : vector<16xf32>
          %add3A_1349 = arith.constant 32 : i32
          %add3A_1350 = arith.addi %mul3A_316, %add3A_1349 : i32
          %get3A_1351 = arith.constant 31 : i32
          %get3A_1352 = arith.index_cast %get3A_1351 : i32 to index
          %get3A_1353 = arith.index_cast %add3A_1350 : i32 to index
          %get3A_1354 = tpu.vector_load %arg7[%get3A_1352, %get3A_1353] {strides = array<i32>} : memref<32x1024xf32, #tpu.memory_space<vmem>>, vector<1x16xf32>,
          %get3A_1355 = vector.shape_cast %get3A_1354 : vector<1x16xf32> to vector<16xf32>
          %add3A_1356 = arith.addf %add3A_1324, %get3A_1355 : vector<16xf32>
          %add3A_1357 = arith.constant 48 : i32
          %add3A_1358 = arith.addi %mul3A_316, %add3A_1357 : i32
          %get3A_1359 = arith.constant 31 : i32
          %get3A_1360 = arith.index_cast %get3A_1359 : i32 to index
          %get3A_1361 = arith.index_cast %add3A_1358 : i32 to index
          %get3A_1362 = tpu.vector_load %arg7[%get3A_1360, %get3A_1361] {strides = array<i32>} : memref<32x1024xf32, #tpu.memory_space<vmem>>, vector<1x16xf32>,
          %get3A_1363 = vector.shape_cast %get3A_1362 : vector<1x16xf32> to vector<16xf32>
          %add3A_1364 = arith.addf %add3A_1332, %get3A_1363 : vector<16xf32>
          %add3A_1365 = arith.constant 0 : i32
          %add3A_1366 = arith.addi %mul3A_316, %add3A_1365 : i32
          %swap3A_1367 = arith.index_cast %scan3A_224 : i32 to index
          %swap3A_1368 = arith.index_cast %add3A_1366 : i32 to index
          %swap3A_1369 = tpu.vector_load %arg9[%swap3A_1367, %swap3A_1368] {strides = array<i32>} : memref<16x1024xf32, #tpu.memory_space<vmem>>, vector<1x16xf32>,
          %swap3A_1370 = vector.shape_cast %swap3A_1369 : vector<1x16xf32> to vector<16xf32>
          %swap3A_1371 = vector.shape_cast %add3A_1340 : vector<16xf32> to vector<1x16xf32>
          tpu.vector_store %arg9[%swap3A_1367, %swap3A_1368], %swap3A_1371 {strides = array<i32>} : memref<16x1024xf32, #tpu.memory_space<vmem>>, vector<1x16xf32>,
          %add3A_1372 = arith.constant 16 : i32
          %add3A_1373 = arith.addi %mul3A_316, %add3A_1372 : i32
          %swap3A_1374 = arith.index_cast %scan3A_224 : i32 to index
          %swap3A_1375 = arith.index_cast %add3A_1373 : i32 to index
          %swap3A_1376 = tpu.vector_load %arg9[%swap3A_1374, %swap3A_1375] {strides = array<i32>} : memref<16x1024xf32, #tpu.memory_space<vmem>>, vector<1x16xf32>,
          %swap3A_1377 = vector.shape_cast %swap3A_1376 : vector<1x16xf32> to vector<16xf32>
          %swap3A_1378 = vector.shape_cast %add3A_1348 : vector<16xf32> to vector<1x16xf32>
          tpu.vector_store %arg9[%swap3A_1374, %swap3A_1375], %swap3A_1378 {strides = array<i32>} : memref<16x1024xf32, #tpu.memory_space<vmem>>, vector<1x16xf32>,
          %add3A_1379 = arith.constant 32 : i32
          %add3A_1380 = arith.addi %mul3A_316, %add3A_1379 : i32
          %swap3A_1381 = arith.index_cast %scan3A_224 : i32 to index
          %swap3A_1382 = arith.index_cast %add3A_1380 : i32 to index
          %swap3A_1383 = tpu.vector_load %arg9[%swap3A_1381, %swap3A_1382] {strides = array<i32>} : memref<16x1024xf32, #tpu.memory_space<vmem>>, vector<1x16xf32>,
          %swap3A_1384 = vector.shape_cast %swap3A_1383 : vector<1x16xf32> to vector<16xf32>
          %swap3A_1385 = vector.shape_cast %add3A_1356 : vector<16xf32> to vector<1x16xf32>
          tpu.vector_store %arg9[%swap3A_1381, %swap3A_1382], %swap3A_1385 {strides = array<i32>} : memref<16x1024xf32, #tpu.memory_space<vmem>>, vector<1x16xf32>,
          %add3A_1386 = arith.constant 48 : i32
          %add3A_1387 = arith.addi %mul3A_316, %add3A_1386 : i32
          %swap3A_1388 = arith.index_cast %scan3A_224 : i32 to index
          %swap3A_1389 = arith.index_cast %add3A_1387 : i32 to index
          %swap3A_1390 = tpu.vector_load %arg9[%swap3A_1388, %swap3A_1389] {strides = array<i32>} : memref<16x1024xf32, #tpu.memory_space<vmem>>, vector<1x16xf32>,
          %swap3A_1391 = vector.shape_cast %swap3A_1390 : vector<1x16xf32> to vector<16xf32>
          %swap3A_1392 = vector.shape_cast %add3A_1364 : vector<16xf32> to vector<1x16xf32>
          tpu.vector_store %arg9[%swap3A_1388, %swap3A_1389], %swap3A_1392 {strides = array<i32>} : memref<16x1024xf32, #tpu.memory_space<vmem>>, vector<1x16xf32>,
          %scan3A_1393 = arith.constant 0 : i32
          scf.yield %scan3A_1393 : i32
        }
        %scan3A_312 = arith.constant 16 : i32
      } else {
      }
      %add3A_243 = arith.constant 1 : i32
      %add3A_244 = arith.addi %scan3A_224, %add3A_243 : i32
      %get3A_245 = arith.index_cast %add3A_244 : i32 to index
      %get3A_246 = memref.load %arg6[%get3A_245] : memref<24xi32, #tpu.memory_space<smem>>
      %lt3A = arith.cmpi slt, %get3A_246, %add3A_237 : i32
      %convert_element_type3A_247 = arith.extui %lt3A : i1 to i32
      %cond3A_248 = arith.constant 0 : i32
      %cond3A_249 = arith.cmpi ne, %convert_element_type3A_247, %cond3A_248 : i32
      scf.if %cond3A_249 {
        %scan3A_306 = arith.constant 0 : i32
        %scan3A_307 = arith.constant 0 : i32
        %scan3A_308 = arith.constant 16 : i32
        %scan3A_309 = arith.addi %scan3A_307, %scan3A_308 : i32
        %scan3A_310 = arith.constant 1 : i32
        %scan3A_311 = scf.for %scan3A_313 = %scan3A_307 to %scan3A_309 step %scan3A_310 iter_args(%scan3A_314 = %scan3A_306) -> (i32)  : i32 {
          %add3A_315 = arith.addi %scan3A_224, %scan3A_313 : i32
          %min3A = arith.constant 15 : i32
          %min3A_316 = arith.minsi %add3A_315, %min3A : i32
          %get3A_317 = arith.index_cast %min3A_316 : i32 to index
          %get3A_318 = memref.load %arg6[%get3A_317] : memref<24xi32, #tpu.memory_space<smem>>
          %max3A = arith.maxsi %get3A_318, %add3A_235 : i32
          %add3A_319 = arith.constant 1 : i32
          %add3A_320 = arith.addi %min3A_316, %add3A_319 : i32
          %get3A_321 = arith.index_cast %add3A_320 : i32 to index
          %get3A_322 = memref.load %arg6[%get3A_321] : memref<24xi32, #tpu.memory_space<smem>>
          %min3A_323 = arith.minsi %get3A_322, %add3A_237 : i32
          %sub3A = arith.subi %min3A_323, %max3A : i32
          %max3A_324 = arith.constant 0 : i32
          %max3A_325 = arith.maxsi %sub3A, %max3A_324 : i32
          %gt3A = arith.constant 0 : i32
          %gt3A_326 = arith.cmpi sgt, %max3A_325, %gt3A : i32
          %add3A_327 = arith.addi %scan3A_224, %scan3A_313 : i32
          %lt3A_328 = arith.constant 16 : i32
          %lt3A_329 = arith.cmpi slt, %add3A_327, %lt3A_328 : i32
          %and3A = arith.andi %gt3A_326, %lt3A_329 : i1
          %convert_element_type3A_330 = arith.extui %and3A : i1 to i32
          %cond3A_331 = arith.constant 0 : i32
          %cond3A_332 = arith.cmpi ne, %convert_element_type3A_330, %cond3A_331 : i32
          scf.if %cond3A_332 {
            %sub3A_334 = arith.subi %max3A, %add3A_235 : i32
            %scan3A_335 = arith.constant 0 : i32
            %scan3A_336 = arith.constant 0 : i32
            %scan3A_337 = arith.constant 16 : i32
            %scan3A_338 = arith.addi %scan3A_336, %scan3A_337 : i32
            %scan3A_339 = arith.constant 1 : i32
            %scan3A_340 = scf.for %scan3A_342 = %scan3A_336 to %scan3A_338 step %scan3A_339 iter_args(%scan3A_343 = %scan3A_335) -> (i32)  : i32 {
              %mul3A_344 = arith.constant 64 : i32
              %mul3A_345 = arith.muli %scan3A_342, %mul3A_344 : i32
              %add3A_346 = arith.constant 0 : i32
              %add3A_347 = arith.addi %mul3A_345, %add3A_346 : i32
              %get3A_348 = arith.index_cast %min3A_316 : i32 to index
              %get3A_349 = arith.index_cast %add3A_347 : i32 to index
              %get3A_350 = tpu.vector_load %arg9[%get3A_348, %get3A_349] {strides = array<i32>} : memref<16x1024xf32, #tpu.memory_space<vmem>>, vector<1x16xf32>,
              %get3A_351 = vector.shape_cast %get3A_350 : vector<1x16xf32> to vector<16xf32>
              %add3A_352 = arith.constant 16 : i32
              %add3A_353 = arith.addi %mul3A_345, %add3A_352 : i32
              %get3A_354 = arith.index_cast %min3A_316 : i32 to index
              %get3A_355 = arith.index_cast %add3A_353 : i32 to index
              %get3A_356 = tpu.vector_load %arg9[%get3A_354, %get3A_355] {strides = array<i32>} : memref<16x1024xf32, #tpu.memory_space<vmem>>, vector<1x16xf32>,
              %get3A_357 = vector.shape_cast %get3A_356 : vector<1x16xf32> to vector<16xf32>
              %add3A_358 = arith.constant 32 : i32
              %add3A_359 = arith.addi %mul3A_345, %add3A_358 : i32
              %get3A_360 = arith.index_cast %min3A_316 : i32 to index
              %get3A_361 = arith.index_cast %add3A_359 : i32 to index
              %get3A_362 = tpu.vector_load %arg9[%get3A_360, %get3A_361] {strides = array<i32>} : memref<16x1024xf32, #tpu.memory_space<vmem>>, vector<1x16xf32>,
              %get3A_363 = vector.shape_cast %get3A_362 : vector<1x16xf32> to vector<16xf32>
              %add3A_364 = arith.constant 48 : i32
              %add3A_365 = arith.addi %mul3A_345, %add3A_364 : i32
              %get3A_366 = arith.index_cast %min3A_316 : i32 to index
              %get3A_367 = arith.index_cast %add3A_365 : i32 to index
              %get3A_368 = tpu.vector_load %arg9[%get3A_366, %get3A_367] {strides = array<i32>} : memref<16x1024xf32, #tpu.memory_space<vmem>>, vector<1x16xf32>,
              %get3A_369 = vector.shape_cast %get3A_368 : vector<1x16xf32> to vector<16xf32>
              %while3A = arith.constant 0 : i32
              %while3A_370 = arith.subi %max3A_325, %while3A : i32
              %while3A_371 = arith.addi %while3A, %while3A_370 : i32
              %while3A_372 = arith.constant 1 : i32
              %while3A_373 = arith.divsi %while3A_370, %while3A_372 : i32
              %while3A_374 = arith.muli %while3A_373, %while3A_372 : i32
              %while3A_375 = arith.addi %while3A, %while3A_374 : i32
              %while3A_376 = arith.constant 1 : i32
              %while3A_377:4 = scf.for %while3A_409 = %while3A to %while3A_375 step %while3A_376 iter_args(%while3A_410 = %get3A_351, %while3A_411 = %get3A_357, %while3A_412 = %get3A_363, %while3A_413 = %get3A_369) -> (vector<16xf32>, vector<16xf32>, vector<16xf32>, vector<16xf32>)  : i32 {
                %add3A_414 = arith.addi %sub3A_334, %while3A_409 : i32
                %add3A_415 = arith.constant 0 : i32
                %add3A_416 = arith.addi %mul3A_345, %add3A_415 : i32
                %get3A_417 = arith.index_cast %add3A_414 : i32 to index
                %get3A_418 = arith.index_cast %add3A_416 : i32 to index
                %get3A_419 = tpu.vector_load %arg7[%get3A_417, %get3A_418] {strides = array<i32>} : memref<32x1024xf32, #tpu.memory_space<vmem>>, vector<1x16xf32>,
                %get3A_420 = vector.shape_cast %get3A_419 : vector<1x16xf32> to vector<16xf32>
                %add3A_421 = arith.addf %while3A_410, %get3A_420 : vector<16xf32>
                %add3A_422 = arith.addi %sub3A_334, %while3A_409 : i32
                %add3A_423 = arith.constant 16 : i32
                %add3A_424 = arith.addi %mul3A_345, %add3A_423 : i32
                %get3A_425 = arith.index_cast %add3A_422 : i32 to index
                %get3A_426 = arith.index_cast %add3A_424 : i32 to index
                %get3A_427 = tpu.vector_load %arg7[%get3A_425, %get3A_426] {strides = array<i32>} : memref<32x1024xf32, #tpu.memory_space<vmem>>, vector<1x16xf32>,
                %get3A_428 = vector.shape_cast %get3A_427 : vector<1x16xf32> to vector<16xf32>
                %add3A_429 = arith.addf %while3A_411, %get3A_428 : vector<16xf32>
                %add3A_430 = arith.addi %sub3A_334, %while3A_409 : i32
                %add3A_431 = arith.constant 32 : i32
                %add3A_432 = arith.addi %mul3A_345, %add3A_431 : i32
                %get3A_433 = arith.index_cast %add3A_430 : i32 to index
                %get3A_434 = arith.index_cast %add3A_432 : i32 to index
                %get3A_435 = tpu.vector_load %arg7[%get3A_433, %get3A_434] {strides = array<i32>} : memref<32x1024xf32, #tpu.memory_space<vmem>>, vector<1x16xf32>,
                %get3A_436 = vector.shape_cast %get3A_435 : vector<1x16xf32> to vector<16xf32>
                %add3A_437 = arith.addf %while3A_412, %get3A_436 : vector<16xf32>
                %add3A_438 = arith.addi %sub3A_334, %while3A_409 : i32
                %add3A_439 = arith.constant 48 : i32
                %add3A_440 = arith.addi %mul3A_345, %add3A_439 : i32
                %get3A_441 = arith.index_cast %add3A_438 : i32 to index
                %get3A_442 = arith.index_cast %add3A_440 : i32 to index
                %get3A_443 = tpu.vector_load %arg7[%get3A_441, %get3A_442] {strides = array<i32>} : memref<32x1024xf32, #tpu.memory_space<vmem>>, vector<1x16xf32>,
                %get3A_444 = vector.shape_cast %get3A_443 : vector<1x16xf32> to vector<16xf32>
                %add3A_445 = arith.addf %while3A_413, %get3A_444 : vector<16xf32>
                scf.yield %add3A_421, %add3A_429, %add3A_437, %add3A_445 : vector<16xf32>, vector<16xf32>, vector<16xf32>, vector<16xf32>
              }
              %while3A_378 = arith.constant 1 : i32
              %while3A_379:4 = scf.for %while3A_409 = %while3A_375 to %while3A_371 step %while3A_378 iter_args(%while3A_410 = %while3A_377#0, %while3A_411 = %while3A_377#1, %while3A_412 = %while3A_377#2, %while3A_413 = %while3A_377#3) -> (vector<16xf32>, vector<16xf32>, vector<16xf32>, vector<16xf32>)  : i32 {
                %add3A_414 = arith.addi %sub3A_334, %while3A_409 : i32
                %add3A_415 = arith.constant 0 : i32
                %add3A_416 = arith.addi %mul3A_345, %add3A_415 : i32
                %get3A_417 = arith.index_cast %add3A_414 : i32 to index
                %get3A_418 = arith.index_cast %add3A_416 : i32 to index
                %get3A_419 = tpu.vector_load %arg7[%get3A_417, %get3A_418] {strides = array<i32>} : memref<32x1024xf32, #tpu.memory_space<vmem>>, vector<1x16xf32>,
                %get3A_420 = vector.shape_cast %get3A_419 : vector<1x16xf32> to vector<16xf32>
                %add3A_421 = arith.addf %while3A_410, %get3A_420 : vector<16xf32>
                %add3A_422 = arith.addi %sub3A_334, %while3A_409 : i32
                %add3A_423 = arith.constant 16 : i32
                %add3A_424 = arith.addi %mul3A_345, %add3A_423 : i32
                %get3A_425 = arith.index_cast %add3A_422 : i32 to index
                %get3A_426 = arith.index_cast %add3A_424 : i32 to index
                %get3A_427 = tpu.vector_load %arg7[%get3A_425, %get3A_426] {strides = array<i32>} : memref<32x1024xf32, #tpu.memory_space<vmem>>, vector<1x16xf32>,
                %get3A_428 = vector.shape_cast %get3A_427 : vector<1x16xf32> to vector<16xf32>
                %add3A_429 = arith.addf %while3A_411, %get3A_428 : vector<16xf32>
                %add3A_430 = arith.addi %sub3A_334, %while3A_409 : i32
                %add3A_431 = arith.constant 32 : i32
                %add3A_432 = arith.addi %mul3A_345, %add3A_431 : i32
                %get3A_433 = arith.index_cast %add3A_430 : i32 to index
                %get3A_434 = arith.index_cast %add3A_432 : i32 to index
                %get3A_435 = tpu.vector_load %arg7[%get3A_433, %get3A_434] {strides = array<i32>} : memref<32x1024xf32, #tpu.memory_space<vmem>>, vector<1x16xf32>,
                %get3A_436 = vector.shape_cast %get3A_435 : vector<1x16xf32> to vector<16xf32>
                %add3A_437 = arith.addf %while3A_412, %get3A_436 : vector<16xf32>
                %add3A_438 = arith.addi %sub3A_334, %while3A_409 : i32
                %add3A_439 = arith.constant 48 : i32
                %add3A_440 = arith.addi %mul3A_345, %add3A_439 : i32
                %get3A_441 = arith.index_cast %add3A_438 : i32 to index
                %get3A_442 = arith.index_cast %add3A_440 : i32 to index
                %get3A_443 = tpu.vector_load %arg7[%get3A_441, %get3A_442] {strides = array<i32>} : memref<32x1024xf32, #tpu.memory_space<vmem>>, vector<1x16xf32>,
                %get3A_444 = vector.shape_cast %get3A_443 : vector<1x16xf32> to vector<16xf32>
                %add3A_445 = arith.addf %while3A_413, %get3A_444 : vector<16xf32>
                scf.yield %add3A_421, %add3A_429, %add3A_437, %add3A_445 : vector<16xf32>, vector<16xf32>, vector<16xf32>, vector<16xf32>
              }
              %add3A_380 = arith.constant 0 : i32
              %add3A_381 = arith.addi %mul3A_345, %add3A_380 : i32
              %swap3A_382 = arith.index_cast %min3A_316 : i32 to index
              %swap3A_383 = arith.index_cast %add3A_381 : i32 to index
              %swap3A_384 = tpu.vector_load %arg9[%swap3A_382, %swap3A_383] {strides = array<i32>} : memref<16x1024xf32, #tpu.memory_space<vmem>>, vector<1x16xf32>,
              %swap3A_385 = vector.shape_cast %swap3A_384 : vector<1x16xf32> to vector<16xf32>
              %swap3A_386 = vector.shape_cast %while3A_379#0 : vector<16xf32> to vector<1x16xf32>
              tpu.vector_store %arg9[%swap3A_382, %swap3A_383], %swap3A_386 {strides = array<i32>} : memref<16x1024xf32, #tpu.memory_space<vmem>>, vector<1x16xf32>,
              %add3A_387 = arith.constant 16 : i32
              %add3A_388 = arith.addi %mul3A_345, %add3A_387 : i32
              %swap3A_389 = arith.index_cast %min3A_316 : i32 to index
              %swap3A_390 = arith.index_cast %add3A_388 : i32 to index
              %swap3A_391 = tpu.vector_load %arg9[%swap3A_389, %swap3A_390] {strides = array<i32>} : memref<16x1024xf32, #tpu.memory_space<vmem>>, vector<1x16xf32>,
              %swap3A_392 = vector.shape_cast %swap3A_391 : vector<1x16xf32> to vector<16xf32>
              %swap3A_393 = vector.shape_cast %while3A_379#1 : vector<16xf32> to vector<1x16xf32>
              tpu.vector_store %arg9[%swap3A_389, %swap3A_390], %swap3A_393 {strides = array<i32>} : memref<16x1024xf32, #tpu.memory_space<vmem>>, vector<1x16xf32>,
              %add3A_394 = arith.constant 32 : i32
              %add3A_395 = arith.addi %mul3A_345, %add3A_394 : i32
              %swap3A_396 = arith.index_cast %min3A_316 : i32 to index
              %swap3A_397 = arith.index_cast %add3A_395 : i32 to index
              %swap3A_398 = tpu.vector_load %arg9[%swap3A_396, %swap3A_397] {strides = array<i32>} : memref<16x1024xf32, #tpu.memory_space<vmem>>, vector<1x16xf32>,
              %swap3A_399 = vector.shape_cast %swap3A_398 : vector<1x16xf32> to vector<16xf32>
              %swap3A_400 = vector.shape_cast %while3A_379#2 : vector<16xf32> to vector<1x16xf32>
              tpu.vector_store %arg9[%swap3A_396, %swap3A_397], %swap3A_400 {strides = array<i32>} : memref<16x1024xf32, #tpu.memory_space<vmem>>, vector<1x16xf32>,
              %add3A_401 = arith.constant 48 : i32
              %add3A_402 = arith.addi %mul3A_345, %add3A_401 : i32
              %swap3A_403 = arith.index_cast %min3A_316 : i32 to index
              %swap3A_404 = arith.index_cast %add3A_402 : i32 to index
              %swap3A_405 = tpu.vector_load %arg9[%swap3A_403, %swap3A_404] {strides = array<i32>} : memref<16x1024xf32, #tpu.memory_space<vmem>>, vector<1x16xf32>,
              %swap3A_406 = vector.shape_cast %swap3A_405 : vector<1x16xf32> to vector<16xf32>
              %swap3A_407 = vector.shape_cast %while3A_379#3 : vector<16xf32> to vector<1x16xf32>
              tpu.vector_store %arg9[%swap3A_403, %swap3A_404], %swap3A_407 {strides = array<i32>} : memref<16x1024xf32, #tpu.memory_space<vmem>>, vector<1x16xf32>,
              %scan3A_408 = arith.constant 0 : i32
              scf.yield %scan3A_408 : i32
            }
            %scan3A_341 = arith.constant 16 : i32
          } else {
          }
          %scan3A_333 = arith.constant 0 : i32
          scf.yield %scan3A_333 : i32
        }
        %scan3A_312 = arith.constant 16 : i32
      } else {
      }
      %scan3A_250 = arith.constant 0 : i32
      %scan3A_251 = arith.constant 16 : i32
      %scan3A_252 = arith.addi %scan3A_250, %scan3A_251 : i32
      %scan3A_253 = arith.constant 1 : i32
      %scan3A_254 = scf.for %scan3A_306 = %scan3A_250 to %scan3A_252 step %scan3A_253 iter_args(%scan3A_307 = %scan3A_224) -> (i32)  : i32 {
        %add3A_308 = arith.constant 1 : i32
        %add3A_309 = arith.addi %scan3A_307, %add3A_308 : i32
        %min3A = arith.constant 16 : i32
        %min3A_310 = arith.minsi %add3A_309, %min3A : i32
        %get3A_311 = arith.index_cast %min3A_310 : i32 to index
        %get3A_312 = memref.load %arg6[%get3A_311] : memref<24xi32, #tpu.memory_space<smem>>
        %le3A = arith.cmpi sle, %get3A_312, %add3A_237 : i32
        %select_n3A = arith.select %le3A, %min3A_310, %scan3A_307 : i32
        scf.yield %select_n3A : i32
      }
      %scan3A_255 = arith.constant 16 : i32
      %add3A_256 = arith.constant 2 : i32
      %add3A_257 = arith.addi %mul3A_226, %add3A_256 : i32
      %lt3A_258 = arith.constant 8 : i32
      %lt3A_259 = arith.cmpi slt, %add3A_257, %lt3A_258 : i32
      %convert_element_type3A_260 = arith.extui %lt3A_259 : i1 to i32
      %cond3A_261 = arith.constant 0 : i32
      %cond3A_262 = arith.cmpi ne, %convert_element_type3A_260, %cond3A_261 : i32
      scf.if %cond3A_262 {
        %add3A_306 = arith.constant 2 : i32
        %add3A_307 = arith.addi %mul3A_226, %add3A_306 : i32
        %mul3A_308 = arith.constant 32 : i32
        %mul3A_309 = arith.muli %add3A_307, %mul3A_308 : i32
        %add3A_310 = arith.addi %mul3A_2, %mul3A_309 : i32
        %multiple_of3A_311 = tpu.assume_multiple %add3A_310, 32 : i32
        %dma_start3A_312 = arith.constant 0 : i32
        %dma_start3A_313 = tpu.memref_slice %arg2[%multiple_of3A_311, %dma_start3A_312] : memref<16384x1024xf32, #tpu.memory_space<hbm>> -> memref<32x1024xf32, #tpu.memory_space<hbm>>
        %dma_start3A_314 = arith.constant 0 : i32
        %dma_start3A_315 = tpu.memref_slice %arg2[%multiple_of3A_311, %dma_start3A_314] : memref<16384x1024xf32, #tpu.memory_space<hbm>> -> memref<32x1024xf32, #tpu.memory_space<hbm>>
        tpu.enqueue_dma source(%dma_start3A_315 : memref<32x1024xf32, #tpu.memory_space<hbm>>) target(%arg7 : memref<32x1024xf32, #tpu.memory_space<vmem>>) target_semaphore(%arg10 : memref<!tpu.dma_semaphore, #tpu.memory_space<semaphore_mem>>)
      } else {
      }
      %add3A_263 = arith.constant 32 : i32
      %add3A_264 = arith.addi %mul3A_2, %add3A_263 : i32
      %multiple_of3A_265 = tpu.assume_multiple %add3A_264, 32 : i32
      %dma_wait3A_266 = arith.constant 0 : i32
      %dma_wait3A_267 = tpu.memref_slice %arg2[%multiple_of3A_265, %dma_wait3A_266] : memref<16384x1024xf32, #tpu.memory_space<hbm>> -> memref<32x1024xf32, #tpu.memory_space<hbm>>
      %dma_wait3A_268 = arith.constant 0 : i32
      %dma_wait3A_269 = tpu.memref_slice %arg2[%multiple_of3A_265, %dma_wait3A_268] : memref<16384x1024xf32, #tpu.memory_space<hbm>> -> memref<32x1024xf32, #tpu.memory_space<hbm>>
      tpu.wait_dma2 semaphore(%arg11 : memref<!tpu.dma_semaphore, #tpu.memory_space<semaphore_mem>>) src(%dma_wait3A_269 : memref<32x1024xf32, #tpu.memory_space<hbm>>) dst(%arg8 : memref<32x1024xf32, #tpu.memory_space<vmem>>)
      %add3A_270 = arith.constant 1 : i32
      %add3A_271 = arith.addi %mul3A_226, %add3A_270 : i32
      %mul3A_272 = arith.constant 32 : i32
      %mul3A_273 = arith.muli %add3A_271, %mul3A_272 : i32
      %add3A_274 = arith.addi %mul3A_2, %mul3A_273 : i32
      %add3A_275 = arith.constant 32 : i32
      %add3A_276 = arith.addi %add3A_274, %add3A_275 : i32
      %add3A_277 = arith.constant 1 : i32
      %add3A_278 = arith.addi %scan3A_254, %add3A_277 : i32
      %get3A_279 = arith.index_cast %add3A_278 : i32 to index
      %get3A_280 = memref.load %arg6[%get3A_279] : memref<24xi32, #tpu.memory_space<smem>>
      %ge3A_281 = arith.cmpi sge, %get3A_280, %add3A_276 : i32
      %convert_element_type3A_282 = arith.extui %ge3A_281 : i1 to i32
      %cond3A_283 = arith.constant 0 : i32
      %cond3A_284 = arith.cmpi ne, %convert_element_type3A_282, %cond3A_283 : i32
      scf.if %cond3A_284 {
        %scan3A_306 = arith.constant 0 : i32
        %scan3A_307 = arith.constant 0 : i32
        %scan3A_308 = arith.constant 16 : i32
        %scan3A_309 = arith.addi %scan3A_307, %scan3A_308 : i32
        %scan3A_310 = arith.constant 1 : i32
        %scan3A_311 = scf.for %scan3A_313 = %scan3A_307 to %scan3A_309 step %scan3A_310 iter_args(%scan3A_314 = %scan3A_306) -> (i32)  : i32 {
          %mul3A_315 = arith.constant 64 : i32
          %mul3A_316 = arith.muli %scan3A_313, %mul3A_315 : i32
          %add3A_317 = arith.constant 0 : i32
          %add3A_318 = arith.addi %mul3A_316, %add3A_317 : i32
          %get3A_319 = arith.index_cast %scan3A_254 : i32 to index
          %get3A_320 = arith.index_cast %add3A_318 : i32 to index
          %get3A_321 = tpu.vector_load %arg9[%get3A_319, %get3A_320] {strides = array<i32>} : memref<16x1024xf32, #tpu.memory_space<vmem>>, vector<1x16xf32>,
          %get3A_322 = vector.shape_cast %get3A_321 : vector<1x16xf32> to vector<16xf32>
          %add3A_323 = arith.constant 16 : i32
          %add3A_324 = arith.addi %mul3A_316, %add3A_323 : i32
          %get3A_325 = arith.index_cast %scan3A_254 : i32 to index
          %get3A_326 = arith.index_cast %add3A_324 : i32 to index
          %get3A_327 = tpu.vector_load %arg9[%get3A_325, %get3A_326] {strides = array<i32>} : memref<16x1024xf32, #tpu.memory_space<vmem>>, vector<1x16xf32>,
          %get3A_328 = vector.shape_cast %get3A_327 : vector<1x16xf32> to vector<16xf32>
          %add3A_329 = arith.constant 32 : i32
          %add3A_330 = arith.addi %mul3A_316, %add3A_329 : i32
          %get3A_331 = arith.index_cast %scan3A_254 : i32 to index
          %get3A_332 = arith.index_cast %add3A_330 : i32 to index
          %get3A_333 = tpu.vector_load %arg9[%get3A_331, %get3A_332] {strides = array<i32>} : memref<16x1024xf32, #tpu.memory_space<vmem>>, vector<1x16xf32>,
          %get3A_334 = vector.shape_cast %get3A_333 : vector<1x16xf32> to vector<16xf32>
          %add3A_335 = arith.constant 48 : i32
          %add3A_336 = arith.addi %mul3A_316, %add3A_335 : i32
          %get3A_337 = arith.index_cast %scan3A_254 : i32 to index
          %get3A_338 = arith.index_cast %add3A_336 : i32 to index
          %get3A_339 = tpu.vector_load %arg9[%get3A_337, %get3A_338] {strides = array<i32>} : memref<16x1024xf32, #tpu.memory_space<vmem>>, vector<1x16xf32>,
          %get3A_340 = vector.shape_cast %get3A_339 : vector<1x16xf32> to vector<16xf32>
          %add3A_341 = arith.constant 0 : i32
          %add3A_342 = arith.addi %mul3A_316, %add3A_341 : i32
          %get3A_343 = arith.constant 0 : i32
          %get3A_344 = arith.index_cast %get3A_343 : i32 to index
          %get3A_345 = arith.index_cast %add3A_342 : i32 to index
          %get3A_346 = tpu.vector_load %arg8[%get3A_344, %get3A_345] {strides = array<i32>} : memref<32x1024xf32, #tpu.memory_space<vmem>>, vector<1x16xf32>,
          %get3A_347 = vector.shape_cast %get3A_346 : vector<1x16xf32> to vector<16xf32>
          %add3A_348 = arith.addf %get3A_322, %get3A_347 : vector<16xf32>
          %add3A_349 = arith.constant 16 : i32
          %add3A_350 = arith.addi %mul3A_316, %add3A_349 : i32
          %get3A_351 = arith.constant 0 : i32
          %get3A_352 = arith.index_cast %get3A_351 : i32 to index
          %get3A_353 = arith.index_cast %add3A_350 : i32 to index
          %get3A_354 = tpu.vector_load %arg8[%get3A_352, %get3A_353] {strides = array<i32>} : memref<32x1024xf32, #tpu.memory_space<vmem>>, vector<1x16xf32>,
          %get3A_355 = vector.shape_cast %get3A_354 : vector<1x16xf32> to vector<16xf32>
          %add3A_356 = arith.addf %get3A_328, %get3A_355 : vector<16xf32>
          %add3A_357 = arith.constant 32 : i32
          %add3A_358 = arith.addi %mul3A_316, %add3A_357 : i32
          %get3A_359 = arith.constant 0 : i32
          %get3A_360 = arith.index_cast %get3A_359 : i32 to index
          %get3A_361 = arith.index_cast %add3A_358 : i32 to index
          %get3A_362 = tpu.vector_load %arg8[%get3A_360, %get3A_361] {strides = array<i32>} : memref<32x1024xf32, #tpu.memory_space<vmem>>, vector<1x16xf32>,
          %get3A_363 = vector.shape_cast %get3A_362 : vector<1x16xf32> to vector<16xf32>
          %add3A_364 = arith.addf %get3A_334, %get3A_363 : vector<16xf32>
          %add3A_365 = arith.constant 48 : i32
          %add3A_366 = arith.addi %mul3A_316, %add3A_365 : i32
          %get3A_367 = arith.constant 0 : i32
          %get3A_368 = arith.index_cast %get3A_367 : i32 to index
          %get3A_369 = arith.index_cast %add3A_366 : i32 to index
          %get3A_370 = tpu.vector_load %arg8[%get3A_368, %get3A_369] {strides = array<i32>} : memref<32x1024xf32, #tpu.memory_space<vmem>>, vector<1x16xf32>,
          %get3A_371 = vector.shape_cast %get3A_370 : vector<1x16xf32> to vector<16xf32>
          %add3A_372 = arith.addf %get3A_340, %get3A_371 : vector<16xf32>
          %add3A_373 = arith.constant 0 : i32
          %add3A_374 = arith.addi %mul3A_316, %add3A_373 : i32
          %get3A_375 = arith.constant 1 : i32
          %get3A_376 = arith.index_cast %get3A_375 : i32 to index
          %get3A_377 = arith.index_cast %add3A_374 : i32 to index
          %get3A_378 = tpu.vector_load %arg8[%get3A_376, %get3A_377] {strides = array<i32>} : memref<32x1024xf32, #tpu.memory_space<vmem>>, vector<1x16xf32>,
          %get3A_379 = vector.shape_cast %get3A_378 : vector<1x16xf32> to vector<16xf32>
          %add3A_380 = arith.addf %add3A_348, %get3A_379 : vector<16xf32>
          %add3A_381 = arith.constant 16 : i32
          %add3A_382 = arith.addi %mul3A_316, %add3A_381 : i32
          %get3A_383 = arith.constant 1 : i32
          %get3A_384 = arith.index_cast %get3A_383 : i32 to index
          %get3A_385 = arith.index_cast %add3A_382 : i32 to index
          %get3A_386 = tpu.vector_load %arg8[%get3A_384, %get3A_385] {strides = array<i32>} : memref<32x1024xf32, #tpu.memory_space<vmem>>, vector<1x16xf32>,
          %get3A_387 = vector.shape_cast %get3A_386 : vector<1x16xf32> to vector<16xf32>
          %add3A_388 = arith.addf %add3A_356, %get3A_387 : vector<16xf32>
          %add3A_389 = arith.constant 32 : i32
          %add3A_390 = arith.addi %mul3A_316, %add3A_389 : i32
          %get3A_391 = arith.constant 1 : i32
          %get3A_392 = arith.index_cast %get3A_391 : i32 to index
          %get3A_393 = arith.index_cast %add3A_390 : i32 to index
          %get3A_394 = tpu.vector_load %arg8[%get3A_392, %get3A_393] {strides = array<i32>} : memref<32x1024xf32, #tpu.memory_space<vmem>>, vector<1x16xf32>,
          %get3A_395 = vector.shape_cast %get3A_394 : vector<1x16xf32> to vector<16xf32>
          %add3A_396 = arith.addf %add3A_364, %get3A_395 : vector<16xf32>
          %add3A_397 = arith.constant 48 : i32
          %add3A_398 = arith.addi %mul3A_316, %add3A_397 : i32
          %get3A_399 = arith.constant 1 : i32
          %get3A_400 = arith.index_cast %get3A_399 : i32 to index
          %get3A_401 = arith.index_cast %add3A_398 : i32 to index
          %get3A_402 = tpu.vector_load %arg8[%get3A_400, %get3A_401] {strides = array<i32>} : memref<32x1024xf32, #tpu.memory_space<vmem>>, vector<1x16xf32>,
          %get3A_403 = vector.shape_cast %get3A_402 : vector<1x16xf32> to vector<16xf32>
          %add3A_404 = arith.addf %add3A_372, %get3A_403 : vector<16xf32>
          %add3A_405 = arith.constant 0 : i32
          %add3A_406 = arith.addi %mul3A_316, %add3A_405 : i32
          %get3A_407 = arith.constant 2 : i32
          %get3A_408 = arith.index_cast %get3A_407 : i32 to index
          %get3A_409 = arith.index_cast %add3A_406 : i32 to index
          %get3A_410 = tpu.vector_load %arg8[%get3A_408, %get3A_409] {strides = array<i32>} : memref<32x1024xf32, #tpu.memory_space<vmem>>, vector<1x16xf32>,
          %get3A_411 = vector.shape_cast %get3A_410 : vector<1x16xf32> to vector<16xf32>
          %add3A_412 = arith.addf %add3A_380, %get3A_411 : vector<16xf32>
          %add3A_413 = arith.constant 16 : i32
          %add3A_414 = arith.addi %mul3A_316, %add3A_413 : i32
          %get3A_415 = arith.constant 2 : i32
          %get3A_416 = arith.index_cast %get3A_415 : i32 to index
          %get3A_417 = arith.index_cast %add3A_414 : i32 to index
          %get3A_418 = tpu.vector_load %arg8[%get3A_416, %get3A_417] {strides = array<i32>} : memref<32x1024xf32, #tpu.memory_space<vmem>>, vector<1x16xf32>,
          %get3A_419 = vector.shape_cast %get3A_418 : vector<1x16xf32> to vector<16xf32>
          %add3A_420 = arith.addf %add3A_388, %get3A_419 : vector<16xf32>
          %add3A_421 = arith.constant 32 : i32
          %add3A_422 = arith.addi %mul3A_316, %add3A_421 : i32
          %get3A_423 = arith.constant 2 : i32
          %get3A_424 = arith.index_cast %get3A_423 : i32 to index
          %get3A_425 = arith.index_cast %add3A_422 : i32 to index
          %get3A_426 = tpu.vector_load %arg8[%get3A_424, %get3A_425] {strides = array<i32>} : memref<32x1024xf32, #tpu.memory_space<vmem>>, vector<1x16xf32>,
          %get3A_427 = vector.shape_cast %get3A_426 : vector<1x16xf32> to vector<16xf32>
          %add3A_428 = arith.addf %add3A_396, %get3A_427 : vector<16xf32>
          %add3A_429 = arith.constant 48 : i32
          %add3A_430 = arith.addi %mul3A_316, %add3A_429 : i32
          %get3A_431 = arith.constant 2 : i32
          %get3A_432 = arith.index_cast %get3A_431 : i32 to index
          %get3A_433 = arith.index_cast %add3A_430 : i32 to index
          %get3A_434 = tpu.vector_load %arg8[%get3A_432, %get3A_433] {strides = array<i32>} : memref<32x1024xf32, #tpu.memory_space<vmem>>, vector<1x16xf32>,
          %get3A_435 = vector.shape_cast %get3A_434 : vector<1x16xf32> to vector<16xf32>
          %add3A_436 = arith.addf %add3A_404, %get3A_435 : vector<16xf32>
          %add3A_437 = arith.constant 0 : i32
          %add3A_438 = arith.addi %mul3A_316, %add3A_437 : i32
          %get3A_439 = arith.constant 3 : i32
          %get3A_440 = arith.index_cast %get3A_439 : i32 to index
          %get3A_441 = arith.index_cast %add3A_438 : i32 to index
          %get3A_442 = tpu.vector_load %arg8[%get3A_440, %get3A_441] {strides = array<i32>} : memref<32x1024xf32, #tpu.memory_space<vmem>>, vector<1x16xf32>,
          %get3A_443 = vector.shape_cast %get3A_442 : vector<1x16xf32> to vector<16xf32>
          %add3A_444 = arith.addf %add3A_412, %get3A_443 : vector<16xf32>
          %add3A_445 = arith.constant 16 : i32
          %add3A_446 = arith.addi %mul3A_316, %add3A_445 : i32
          %get3A_447 = arith.constant 3 : i32
          %get3A_448 = arith.index_cast %get3A_447 : i32 to index
          %get3A_449 = arith.index_cast %add3A_446 : i32 to index
          %get3A_450 = tpu.vector_load %arg8[%get3A_448, %get3A_449] {strides = array<i32>} : memref<32x1024xf32, #tpu.memory_space<vmem>>, vector<1x16xf32>,
          %get3A_451 = vector.shape_cast %get3A_450 : vector<1x16xf32> to vector<16xf32>
          %add3A_452 = arith.addf %add3A_420, %get3A_451 : vector<16xf32>
          %add3A_453 = arith.constant 32 : i32
          %add3A_454 = arith.addi %mul3A_316, %add3A_453 : i32
          %get3A_455 = arith.constant 3 : i32
          %get3A_456 = arith.index_cast %get3A_455 : i32 to index
          %get3A_457 = arith.index_cast %add3A_454 : i32 to index
          %get3A_458 = tpu.vector_load %arg8[%get3A_456, %get3A_457] {strides = array<i32>} : memref<32x1024xf32, #tpu.memory_space<vmem>>, vector<1x16xf32>,
          %get3A_459 = vector.shape_cast %get3A_458 : vector<1x16xf32> to vector<16xf32>
          %add3A_460 = arith.addf %add3A_428, %get3A_459 : vector<16xf32>
          %add3A_461 = arith.constant 48 : i32
          %add3A_462 = arith.addi %mul3A_316, %add3A_461 : i32
          %get3A_463 = arith.constant 3 : i32
          %get3A_464 = arith.index_cast %get3A_463 : i32 to index
          %get3A_465 = arith.index_cast %add3A_462 : i32 to index
          %get3A_466 = tpu.vector_load %arg8[%get3A_464, %get3A_465] {strides = array<i32>} : memref<32x1024xf32, #tpu.memory_space<vmem>>, vector<1x16xf32>,
          %get3A_467 = vector.shape_cast %get3A_466 : vector<1x16xf32> to vector<16xf32>
          %add3A_468 = arith.addf %add3A_436, %get3A_467 : vector<16xf32>
          %add3A_469 = arith.constant 0 : i32
          %add3A_470 = arith.addi %mul3A_316, %add3A_469 : i32
          %get3A_471 = arith.constant 4 : i32
          %get3A_472 = arith.index_cast %get3A_471 : i32 to index
          %get3A_473 = arith.index_cast %add3A_470 : i32 to index
          %get3A_474 = tpu.vector_load %arg8[%get3A_472, %get3A_473] {strides = array<i32>} : memref<32x1024xf32, #tpu.memory_space<vmem>>, vector<1x16xf32>,
          %get3A_475 = vector.shape_cast %get3A_474 : vector<1x16xf32> to vector<16xf32>
          %add3A_476 = arith.addf %add3A_444, %get3A_475 : vector<16xf32>
          %add3A_477 = arith.constant 16 : i32
          %add3A_478 = arith.addi %mul3A_316, %add3A_477 : i32
          %get3A_479 = arith.constant 4 : i32
          %get3A_480 = arith.index_cast %get3A_479 : i32 to index
          %get3A_481 = arith.index_cast %add3A_478 : i32 to index
          %get3A_482 = tpu.vector_load %arg8[%get3A_480, %get3A_481] {strides = array<i32>} : memref<32x1024xf32, #tpu.memory_space<vmem>>, vector<1x16xf32>,
          %get3A_483 = vector.shape_cast %get3A_482 : vector<1x16xf32> to vector<16xf32>
          %add3A_484 = arith.addf %add3A_452, %get3A_483 : vector<16xf32>
          %add3A_485 = arith.constant 32 : i32
          %add3A_486 = arith.addi %mul3A_316, %add3A_485 : i32
          %get3A_487 = arith.constant 4 : i32
          %get3A_488 = arith.index_cast %get3A_487 : i32 to index
          %get3A_489 = arith.index_cast %add3A_486 : i32 to index
          %get3A_490 = tpu.vector_load %arg8[%get3A_488, %get3A_489] {strides = array<i32>} : memref<32x1024xf32, #tpu.memory_space<vmem>>, vector<1x16xf32>,
          %get3A_491 = vector.shape_cast %get3A_490 : vector<1x16xf32> to vector<16xf32>
          %add3A_492 = arith.addf %add3A_460, %get3A_491 : vector<16xf32>
          %add3A_493 = arith.constant 48 : i32
          %add3A_494 = arith.addi %mul3A_316, %add3A_493 : i32
          %get3A_495 = arith.constant 4 : i32
          %get3A_496 = arith.index_cast %get3A_495 : i32 to index
          %get3A_497 = arith.index_cast %add3A_494 : i32 to index
          %get3A_498 = tpu.vector_load %arg8[%get3A_496, %get3A_497] {strides = array<i32>} : memref<32x1024xf32, #tpu.memory_space<vmem>>, vector<1x16xf32>,
          %get3A_499 = vector.shape_cast %get3A_498 : vector<1x16xf32> to vector<16xf32>
          %add3A_500 = arith.addf %add3A_468, %get3A_499 : vector<16xf32>
          %add3A_501 = arith.constant 0 : i32
          %add3A_502 = arith.addi %mul3A_316, %add3A_501 : i32
          %get3A_503 = arith.constant 5 : i32
          %get3A_504 = arith.index_cast %get3A_503 : i32 to index
          %get3A_505 = arith.index_cast %add3A_502 : i32 to index
          %get3A_506 = tpu.vector_load %arg8[%get3A_504, %get3A_505] {strides = array<i32>} : memref<32x1024xf32, #tpu.memory_space<vmem>>, vector<1x16xf32>,
          %get3A_507 = vector.shape_cast %get3A_506 : vector<1x16xf32> to vector<16xf32>
          %add3A_508 = arith.addf %add3A_476, %get3A_507 : vector<16xf32>
          %add3A_509 = arith.constant 16 : i32
          %add3A_510 = arith.addi %mul3A_316, %add3A_509 : i32
          %get3A_511 = arith.constant 5 : i32
          %get3A_512 = arith.index_cast %get3A_511 : i32 to index
          %get3A_513 = arith.index_cast %add3A_510 : i32 to index
          %get3A_514 = tpu.vector_load %arg8[%get3A_512, %get3A_513] {strides = array<i32>} : memref<32x1024xf32, #tpu.memory_space<vmem>>, vector<1x16xf32>,
          %get3A_515 = vector.shape_cast %get3A_514 : vector<1x16xf32> to vector<16xf32>
          %add3A_516 = arith.addf %add3A_484, %get3A_515 : vector<16xf32>
          %add3A_517 = arith.constant 32 : i32
          %add3A_518 = arith.addi %mul3A_316, %add3A_517 : i32
          %get3A_519 = arith.constant 5 : i32
          %get3A_520 = arith.index_cast %get3A_519 : i32 to index
          %get3A_521 = arith.index_cast %add3A_518 : i32 to index
          %get3A_522 = tpu.vector_load %arg8[%get3A_520, %get3A_521] {strides = array<i32>} : memref<32x1024xf32, #tpu.memory_space<vmem>>, vector<1x16xf32>,
          %get3A_523 = vector.shape_cast %get3A_522 : vector<1x16xf32> to vector<16xf32>
          %add3A_524 = arith.addf %add3A_492, %get3A_523 : vector<16xf32>
          %add3A_525 = arith.constant 48 : i32
          %add3A_526 = arith.addi %mul3A_316, %add3A_525 : i32
          %get3A_527 = arith.constant 5 : i32
          %get3A_528 = arith.index_cast %get3A_527 : i32 to index
          %get3A_529 = arith.index_cast %add3A_526 : i32 to index
          %get3A_530 = tpu.vector_load %arg8[%get3A_528, %get3A_529] {strides = array<i32>} : memref<32x1024xf32, #tpu.memory_space<vmem>>, vector<1x16xf32>,
          %get3A_531 = vector.shape_cast %get3A_530 : vector<1x16xf32> to vector<16xf32>
          %add3A_532 = arith.addf %add3A_500, %get3A_531 : vector<16xf32>
          %add3A_533 = arith.constant 0 : i32
          %add3A_534 = arith.addi %mul3A_316, %add3A_533 : i32
          %get3A_535 = arith.constant 6 : i32
          %get3A_536 = arith.index_cast %get3A_535 : i32 to index
          %get3A_537 = arith.index_cast %add3A_534 : i32 to index
          %get3A_538 = tpu.vector_load %arg8[%get3A_536, %get3A_537] {strides = array<i32>} : memref<32x1024xf32, #tpu.memory_space<vmem>>, vector<1x16xf32>,
          %get3A_539 = vector.shape_cast %get3A_538 : vector<1x16xf32> to vector<16xf32>
          %add3A_540 = arith.addf %add3A_508, %get3A_539 : vector<16xf32>
          %add3A_541 = arith.constant 16 : i32
          %add3A_542 = arith.addi %mul3A_316, %add3A_541 : i32
          %get3A_543 = arith.constant 6 : i32
          %get3A_544 = arith.index_cast %get3A_543 : i32 to index
          %get3A_545 = arith.index_cast %add3A_542 : i32 to index
          %get3A_546 = tpu.vector_load %arg8[%get3A_544, %get3A_545] {strides = array<i32>} : memref<32x1024xf32, #tpu.memory_space<vmem>>, vector<1x16xf32>,
          %get3A_547 = vector.shape_cast %get3A_546 : vector<1x16xf32> to vector<16xf32>
          %add3A_548 = arith.addf %add3A_516, %get3A_547 : vector<16xf32>
          %add3A_549 = arith.constant 32 : i32
          %add3A_550 = arith.addi %mul3A_316, %add3A_549 : i32
          %get3A_551 = arith.constant 6 : i32
          %get3A_552 = arith.index_cast %get3A_551 : i32 to index
          %get3A_553 = arith.index_cast %add3A_550 : i32 to index
          %get3A_554 = tpu.vector_load %arg8[%get3A_552, %get3A_553] {strides = array<i32>} : memref<32x1024xf32, #tpu.memory_space<vmem>>, vector<1x16xf32>,
          %get3A_555 = vector.shape_cast %get3A_554 : vector<1x16xf32> to vector<16xf32>
          %add3A_556 = arith.addf %add3A_524, %get3A_555 : vector<16xf32>
          %add3A_557 = arith.constant 48 : i32
          %add3A_558 = arith.addi %mul3A_316, %add3A_557 : i32
          %get3A_559 = arith.constant 6 : i32
          %get3A_560 = arith.index_cast %get3A_559 : i32 to index
          %get3A_561 = arith.index_cast %add3A_558 : i32 to index
          %get3A_562 = tpu.vector_load %arg8[%get3A_560, %get3A_561] {strides = array<i32>} : memref<32x1024xf32, #tpu.memory_space<vmem>>, vector<1x16xf32>,
          %get3A_563 = vector.shape_cast %get3A_562 : vector<1x16xf32> to vector<16xf32>
          %add3A_564 = arith.addf %add3A_532, %get3A_563 : vector<16xf32>
          %add3A_565 = arith.constant 0 : i32
          %add3A_566 = arith.addi %mul3A_316, %add3A_565 : i32
          %get3A_567 = arith.constant 7 : i32
          %get3A_568 = arith.index_cast %get3A_567 : i32 to index
          %get3A_569 = arith.index_cast %add3A_566 : i32 to index
          %get3A_570 = tpu.vector_load %arg8[%get3A_568, %get3A_569] {strides = array<i32>} : memref<32x1024xf32, #tpu.memory_space<vmem>>, vector<1x16xf32>,
          %get3A_571 = vector.shape_cast %get3A_570 : vector<1x16xf32> to vector<16xf32>
          %add3A_572 = arith.addf %add3A_540, %get3A_571 : vector<16xf32>
          %add3A_573 = arith.constant 16 : i32
          %add3A_574 = arith.addi %mul3A_316, %add3A_573 : i32
          %get3A_575 = arith.constant 7 : i32
          %get3A_576 = arith.index_cast %get3A_575 : i32 to index
          %get3A_577 = arith.index_cast %add3A_574 : i32 to index
          %get3A_578 = tpu.vector_load %arg8[%get3A_576, %get3A_577] {strides = array<i32>} : memref<32x1024xf32, #tpu.memory_space<vmem>>, vector<1x16xf32>,
          %get3A_579 = vector.shape_cast %get3A_578 : vector<1x16xf32> to vector<16xf32>
          %add3A_580 = arith.addf %add3A_548, %get3A_579 : vector<16xf32>
          %add3A_581 = arith.constant 32 : i32
          %add3A_582 = arith.addi %mul3A_316, %add3A_581 : i32
          %get3A_583 = arith.constant 7 : i32
          %get3A_584 = arith.index_cast %get3A_583 : i32 to index
          %get3A_585 = arith.index_cast %add3A_582 : i32 to index
          %get3A_586 = tpu.vector_load %arg8[%get3A_584, %get3A_585] {strides = array<i32>} : memref<32x1024xf32, #tpu.memory_space<vmem>>, vector<1x16xf32>,
          %get3A_587 = vector.shape_cast %get3A_586 : vector<1x16xf32> to vector<16xf32>
          %add3A_588 = arith.addf %add3A_556, %get3A_587 : vector<16xf32>
          %add3A_589 = arith.constant 48 : i32
          %add3A_590 = arith.addi %mul3A_316, %add3A_589 : i32
          %get3A_591 = arith.constant 7 : i32
          %get3A_592 = arith.index_cast %get3A_591 : i32 to index
          %get3A_593 = arith.index_cast %add3A_590 : i32 to index
          %get3A_594 = tpu.vector_load %arg8[%get3A_592, %get3A_593] {strides = array<i32>} : memref<32x1024xf32, #tpu.memory_space<vmem>>, vector<1x16xf32>,
          %get3A_595 = vector.shape_cast %get3A_594 : vector<1x16xf32> to vector<16xf32>
          %add3A_596 = arith.addf %add3A_564, %get3A_595 : vector<16xf32>
          %add3A_597 = arith.constant 0 : i32
          %add3A_598 = arith.addi %mul3A_316, %add3A_597 : i32
          %get3A_599 = arith.constant 8 : i32
          %get3A_600 = arith.index_cast %get3A_599 : i32 to index
          %get3A_601 = arith.index_cast %add3A_598 : i32 to index
          %get3A_602 = tpu.vector_load %arg8[%get3A_600, %get3A_601] {strides = array<i32>} : memref<32x1024xf32, #tpu.memory_space<vmem>>, vector<1x16xf32>,
          %get3A_603 = vector.shape_cast %get3A_602 : vector<1x16xf32> to vector<16xf32>
          %add3A_604 = arith.addf %add3A_572, %get3A_603 : vector<16xf32>
          %add3A_605 = arith.constant 16 : i32
          %add3A_606 = arith.addi %mul3A_316, %add3A_605 : i32
          %get3A_607 = arith.constant 8 : i32
          %get3A_608 = arith.index_cast %get3A_607 : i32 to index
          %get3A_609 = arith.index_cast %add3A_606 : i32 to index
          %get3A_610 = tpu.vector_load %arg8[%get3A_608, %get3A_609] {strides = array<i32>} : memref<32x1024xf32, #tpu.memory_space<vmem>>, vector<1x16xf32>,
          %get3A_611 = vector.shape_cast %get3A_610 : vector<1x16xf32> to vector<16xf32>
          %add3A_612 = arith.addf %add3A_580, %get3A_611 : vector<16xf32>
          %add3A_613 = arith.constant 32 : i32
          %add3A_614 = arith.addi %mul3A_316, %add3A_613 : i32
          %get3A_615 = arith.constant 8 : i32
          %get3A_616 = arith.index_cast %get3A_615 : i32 to index
          %get3A_617 = arith.index_cast %add3A_614 : i32 to index
          %get3A_618 = tpu.vector_load %arg8[%get3A_616, %get3A_617] {strides = array<i32>} : memref<32x1024xf32, #tpu.memory_space<vmem>>, vector<1x16xf32>,
          %get3A_619 = vector.shape_cast %get3A_618 : vector<1x16xf32> to vector<16xf32>
          %add3A_620 = arith.addf %add3A_588, %get3A_619 : vector<16xf32>
          %add3A_621 = arith.constant 48 : i32
          %add3A_622 = arith.addi %mul3A_316, %add3A_621 : i32
          %get3A_623 = arith.constant 8 : i32
          %get3A_624 = arith.index_cast %get3A_623 : i32 to index
          %get3A_625 = arith.index_cast %add3A_622 : i32 to index
          %get3A_626 = tpu.vector_load %arg8[%get3A_624, %get3A_625] {strides = array<i32>} : memref<32x1024xf32, #tpu.memory_space<vmem>>, vector<1x16xf32>,
          %get3A_627 = vector.shape_cast %get3A_626 : vector<1x16xf32> to vector<16xf32>
          %add3A_628 = arith.addf %add3A_596, %get3A_627 : vector<16xf32>
          %add3A_629 = arith.constant 0 : i32
          %add3A_630 = arith.addi %mul3A_316, %add3A_629 : i32
          %get3A_631 = arith.constant 9 : i32
          %get3A_632 = arith.index_cast %get3A_631 : i32 to index
          %get3A_633 = arith.index_cast %add3A_630 : i32 to index
          %get3A_634 = tpu.vector_load %arg8[%get3A_632, %get3A_633] {strides = array<i32>} : memref<32x1024xf32, #tpu.memory_space<vmem>>, vector<1x16xf32>,
          %get3A_635 = vector.shape_cast %get3A_634 : vector<1x16xf32> to vector<16xf32>
          %add3A_636 = arith.addf %add3A_604, %get3A_635 : vector<16xf32>
          %add3A_637 = arith.constant 16 : i32
          %add3A_638 = arith.addi %mul3A_316, %add3A_637 : i32
          %get3A_639 = arith.constant 9 : i32
          %get3A_640 = arith.index_cast %get3A_639 : i32 to index
          %get3A_641 = arith.index_cast %add3A_638 : i32 to index
          %get3A_642 = tpu.vector_load %arg8[%get3A_640, %get3A_641] {strides = array<i32>} : memref<32x1024xf32, #tpu.memory_space<vmem>>, vector<1x16xf32>,
          %get3A_643 = vector.shape_cast %get3A_642 : vector<1x16xf32> to vector<16xf32>
          %add3A_644 = arith.addf %add3A_612, %get3A_643 : vector<16xf32>
          %add3A_645 = arith.constant 32 : i32
          %add3A_646 = arith.addi %mul3A_316, %add3A_645 : i32
          %get3A_647 = arith.constant 9 : i32
          %get3A_648 = arith.index_cast %get3A_647 : i32 to index
          %get3A_649 = arith.index_cast %add3A_646 : i32 to index
          %get3A_650 = tpu.vector_load %arg8[%get3A_648, %get3A_649] {strides = array<i32>} : memref<32x1024xf32, #tpu.memory_space<vmem>>, vector<1x16xf32>,
          %get3A_651 = vector.shape_cast %get3A_650 : vector<1x16xf32> to vector<16xf32>
          %add3A_652 = arith.addf %add3A_620, %get3A_651 : vector<16xf32>
          %add3A_653 = arith.constant 48 : i32
          %add3A_654 = arith.addi %mul3A_316, %add3A_653 : i32
          %get3A_655 = arith.constant 9 : i32
          %get3A_656 = arith.index_cast %get3A_655 : i32 to index
          %get3A_657 = arith.index_cast %add3A_654 : i32 to index
          %get3A_658 = tpu.vector_load %arg8[%get3A_656, %get3A_657] {strides = array<i32>} : memref<32x1024xf32, #tpu.memory_space<vmem>>, vector<1x16xf32>,
          %get3A_659 = vector.shape_cast %get3A_658 : vector<1x16xf32> to vector<16xf32>
          %add3A_660 = arith.addf %add3A_628, %get3A_659 : vector<16xf32>
          %add3A_661 = arith.constant 0 : i32
          %add3A_662 = arith.addi %mul3A_316, %add3A_661 : i32
          %get3A_663 = arith.constant 10 : i32
          %get3A_664 = arith.index_cast %get3A_663 : i32 to index
          %get3A_665 = arith.index_cast %add3A_662 : i32 to index
          %get3A_666 = tpu.vector_load %arg8[%get3A_664, %get3A_665] {strides = array<i32>} : memref<32x1024xf32, #tpu.memory_space<vmem>>, vector<1x16xf32>,
          %get3A_667 = vector.shape_cast %get3A_666 : vector<1x16xf32> to vector<16xf32>
          %add3A_668 = arith.addf %add3A_636, %get3A_667 : vector<16xf32>
          %add3A_669 = arith.constant 16 : i32
          %add3A_670 = arith.addi %mul3A_316, %add3A_669 : i32
          %get3A_671 = arith.constant 10 : i32
          %get3A_672 = arith.index_cast %get3A_671 : i32 to index
          %get3A_673 = arith.index_cast %add3A_670 : i32 to index
          %get3A_674 = tpu.vector_load %arg8[%get3A_672, %get3A_673] {strides = array<i32>} : memref<32x1024xf32, #tpu.memory_space<vmem>>, vector<1x16xf32>,
          %get3A_675 = vector.shape_cast %get3A_674 : vector<1x16xf32> to vector<16xf32>
          %add3A_676 = arith.addf %add3A_644, %get3A_675 : vector<16xf32>
          %add3A_677 = arith.constant 32 : i32
          %add3A_678 = arith.addi %mul3A_316, %add3A_677 : i32
          %get3A_679 = arith.constant 10 : i32
          %get3A_680 = arith.index_cast %get3A_679 : i32 to index
          %get3A_681 = arith.index_cast %add3A_678 : i32 to index
          %get3A_682 = tpu.vector_load %arg8[%get3A_680, %get3A_681] {strides = array<i32>} : memref<32x1024xf32, #tpu.memory_space<vmem>>, vector<1x16xf32>,
          %get3A_683 = vector.shape_cast %get3A_682 : vector<1x16xf32> to vector<16xf32>
          %add3A_684 = arith.addf %add3A_652, %get3A_683 : vector<16xf32>
          %add3A_685 = arith.constant 48 : i32
          %add3A_686 = arith.addi %mul3A_316, %add3A_685 : i32
          %get3A_687 = arith.constant 10 : i32
          %get3A_688 = arith.index_cast %get3A_687 : i32 to index
          %get3A_689 = arith.index_cast %add3A_686 : i32 to index
          %get3A_690 = tpu.vector_load %arg8[%get3A_688, %get3A_689] {strides = array<i32>} : memref<32x1024xf32, #tpu.memory_space<vmem>>, vector<1x16xf32>,
          %get3A_691 = vector.shape_cast %get3A_690 : vector<1x16xf32> to vector<16xf32>
          %add3A_692 = arith.addf %add3A_660, %get3A_691 : vector<16xf32>
          %add3A_693 = arith.constant 0 : i32
          %add3A_694 = arith.addi %mul3A_316, %add3A_693 : i32
          %get3A_695 = arith.constant 11 : i32
          %get3A_696 = arith.index_cast %get3A_695 : i32 to index
          %get3A_697 = arith.index_cast %add3A_694 : i32 to index
          %get3A_698 = tpu.vector_load %arg8[%get3A_696, %get3A_697] {strides = array<i32>} : memref<32x1024xf32, #tpu.memory_space<vmem>>, vector<1x16xf32>,
          %get3A_699 = vector.shape_cast %get3A_698 : vector<1x16xf32> to vector<16xf32>
          %add3A_700 = arith.addf %add3A_668, %get3A_699 : vector<16xf32>
          %add3A_701 = arith.constant 16 : i32
          %add3A_702 = arith.addi %mul3A_316, %add3A_701 : i32
          %get3A_703 = arith.constant 11 : i32
          %get3A_704 = arith.index_cast %get3A_703 : i32 to index
          %get3A_705 = arith.index_cast %add3A_702 : i32 to index
          %get3A_706 = tpu.vector_load %arg8[%get3A_704, %get3A_705] {strides = array<i32>} : memref<32x1024xf32, #tpu.memory_space<vmem>>, vector<1x16xf32>,
          %get3A_707 = vector.shape_cast %get3A_706 : vector<1x16xf32> to vector<16xf32>
          %add3A_708 = arith.addf %add3A_676, %get3A_707 : vector<16xf32>
          %add3A_709 = arith.constant 32 : i32
          %add3A_710 = arith.addi %mul3A_316, %add3A_709 : i32
          %get3A_711 = arith.constant 11 : i32
          %get3A_712 = arith.index_cast %get3A_711 : i32 to index
          %get3A_713 = arith.index_cast %add3A_710 : i32 to index
          %get3A_714 = tpu.vector_load %arg8[%get3A_712, %get3A_713] {strides = array<i32>} : memref<32x1024xf32, #tpu.memory_space<vmem>>, vector<1x16xf32>,
          %get3A_715 = vector.shape_cast %get3A_714 : vector<1x16xf32> to vector<16xf32>
          %add3A_716 = arith.addf %add3A_684, %get3A_715 : vector<16xf32>
          %add3A_717 = arith.constant 48 : i32
          %add3A_718 = arith.addi %mul3A_316, %add3A_717 : i32
          %get3A_719 = arith.constant 11 : i32
          %get3A_720 = arith.index_cast %get3A_719 : i32 to index
          %get3A_721 = arith.index_cast %add3A_718 : i32 to index
          %get3A_722 = tpu.vector_load %arg8[%get3A_720, %get3A_721] {strides = array<i32>} : memref<32x1024xf32, #tpu.memory_space<vmem>>, vector<1x16xf32>,
          %get3A_723 = vector.shape_cast %get3A_722 : vector<1x16xf32> to vector<16xf32>
          %add3A_724 = arith.addf %add3A_692, %get3A_723 : vector<16xf32>
          %add3A_725 = arith.constant 0 : i32
          %add3A_726 = arith.addi %mul3A_316, %add3A_725 : i32
          %get3A_727 = arith.constant 12 : i32
          %get3A_728 = arith.index_cast %get3A_727 : i32 to index
          %get3A_729 = arith.index_cast %add3A_726 : i32 to index
          %get3A_730 = tpu.vector_load %arg8[%get3A_728, %get3A_729] {strides = array<i32>} : memref<32x1024xf32, #tpu.memory_space<vmem>>, vector<1x16xf32>,
          %get3A_731 = vector.shape_cast %get3A_730 : vector<1x16xf32> to vector<16xf32>
          %add3A_732 = arith.addf %add3A_700, %get3A_731 : vector<16xf32>
          %add3A_733 = arith.constant 16 : i32
          %add3A_734 = arith.addi %mul3A_316, %add3A_733 : i32
          %get3A_735 = arith.constant 12 : i32
          %get3A_736 = arith.index_cast %get3A_735 : i32 to index
          %get3A_737 = arith.index_cast %add3A_734 : i32 to index
          %get3A_738 = tpu.vector_load %arg8[%get3A_736, %get3A_737] {strides = array<i32>} : memref<32x1024xf32, #tpu.memory_space<vmem>>, vector<1x16xf32>,
          %get3A_739 = vector.shape_cast %get3A_738 : vector<1x16xf32> to vector<16xf32>
          %add3A_740 = arith.addf %add3A_708, %get3A_739 : vector<16xf32>
          %add3A_741 = arith.constant 32 : i32
          %add3A_742 = arith.addi %mul3A_316, %add3A_741 : i32
          %get3A_743 = arith.constant 12 : i32
          %get3A_744 = arith.index_cast %get3A_743 : i32 to index
          %get3A_745 = arith.index_cast %add3A_742 : i32 to index
          %get3A_746 = tpu.vector_load %arg8[%get3A_744, %get3A_745] {strides = array<i32>} : memref<32x1024xf32, #tpu.memory_space<vmem>>, vector<1x16xf32>,
          %get3A_747 = vector.shape_cast %get3A_746 : vector<1x16xf32> to vector<16xf32>
          %add3A_748 = arith.addf %add3A_716, %get3A_747 : vector<16xf32>
          %add3A_749 = arith.constant 48 : i32
          %add3A_750 = arith.addi %mul3A_316, %add3A_749 : i32
          %get3A_751 = arith.constant 12 : i32
          %get3A_752 = arith.index_cast %get3A_751 : i32 to index
          %get3A_753 = arith.index_cast %add3A_750 : i32 to index
          %get3A_754 = tpu.vector_load %arg8[%get3A_752, %get3A_753] {strides = array<i32>} : memref<32x1024xf32, #tpu.memory_space<vmem>>, vector<1x16xf32>,
          %get3A_755 = vector.shape_cast %get3A_754 : vector<1x16xf32> to vector<16xf32>
          %add3A_756 = arith.addf %add3A_724, %get3A_755 : vector<16xf32>
          %add3A_757 = arith.constant 0 : i32
          %add3A_758 = arith.addi %mul3A_316, %add3A_757 : i32
          %get3A_759 = arith.constant 13 : i32
          %get3A_760 = arith.index_cast %get3A_759 : i32 to index
          %get3A_761 = arith.index_cast %add3A_758 : i32 to index
          %get3A_762 = tpu.vector_load %arg8[%get3A_760, %get3A_761] {strides = array<i32>} : memref<32x1024xf32, #tpu.memory_space<vmem>>, vector<1x16xf32>,
          %get3A_763 = vector.shape_cast %get3A_762 : vector<1x16xf32> to vector<16xf32>
          %add3A_764 = arith.addf %add3A_732, %get3A_763 : vector<16xf32>
          %add3A_765 = arith.constant 16 : i32
          %add3A_766 = arith.addi %mul3A_316, %add3A_765 : i32
          %get3A_767 = arith.constant 13 : i32
          %get3A_768 = arith.index_cast %get3A_767 : i32 to index
          %get3A_769 = arith.index_cast %add3A_766 : i32 to index
          %get3A_770 = tpu.vector_load %arg8[%get3A_768, %get3A_769] {strides = array<i32>} : memref<32x1024xf32, #tpu.memory_space<vmem>>, vector<1x16xf32>,
          %get3A_771 = vector.shape_cast %get3A_770 : vector<1x16xf32> to vector<16xf32>
          %add3A_772 = arith.addf %add3A_740, %get3A_771 : vector<16xf32>
          %add3A_773 = arith.constant 32 : i32
          %add3A_774 = arith.addi %mul3A_316, %add3A_773 : i32
          %get3A_775 = arith.constant 13 : i32
          %get3A_776 = arith.index_cast %get3A_775 : i32 to index
          %get3A_777 = arith.index_cast %add3A_774 : i32 to index
          %get3A_778 = tpu.vector_load %arg8[%get3A_776, %get3A_777] {strides = array<i32>} : memref<32x1024xf32, #tpu.memory_space<vmem>>, vector<1x16xf32>,
          %get3A_779 = vector.shape_cast %get3A_778 : vector<1x16xf32> to vector<16xf32>
          %add3A_780 = arith.addf %add3A_748, %get3A_779 : vector<16xf32>
          %add3A_781 = arith.constant 48 : i32
          %add3A_782 = arith.addi %mul3A_316, %add3A_781 : i32
          %get3A_783 = arith.constant 13 : i32
          %get3A_784 = arith.index_cast %get3A_783 : i32 to index
          %get3A_785 = arith.index_cast %add3A_782 : i32 to index
          %get3A_786 = tpu.vector_load %arg8[%get3A_784, %get3A_785] {strides = array<i32>} : memref<32x1024xf32, #tpu.memory_space<vmem>>, vector<1x16xf32>,
          %get3A_787 = vector.shape_cast %get3A_786 : vector<1x16xf32> to vector<16xf32>
          %add3A_788 = arith.addf %add3A_756, %get3A_787 : vector<16xf32>
          %add3A_789 = arith.constant 0 : i32
          %add3A_790 = arith.addi %mul3A_316, %add3A_789 : i32
          %get3A_791 = arith.constant 14 : i32
          %get3A_792 = arith.index_cast %get3A_791 : i32 to index
          %get3A_793 = arith.index_cast %add3A_790 : i32 to index
          %get3A_794 = tpu.vector_load %arg8[%get3A_792, %get3A_793] {strides = array<i32>} : memref<32x1024xf32, #tpu.memory_space<vmem>>, vector<1x16xf32>,
          %get3A_795 = vector.shape_cast %get3A_794 : vector<1x16xf32> to vector<16xf32>
          %add3A_796 = arith.addf %add3A_764, %get3A_795 : vector<16xf32>
          %add3A_797 = arith.constant 16 : i32
          %add3A_798 = arith.addi %mul3A_316, %add3A_797 : i32
          %get3A_799 = arith.constant 14 : i32
          %get3A_800 = arith.index_cast %get3A_799 : i32 to index
          %get3A_801 = arith.index_cast %add3A_798 : i32 to index
          %get3A_802 = tpu.vector_load %arg8[%get3A_800, %get3A_801] {strides = array<i32>} : memref<32x1024xf32, #tpu.memory_space<vmem>>, vector<1x16xf32>,
          %get3A_803 = vector.shape_cast %get3A_802 : vector<1x16xf32> to vector<16xf32>
          %add3A_804 = arith.addf %add3A_772, %get3A_803 : vector<16xf32>
          %add3A_805 = arith.constant 32 : i32
          %add3A_806 = arith.addi %mul3A_316, %add3A_805 : i32
          %get3A_807 = arith.constant 14 : i32
          %get3A_808 = arith.index_cast %get3A_807 : i32 to index
          %get3A_809 = arith.index_cast %add3A_806 : i32 to index
          %get3A_810 = tpu.vector_load %arg8[%get3A_808, %get3A_809] {strides = array<i32>} : memref<32x1024xf32, #tpu.memory_space<vmem>>, vector<1x16xf32>,
          %get3A_811 = vector.shape_cast %get3A_810 : vector<1x16xf32> to vector<16xf32>
          %add3A_812 = arith.addf %add3A_780, %get3A_811 : vector<16xf32>
          %add3A_813 = arith.constant 48 : i32
          %add3A_814 = arith.addi %mul3A_316, %add3A_813 : i32
          %get3A_815 = arith.constant 14 : i32
          %get3A_816 = arith.index_cast %get3A_815 : i32 to index
          %get3A_817 = arith.index_cast %add3A_814 : i32 to index
          %get3A_818 = tpu.vector_load %arg8[%get3A_816, %get3A_817] {strides = array<i32>} : memref<32x1024xf32, #tpu.memory_space<vmem>>, vector<1x16xf32>,
          %get3A_819 = vector.shape_cast %get3A_818 : vector<1x16xf32> to vector<16xf32>
          %add3A_820 = arith.addf %add3A_788, %get3A_819 : vector<16xf32>
          %add3A_821 = arith.constant 0 : i32
          %add3A_822 = arith.addi %mul3A_316, %add3A_821 : i32
          %get3A_823 = arith.constant 15 : i32
          %get3A_824 = arith.index_cast %get3A_823 : i32 to index
          %get3A_825 = arith.index_cast %add3A_822 : i32 to index
          %get3A_826 = tpu.vector_load %arg8[%get3A_824, %get3A_825] {strides = array<i32>} : memref<32x1024xf32, #tpu.memory_space<vmem>>, vector<1x16xf32>,
          %get3A_827 = vector.shape_cast %get3A_826 : vector<1x16xf32> to vector<16xf32>
          %add3A_828 = arith.addf %add3A_796, %get3A_827 : vector<16xf32>
          %add3A_829 = arith.constant 16 : i32
          %add3A_830 = arith.addi %mul3A_316, %add3A_829 : i32
          %get3A_831 = arith.constant 15 : i32
          %get3A_832 = arith.index_cast %get3A_831 : i32 to index
          %get3A_833 = arith.index_cast %add3A_830 : i32 to index
          %get3A_834 = tpu.vector_load %arg8[%get3A_832, %get3A_833] {strides = array<i32>} : memref<32x1024xf32, #tpu.memory_space<vmem>>, vector<1x16xf32>,
          %get3A_835 = vector.shape_cast %get3A_834 : vector<1x16xf32> to vector<16xf32>
          %add3A_836 = arith.addf %add3A_804, %get3A_835 : vector<16xf32>
          %add3A_837 = arith.constant 32 : i32
          %add3A_838 = arith.addi %mul3A_316, %add3A_837 : i32
          %get3A_839 = arith.constant 15 : i32
          %get3A_840 = arith.index_cast %get3A_839 : i32 to index
          %get3A_841 = arith.index_cast %add3A_838 : i32 to index
          %get3A_842 = tpu.vector_load %arg8[%get3A_840, %get3A_841] {strides = array<i32>} : memref<32x1024xf32, #tpu.memory_space<vmem>>, vector<1x16xf32>,
          %get3A_843 = vector.shape_cast %get3A_842 : vector<1x16xf32> to vector<16xf32>
          %add3A_844 = arith.addf %add3A_812, %get3A_843 : vector<16xf32>
          %add3A_845 = arith.constant 48 : i32
          %add3A_846 = arith.addi %mul3A_316, %add3A_845 : i32
          %get3A_847 = arith.constant 15 : i32
          %get3A_848 = arith.index_cast %get3A_847 : i32 to index
          %get3A_849 = arith.index_cast %add3A_846 : i32 to index
          %get3A_850 = tpu.vector_load %arg8[%get3A_848, %get3A_849] {strides = array<i32>} : memref<32x1024xf32, #tpu.memory_space<vmem>>, vector<1x16xf32>,
          %get3A_851 = vector.shape_cast %get3A_850 : vector<1x16xf32> to vector<16xf32>
          %add3A_852 = arith.addf %add3A_820, %get3A_851 : vector<16xf32>
          %add3A_853 = arith.constant 0 : i32
          %add3A_854 = arith.addi %mul3A_316, %add3A_853 : i32
          %get3A_855 = arith.constant 16 : i32
          %get3A_856 = arith.index_cast %get3A_855 : i32 to index
          %get3A_857 = arith.index_cast %add3A_854 : i32 to index
          %get3A_858 = tpu.vector_load %arg8[%get3A_856, %get3A_857] {strides = array<i32>} : memref<32x1024xf32, #tpu.memory_space<vmem>>, vector<1x16xf32>,
          %get3A_859 = vector.shape_cast %get3A_858 : vector<1x16xf32> to vector<16xf32>
          %add3A_860 = arith.addf %add3A_828, %get3A_859 : vector<16xf32>
          %add3A_861 = arith.constant 16 : i32
          %add3A_862 = arith.addi %mul3A_316, %add3A_861 : i32
          %get3A_863 = arith.constant 16 : i32
          %get3A_864 = arith.index_cast %get3A_863 : i32 to index
          %get3A_865 = arith.index_cast %add3A_862 : i32 to index
          %get3A_866 = tpu.vector_load %arg8[%get3A_864, %get3A_865] {strides = array<i32>} : memref<32x1024xf32, #tpu.memory_space<vmem>>, vector<1x16xf32>,
          %get3A_867 = vector.shape_cast %get3A_866 : vector<1x16xf32> to vector<16xf32>
          %add3A_868 = arith.addf %add3A_836, %get3A_867 : vector<16xf32>
          %add3A_869 = arith.constant 32 : i32
          %add3A_870 = arith.addi %mul3A_316, %add3A_869 : i32
          %get3A_871 = arith.constant 16 : i32
          %get3A_872 = arith.index_cast %get3A_871 : i32 to index
          %get3A_873 = arith.index_cast %add3A_870 : i32 to index
          %get3A_874 = tpu.vector_load %arg8[%get3A_872, %get3A_873] {strides = array<i32>} : memref<32x1024xf32, #tpu.memory_space<vmem>>, vector<1x16xf32>,
          %get3A_875 = vector.shape_cast %get3A_874 : vector<1x16xf32> to vector<16xf32>
          %add3A_876 = arith.addf %add3A_844, %get3A_875 : vector<16xf32>
          %add3A_877 = arith.constant 48 : i32
          %add3A_878 = arith.addi %mul3A_316, %add3A_877 : i32
          %get3A_879 = arith.constant 16 : i32
          %get3A_880 = arith.index_cast %get3A_879 : i32 to index
          %get3A_881 = arith.index_cast %add3A_878 : i32 to index
          %get3A_882 = tpu.vector_load %arg8[%get3A_880, %get3A_881] {strides = array<i32>} : memref<32x1024xf32, #tpu.memory_space<vmem>>, vector<1x16xf32>,
          %get3A_883 = vector.shape_cast %get3A_882 : vector<1x16xf32> to vector<16xf32>
          %add3A_884 = arith.addf %add3A_852, %get3A_883 : vector<16xf32>
          %add3A_885 = arith.constant 0 : i32
          %add3A_886 = arith.addi %mul3A_316, %add3A_885 : i32
          %get3A_887 = arith.constant 17 : i32
          %get3A_888 = arith.index_cast %get3A_887 : i32 to index
          %get3A_889 = arith.index_cast %add3A_886 : i32 to index
          %get3A_890 = tpu.vector_load %arg8[%get3A_888, %get3A_889] {strides = array<i32>} : memref<32x1024xf32, #tpu.memory_space<vmem>>, vector<1x16xf32>,
          %get3A_891 = vector.shape_cast %get3A_890 : vector<1x16xf32> to vector<16xf32>
          %add3A_892 = arith.addf %add3A_860, %get3A_891 : vector<16xf32>
          %add3A_893 = arith.constant 16 : i32
          %add3A_894 = arith.addi %mul3A_316, %add3A_893 : i32
          %get3A_895 = arith.constant 17 : i32
          %get3A_896 = arith.index_cast %get3A_895 : i32 to index
          %get3A_897 = arith.index_cast %add3A_894 : i32 to index
          %get3A_898 = tpu.vector_load %arg8[%get3A_896, %get3A_897] {strides = array<i32>} : memref<32x1024xf32, #tpu.memory_space<vmem>>, vector<1x16xf32>,
          %get3A_899 = vector.shape_cast %get3A_898 : vector<1x16xf32> to vector<16xf32>
          %add3A_900 = arith.addf %add3A_868, %get3A_899 : vector<16xf32>
          %add3A_901 = arith.constant 32 : i32
          %add3A_902 = arith.addi %mul3A_316, %add3A_901 : i32
          %get3A_903 = arith.constant 17 : i32
          %get3A_904 = arith.index_cast %get3A_903 : i32 to index
          %get3A_905 = arith.index_cast %add3A_902 : i32 to index
          %get3A_906 = tpu.vector_load %arg8[%get3A_904, %get3A_905] {strides = array<i32>} : memref<32x1024xf32, #tpu.memory_space<vmem>>, vector<1x16xf32>,
          %get3A_907 = vector.shape_cast %get3A_906 : vector<1x16xf32> to vector<16xf32>
          %add3A_908 = arith.addf %add3A_876, %get3A_907 : vector<16xf32>
          %add3A_909 = arith.constant 48 : i32
          %add3A_910 = arith.addi %mul3A_316, %add3A_909 : i32
          %get3A_911 = arith.constant 17 : i32
          %get3A_912 = arith.index_cast %get3A_911 : i32 to index
          %get3A_913 = arith.index_cast %add3A_910 : i32 to index
          %get3A_914 = tpu.vector_load %arg8[%get3A_912, %get3A_913] {strides = array<i32>} : memref<32x1024xf32, #tpu.memory_space<vmem>>, vector<1x16xf32>,
          %get3A_915 = vector.shape_cast %get3A_914 : vector<1x16xf32> to vector<16xf32>
          %add3A_916 = arith.addf %add3A_884, %get3A_915 : vector<16xf32>
          %add3A_917 = arith.constant 0 : i32
          %add3A_918 = arith.addi %mul3A_316, %add3A_917 : i32
          %get3A_919 = arith.constant 18 : i32
          %get3A_920 = arith.index_cast %get3A_919 : i32 to index
          %get3A_921 = arith.index_cast %add3A_918 : i32 to index
          %get3A_922 = tpu.vector_load %arg8[%get3A_920, %get3A_921] {strides = array<i32>} : memref<32x1024xf32, #tpu.memory_space<vmem>>, vector<1x16xf32>,
          %get3A_923 = vector.shape_cast %get3A_922 : vector<1x16xf32> to vector<16xf32>
          %add3A_924 = arith.addf %add3A_892, %get3A_923 : vector<16xf32>
          %add3A_925 = arith.constant 16 : i32
          %add3A_926 = arith.addi %mul3A_316, %add3A_925 : i32
          %get3A_927 = arith.constant 18 : i32
          %get3A_928 = arith.index_cast %get3A_927 : i32 to index
          %get3A_929 = arith.index_cast %add3A_926 : i32 to index
          %get3A_930 = tpu.vector_load %arg8[%get3A_928, %get3A_929] {strides = array<i32>} : memref<32x1024xf32, #tpu.memory_space<vmem>>, vector<1x16xf32>,
          %get3A_931 = vector.shape_cast %get3A_930 : vector<1x16xf32> to vector<16xf32>
          %add3A_932 = arith.addf %add3A_900, %get3A_931 : vector<16xf32>
          %add3A_933 = arith.constant 32 : i32
          %add3A_934 = arith.addi %mul3A_316, %add3A_933 : i32
          %get3A_935 = arith.constant 18 : i32
          %get3A_936 = arith.index_cast %get3A_935 : i32 to index
          %get3A_937 = arith.index_cast %add3A_934 : i32 to index
          %get3A_938 = tpu.vector_load %arg8[%get3A_936, %get3A_937] {strides = array<i32>} : memref<32x1024xf32, #tpu.memory_space<vmem>>, vector<1x16xf32>,
          %get3A_939 = vector.shape_cast %get3A_938 : vector<1x16xf32> to vector<16xf32>
          %add3A_940 = arith.addf %add3A_908, %get3A_939 : vector<16xf32>
          %add3A_941 = arith.constant 48 : i32
          %add3A_942 = arith.addi %mul3A_316, %add3A_941 : i32
          %get3A_943 = arith.constant 18 : i32
          %get3A_944 = arith.index_cast %get3A_943 : i32 to index
          %get3A_945 = arith.index_cast %add3A_942 : i32 to index
          %get3A_946 = tpu.vector_load %arg8[%get3A_944, %get3A_945] {strides = array<i32>} : memref<32x1024xf32, #tpu.memory_space<vmem>>, vector<1x16xf32>,
          %get3A_947 = vector.shape_cast %get3A_946 : vector<1x16xf32> to vector<16xf32>
          %add3A_948 = arith.addf %add3A_916, %get3A_947 : vector<16xf32>
          %add3A_949 = arith.constant 0 : i32
          %add3A_950 = arith.addi %mul3A_316, %add3A_949 : i32
          %get3A_951 = arith.constant 19 : i32
          %get3A_952 = arith.index_cast %get3A_951 : i32 to index
          %get3A_953 = arith.index_cast %add3A_950 : i32 to index
          %get3A_954 = tpu.vector_load %arg8[%get3A_952, %get3A_953] {strides = array<i32>} : memref<32x1024xf32, #tpu.memory_space<vmem>>, vector<1x16xf32>,
          %get3A_955 = vector.shape_cast %get3A_954 : vector<1x16xf32> to vector<16xf32>
          %add3A_956 = arith.addf %add3A_924, %get3A_955 : vector<16xf32>
          %add3A_957 = arith.constant 16 : i32
          %add3A_958 = arith.addi %mul3A_316, %add3A_957 : i32
          %get3A_959 = arith.constant 19 : i32
          %get3A_960 = arith.index_cast %get3A_959 : i32 to index
          %get3A_961 = arith.index_cast %add3A_958 : i32 to index
          %get3A_962 = tpu.vector_load %arg8[%get3A_960, %get3A_961] {strides = array<i32>} : memref<32x1024xf32, #tpu.memory_space<vmem>>, vector<1x16xf32>,
          %get3A_963 = vector.shape_cast %get3A_962 : vector<1x16xf32> to vector<16xf32>
          %add3A_964 = arith.addf %add3A_932, %get3A_963 : vector<16xf32>
          %add3A_965 = arith.constant 32 : i32
          %add3A_966 = arith.addi %mul3A_316, %add3A_965 : i32
          %get3A_967 = arith.constant 19 : i32
          %get3A_968 = arith.index_cast %get3A_967 : i32 to index
          %get3A_969 = arith.index_cast %add3A_966 : i32 to index
          %get3A_970 = tpu.vector_load %arg8[%get3A_968, %get3A_969] {strides = array<i32>} : memref<32x1024xf32, #tpu.memory_space<vmem>>, vector<1x16xf32>,
          %get3A_971 = vector.shape_cast %get3A_970 : vector<1x16xf32> to vector<16xf32>
          %add3A_972 = arith.addf %add3A_940, %get3A_971 : vector<16xf32>
          %add3A_973 = arith.constant 48 : i32
          %add3A_974 = arith.addi %mul3A_316, %add3A_973 : i32
          %get3A_975 = arith.constant 19 : i32
          %get3A_976 = arith.index_cast %get3A_975 : i32 to index
          %get3A_977 = arith.index_cast %add3A_974 : i32 to index
          %get3A_978 = tpu.vector_load %arg8[%get3A_976, %get3A_977] {strides = array<i32>} : memref<32x1024xf32, #tpu.memory_space<vmem>>, vector<1x16xf32>,
          %get3A_979 = vector.shape_cast %get3A_978 : vector<1x16xf32> to vector<16xf32>
          %add3A_980 = arith.addf %add3A_948, %get3A_979 : vector<16xf32>
          %add3A_981 = arith.constant 0 : i32
          %add3A_982 = arith.addi %mul3A_316, %add3A_981 : i32
          %get3A_983 = arith.constant 20 : i32
          %get3A_984 = arith.index_cast %get3A_983 : i32 to index
          %get3A_985 = arith.index_cast %add3A_982 : i32 to index
          %get3A_986 = tpu.vector_load %arg8[%get3A_984, %get3A_985] {strides = array<i32>} : memref<32x1024xf32, #tpu.memory_space<vmem>>, vector<1x16xf32>,
          %get3A_987 = vector.shape_cast %get3A_986 : vector<1x16xf32> to vector<16xf32>
          %add3A_988 = arith.addf %add3A_956, %get3A_987 : vector<16xf32>
          %add3A_989 = arith.constant 16 : i32
          %add3A_990 = arith.addi %mul3A_316, %add3A_989 : i32
          %get3A_991 = arith.constant 20 : i32
          %get3A_992 = arith.index_cast %get3A_991 : i32 to index
          %get3A_993 = arith.index_cast %add3A_990 : i32 to index
          %get3A_994 = tpu.vector_load %arg8[%get3A_992, %get3A_993] {strides = array<i32>} : memref<32x1024xf32, #tpu.memory_space<vmem>>, vector<1x16xf32>,
          %get3A_995 = vector.shape_cast %get3A_994 : vector<1x16xf32> to vector<16xf32>
          %add3A_996 = arith.addf %add3A_964, %get3A_995 : vector<16xf32>
          %add3A_997 = arith.constant 32 : i32
          %add3A_998 = arith.addi %mul3A_316, %add3A_997 : i32
          %get3A_999 = arith.constant 20 : i32
          %get3A_1000 = arith.index_cast %get3A_999 : i32 to index
          %get3A_1001 = arith.index_cast %add3A_998 : i32 to index
          %get3A_1002 = tpu.vector_load %arg8[%get3A_1000, %get3A_1001] {strides = array<i32>} : memref<32x1024xf32, #tpu.memory_space<vmem>>, vector<1x16xf32>,
          %get3A_1003 = vector.shape_cast %get3A_1002 : vector<1x16xf32> to vector<16xf32>
          %add3A_1004 = arith.addf %add3A_972, %get3A_1003 : vector<16xf32>
          %add3A_1005 = arith.constant 48 : i32
          %add3A_1006 = arith.addi %mul3A_316, %add3A_1005 : i32
          %get3A_1007 = arith.constant 20 : i32
          %get3A_1008 = arith.index_cast %get3A_1007 : i32 to index
          %get3A_1009 = arith.index_cast %add3A_1006 : i32 to index
          %get3A_1010 = tpu.vector_load %arg8[%get3A_1008, %get3A_1009] {strides = array<i32>} : memref<32x1024xf32, #tpu.memory_space<vmem>>, vector<1x16xf32>,
          %get3A_1011 = vector.shape_cast %get3A_1010 : vector<1x16xf32> to vector<16xf32>
          %add3A_1012 = arith.addf %add3A_980, %get3A_1011 : vector<16xf32>
          %add3A_1013 = arith.constant 0 : i32
          %add3A_1014 = arith.addi %mul3A_316, %add3A_1013 : i32
          %get3A_1015 = arith.constant 21 : i32
          %get3A_1016 = arith.index_cast %get3A_1015 : i32 to index
          %get3A_1017 = arith.index_cast %add3A_1014 : i32 to index
          %get3A_1018 = tpu.vector_load %arg8[%get3A_1016, %get3A_1017] {strides = array<i32>} : memref<32x1024xf32, #tpu.memory_space<vmem>>, vector<1x16xf32>,
          %get3A_1019 = vector.shape_cast %get3A_1018 : vector<1x16xf32> to vector<16xf32>
          %add3A_1020 = arith.addf %add3A_988, %get3A_1019 : vector<16xf32>
          %add3A_1021 = arith.constant 16 : i32
          %add3A_1022 = arith.addi %mul3A_316, %add3A_1021 : i32
          %get3A_1023 = arith.constant 21 : i32
          %get3A_1024 = arith.index_cast %get3A_1023 : i32 to index
          %get3A_1025 = arith.index_cast %add3A_1022 : i32 to index
          %get3A_1026 = tpu.vector_load %arg8[%get3A_1024, %get3A_1025] {strides = array<i32>} : memref<32x1024xf32, #tpu.memory_space<vmem>>, vector<1x16xf32>,
          %get3A_1027 = vector.shape_cast %get3A_1026 : vector<1x16xf32> to vector<16xf32>
          %add3A_1028 = arith.addf %add3A_996, %get3A_1027 : vector<16xf32>
          %add3A_1029 = arith.constant 32 : i32
          %add3A_1030 = arith.addi %mul3A_316, %add3A_1029 : i32
          %get3A_1031 = arith.constant 21 : i32
          %get3A_1032 = arith.index_cast %get3A_1031 : i32 to index
          %get3A_1033 = arith.index_cast %add3A_1030 : i32 to index
          %get3A_1034 = tpu.vector_load %arg8[%get3A_1032, %get3A_1033] {strides = array<i32>} : memref<32x1024xf32, #tpu.memory_space<vmem>>, vector<1x16xf32>,
          %get3A_1035 = vector.shape_cast %get3A_1034 : vector<1x16xf32> to vector<16xf32>
          %add3A_1036 = arith.addf %add3A_1004, %get3A_1035 : vector<16xf32>
          %add3A_1037 = arith.constant 48 : i32
          %add3A_1038 = arith.addi %mul3A_316, %add3A_1037 : i32
          %get3A_1039 = arith.constant 21 : i32
          %get3A_1040 = arith.index_cast %get3A_1039 : i32 to index
          %get3A_1041 = arith.index_cast %add3A_1038 : i32 to index
          %get3A_1042 = tpu.vector_load %arg8[%get3A_1040, %get3A_1041] {strides = array<i32>} : memref<32x1024xf32, #tpu.memory_space<vmem>>, vector<1x16xf32>,
          %get3A_1043 = vector.shape_cast %get3A_1042 : vector<1x16xf32> to vector<16xf32>
          %add3A_1044 = arith.addf %add3A_1012, %get3A_1043 : vector<16xf32>
          %add3A_1045 = arith.constant 0 : i32
          %add3A_1046 = arith.addi %mul3A_316, %add3A_1045 : i32
          %get3A_1047 = arith.constant 22 : i32
          %get3A_1048 = arith.index_cast %get3A_1047 : i32 to index
          %get3A_1049 = arith.index_cast %add3A_1046 : i32 to index
          %get3A_1050 = tpu.vector_load %arg8[%get3A_1048, %get3A_1049] {strides = array<i32>} : memref<32x1024xf32, #tpu.memory_space<vmem>>, vector<1x16xf32>,
          %get3A_1051 = vector.shape_cast %get3A_1050 : vector<1x16xf32> to vector<16xf32>
          %add3A_1052 = arith.addf %add3A_1020, %get3A_1051 : vector<16xf32>
          %add3A_1053 = arith.constant 16 : i32
          %add3A_1054 = arith.addi %mul3A_316, %add3A_1053 : i32
          %get3A_1055 = arith.constant 22 : i32
          %get3A_1056 = arith.index_cast %get3A_1055 : i32 to index
          %get3A_1057 = arith.index_cast %add3A_1054 : i32 to index
          %get3A_1058 = tpu.vector_load %arg8[%get3A_1056, %get3A_1057] {strides = array<i32>} : memref<32x1024xf32, #tpu.memory_space<vmem>>, vector<1x16xf32>,
          %get3A_1059 = vector.shape_cast %get3A_1058 : vector<1x16xf32> to vector<16xf32>
          %add3A_1060 = arith.addf %add3A_1028, %get3A_1059 : vector<16xf32>
          %add3A_1061 = arith.constant 32 : i32
          %add3A_1062 = arith.addi %mul3A_316, %add3A_1061 : i32
          %get3A_1063 = arith.constant 22 : i32
          %get3A_1064 = arith.index_cast %get3A_1063 : i32 to index
          %get3A_1065 = arith.index_cast %add3A_1062 : i32 to index
          %get3A_1066 = tpu.vector_load %arg8[%get3A_1064, %get3A_1065] {strides = array<i32>} : memref<32x1024xf32, #tpu.memory_space<vmem>>, vector<1x16xf32>,
          %get3A_1067 = vector.shape_cast %get3A_1066 : vector<1x16xf32> to vector<16xf32>
          %add3A_1068 = arith.addf %add3A_1036, %get3A_1067 : vector<16xf32>
          %add3A_1069 = arith.constant 48 : i32
          %add3A_1070 = arith.addi %mul3A_316, %add3A_1069 : i32
          %get3A_1071 = arith.constant 22 : i32
          %get3A_1072 = arith.index_cast %get3A_1071 : i32 to index
          %get3A_1073 = arith.index_cast %add3A_1070 : i32 to index
          %get3A_1074 = tpu.vector_load %arg8[%get3A_1072, %get3A_1073] {strides = array<i32>} : memref<32x1024xf32, #tpu.memory_space<vmem>>, vector<1x16xf32>,
          %get3A_1075 = vector.shape_cast %get3A_1074 : vector<1x16xf32> to vector<16xf32>
          %add3A_1076 = arith.addf %add3A_1044, %get3A_1075 : vector<16xf32>
          %add3A_1077 = arith.constant 0 : i32
          %add3A_1078 = arith.addi %mul3A_316, %add3A_1077 : i32
          %get3A_1079 = arith.constant 23 : i32
          %get3A_1080 = arith.index_cast %get3A_1079 : i32 to index
          %get3A_1081 = arith.index_cast %add3A_1078 : i32 to index
          %get3A_1082 = tpu.vector_load %arg8[%get3A_1080, %get3A_1081] {strides = array<i32>} : memref<32x1024xf32, #tpu.memory_space<vmem>>, vector<1x16xf32>,
          %get3A_1083 = vector.shape_cast %get3A_1082 : vector<1x16xf32> to vector<16xf32>
          %add3A_1084 = arith.addf %add3A_1052, %get3A_1083 : vector<16xf32>
          %add3A_1085 = arith.constant 16 : i32
          %add3A_1086 = arith.addi %mul3A_316, %add3A_1085 : i32
          %get3A_1087 = arith.constant 23 : i32
          %get3A_1088 = arith.index_cast %get3A_1087 : i32 to index
          %get3A_1089 = arith.index_cast %add3A_1086 : i32 to index
          %get3A_1090 = tpu.vector_load %arg8[%get3A_1088, %get3A_1089] {strides = array<i32>} : memref<32x1024xf32, #tpu.memory_space<vmem>>, vector<1x16xf32>,
          %get3A_1091 = vector.shape_cast %get3A_1090 : vector<1x16xf32> to vector<16xf32>
          %add3A_1092 = arith.addf %add3A_1060, %get3A_1091 : vector<16xf32>
          %add3A_1093 = arith.constant 32 : i32
          %add3A_1094 = arith.addi %mul3A_316, %add3A_1093 : i32
          %get3A_1095 = arith.constant 23 : i32
          %get3A_1096 = arith.index_cast %get3A_1095 : i32 to index
          %get3A_1097 = arith.index_cast %add3A_1094 : i32 to index
          %get3A_1098 = tpu.vector_load %arg8[%get3A_1096, %get3A_1097] {strides = array<i32>} : memref<32x1024xf32, #tpu.memory_space<vmem>>, vector<1x16xf32>,
          %get3A_1099 = vector.shape_cast %get3A_1098 : vector<1x16xf32> to vector<16xf32>
          %add3A_1100 = arith.addf %add3A_1068, %get3A_1099 : vector<16xf32>
          %add3A_1101 = arith.constant 48 : i32
          %add3A_1102 = arith.addi %mul3A_316, %add3A_1101 : i32
          %get3A_1103 = arith.constant 23 : i32
          %get3A_1104 = arith.index_cast %get3A_1103 : i32 to index
          %get3A_1105 = arith.index_cast %add3A_1102 : i32 to index
          %get3A_1106 = tpu.vector_load %arg8[%get3A_1104, %get3A_1105] {strides = array<i32>} : memref<32x1024xf32, #tpu.memory_space<vmem>>, vector<1x16xf32>,
          %get3A_1107 = vector.shape_cast %get3A_1106 : vector<1x16xf32> to vector<16xf32>
          %add3A_1108 = arith.addf %add3A_1076, %get3A_1107 : vector<16xf32>
          %add3A_1109 = arith.constant 0 : i32
          %add3A_1110 = arith.addi %mul3A_316, %add3A_1109 : i32
          %get3A_1111 = arith.constant 24 : i32
          %get3A_1112 = arith.index_cast %get3A_1111 : i32 to index
          %get3A_1113 = arith.index_cast %add3A_1110 : i32 to index
          %get3A_1114 = tpu.vector_load %arg8[%get3A_1112, %get3A_1113] {strides = array<i32>} : memref<32x1024xf32, #tpu.memory_space<vmem>>, vector<1x16xf32>,
          %get3A_1115 = vector.shape_cast %get3A_1114 : vector<1x16xf32> to vector<16xf32>
          %add3A_1116 = arith.addf %add3A_1084, %get3A_1115 : vector<16xf32>
          %add3A_1117 = arith.constant 16 : i32
          %add3A_1118 = arith.addi %mul3A_316, %add3A_1117 : i32
          %get3A_1119 = arith.constant 24 : i32
          %get3A_1120 = arith.index_cast %get3A_1119 : i32 to index
          %get3A_1121 = arith.index_cast %add3A_1118 : i32 to index
          %get3A_1122 = tpu.vector_load %arg8[%get3A_1120, %get3A_1121] {strides = array<i32>} : memref<32x1024xf32, #tpu.memory_space<vmem>>, vector<1x16xf32>,
          %get3A_1123 = vector.shape_cast %get3A_1122 : vector<1x16xf32> to vector<16xf32>
          %add3A_1124 = arith.addf %add3A_1092, %get3A_1123 : vector<16xf32>
          %add3A_1125 = arith.constant 32 : i32
          %add3A_1126 = arith.addi %mul3A_316, %add3A_1125 : i32
          %get3A_1127 = arith.constant 24 : i32
          %get3A_1128 = arith.index_cast %get3A_1127 : i32 to index
          %get3A_1129 = arith.index_cast %add3A_1126 : i32 to index
          %get3A_1130 = tpu.vector_load %arg8[%get3A_1128, %get3A_1129] {strides = array<i32>} : memref<32x1024xf32, #tpu.memory_space<vmem>>, vector<1x16xf32>,
          %get3A_1131 = vector.shape_cast %get3A_1130 : vector<1x16xf32> to vector<16xf32>
          %add3A_1132 = arith.addf %add3A_1100, %get3A_1131 : vector<16xf32>
          %add3A_1133 = arith.constant 48 : i32
          %add3A_1134 = arith.addi %mul3A_316, %add3A_1133 : i32
          %get3A_1135 = arith.constant 24 : i32
          %get3A_1136 = arith.index_cast %get3A_1135 : i32 to index
          %get3A_1137 = arith.index_cast %add3A_1134 : i32 to index
          %get3A_1138 = tpu.vector_load %arg8[%get3A_1136, %get3A_1137] {strides = array<i32>} : memref<32x1024xf32, #tpu.memory_space<vmem>>, vector<1x16xf32>,
          %get3A_1139 = vector.shape_cast %get3A_1138 : vector<1x16xf32> to vector<16xf32>
          %add3A_1140 = arith.addf %add3A_1108, %get3A_1139 : vector<16xf32>
          %add3A_1141 = arith.constant 0 : i32
          %add3A_1142 = arith.addi %mul3A_316, %add3A_1141 : i32
          %get3A_1143 = arith.constant 25 : i32
          %get3A_1144 = arith.index_cast %get3A_1143 : i32 to index
          %get3A_1145 = arith.index_cast %add3A_1142 : i32 to index
          %get3A_1146 = tpu.vector_load %arg8[%get3A_1144, %get3A_1145] {strides = array<i32>} : memref<32x1024xf32, #tpu.memory_space<vmem>>, vector<1x16xf32>,
          %get3A_1147 = vector.shape_cast %get3A_1146 : vector<1x16xf32> to vector<16xf32>
          %add3A_1148 = arith.addf %add3A_1116, %get3A_1147 : vector<16xf32>
          %add3A_1149 = arith.constant 16 : i32
          %add3A_1150 = arith.addi %mul3A_316, %add3A_1149 : i32
          %get3A_1151 = arith.constant 25 : i32
          %get3A_1152 = arith.index_cast %get3A_1151 : i32 to index
          %get3A_1153 = arith.index_cast %add3A_1150 : i32 to index
          %get3A_1154 = tpu.vector_load %arg8[%get3A_1152, %get3A_1153] {strides = array<i32>} : memref<32x1024xf32, #tpu.memory_space<vmem>>, vector<1x16xf32>,
          %get3A_1155 = vector.shape_cast %get3A_1154 : vector<1x16xf32> to vector<16xf32>
          %add3A_1156 = arith.addf %add3A_1124, %get3A_1155 : vector<16xf32>
          %add3A_1157 = arith.constant 32 : i32
          %add3A_1158 = arith.addi %mul3A_316, %add3A_1157 : i32
          %get3A_1159 = arith.constant 25 : i32
          %get3A_1160 = arith.index_cast %get3A_1159 : i32 to index
          %get3A_1161 = arith.index_cast %add3A_1158 : i32 to index
          %get3A_1162 = tpu.vector_load %arg8[%get3A_1160, %get3A_1161] {strides = array<i32>} : memref<32x1024xf32, #tpu.memory_space<vmem>>, vector<1x16xf32>,
          %get3A_1163 = vector.shape_cast %get3A_1162 : vector<1x16xf32> to vector<16xf32>
          %add3A_1164 = arith.addf %add3A_1132, %get3A_1163 : vector<16xf32>
          %add3A_1165 = arith.constant 48 : i32
          %add3A_1166 = arith.addi %mul3A_316, %add3A_1165 : i32
          %get3A_1167 = arith.constant 25 : i32
          %get3A_1168 = arith.index_cast %get3A_1167 : i32 to index
          %get3A_1169 = arith.index_cast %add3A_1166 : i32 to index
          %get3A_1170 = tpu.vector_load %arg8[%get3A_1168, %get3A_1169] {strides = array<i32>} : memref<32x1024xf32, #tpu.memory_space<vmem>>, vector<1x16xf32>,
          %get3A_1171 = vector.shape_cast %get3A_1170 : vector<1x16xf32> to vector<16xf32>
          %add3A_1172 = arith.addf %add3A_1140, %get3A_1171 : vector<16xf32>
          %add3A_1173 = arith.constant 0 : i32
          %add3A_1174 = arith.addi %mul3A_316, %add3A_1173 : i32
          %get3A_1175 = arith.constant 26 : i32
          %get3A_1176 = arith.index_cast %get3A_1175 : i32 to index
          %get3A_1177 = arith.index_cast %add3A_1174 : i32 to index
          %get3A_1178 = tpu.vector_load %arg8[%get3A_1176, %get3A_1177] {strides = array<i32>} : memref<32x1024xf32, #tpu.memory_space<vmem>>, vector<1x16xf32>,
          %get3A_1179 = vector.shape_cast %get3A_1178 : vector<1x16xf32> to vector<16xf32>
          %add3A_1180 = arith.addf %add3A_1148, %get3A_1179 : vector<16xf32>
          %add3A_1181 = arith.constant 16 : i32
          %add3A_1182 = arith.addi %mul3A_316, %add3A_1181 : i32
          %get3A_1183 = arith.constant 26 : i32
          %get3A_1184 = arith.index_cast %get3A_1183 : i32 to index
          %get3A_1185 = arith.index_cast %add3A_1182 : i32 to index
          %get3A_1186 = tpu.vector_load %arg8[%get3A_1184, %get3A_1185] {strides = array<i32>} : memref<32x1024xf32, #tpu.memory_space<vmem>>, vector<1x16xf32>,
          %get3A_1187 = vector.shape_cast %get3A_1186 : vector<1x16xf32> to vector<16xf32>
          %add3A_1188 = arith.addf %add3A_1156, %get3A_1187 : vector<16xf32>
          %add3A_1189 = arith.constant 32 : i32
          %add3A_1190 = arith.addi %mul3A_316, %add3A_1189 : i32
          %get3A_1191 = arith.constant 26 : i32
          %get3A_1192 = arith.index_cast %get3A_1191 : i32 to index
          %get3A_1193 = arith.index_cast %add3A_1190 : i32 to index
          %get3A_1194 = tpu.vector_load %arg8[%get3A_1192, %get3A_1193] {strides = array<i32>} : memref<32x1024xf32, #tpu.memory_space<vmem>>, vector<1x16xf32>,
          %get3A_1195 = vector.shape_cast %get3A_1194 : vector<1x16xf32> to vector<16xf32>
          %add3A_1196 = arith.addf %add3A_1164, %get3A_1195 : vector<16xf32>
          %add3A_1197 = arith.constant 48 : i32
          %add3A_1198 = arith.addi %mul3A_316, %add3A_1197 : i32
          %get3A_1199 = arith.constant 26 : i32
          %get3A_1200 = arith.index_cast %get3A_1199 : i32 to index
          %get3A_1201 = arith.index_cast %add3A_1198 : i32 to index
          %get3A_1202 = tpu.vector_load %arg8[%get3A_1200, %get3A_1201] {strides = array<i32>} : memref<32x1024xf32, #tpu.memory_space<vmem>>, vector<1x16xf32>,
          %get3A_1203 = vector.shape_cast %get3A_1202 : vector<1x16xf32> to vector<16xf32>
          %add3A_1204 = arith.addf %add3A_1172, %get3A_1203 : vector<16xf32>
          %add3A_1205 = arith.constant 0 : i32
          %add3A_1206 = arith.addi %mul3A_316, %add3A_1205 : i32
          %get3A_1207 = arith.constant 27 : i32
          %get3A_1208 = arith.index_cast %get3A_1207 : i32 to index
          %get3A_1209 = arith.index_cast %add3A_1206 : i32 to index
          %get3A_1210 = tpu.vector_load %arg8[%get3A_1208, %get3A_1209] {strides = array<i32>} : memref<32x1024xf32, #tpu.memory_space<vmem>>, vector<1x16xf32>,
          %get3A_1211 = vector.shape_cast %get3A_1210 : vector<1x16xf32> to vector<16xf32>
          %add3A_1212 = arith.addf %add3A_1180, %get3A_1211 : vector<16xf32>
          %add3A_1213 = arith.constant 16 : i32
          %add3A_1214 = arith.addi %mul3A_316, %add3A_1213 : i32
          %get3A_1215 = arith.constant 27 : i32
          %get3A_1216 = arith.index_cast %get3A_1215 : i32 to index
          %get3A_1217 = arith.index_cast %add3A_1214 : i32 to index
          %get3A_1218 = tpu.vector_load %arg8[%get3A_1216, %get3A_1217] {strides = array<i32>} : memref<32x1024xf32, #tpu.memory_space<vmem>>, vector<1x16xf32>,
          %get3A_1219 = vector.shape_cast %get3A_1218 : vector<1x16xf32> to vector<16xf32>
          %add3A_1220 = arith.addf %add3A_1188, %get3A_1219 : vector<16xf32>
          %add3A_1221 = arith.constant 32 : i32
          %add3A_1222 = arith.addi %mul3A_316, %add3A_1221 : i32
          %get3A_1223 = arith.constant 27 : i32
          %get3A_1224 = arith.index_cast %get3A_1223 : i32 to index
          %get3A_1225 = arith.index_cast %add3A_1222 : i32 to index
          %get3A_1226 = tpu.vector_load %arg8[%get3A_1224, %get3A_1225] {strides = array<i32>} : memref<32x1024xf32, #tpu.memory_space<vmem>>, vector<1x16xf32>,
          %get3A_1227 = vector.shape_cast %get3A_1226 : vector<1x16xf32> to vector<16xf32>
          %add3A_1228 = arith.addf %add3A_1196, %get3A_1227 : vector<16xf32>
          %add3A_1229 = arith.constant 48 : i32
          %add3A_1230 = arith.addi %mul3A_316, %add3A_1229 : i32
          %get3A_1231 = arith.constant 27 : i32
          %get3A_1232 = arith.index_cast %get3A_1231 : i32 to index
          %get3A_1233 = arith.index_cast %add3A_1230 : i32 to index
          %get3A_1234 = tpu.vector_load %arg8[%get3A_1232, %get3A_1233] {strides = array<i32>} : memref<32x1024xf32, #tpu.memory_space<vmem>>, vector<1x16xf32>,
          %get3A_1235 = vector.shape_cast %get3A_1234 : vector<1x16xf32> to vector<16xf32>
          %add3A_1236 = arith.addf %add3A_1204, %get3A_1235 : vector<16xf32>
          %add3A_1237 = arith.constant 0 : i32
          %add3A_1238 = arith.addi %mul3A_316, %add3A_1237 : i32
          %get3A_1239 = arith.constant 28 : i32
          %get3A_1240 = arith.index_cast %get3A_1239 : i32 to index
          %get3A_1241 = arith.index_cast %add3A_1238 : i32 to index
          %get3A_1242 = tpu.vector_load %arg8[%get3A_1240, %get3A_1241] {strides = array<i32>} : memref<32x1024xf32, #tpu.memory_space<vmem>>, vector<1x16xf32>,
          %get3A_1243 = vector.shape_cast %get3A_1242 : vector<1x16xf32> to vector<16xf32>
          %add3A_1244 = arith.addf %add3A_1212, %get3A_1243 : vector<16xf32>
          %add3A_1245 = arith.constant 16 : i32
          %add3A_1246 = arith.addi %mul3A_316, %add3A_1245 : i32
          %get3A_1247 = arith.constant 28 : i32
          %get3A_1248 = arith.index_cast %get3A_1247 : i32 to index
          %get3A_1249 = arith.index_cast %add3A_1246 : i32 to index
          %get3A_1250 = tpu.vector_load %arg8[%get3A_1248, %get3A_1249] {strides = array<i32>} : memref<32x1024xf32, #tpu.memory_space<vmem>>, vector<1x16xf32>,
          %get3A_1251 = vector.shape_cast %get3A_1250 : vector<1x16xf32> to vector<16xf32>
          %add3A_1252 = arith.addf %add3A_1220, %get3A_1251 : vector<16xf32>
          %add3A_1253 = arith.constant 32 : i32
          %add3A_1254 = arith.addi %mul3A_316, %add3A_1253 : i32
          %get3A_1255 = arith.constant 28 : i32
          %get3A_1256 = arith.index_cast %get3A_1255 : i32 to index
          %get3A_1257 = arith.index_cast %add3A_1254 : i32 to index
          %get3A_1258 = tpu.vector_load %arg8[%get3A_1256, %get3A_1257] {strides = array<i32>} : memref<32x1024xf32, #tpu.memory_space<vmem>>, vector<1x16xf32>,
          %get3A_1259 = vector.shape_cast %get3A_1258 : vector<1x16xf32> to vector<16xf32>
          %add3A_1260 = arith.addf %add3A_1228, %get3A_1259 : vector<16xf32>
          %add3A_1261 = arith.constant 48 : i32
          %add3A_1262 = arith.addi %mul3A_316, %add3A_1261 : i32
          %get3A_1263 = arith.constant 28 : i32
          %get3A_1264 = arith.index_cast %get3A_1263 : i32 to index
          %get3A_1265 = arith.index_cast %add3A_1262 : i32 to index
          %get3A_1266 = tpu.vector_load %arg8[%get3A_1264, %get3A_1265] {strides = array<i32>} : memref<32x1024xf32, #tpu.memory_space<vmem>>, vector<1x16xf32>,
          %get3A_1267 = vector.shape_cast %get3A_1266 : vector<1x16xf32> to vector<16xf32>
          %add3A_1268 = arith.addf %add3A_1236, %get3A_1267 : vector<16xf32>
          %add3A_1269 = arith.constant 0 : i32
          %add3A_1270 = arith.addi %mul3A_316, %add3A_1269 : i32
          %get3A_1271 = arith.constant 29 : i32
          %get3A_1272 = arith.index_cast %get3A_1271 : i32 to index
          %get3A_1273 = arith.index_cast %add3A_1270 : i32 to index
          %get3A_1274 = tpu.vector_load %arg8[%get3A_1272, %get3A_1273] {strides = array<i32>} : memref<32x1024xf32, #tpu.memory_space<vmem>>, vector<1x16xf32>,
          %get3A_1275 = vector.shape_cast %get3A_1274 : vector<1x16xf32> to vector<16xf32>
          %add3A_1276 = arith.addf %add3A_1244, %get3A_1275 : vector<16xf32>
          %add3A_1277 = arith.constant 16 : i32
          %add3A_1278 = arith.addi %mul3A_316, %add3A_1277 : i32
          %get3A_1279 = arith.constant 29 : i32
          %get3A_1280 = arith.index_cast %get3A_1279 : i32 to index
          %get3A_1281 = arith.index_cast %add3A_1278 : i32 to index
          %get3A_1282 = tpu.vector_load %arg8[%get3A_1280, %get3A_1281] {strides = array<i32>} : memref<32x1024xf32, #tpu.memory_space<vmem>>, vector<1x16xf32>,
          %get3A_1283 = vector.shape_cast %get3A_1282 : vector<1x16xf32> to vector<16xf32>
          %add3A_1284 = arith.addf %add3A_1252, %get3A_1283 : vector<16xf32>
          %add3A_1285 = arith.constant 32 : i32
          %add3A_1286 = arith.addi %mul3A_316, %add3A_1285 : i32
          %get3A_1287 = arith.constant 29 : i32
          %get3A_1288 = arith.index_cast %get3A_1287 : i32 to index
          %get3A_1289 = arith.index_cast %add3A_1286 : i32 to index
          %get3A_1290 = tpu.vector_load %arg8[%get3A_1288, %get3A_1289] {strides = array<i32>} : memref<32x1024xf32, #tpu.memory_space<vmem>>, vector<1x16xf32>,
          %get3A_1291 = vector.shape_cast %get3A_1290 : vector<1x16xf32> to vector<16xf32>
          %add3A_1292 = arith.addf %add3A_1260, %get3A_1291 : vector<16xf32>
          %add3A_1293 = arith.constant 48 : i32
          %add3A_1294 = arith.addi %mul3A_316, %add3A_1293 : i32
          %get3A_1295 = arith.constant 29 : i32
          %get3A_1296 = arith.index_cast %get3A_1295 : i32 to index
          %get3A_1297 = arith.index_cast %add3A_1294 : i32 to index
          %get3A_1298 = tpu.vector_load %arg8[%get3A_1296, %get3A_1297] {strides = array<i32>} : memref<32x1024xf32, #tpu.memory_space<vmem>>, vector<1x16xf32>,
          %get3A_1299 = vector.shape_cast %get3A_1298 : vector<1x16xf32> to vector<16xf32>
          %add3A_1300 = arith.addf %add3A_1268, %get3A_1299 : vector<16xf32>
          %add3A_1301 = arith.constant 0 : i32
          %add3A_1302 = arith.addi %mul3A_316, %add3A_1301 : i32
          %get3A_1303 = arith.constant 30 : i32
          %get3A_1304 = arith.index_cast %get3A_1303 : i32 to index
          %get3A_1305 = arith.index_cast %add3A_1302 : i32 to index
          %get3A_1306 = tpu.vector_load %arg8[%get3A_1304, %get3A_1305] {strides = array<i32>} : memref<32x1024xf32, #tpu.memory_space<vmem>>, vector<1x16xf32>,
          %get3A_1307 = vector.shape_cast %get3A_1306 : vector<1x16xf32> to vector<16xf32>
          %add3A_1308 = arith.addf %add3A_1276, %get3A_1307 : vector<16xf32>
          %add3A_1309 = arith.constant 16 : i32
          %add3A_1310 = arith.addi %mul3A_316, %add3A_1309 : i32
          %get3A_1311 = arith.constant 30 : i32
          %get3A_1312 = arith.index_cast %get3A_1311 : i32 to index
          %get3A_1313 = arith.index_cast %add3A_1310 : i32 to index
          %get3A_1314 = tpu.vector_load %arg8[%get3A_1312, %get3A_1313] {strides = array<i32>} : memref<32x1024xf32, #tpu.memory_space<vmem>>, vector<1x16xf32>,
          %get3A_1315 = vector.shape_cast %get3A_1314 : vector<1x16xf32> to vector<16xf32>
          %add3A_1316 = arith.addf %add3A_1284, %get3A_1315 : vector<16xf32>
          %add3A_1317 = arith.constant 32 : i32
          %add3A_1318 = arith.addi %mul3A_316, %add3A_1317 : i32
          %get3A_1319 = arith.constant 30 : i32
          %get3A_1320 = arith.index_cast %get3A_1319 : i32 to index
          %get3A_1321 = arith.index_cast %add3A_1318 : i32 to index
          %get3A_1322 = tpu.vector_load %arg8[%get3A_1320, %get3A_1321] {strides = array<i32>} : memref<32x1024xf32, #tpu.memory_space<vmem>>, vector<1x16xf32>,
          %get3A_1323 = vector.shape_cast %get3A_1322 : vector<1x16xf32> to vector<16xf32>
          %add3A_1324 = arith.addf %add3A_1292, %get3A_1323 : vector<16xf32>
          %add3A_1325 = arith.constant 48 : i32
          %add3A_1326 = arith.addi %mul3A_316, %add3A_1325 : i32
          %get3A_1327 = arith.constant 30 : i32
          %get3A_1328 = arith.index_cast %get3A_1327 : i32 to index
          %get3A_1329 = arith.index_cast %add3A_1326 : i32 to index
          %get3A_1330 = tpu.vector_load %arg8[%get3A_1328, %get3A_1329] {strides = array<i32>} : memref<32x1024xf32, #tpu.memory_space<vmem>>, vector<1x16xf32>,
          %get3A_1331 = vector.shape_cast %get3A_1330 : vector<1x16xf32> to vector<16xf32>
          %add3A_1332 = arith.addf %add3A_1300, %get3A_1331 : vector<16xf32>
          %add3A_1333 = arith.constant 0 : i32
          %add3A_1334 = arith.addi %mul3A_316, %add3A_1333 : i32
          %get3A_1335 = arith.constant 31 : i32
          %get3A_1336 = arith.index_cast %get3A_1335 : i32 to index
          %get3A_1337 = arith.index_cast %add3A_1334 : i32 to index
          %get3A_1338 = tpu.vector_load %arg8[%get3A_1336, %get3A_1337] {strides = array<i32>} : memref<32x1024xf32, #tpu.memory_space<vmem>>, vector<1x16xf32>,
          %get3A_1339 = vector.shape_cast %get3A_1338 : vector<1x16xf32> to vector<16xf32>
          %add3A_1340 = arith.addf %add3A_1308, %get3A_1339 : vector<16xf32>
          %add3A_1341 = arith.constant 16 : i32
          %add3A_1342 = arith.addi %mul3A_316, %add3A_1341 : i32
          %get3A_1343 = arith.constant 31 : i32
          %get3A_1344 = arith.index_cast %get3A_1343 : i32 to index
          %get3A_1345 = arith.index_cast %add3A_1342 : i32 to index
          %get3A_1346 = tpu.vector_load %arg8[%get3A_1344, %get3A_1345] {strides = array<i32>} : memref<32x1024xf32, #tpu.memory_space<vmem>>, vector<1x16xf32>,
          %get3A_1347 = vector.shape_cast %get3A_1346 : vector<1x16xf32> to vector<16xf32>
          %add3A_1348 = arith.addf %add3A_1316, %get3A_1347 : vector<16xf32>
          %add3A_1349 = arith.constant 32 : i32
          %add3A_1350 = arith.addi %mul3A_316, %add3A_1349 : i32
          %get3A_1351 = arith.constant 31 : i32
          %get3A_1352 = arith.index_cast %get3A_1351 : i32 to index
          %get3A_1353 = arith.index_cast %add3A_1350 : i32 to index
          %get3A_1354 = tpu.vector_load %arg8[%get3A_1352, %get3A_1353] {strides = array<i32>} : memref<32x1024xf32, #tpu.memory_space<vmem>>, vector<1x16xf32>,
          %get3A_1355 = vector.shape_cast %get3A_1354 : vector<1x16xf32> to vector<16xf32>
          %add3A_1356 = arith.addf %add3A_1324, %get3A_1355 : vector<16xf32>
          %add3A_1357 = arith.constant 48 : i32
          %add3A_1358 = arith.addi %mul3A_316, %add3A_1357 : i32
          %get3A_1359 = arith.constant 31 : i32
          %get3A_1360 = arith.index_cast %get3A_1359 : i32 to index
          %get3A_1361 = arith.index_cast %add3A_1358 : i32 to index
          %get3A_1362 = tpu.vector_load %arg8[%get3A_1360, %get3A_1361] {strides = array<i32>} : memref<32x1024xf32, #tpu.memory_space<vmem>>, vector<1x16xf32>,
          %get3A_1363 = vector.shape_cast %get3A_1362 : vector<1x16xf32> to vector<16xf32>
          %add3A_1364 = arith.addf %add3A_1332, %get3A_1363 : vector<16xf32>
          %add3A_1365 = arith.constant 0 : i32
          %add3A_1366 = arith.addi %mul3A_316, %add3A_1365 : i32
          %swap3A_1367 = arith.index_cast %scan3A_254 : i32 to index
          %swap3A_1368 = arith.index_cast %add3A_1366 : i32 to index
          %swap3A_1369 = tpu.vector_load %arg9[%swap3A_1367, %swap3A_1368] {strides = array<i32>} : memref<16x1024xf32, #tpu.memory_space<vmem>>, vector<1x16xf32>,
          %swap3A_1370 = vector.shape_cast %swap3A_1369 : vector<1x16xf32> to vector<16xf32>
          %swap3A_1371 = vector.shape_cast %add3A_1340 : vector<16xf32> to vector<1x16xf32>
          tpu.vector_store %arg9[%swap3A_1367, %swap3A_1368], %swap3A_1371 {strides = array<i32>} : memref<16x1024xf32, #tpu.memory_space<vmem>>, vector<1x16xf32>,
          %add3A_1372 = arith.constant 16 : i32
          %add3A_1373 = arith.addi %mul3A_316, %add3A_1372 : i32
          %swap3A_1374 = arith.index_cast %scan3A_254 : i32 to index
          %swap3A_1375 = arith.index_cast %add3A_1373 : i32 to index
          %swap3A_1376 = tpu.vector_load %arg9[%swap3A_1374, %swap3A_1375] {strides = array<i32>} : memref<16x1024xf32, #tpu.memory_space<vmem>>, vector<1x16xf32>,
          %swap3A_1377 = vector.shape_cast %swap3A_1376 : vector<1x16xf32> to vector<16xf32>
          %swap3A_1378 = vector.shape_cast %add3A_1348 : vector<16xf32> to vector<1x16xf32>
          tpu.vector_store %arg9[%swap3A_1374, %swap3A_1375], %swap3A_1378 {strides = array<i32>} : memref<16x1024xf32, #tpu.memory_space<vmem>>, vector<1x16xf32>,
          %add3A_1379 = arith.constant 32 : i32
          %add3A_1380 = arith.addi %mul3A_316, %add3A_1379 : i32
          %swap3A_1381 = arith.index_cast %scan3A_254 : i32 to index
          %swap3A_1382 = arith.index_cast %add3A_1380 : i32 to index
          %swap3A_1383 = tpu.vector_load %arg9[%swap3A_1381, %swap3A_1382] {strides = array<i32>} : memref<16x1024xf32, #tpu.memory_space<vmem>>, vector<1x16xf32>,
          %swap3A_1384 = vector.shape_cast %swap3A_1383 : vector<1x16xf32> to vector<16xf32>
          %swap3A_1385 = vector.shape_cast %add3A_1356 : vector<16xf32> to vector<1x16xf32>
          tpu.vector_store %arg9[%swap3A_1381, %swap3A_1382], %swap3A_1385 {strides = array<i32>} : memref<16x1024xf32, #tpu.memory_space<vmem>>, vector<1x16xf32>,
          %add3A_1386 = arith.constant 48 : i32
          %add3A_1387 = arith.addi %mul3A_316, %add3A_1386 : i32
          %swap3A_1388 = arith.index_cast %scan3A_254 : i32 to index
          %swap3A_1389 = arith.index_cast %add3A_1387 : i32 to index
          %swap3A_1390 = tpu.vector_load %arg9[%swap3A_1388, %swap3A_1389] {strides = array<i32>} : memref<16x1024xf32, #tpu.memory_space<vmem>>, vector<1x16xf32>,
          %swap3A_1391 = vector.shape_cast %swap3A_1390 : vector<1x16xf32> to vector<16xf32>
          %swap3A_1392 = vector.shape_cast %add3A_1364 : vector<16xf32> to vector<1x16xf32>
          tpu.vector_store %arg9[%swap3A_1388, %swap3A_1389], %swap3A_1392 {strides = array<i32>} : memref<16x1024xf32, #tpu.memory_space<vmem>>, vector<1x16xf32>,
          %scan3A_1393 = arith.constant 0 : i32
          scf.yield %scan3A_1393 : i32
        }
        %scan3A_312 = arith.constant 16 : i32
      } else {
      }
      %add3A_285 = arith.constant 1 : i32
      %add3A_286 = arith.addi %scan3A_254, %add3A_285 : i32
      %get3A_287 = arith.index_cast %add3A_286 : i32 to index
      %get3A_288 = memref.load %arg6[%get3A_287] : memref<24xi32, #tpu.memory_space<smem>>
      %lt3A_289 = arith.cmpi slt, %get3A_288, %add3A_276 : i32
      %convert_element_type3A_290 = arith.extui %lt3A_289 : i1 to i32
      %cond3A_291 = arith.constant 0 : i32
      %cond3A_292 = arith.cmpi ne, %convert_element_type3A_290, %cond3A_291 : i32
      scf.if %cond3A_292 {
        %scan3A_306 = arith.constant 0 : i32
        %scan3A_307 = arith.constant 0 : i32
        %scan3A_308 = arith.constant 16 : i32
        %scan3A_309 = arith.addi %scan3A_307, %scan3A_308 : i32
        %scan3A_310 = arith.constant 1 : i32
        %scan3A_311 = scf.for %scan3A_313 = %scan3A_307 to %scan3A_309 step %scan3A_310 iter_args(%scan3A_314 = %scan3A_306) -> (i32)  : i32 {
          %add3A_315 = arith.addi %scan3A_254, %scan3A_313 : i32
          %min3A = arith.constant 15 : i32
          %min3A_316 = arith.minsi %add3A_315, %min3A : i32
          %get3A_317 = arith.index_cast %min3A_316 : i32 to index
          %get3A_318 = memref.load %arg6[%get3A_317] : memref<24xi32, #tpu.memory_space<smem>>
          %max3A = arith.maxsi %get3A_318, %add3A_274 : i32
          %add3A_319 = arith.constant 1 : i32
          %add3A_320 = arith.addi %min3A_316, %add3A_319 : i32
          %get3A_321 = arith.index_cast %add3A_320 : i32 to index
          %get3A_322 = memref.load %arg6[%get3A_321] : memref<24xi32, #tpu.memory_space<smem>>
          %min3A_323 = arith.minsi %get3A_322, %add3A_276 : i32
          %sub3A = arith.subi %min3A_323, %max3A : i32
          %max3A_324 = arith.constant 0 : i32
          %max3A_325 = arith.maxsi %sub3A, %max3A_324 : i32
          %gt3A = arith.constant 0 : i32
          %gt3A_326 = arith.cmpi sgt, %max3A_325, %gt3A : i32
          %add3A_327 = arith.addi %scan3A_254, %scan3A_313 : i32
          %lt3A_328 = arith.constant 16 : i32
          %lt3A_329 = arith.cmpi slt, %add3A_327, %lt3A_328 : i32
          %and3A = arith.andi %gt3A_326, %lt3A_329 : i1
          %convert_element_type3A_330 = arith.extui %and3A : i1 to i32
          %cond3A_331 = arith.constant 0 : i32
          %cond3A_332 = arith.cmpi ne, %convert_element_type3A_330, %cond3A_331 : i32
          scf.if %cond3A_332 {
            %sub3A_334 = arith.subi %max3A, %add3A_274 : i32
            %scan3A_335 = arith.constant 0 : i32
            %scan3A_336 = arith.constant 0 : i32
            %scan3A_337 = arith.constant 16 : i32
            %scan3A_338 = arith.addi %scan3A_336, %scan3A_337 : i32
            %scan3A_339 = arith.constant 1 : i32
            %scan3A_340 = scf.for %scan3A_342 = %scan3A_336 to %scan3A_338 step %scan3A_339 iter_args(%scan3A_343 = %scan3A_335) -> (i32)  : i32 {
              %mul3A_344 = arith.constant 64 : i32
              %mul3A_345 = arith.muli %scan3A_342, %mul3A_344 : i32
              %add3A_346 = arith.constant 0 : i32
              %add3A_347 = arith.addi %mul3A_345, %add3A_346 : i32
              %get3A_348 = arith.index_cast %min3A_316 : i32 to index
              %get3A_349 = arith.index_cast %add3A_347 : i32 to index
              %get3A_350 = tpu.vector_load %arg9[%get3A_348, %get3A_349] {strides = array<i32>} : memref<16x1024xf32, #tpu.memory_space<vmem>>, vector<1x16xf32>,
              %get3A_351 = vector.shape_cast %get3A_350 : vector<1x16xf32> to vector<16xf32>
              %add3A_352 = arith.constant 16 : i32
              %add3A_353 = arith.addi %mul3A_345, %add3A_352 : i32
              %get3A_354 = arith.index_cast %min3A_316 : i32 to index
              %get3A_355 = arith.index_cast %add3A_353 : i32 to index
              %get3A_356 = tpu.vector_load %arg9[%get3A_354, %get3A_355] {strides = array<i32>} : memref<16x1024xf32, #tpu.memory_space<vmem>>, vector<1x16xf32>,
              %get3A_357 = vector.shape_cast %get3A_356 : vector<1x16xf32> to vector<16xf32>
              %add3A_358 = arith.constant 32 : i32
              %add3A_359 = arith.addi %mul3A_345, %add3A_358 : i32
              %get3A_360 = arith.index_cast %min3A_316 : i32 to index
              %get3A_361 = arith.index_cast %add3A_359 : i32 to index
              %get3A_362 = tpu.vector_load %arg9[%get3A_360, %get3A_361] {strides = array<i32>} : memref<16x1024xf32, #tpu.memory_space<vmem>>, vector<1x16xf32>,
              %get3A_363 = vector.shape_cast %get3A_362 : vector<1x16xf32> to vector<16xf32>
              %add3A_364 = arith.constant 48 : i32
              %add3A_365 = arith.addi %mul3A_345, %add3A_364 : i32
              %get3A_366 = arith.index_cast %min3A_316 : i32 to index
              %get3A_367 = arith.index_cast %add3A_365 : i32 to index
              %get3A_368 = tpu.vector_load %arg9[%get3A_366, %get3A_367] {strides = array<i32>} : memref<16x1024xf32, #tpu.memory_space<vmem>>, vector<1x16xf32>,
              %get3A_369 = vector.shape_cast %get3A_368 : vector<1x16xf32> to vector<16xf32>
              %while3A = arith.constant 0 : i32
              %while3A_370 = arith.subi %max3A_325, %while3A : i32
              %while3A_371 = arith.addi %while3A, %while3A_370 : i32
              %while3A_372 = arith.constant 1 : i32
              %while3A_373 = arith.divsi %while3A_370, %while3A_372 : i32
              %while3A_374 = arith.muli %while3A_373, %while3A_372 : i32
              %while3A_375 = arith.addi %while3A, %while3A_374 : i32
              %while3A_376 = arith.constant 1 : i32
              %while3A_377:4 = scf.for %while3A_409 = %while3A to %while3A_375 step %while3A_376 iter_args(%while3A_410 = %get3A_351, %while3A_411 = %get3A_357, %while3A_412 = %get3A_363, %while3A_413 = %get3A_369) -> (vector<16xf32>, vector<16xf32>, vector<16xf32>, vector<16xf32>)  : i32 {
                %add3A_414 = arith.addi %sub3A_334, %while3A_409 : i32
                %add3A_415 = arith.constant 0 : i32
                %add3A_416 = arith.addi %mul3A_345, %add3A_415 : i32
                %get3A_417 = arith.index_cast %add3A_414 : i32 to index
                %get3A_418 = arith.index_cast %add3A_416 : i32 to index
                %get3A_419 = tpu.vector_load %arg8[%get3A_417, %get3A_418] {strides = array<i32>} : memref<32x1024xf32, #tpu.memory_space<vmem>>, vector<1x16xf32>,
                %get3A_420 = vector.shape_cast %get3A_419 : vector<1x16xf32> to vector<16xf32>
                %add3A_421 = arith.addf %while3A_410, %get3A_420 : vector<16xf32>
                %add3A_422 = arith.addi %sub3A_334, %while3A_409 : i32
                %add3A_423 = arith.constant 16 : i32
                %add3A_424 = arith.addi %mul3A_345, %add3A_423 : i32
                %get3A_425 = arith.index_cast %add3A_422 : i32 to index
                %get3A_426 = arith.index_cast %add3A_424 : i32 to index
                %get3A_427 = tpu.vector_load %arg8[%get3A_425, %get3A_426] {strides = array<i32>} : memref<32x1024xf32, #tpu.memory_space<vmem>>, vector<1x16xf32>,
                %get3A_428 = vector.shape_cast %get3A_427 : vector<1x16xf32> to vector<16xf32>
                %add3A_429 = arith.addf %while3A_411, %get3A_428 : vector<16xf32>
                %add3A_430 = arith.addi %sub3A_334, %while3A_409 : i32
                %add3A_431 = arith.constant 32 : i32
                %add3A_432 = arith.addi %mul3A_345, %add3A_431 : i32
                %get3A_433 = arith.index_cast %add3A_430 : i32 to index
                %get3A_434 = arith.index_cast %add3A_432 : i32 to index
                %get3A_435 = tpu.vector_load %arg8[%get3A_433, %get3A_434] {strides = array<i32>} : memref<32x1024xf32, #tpu.memory_space<vmem>>, vector<1x16xf32>,
                %get3A_436 = vector.shape_cast %get3A_435 : vector<1x16xf32> to vector<16xf32>
                %add3A_437 = arith.addf %while3A_412, %get3A_436 : vector<16xf32>
                %add3A_438 = arith.addi %sub3A_334, %while3A_409 : i32
                %add3A_439 = arith.constant 48 : i32
                %add3A_440 = arith.addi %mul3A_345, %add3A_439 : i32
                %get3A_441 = arith.index_cast %add3A_438 : i32 to index
                %get3A_442 = arith.index_cast %add3A_440 : i32 to index
                %get3A_443 = tpu.vector_load %arg8[%get3A_441, %get3A_442] {strides = array<i32>} : memref<32x1024xf32, #tpu.memory_space<vmem>>, vector<1x16xf32>,
                %get3A_444 = vector.shape_cast %get3A_443 : vector<1x16xf32> to vector<16xf32>
                %add3A_445 = arith.addf %while3A_413, %get3A_444 : vector<16xf32>
                scf.yield %add3A_421, %add3A_429, %add3A_437, %add3A_445 : vector<16xf32>, vector<16xf32>, vector<16xf32>, vector<16xf32>
              }
              %while3A_378 = arith.constant 1 : i32
              %while3A_379:4 = scf.for %while3A_409 = %while3A_375 to %while3A_371 step %while3A_378 iter_args(%while3A_410 = %while3A_377#0, %while3A_411 = %while3A_377#1, %while3A_412 = %while3A_377#2, %while3A_413 = %while3A_377#3) -> (vector<16xf32>, vector<16xf32>, vector<16xf32>, vector<16xf32>)  : i32 {
                %add3A_414 = arith.addi %sub3A_334, %while3A_409 : i32
                %add3A_415 = arith.constant 0 : i32
                %add3A_416 = arith.addi %mul3A_345, %add3A_415 : i32
                %get3A_417 = arith.index_cast %add3A_414 : i32 to index
                %get3A_418 = arith.index_cast %add3A_416 : i32 to index
                %get3A_419 = tpu.vector_load %arg8[%get3A_417, %get3A_418] {strides = array<i32>} : memref<32x1024xf32, #tpu.memory_space<vmem>>, vector<1x16xf32>,
                %get3A_420 = vector.shape_cast %get3A_419 : vector<1x16xf32> to vector<16xf32>
                %add3A_421 = arith.addf %while3A_410, %get3A_420 : vector<16xf32>
                %add3A_422 = arith.addi %sub3A_334, %while3A_409 : i32
                %add3A_423 = arith.constant 16 : i32
                %add3A_424 = arith.addi %mul3A_345, %add3A_423 : i32
                %get3A_425 = arith.index_cast %add3A_422 : i32 to index
                %get3A_426 = arith.index_cast %add3A_424 : i32 to index
                %get3A_427 = tpu.vector_load %arg8[%get3A_425, %get3A_426] {strides = array<i32>} : memref<32x1024xf32, #tpu.memory_space<vmem>>, vector<1x16xf32>,
                %get3A_428 = vector.shape_cast %get3A_427 : vector<1x16xf32> to vector<16xf32>
                %add3A_429 = arith.addf %while3A_411, %get3A_428 : vector<16xf32>
                %add3A_430 = arith.addi %sub3A_334, %while3A_409 : i32
                %add3A_431 = arith.constant 32 : i32
                %add3A_432 = arith.addi %mul3A_345, %add3A_431 : i32
                %get3A_433 = arith.index_cast %add3A_430 : i32 to index
                %get3A_434 = arith.index_cast %add3A_432 : i32 to index
                %get3A_435 = tpu.vector_load %arg8[%get3A_433, %get3A_434] {strides = array<i32>} : memref<32x1024xf32, #tpu.memory_space<vmem>>, vector<1x16xf32>,
                %get3A_436 = vector.shape_cast %get3A_435 : vector<1x16xf32> to vector<16xf32>
                %add3A_437 = arith.addf %while3A_412, %get3A_436 : vector<16xf32>
                %add3A_438 = arith.addi %sub3A_334, %while3A_409 : i32
                %add3A_439 = arith.constant 48 : i32
                %add3A_440 = arith.addi %mul3A_345, %add3A_439 : i32
                %get3A_441 = arith.index_cast %add3A_438 : i32 to index
                %get3A_442 = arith.index_cast %add3A_440 : i32 to index
                %get3A_443 = tpu.vector_load %arg8[%get3A_441, %get3A_442] {strides = array<i32>} : memref<32x1024xf32, #tpu.memory_space<vmem>>, vector<1x16xf32>,
                %get3A_444 = vector.shape_cast %get3A_443 : vector<1x16xf32> to vector<16xf32>
                %add3A_445 = arith.addf %while3A_413, %get3A_444 : vector<16xf32>
                scf.yield %add3A_421, %add3A_429, %add3A_437, %add3A_445 : vector<16xf32>, vector<16xf32>, vector<16xf32>, vector<16xf32>
              }
              %add3A_380 = arith.constant 0 : i32
              %add3A_381 = arith.addi %mul3A_345, %add3A_380 : i32
              %swap3A_382 = arith.index_cast %min3A_316 : i32 to index
              %swap3A_383 = arith.index_cast %add3A_381 : i32 to index
              %swap3A_384 = tpu.vector_load %arg9[%swap3A_382, %swap3A_383] {strides = array<i32>} : memref<16x1024xf32, #tpu.memory_space<vmem>>, vector<1x16xf32>,
              %swap3A_385 = vector.shape_cast %swap3A_384 : vector<1x16xf32> to vector<16xf32>
              %swap3A_386 = vector.shape_cast %while3A_379#0 : vector<16xf32> to vector<1x16xf32>
              tpu.vector_store %arg9[%swap3A_382, %swap3A_383], %swap3A_386 {strides = array<i32>} : memref<16x1024xf32, #tpu.memory_space<vmem>>, vector<1x16xf32>,
              %add3A_387 = arith.constant 16 : i32
              %add3A_388 = arith.addi %mul3A_345, %add3A_387 : i32
              %swap3A_389 = arith.index_cast %min3A_316 : i32 to index
              %swap3A_390 = arith.index_cast %add3A_388 : i32 to index
              %swap3A_391 = tpu.vector_load %arg9[%swap3A_389, %swap3A_390] {strides = array<i32>} : memref<16x1024xf32, #tpu.memory_space<vmem>>, vector<1x16xf32>,
              %swap3A_392 = vector.shape_cast %swap3A_391 : vector<1x16xf32> to vector<16xf32>
              %swap3A_393 = vector.shape_cast %while3A_379#1 : vector<16xf32> to vector<1x16xf32>
              tpu.vector_store %arg9[%swap3A_389, %swap3A_390], %swap3A_393 {strides = array<i32>} : memref<16x1024xf32, #tpu.memory_space<vmem>>, vector<1x16xf32>,
              %add3A_394 = arith.constant 32 : i32
              %add3A_395 = arith.addi %mul3A_345, %add3A_394 : i32
              %swap3A_396 = arith.index_cast %min3A_316 : i32 to index
              %swap3A_397 = arith.index_cast %add3A_395 : i32 to index
              %swap3A_398 = tpu.vector_load %arg9[%swap3A_396, %swap3A_397] {strides = array<i32>} : memref<16x1024xf32, #tpu.memory_space<vmem>>, vector<1x16xf32>,
              %swap3A_399 = vector.shape_cast %swap3A_398 : vector<1x16xf32> to vector<16xf32>
              %swap3A_400 = vector.shape_cast %while3A_379#2 : vector<16xf32> to vector<1x16xf32>
              tpu.vector_store %arg9[%swap3A_396, %swap3A_397], %swap3A_400 {strides = array<i32>} : memref<16x1024xf32, #tpu.memory_space<vmem>>, vector<1x16xf32>,
              %add3A_401 = arith.constant 48 : i32
              %add3A_402 = arith.addi %mul3A_345, %add3A_401 : i32
              %swap3A_403 = arith.index_cast %min3A_316 : i32 to index
              %swap3A_404 = arith.index_cast %add3A_402 : i32 to index
              %swap3A_405 = tpu.vector_load %arg9[%swap3A_403, %swap3A_404] {strides = array<i32>} : memref<16x1024xf32, #tpu.memory_space<vmem>>, vector<1x16xf32>,
              %swap3A_406 = vector.shape_cast %swap3A_405 : vector<1x16xf32> to vector<16xf32>
              %swap3A_407 = vector.shape_cast %while3A_379#3 : vector<16xf32> to vector<1x16xf32>
              tpu.vector_store %arg9[%swap3A_403, %swap3A_404], %swap3A_407 {strides = array<i32>} : memref<16x1024xf32, #tpu.memory_space<vmem>>, vector<1x16xf32>,
              %scan3A_408 = arith.constant 0 : i32
              scf.yield %scan3A_408 : i32
            }
            %scan3A_341 = arith.constant 16 : i32
          } else {
          }
          %scan3A_333 = arith.constant 0 : i32
          scf.yield %scan3A_333 : i32
        }
        %scan3A_312 = arith.constant 16 : i32
      } else {
      }
      %scan3A_293 = arith.constant 0 : i32
      %scan3A_294 = arith.constant 16 : i32
      %scan3A_295 = arith.addi %scan3A_293, %scan3A_294 : i32
      %scan3A_296 = arith.constant 1 : i32
      %scan3A_297 = scf.for %scan3A_306 = %scan3A_293 to %scan3A_295 step %scan3A_296 iter_args(%scan3A_307 = %scan3A_254) -> (i32)  : i32 {
        %add3A_308 = arith.constant 1 : i32
        %add3A_309 = arith.addi %scan3A_307, %add3A_308 : i32
        %min3A = arith.constant 16 : i32
        %min3A_310 = arith.minsi %add3A_309, %min3A : i32
        %get3A_311 = arith.index_cast %min3A_310 : i32 to index
        %get3A_312 = memref.load %arg6[%get3A_311] : memref<24xi32, #tpu.memory_space<smem>>
        %le3A = arith.cmpi sle, %get3A_312, %add3A_276 : i32
        %select_n3A = arith.select %le3A, %min3A_310, %scan3A_307 : i32
        scf.yield %select_n3A : i32
      }
      %scan3A_298 = arith.constant 16 : i32
      %add3A_299 = arith.constant 3 : i32
      %add3A_300 = arith.addi %mul3A_226, %add3A_299 : i32
      %lt3A_301 = arith.constant 8 : i32
      %lt3A_302 = arith.cmpi slt, %add3A_300, %lt3A_301 : i32
      %convert_element_type3A_303 = arith.extui %lt3A_302 : i1 to i32
      %cond3A_304 = arith.constant 0 : i32
      %cond3A_305 = arith.cmpi ne, %convert_element_type3A_303, %cond3A_304 : i32
      scf.if %cond3A_305 {
        %add3A_306 = arith.constant 3 : i32
        %add3A_307 = arith.addi %mul3A_226, %add3A_306 : i32
        %mul3A_308 = arith.constant 32 : i32
        %mul3A_309 = arith.muli %add3A_307, %mul3A_308 : i32
        %add3A_310 = arith.addi %mul3A_2, %mul3A_309 : i32
        %multiple_of3A_311 = tpu.assume_multiple %add3A_310, 32 : i32
        %dma_start3A_312 = arith.constant 0 : i32
        %dma_start3A_313 = tpu.memref_slice %arg2[%multiple_of3A_311, %dma_start3A_312] : memref<16384x1024xf32, #tpu.memory_space<hbm>> -> memref<32x1024xf32, #tpu.memory_space<hbm>>
        %dma_start3A_314 = arith.constant 0 : i32
        %dma_start3A_315 = tpu.memref_slice %arg2[%multiple_of3A_311, %dma_start3A_314] : memref<16384x1024xf32, #tpu.memory_space<hbm>> -> memref<32x1024xf32, #tpu.memory_space<hbm>>
        tpu.enqueue_dma source(%dma_start3A_315 : memref<32x1024xf32, #tpu.memory_space<hbm>>) target(%arg8 : memref<32x1024xf32, #tpu.memory_space<vmem>>) target_semaphore(%arg11 : memref<!tpu.dma_semaphore, #tpu.memory_space<semaphore_mem>>)
      } else {
      }
      scf.yield %scan3A_297 : i32
    }
    %scan3A_222 = arith.constant 4 : i32
    "tpu.region"() ({
      %run_scoped3A = tpu.sem_alloc : memref<!tpu.dma_semaphore, #tpu.memory_space<semaphore_mem>>
      %dma_start3A_223 = arith.constant 0 : i32
      %dma_start3A_224 = arith.constant 0 : i32
      %dma_start3A_225 = tpu.memref_slice %arg4[%add3A, %dma_start3A_223, %dma_start3A_224] : memref<32x16x1024xf32, #tpu.memory_space<hbm>> -> memref<1x16x1024xf32, #tpu.memory_space<hbm>>
      %dma_start3A_226 = tpu.memref_squeeze %dma_start3A_225 : memref<1x16x1024xf32, #tpu.memory_space<hbm>> -> memref<16x1024xf32, #tpu.memory_space<hbm>>
      %dma_start3A_227 = arith.constant 0 : i32
      %dma_start3A_228 = arith.constant 0 : i32
      %dma_start3A_229 = tpu.memref_slice %arg4[%add3A, %dma_start3A_227, %dma_start3A_228] : memref<32x16x1024xf32, #tpu.memory_space<hbm>> -> memref<1x16x1024xf32, #tpu.memory_space<hbm>>
      %dma_start3A_230 = tpu.memref_squeeze %dma_start3A_229 : memref<1x16x1024xf32, #tpu.memory_space<hbm>> -> memref<16x1024xf32, #tpu.memory_space<hbm>>
      tpu.enqueue_dma source(%arg9 : memref<16x1024xf32, #tpu.memory_space<vmem>>) target(%dma_start3A_230 : memref<16x1024xf32, #tpu.memory_space<hbm>>) target_semaphore(%run_scoped3A : memref<!tpu.dma_semaphore, #tpu.memory_space<semaphore_mem>>)
      %dma_wait3A = arith.constant 0 : i32
      %dma_wait3A_231 = arith.constant 0 : i32
      %dma_wait3A_232 = tpu.memref_slice %arg4[%add3A, %dma_wait3A, %dma_wait3A_231] : memref<32x16x1024xf32, #tpu.memory_space<hbm>> -> memref<1x16x1024xf32, #tpu.memory_space<hbm>>
      %dma_wait3A_233 = tpu.memref_squeeze %dma_wait3A_232 : memref<1x16x1024xf32, #tpu.memory_space<hbm>> -> memref<16x1024xf32, #tpu.memory_space<hbm>>
      %dma_wait3A_234 = arith.constant 0 : i32
      %dma_wait3A_235 = arith.constant 0 : i32
      %dma_wait3A_236 = tpu.memref_slice %arg4[%add3A, %dma_wait3A_234, %dma_wait3A_235] : memref<32x16x1024xf32, #tpu.memory_space<hbm>> -> memref<1x16x1024xf32, #tpu.memory_space<hbm>>
      %dma_wait3A_237 = tpu.memref_squeeze %dma_wait3A_236 : memref<1x16x1024xf32, #tpu.memory_space<hbm>> -> memref<16x1024xf32, #tpu.memory_space<hbm>>
      tpu.wait_dma2 semaphore(%run_scoped3A : memref<!tpu.dma_semaphore, #tpu.memory_space<semaphore_mem>>) src(%arg9 : memref<16x1024xf32, #tpu.memory_space<vmem>>) dst(%dma_wait3A_237 : memref<16x1024xf32, #tpu.memory_space<hbm>>)
      tpu.yield
    }) : () -> ()
    return
  }
}

module attributes {stable_mosaic.version = 14 : i64} {
  func.func @body(%arg0: i32, %arg1: memref<16x1024xf32, #tpu.memory_space<vmem>>, %arg2: memref<1024x1024xf32, #tpu.memory_space<vmem>>, %arg3: memref<16x1024xf32, #tpu.memory_space<vmem>>) attributes {dimension_semantics = [#tpu.dimension_semantics<arbitrary>], iteration_bounds = array<i64: 8>, scalar_prefetch = 0 : i64, scratch_operands = 0 : i64, tpu.core_type = #tpu.core_type<tc>, window_params = [{transform_indices = @transform_0, window_bounds = array<i64: 16, 1024>}, {transform_indices = @transform_1, window_bounds = array<i64: 1024, 1024>}, {pipeline_mode = #tpu.pipeline_mode<synchronous>, transform_indices = @transform_2, window_bounds = array<i64: 16, 1024>}]} {
    %eq3A = arith.constant 0 : i32
    %eq3A_0 = arith.cmpi eq, %arg0, %eq3A : i32
    %convert_element_type3A = arith.extui %eq3A_0 : i1 to i32
    %cond3A = arith.constant 0 : i32
    %cond3A_1 = arith.cmpi ne, %convert_element_type3A, %cond3A : i32
    scf.if %cond3A_1 {
      %broadcast_in_dim3A = arith.constant 0.000000e+00 : f32
      %broadcast_in_dim3A_13 = vector.broadcast %broadcast_in_dim3A : f32 to vector<16x1024xf32>
      %swap3A_14 = arith.constant 0 : index
      %swap3A_15 = arith.constant 0 : index
      %swap3A_16 = vector.load %arg3[%swap3A_14, %swap3A_15] : memref<16x1024xf32, #tpu.memory_space<vmem>>, vector<16x1024xf32>
      tpu.vector_store %arg3[%swap3A_14, %swap3A_15], %broadcast_in_dim3A_13 {strides = array<i32>} : memref<16x1024xf32, #tpu.memory_space<vmem>>, vector<16x1024xf32>,
    } else {
    }
    %get3A = arith.constant 0 : index
    %get3A_2 = arith.constant 0 : index
    %get3A_3 = vector.load %arg3[%get3A, %get3A_2] : memref<16x1024xf32, #tpu.memory_space<vmem>>, vector<16x1024xf32>
    %get3A_4 = arith.constant 0 : index
    %get3A_5 = arith.constant 0 : index
    %get3A_6 = vector.load %arg1[%get3A_4, %get3A_5] : memref<16x1024xf32, #tpu.memory_space<vmem>>, vector<16x1024xf32>
    %get3A_7 = arith.constant 0 : index
    %get3A_8 = arith.constant 0 : index
    %get3A_9 = vector.load %arg2[%get3A_7, %get3A_8] : memref<1024x1024xf32, #tpu.memory_space<vmem>>, vector<1024x1024xf32>
    %dot_general3A = arith.constant dense<0.000000e+00> : vector<16x1024xf32>
    %dot_general3A_10 = tpu.matmul %get3A_6, %get3A_9, %dot_general3A {dimension_numbers = #tpu.dot_dimension_numbers<[1], [0], [0], [1], [0, 0, 1, 1], [], []>, precision = #tpu.contract_precision<fp32>, transpose_lhs_hint = false} : vector<16x1024xf32>, vector<1024x1024xf32>, vector<16x1024xf32> -> vector<16x1024xf32>
    %add3A = arith.addf %get3A_3, %dot_general3A_10 : vector<16x1024xf32>
    %swap3A = arith.constant 0 : index
    %swap3A_11 = arith.constant 0 : index
    %swap3A_12 = vector.load %arg3[%swap3A, %swap3A_11] : memref<16x1024xf32, #tpu.memory_space<vmem>>, vector<16x1024xf32>
    tpu.vector_store %arg3[%swap3A, %swap3A_11], %add3A {strides = array<i32>} : memref<16x1024xf32, #tpu.memory_space<vmem>>, vector<16x1024xf32>,
    return
  }
  func.func @transform_0(%arg0: i32) -> (i32, i32) {
    %c0_i32 = arith.constant 0 : i32
    %c0_i32_0 = arith.constant 0 : i32
    return %c0_i32, %arg0 : i32, i32
  }
  func.func @transform_1(%arg0: i32) -> (i32, i32) {
    %add3A = arith.constant 8 : i32
    %add3A_0 = arith.addi %add3A, %arg0 : i32
    %c0_i32 = arith.constant 0 : i32
    %c0_i32_1 = arith.constant 0 : i32
    return %add3A_0, %c0_i32 : i32, i32
  }
  func.func @transform_2(%arg0: i32) -> (i32, i32) {
    %c0_i32 = arith.constant 0 : i32
    %c0_i32_0 = arith.constant 0 : i32
    %c0_i32_1 = arith.constant 0 : i32
    return %c0_i32, %c0_i32_0 : i32, i32
  }
}

module attributes {stable_mosaic.version = 14 : i64} {
  func.func @body(%arg0: memref<32x16x1024xf32, #tpu.memory_space<vmem>>, %arg1: memref<16x1024xf32, #tpu.memory_space<vmem>>, %arg2: memref<16x1024xf32, #tpu.memory_space<vmem>>) attributes {dimension_semantics = [], scalar_prefetch = 0 : i64, scratch_operands = 0 : i64, tpu.core_type = #tpu.core_type<tc>} {
    %get3A = arith.constant 0 : index
    %get3A_0 = arith.constant 0 : index
    %get3A_1 = arith.constant 0 : index
    %get3A_2 = vector.load %arg0[%get3A, %get3A_0, %get3A_1] : memref<32x16x1024xf32, #tpu.memory_space<vmem>>, vector<32x16x1024xf32>
    %reduce_sum3A = arith.constant dense<0.000000e+00> : vector<16x1024xf32>
    %reduce_sum3A_3 = vector.multi_reduction <add>, %get3A_2, %reduce_sum3A [0] : vector<32x16x1024xf32> to vector<16x1024xf32>
    %get3A_4 = arith.constant 0 : index
    %get3A_5 = arith.constant 0 : index
    %get3A_6 = vector.load %arg1[%get3A_4, %get3A_5] : memref<16x1024xf32, #tpu.memory_space<vmem>>, vector<16x1024xf32>
    %add3A = arith.addf %reduce_sum3A_3, %get3A_6 : vector<16x1024xf32>
    %swap3A = arith.constant 0 : index
    %swap3A_7 = arith.constant 0 : index
    %swap3A_8 = vector.load %arg2[%swap3A, %swap3A_7] : memref<16x1024xf32, #tpu.memory_space<vmem>>, vector<16x1024xf32>
    tpu.vector_store %arg2[%swap3A, %swap3A_7], %add3A {strides = array<i32>} : memref<16x1024xf32, #tpu.memory_space<vmem>>, vector<16x1024xf32>,
    return
  }
}

</mosaic_0001>

<sc_bundles>
// kernel: kernel.5.cloned.1.call-start
scs
__scs_entry_jumppad:
0x0: {  	(pc) =	sbr.rel $0x88, $3  }
0x1: {  	(tag) =	ssettag $0x0;
	lr =	simm.s32 $0x1  }
0x2: {  	[smem:$0x3F9F] =	sst lr;
	_ =	strace $0xD0000000  }
0x3: {  	_ = 	snop  }
0x4: {  	_ = 	snop  }
0x5: {  	_ = 	snop  }
0x6: {  	_ = 	snop  }
0x7: {  	_ = 	snop  }
__scs_overlays_trampoline_lowered:
0x8: {  	[smem:$0x3FAE] =	sst s0  }
0x9: {  	[smem:$0x3FAF] =	sst s1  }
0xa: {  	[smem:$0x3FB0] =	sst s2  }
0xb: {  	[smem:$0x3FB1] =	sst s3  }
0xc: {  	[smem:$0x3FB2] =	sst s4  }
0xd: {  	[smem:$0x3FB3] =	sst s5  }
0xe: {  	[smem:$0x3FB4] =	sst s6  }
0xf: {  	[smem:$0x3FB5] =	sst s7  }
0x10: {  	[smem:$0x3FB6] =	sst s8  }
0x11: {  	[smem:$0x3FB7] =	sst s9;
	s0 =	simm.s32 @!p0 $0x0  }
0x12: {  	s1 =	sld [smem:$0x3F9D];
	s0 =	simm.s32 @p0 $0x1  }
0x13: {  	[smem:$0x3FB8] =	sst s0;
	s0 =	simm.s32 @!p1 $0x0  }
0x14: {  	s2 =	sld [smem:$0x3F9C];
	s0 =	simm.s32 @p1 $0x1  }
0x15: {  	[smem:$0x3FB9] =	sst s0;
	s0 =	simm.s32 @!p2 $0x0  }
0x16: {  	s3 =	sld [smem:$0x3FDB];
	s0 =	simm.s32 @p2 $0x1  }
0x17: {  	s4 =	simm.s32 $0x1BF5;
	[smem:$0x3FBB] =	sst s0  }
0x18: {  	s0 =	sld [smem:$0x3F9E];
	_ =	swait.ge [sflag:s4], $0x0  }
0x19: {  	s7 =	sld [smem:$0x3F9F]  }
0x1a: {  	s8 =	sadd.s32 $0xFFFFE003, lr  }
0x1b: {  	s9 =	sadd.s32 $0xFFFFFEF7, lr;
	s5 =	simm.s32 $0xFFFFFFFF;
	p2 =	slt.u32 s8, $0xFFFFF086  }
0x1c: {  	p1 =	slt.u32 s9, $0xF7A;
	s5 =	simm.s32 @!p2 $0x0  }
0x1d: {  	s5 =	simm.s32 @p1 $0x1;
	p0 =	seq.s32 s7, s2  }
0x1e: {  	s7 =	smul.u32 @!p0 $0xF7A, s2;
	p2 =	seq.s32 @!p0 s5, $0x0  }
0x1f: {  	s9 =	smul.u32 $0xF7A, s1;
	s8 =	simm.s32 @!p0 $0x1BF5;
	p2 =	por !p2, p0  }
0x20: {  	[sflag:s8] =	ssyncset.s32 @!p0 $0xFFFFF086;
	s6 =	sadd.s32 @!p0 s3, s7;
	s7 =	simm.s32 @!p0 $0x108  }
0x21: {  	s3 =	sadd.s32 s3, s9;
	s6 =	sadd.s32 @!p0 $0x88, s6;
	s7 =	simm.s32 @p2 $0x1082  }
0x22: {  	[simem:s7], [sflag:s8] =	dma.local @!p0 [hbm:s6], $0xF7A  }
0x23: {  	s9 =	sor.u32 $0xD0000000, s2;
	s6 =	simm.s32 $0x108;
	_ =	swait.ge @!p0 [sflag:s8], $0x0  }
0x24: {  	s3 =	sadd.s32 $0x88, s3;
	s6 =	simm.s32 @!p1 $0x1082;
	[sflag:s4] =	ssyncset.s32 $0xFFFFF086  }
0x25: {  	[simem:s6], [sflag:s4] =	dma.local [hbm:s3], $0xF7A  }
0x26: {  	[smem:$0x3F9F] =	sst s1;
	(tag) =	ssettag s2;
	_ =	strace s9  }
0x27: {  	s1 =	sld [smem:$0x3FAF]  }
0x28: {  	s2 =	sld [smem:$0x3FB0]  }
0x29: {  	s4 =	sld [smem:$0x3FB2]  }
0x2a: {  	p0 =	seq.s32 s5, $0x0;
	s5 =	sld [smem:$0x3FB3]  }
0x2b: {  	s6 =	sld [smem:$0x3FB4]  }
0x2c: {  	s7 =	sld [smem:$0x3FB5]  }
0x2d: {  	s3 =	simm.s32 $0x108;
	s8 =	sld [smem:$0x3FB6]  }
0x2e: {  	s3 =	simm.s32 @!p0 $0x1082;
	s9 =	sld [smem:$0x3FB7]  }
0x2f: {  	lr =	sadd.s32 s0, s3;
	s0 =	sld [smem:$0x3FAE]  }
0x30: {  	s3 =	sld [smem:$0x3FB1]  }
0x31: {  	[smem:$0x3FBA] =	sst s10  }
0x32: {  	s10 =	sld [smem:$0x3FB8];
	_ =	sdelay $0x3  }
0x33: {  	p0 =	seq.s32 s10, $0x1;
	s10 =	sld [smem:$0x3FBA];
	_ =	sdelay $0x3  }
0x34: {  	[smem:$0x3FBA] =	sst s10  }
0x35: {  	s10 =	sld [smem:$0x3FB9];
	_ =	sdelay $0x3  }
0x36: {  	p1 =	seq.s32 s10, $0x1;
	s10 =	sld [smem:$0x3FBA];
	_ =	sdelay $0x3  }
0x37: {  	[smem:$0x3FBA] =	sst s10  }
0x38: {  	s10 =	sld [smem:$0x3FBB]  }
0x39: {  	_ = 	snop;
	(pc) =	sbr.ind lr, $3  }
0x3a: {  	_ = 	snop  }
0x3b: {  	_ = 	snop  }
0x3c: {  	p2 =	seq.s32 s10, $0x1;
	s10 =	sld [smem:$0x3FBA]  }
0x3d: {  	_ =	shalt  }
0x3e: {  	_ =	shalt  }
0x3f: {  	_ =	shalt  }
0x40: {  	_ =	shalt  }
0x41: {  	_ =	shalt  }
0x42: {  	_ =	shalt  }
0x43: {  	_ =	shalt  }
0x44: {  	_ =	shalt  }
0x45: {  	_ =	shalt  }
0x46: {  	_ =	shalt  }
0x47: {  	_ =	shalt  }
0x48: {  	_ =	shalt  }
0x49: {  	_ =	shalt  }
0x4a: {  	_ =	shalt  }
0x4b: {  	_ =	shalt  }
0x4c: {  	_ =	shalt  }
0x4d: {  	_ =	shalt  }
0x4e: {  	_ =	shalt  }
0x4f: {  	_ =	shalt  }
0x50: {  	_ =	shalt  }
0x51: {  	_ =	shalt  }
0x52: {  	_ =	shalt  }
0x53: {  	_ =	shalt  }
0x54: {  	_ =	shalt  }
0x55: {  	_ =	shalt  }
0x56: {  	_ =	shalt  }
0x57: {  	_ =	shalt  }
0x58: {  	_ =	shalt  }
0x59: {  	_ =	shalt  }
0x5a: {  	_ =	shalt  }
0x5b: {  	_ =	shalt  }
0x5c: {  	_ =	shalt  }
0x5d: {  	_ =	shalt  }
0x5e: {  	_ =	shalt  }
0x5f: {  	_ =	shalt  }
0x60: {  	_ =	shalt  }
0x61: {  	_ =	shalt  }
0x62: {  	_ =	shalt  }
0x63: {  	_ =	shalt  }
0x64: {  	_ =	shalt  }
0x65: {  	_ =	shalt  }
0x66: {  	_ =	shalt  }
0x67: {  	_ =	shalt  }
0x68: {  	_ =	shalt  }
0x69: {  	_ =	shalt  }
0x6a: {  	_ =	shalt  }
0x6b: {  	_ =	shalt  }
0x6c: {  	_ =	shalt  }
0x6d: {  	_ =	shalt  }
0x6e: {  	_ =	shalt  }
0x6f: {  	_ =	shalt  }
0x70: {  	_ =	shalt  }
0x71: {  	_ =	shalt  }
0x72: {  	_ =	shalt  }
0x73: {  	_ =	shalt  }
0x74: {  	_ =	shalt  }
0x75: {  	_ =	shalt  }
0x76: {  	_ =	shalt  }
0x77: {  	_ =	shalt  }
0x78: {  	_ =	shalt  }
0x79: {  	_ =	shalt  }
0x7a: {  	_ =	shalt  }
0x7b: {  	_ =	shalt  }
0x7c: {  	_ =	shalt  }
0x7d: {  	_ =	shalt  }
0x7e: {  	_ =	shalt  }
0x7f: {  	_ =	shalt  }
0x80: {  	_ =	shalt  }
0x81: {  	_ =	shalt  }
0x82: {  	_ =	shalt  }
0x83: {  	_ =	shalt  }
0x84: {  	_ =	shalt  }
0x85: {  	_ =	shalt  }
0x86: {  	_ =	shalt  }
0x87: {  	_ =	shalt  }
.Lfunc_end0:
.L_simem_size_0:
called_computation_lowered:
.L_overlay_start_0:
0x88: {  	s2 =	sld [smem:$0x3FD9]  }
0x89: {  	s3 =	sld [smem:$0x3FFE];
	_ =	sdelay $0x1  }
0x8a: {  	s1 =	srdreg.scid  }
0x8b: {  	s0 =	sand.u32 $0x1, s1  }
0x8c: {  	s17 =	sshll.u32 s0, $0xA;
	s2 =	sadd.s32 s3, s2  }
0x8d: {  	s2 =	sadd.s32 s2, s17  }
0x8e: {  	[smem:$0x3FC6] =	sst s2  }
0x8f: {  	_ = 	snop  }
0x90: {  	s2 =	sld [smem:$0x3FC9]  }
0x91: {  	s18 =	sld [smem:$0x3FC8];
	(tm) =	ssettm $0x1  }
0x92: {  	s4 =	sld [smem:$0x3FFB];
	_ =	sdelay $0x3  }
0x93: {  	_ =	strace s4  }
0x94: {  	s4 =	sld [smem:$0x3FFC];
	_ =	sdelay $0x3  }
0x95: {  	_ =	strace s4  }
0x96: {  	s4 =	sld [smem:$0x3FFD];
	_ =	sdelay $0x3  }
0x97: {  	_ =	strace s4  }
0x98: {  	_ =	strace $0x8FFFFFFF  }
0x99: {  	s19 =	sld [smem:$0x3FDB];
	_ =	sdelay $0x1  }
0x9a: {  	s5 =	simm.s32 $_scs_section_size  }
0x9b: {  	s6 =	simm.s32 $_size__tile_overlayer_lowered;
	s7 =	simm.s32 $_tile_overlayer_lowered  }
0x9c: {  	s22 =	simm.s32 $0x1BFF;
	s21 =	sshll.u32 s7, $0x1;
	s4 =	sadd.s32 s5, s19  }
0x9d: {  	s8 =	simm.s32 $0x0;
	s20 =	sshll.u32 s6, $0x1;
	s6 =	sadd.s32 s21, s4  }
0x9e: {  	[timem:s8], [sflag:s22] =	dma.local [hbm:s6], s20  }
0x9f: {  	_ =	swait.ge [sflag:s22], s20  }
0xa0: {  	s5 =	ssub.s32 $0x0, s20;
	[sflag:s22] =	ssyncset.done $0x0  }
0xa1: {  	[sflag:s22] =	ssyncadd.s32 s5;
	_ =	sdelay $0x1  }
0xa2: {  	s23 =	simm.s32 $0x1B8B  }
0xa3: {  	_ =	swait.ge [sflag:s23], $0x1  }
0xa4: {  	[sflag:s23] =	ssyncset.done $0x0  }
0xa5: {  	s25 =	simm.s32 $0x1B8E;
	s24 =	sld [smem:$0x3FFE];
	[sflag:s23] =	ssyncadd.s32 $0xFFFFFFFF  }
0xa6: {  	s26 =	simm.s32 $execute0_lowered;
	[smem:$0x3FD2] =	sst s25  }
0xa7: {  	s6 =	sshll.u32 s26, $0x1;
	_ =	strace $0x80000046;
	[dreg:$0x1] =	wrdreg $0xFFFFFFFF  }
0xa8: {  	s28 =	simm.s32 $_size_execute0_lowered;
	s4 =	sadd.s32 s4, s6;
	[dreg:$0x0] =	wrdreg $0x0  }
0xa9: {  	s6 =	sshll.u32 s28, $0x1;
	[dreg:$0x2] =	wrdreg s4  }
0xaa: {  	[dreg:$0x3] =	wrdreg s6  }
0xab: {  	[dreg:$0x4] =	wrdreg $0xC0  }
0xac: {  	_ =	task [dreg:s8], $0x5FFFF  }
0xad: {  	[dreg:$0x1] =	wrdreg $0xFFFFFFFF  }
0xae: {  	[dreg:$0x0] =	wrdreg $0x60  }
0xaf: {  	[dreg:$0x2] =	wrdreg s2  }
0xb0: {  	[dreg:$0x3] =	wrdreg s18  }
0xb1: {  	[dreg:$0x4] =	wrdreg s24  }
0xb2: {  	[dreg:$0x5] =	wrdreg $0x9  }
0xb3: {  	_ =	task.clear_ibuf [dreg:s8], $0x6FFFF;
	_ =	strace $0x90000046  }
0xb4: {  	s29 =	simm.s32 $0x9;
	_ =	strace $0x80000048  }
0xb5: {  	_ =	swait.ge [sflag:s29], $0x1  }
0xb6: {  	[sflag:s29] =	ssyncadd.s32 $0xFFFFFFFF  }
0xb7: {  	_ =	strace $0x90000048  }
0xb8: {  	_ =	sfence  }
0xb9: {  	s30 =	sld [smem:$0x0];
	_ =	sdelay $0x2  }
0xba: {  	s31 =	sshll.u32 s1, $0xD;
	s1 =	sshrl.u32 s1, $0x2  }
0xbb: {  	s3 =	sand.u32 $0x4000, s31;
	s1 =	sadd.s32 s1, s30  }
0xbc: {  	s0 =	sor.u32 s3, s0;
	s1 =	sshll.u32 s1, $0x11  }
0xbd: {  	s0 =	sor.u32 s1, s0  }
0xbe: {  	s0 =	sadd.s32 $0x8F2B, s0  }
0xbf: {  	[sflag:s0] =	ssyncadd.remote.s32 $0x1  }
0xc0: {  	_ =	sfence.sel $0xFFFF  }
0xc1: {  	[dreg:$0x0] =	wrdreg $0xFFFFFFFF;
	(pc) =	sbr.abs _section_cstart, $3  }
0xc2: {  	[dreg:$0x1] =	wrdreg $0xFFFFFFFF  }
0xc3: {  	_ =	task.clear_ibuf [dreg:s8], $0x2FFFF;
	_ =	strace $0x9FFFFFFF  }
0xc4: {  	(tm) =	ssettm $0x7FFFFFFF  }
0xc5: {  	_ =	shalt  }
tec
execute0_lowered:
.L_overlay_start_1:
0x0: {  	(tag) =	ssettag $0x1  }
0x1: {  	s0 =	rddreg [dreg:$0x0]  }
0x2: {  	s1 =	rddreg [dreg:$0x2];
	s8 =	simm.s32 $0x0;
	s2 =	srdreg.scid  }
0x3: {  	s7 =	stileid.u32;
	[smem:$0x7FF] =	sst s8  }
0x4: {  	s2 =	sand.u32 $0x1, s2;
	s3 =	sshll.u32 s7, $0x1;
	s25 =	sshll.u32 s7, $0x9  }
0x5: {  	s3 =	sor.u32 s2, s3;
	s5 =	ssub.s32 $0x2, s2;
	s2 =	sshll.u32 s2, $0x8  }
0x6: {  	s4 =	sshll.u32 s3, $0xB;
	s6 =	sshll.u32 s3, $0xF;
	s3 =	sshll.u32 s3, $0x8  }
0x7: {  	_ =	strace $0x80000047;
	s28 =	sor.u32 s25, s2;
	[smem:$0x7F3] =	sst s3  }
0x8: {  	s6 =	sadd.s32 s0, s6;
	[smem:$0x7FC] =	sst s28  }
0x9: {  	s29 =	ssub.s32 $0x0, s28;
	[smem:$0x7F6] =	sst s6  }
0xa: {  	s30 =	sxor.u32 $0xFFFFFFE0, s28;
	[smem:$0x7FA] =	sst s29  }
0xb: {  	s31 =	sor.u32 $0x20, s28;
	[smem:$0x7FB] =	sst s30  }
0xc: {  	s21 =	sshrl.u32 s5, $0x1;
	s23 =	sadd.s32 $0x1000, s6;
	[smem:$0x7FD] =	sst s31  }
.Ltmp0:
0xd: {  	s24 =	sadd.s32 $0x2000, s6;
	[smem:$0x7F4] =	sst s23;
	(pc) =	sbr.rel .LBB2_1-.Ltmp0, $4  }
0xe: {  	s1 =	sadd.s32 s4, s1;
	s26 =	sadd.s32 $0x3000, s6;
	[smem:$0x7F5] =	sst s24  }
0xf: {  	s22 =	ssub.s32 s5, s21;
	s1 =	sadd.s32 $0xA00, s1;
	[smem:$0x7F7] =	sst s26  }
0x10: {  	s0 =	smax.u32 s22, $0x1;
	[smem:$0x7F8] =	sst s1  }
0x11: {  	v0 =	vimm.f32 $0.0e+00;
	s2 =	simm.s32 $0x3;
	[smem:$0x7F9] =	sst s0;
	s1 =	simm.s32 $0x0  }
.LBB2_62:
0x12: {  	s0 =	sld [smem:$0x7F8];
	_ =	sdelay $0x1  }
0x13: {  	s8 =	simm.s32 $0x0;
	s1 =	simm.s32 $0x10080;
	s2 =	simm.s32 $0x3  }
0x14: {  	[hbm4b:s0+s8] =	stream.linear.scatter [tilespmem:s1], [sflag:$0x3], $0x4000, $0x38;
	[tilespmem:$0x14080] =	vst v63  }
0x15: {  	_ =	swait.ge [sflag:s2], $0x4000  }
0x16: {  	s30 =	sld [smem:$0x7F2]  }
0x17: {  	s31 =	sld [smem:$0x7F9];
	_ =	sdelay $0x1  }
0x18: {  	s1 =	sadd.s32 $0x1, s30  }
0x19: {  	p0 =	sne.s32 s1, s31  }
.Ltmp1:
0x1a: {  	_ = 	snop;
	(pc) =	sbr.rel @!p0 .LBB2_63-.Ltmp1, $3  }
0x1b: {  	_ =	sdelay $0x1  }
0x1c: {  	[sflag:s2] =	ssyncset.done $0x0  }
0x1d: {  	[sflag:s2] =	ssyncadd.s32 $0xFFFFC000  }
.LBB2_1:
0x1e: {  	s0 =	sld [smem:$0x7F6];
	_ =	sdelay $0x1  }
0x1f: {  	s10 =	simm.s32 $0x80;
	s11 =	sld [smem:$0x7F4]  }
0x20: {  	[tilespmem:s10], [sflag:$0x1] =	stream.linear.gather [hbm4b:s0+s8], $0x8000, $0x38;
	[tilespmem:$0x14080] =	vst v63  }
0x21: {  	[smem:$0x7F2] =	sst s1;
	s12 =	simm.s32 $0x8080  }
0x22: {  	[tilespmem:s12], [sflag:$0x2] =	stream.linear.gather [hbm4b:s11+s8], $0x8000, $0x38;
	[tilespmem:$0x14080] =	vst v63  }
0x23: {  	s13 =	rddreg [dreg:$0x1]  }
0x24: {  	[tilespmem:s8], [sflag:$0x3] =	stream.linear.gather [hbm4b:s13+s8], $0x10, $0x38;
	[tilespmem:$0x14080] =	vst v63  }
0x25: {  	_ =	swait.ge [sflag:s2], $0x10  }
0x26: {  	[sflag:s2] =	ssyncset.done $0x0  }
0x27: {  	[sflag:s2] =	ssyncadd.s32 $0xFFFFFFF0  }
0x28: {  	v1 =	vld [tilespmem:$0x0];
	_ =	sdelay $0x4  }
0x29: {  	(v2sf) =	vpush v1, $0x0  }
0x2a: {  	(v2sf) =	vpush v1, $0x1;
	_ =	sdelay $0x1  }
0x2b: {  	(v2sf) =	vpush v1, $0x2  }
0x2c: {  	(v2sf) =	vpush v1, $0x3  }
0x2d: {  	(v2sf) =	vpush v1, $0x4  }
0x2e: {  	(v2sf) =	vpush v1, $0x5  }
0x2f: {  	(v2sf) =	vpush v1, $0x6  }
0x30: {  	(v2sf) =	vpush v1, $0x7  }
0x31: {  	(v2sf) =	vpush v1, $0x8  }
0x32: {  	(v2sf) =	vpush v1, $0x9  }
0x33: {  	(v2sf) =	vpush v1, $0xA  }
0x34: {  	(v2sf) =	vpush v1, $0xB  }
0x35: {  	(v2sf) =	vpush v1, $0xC  }
0x36: {  	(v2sf) =	vpush v1, $0xD  }
0x37: {  	s14 =	spop (v2sf);
	(v2sf) =	vpush v1, $0xE  }
0x38: {  	s0 =	spop (v2sf);
	(v2sf) =	vpush v1, $0xF  }
0x39: {  	[smem:$0x0] =	sst s14  }
0x3a: {  	s15 =	spop (v2sf);
	[smem:$0x1] =	sst s0  }
0x3b: {  	s16 =	spop (v2sf);
	[smem:$0x2] =	sst s15  }
0x3c: {  	s3 =	spop (v2sf);
	[smem:$0x3] =	sst s16  }
0x3d: {  	s17 =	spop (v2sf);
	[smem:$0x4] =	sst s3  }
0x3e: {  	s18 =	spop (v2sf);
	[smem:$0x5] =	sst s17  }
0x3f: {  	s19 =	spop (v2sf);
	[smem:$0x6] =	sst s18  }
0x40: {  	s20 =	spop (v2sf);
	[smem:$0x7] =	sst s19  }
0x41: {  	s21 =	spop (v2sf);
	[smem:$0x8] =	sst s20  }
0x42: {  	s22 =	spop (v2sf);
	[smem:$0x9] =	sst s21  }
0x43: {  	s23 =	spop (v2sf);
	[smem:$0xA] =	sst s22  }
0x44: {  	s26 =	sand.u32 $0x40, s8;
	s24 =	spop (v2sf);
	[smem:$0xB] =	sst s23  }
0x45: {  	s28 =	sand.u32 $0x1C00, s8;
	s25 =	spop (v2sf);
	[smem:$0xC] =	sst s24  }
0x46: {  	s4 =	sor.u32 s26, s28;
	[smem:$0xD] =	sst s25;
	s29 =	spop (v2sf)  }
0x47: {  	[tilespmem:s4+$0x100B0] =	vst v0;
	[smem:$0xE] =	sst s29;
	s30 =	spop (v2sf)  }
0x48: {  	s31 =	simm.s32 $0x4000;
	[tilespmem:s4+$0x10080] =	vst v0;
	[smem:$0xF] =	sst s30  }
0x49: {  	s1 =	simm.s32 $0x40;
	[tilespmem:s4+$0x10090] =	vst v0;
	s3 =	simm.s32 $0x0;
	[smem:$0x10] =	sst s31  }
.LBB2_2:
0x4a: {  	s2 =	sand.u32 $0x40, s1;
	[tilespmem:s4+$0x100A0] =	vst v0;
	s3 =	sadd.s32 $0x200, s3;
	p0 =	sne.s32 s1, $0x3C0  }
.Ltmp2:
0x4b: {  	s1 =	sadd.s32 $0x40, s1;
	s4 =	sand.u32 $0x1C00, s3;
	(pc) =	sbr.rel @p0 .LBB2_2-.Ltmp2, $4  }
0x4c: {  	s4 =	sor.u32 s2, s4  }
0x4d: {  	s2 =	simm.s32 $0x0;
	[tilespmem:s4+$0x100B0] =	vst v0  }
0x4e: {  	[tilespmem:s4+$0x10080] =	vst v0  }
0x4f: {  	[tilespmem:s4+$0x10090] =	vst v0  }
0x50: {  	s1 =	sand.u32 $0x40, s2;
	s3 =	sand.u32 $0x1C00, s2  }
0x51: {  	[tilespmem:s4+$0x100A0] =	vst v0;
	s6 =	sor.u32 s1, s3  }
0x52: {  	[tilespmem:s6+$0x10130] =	vst v0  }
0x53: {  	[tilespmem:s6+$0x10100] =	vst v0  }
0x54: {  	s4 =	simm.s32 $0x40;
	s5 =	simm.s32 $0x0;
	[tilespmem:s6+$0x10110] =	vst v0  }
.LBB2_4:
0x55: {  	s7 =	sand.u32 $0x40, s4;
	[tilespmem:s6+$0x10120] =	vst v0;
	s5 =	sadd.s32 $0x200, s5;
	p0 =	sne.s32 s4, $0x3C0  }
.Ltmp3:
0x56: {  	s4 =	sadd.s32 $0x40, s4;
	s6 =	sand.u32 $0x1C00, s5;
	(pc) =	sbr.rel @p0 .LBB2_4-.Ltmp3, $4  }
0x57: {  	s6 =	sor.u32 s7, s6  }
0x58: {  	[tilespmem:s6+$0x10130] =	vst v0  }
0x59: {  	[tilespmem:s6+$0x10100] =	vst v0  }
0x5a: {  	[tilespmem:s6+$0x10110] =	vst v0  }
0x5b: {  	[tilespmem:s6+$0x10120] =	vst v0;
	s4 =	sor.u32 s1, s3  }
0x5c: {  	[tilespmem:s4+$0x101B0] =	vst v0  }
0x5d: {  	[tilespmem:s4+$0x10180] =	vst v0  }
0x5e: {  	s3 =	simm.s32 $0x40;
	[tilespmem:s4+$0x10190] =	vst v0  }
.LBB2_6:
0x5f: {  	s1 =	sand.u32 $0x40, s3;
	[tilespmem:s4+$0x101A0] =	vst v0;
	s2 =	sadd.s32 $0x200, s2;
	p0 =	sne.s32 s3, $0x3C0  }
.Ltmp4:
0x60: {  	s3 =	sadd.s32 $0x40, s3;
	s4 =	sand.u32 $0x1C00, s2;
	(pc) =	sbr.rel @p0 .LBB2_6-.Ltmp4, $4  }
0x61: {  	s4 =	sor.u32 s1, s4  }
0x62: {  	s1 =	simm.s32 $0x0;
	[tilespmem:s4+$0x101B0] =	vst v0  }
0x63: {  	[tilespmem:s4+$0x10180] =	vst v0  }
0x64: {  	[tilespmem:s4+$0x10190] =	vst v0  }
0x65: {  	s2 =	sand.u32 $0x40, s1;
	s3 =	sand.u32 $0x1C00, s1  }
0x66: {  	[tilespmem:s4+$0x101A0] =	vst v0;
	s4 =	sor.u32 s2, s3  }
0x67: {  	[tilespmem:s4+$0x10230] =	vst v0  }
0x68: {  	[tilespmem:s4+$0x10200] =	vst v0  }
0x69: {  	p0 =	por $0x0, $0x0;
	s2 =	simm.s32 $0x40;
	s3 =	simm.s32 $0x0;
	[tilespmem:s4+$0x10210] =	vst v0  }
.LBB2_8:
0x6a: {  	s5 =	sand.u32 $0x40, s2;
	[tilespmem:s4+$0x10220] =	vst v0;
	s3 =	sadd.s32 $0x200, s3;
	p1 =	sne.s32 s2, $0x3C0  }
.Ltmp5:
0x6b: {  	s2 =	sadd.s32 $0x40, s2;
	s4 =	sand.u32 $0x1C00, s3;
	(pc) =	sbr.rel @p1 .LBB2_8-.Ltmp5, $4  }
0x6c: {  	s4 =	sor.u32 s5, s4  }
0x6d: {  	[tilespmem:s4+$0x10230] =	vst v0  }
0x6e: {  	[tilespmem:s4+$0x10200] =	vst v0  }
0x6f: {  	[tilespmem:s4+$0x10210] =	vst v0  }
0x70: {  	s2 =	simm.s32 $0x1  }
0x71: {  	s2 =	simm.s32 @!p0 $0x0  }
0x72: {  	s2 =	sshll.u32 s2, $0x6  }
0x73: {  	s3 =	sadd.s32 $0x0, s2  }
0x74: {  	[tilespmem:s4+$0x10220] =	vst v0;
	s31 =	sor.u32 $0x200, s3  }
0x75: {  	p1 =	por !p0, !p0;
	s4 =	simm.s32 $0x40;
	[tilespmem:s31+$0x10080] =	vst v0  }
.LBB2_10:
0x76: {  	s5 =	simm.s32 $0x1;
	s6 =	sor.u32 $0x210, s3  }
0x77: {  	s1 =	sadd.s32 $0x200, s1;
	p2 =	sne.s32 s4, $0x3C0;
	s5 =	simm.s32 @!p1 $0x0  }
.Ltmp6:
0x78: {  	s5 =	sshll.u32 s5, $0x6;
	[tilespmem:s6+$0x10080] =	vst v0;
	s6 =	sor.u32 $0x220, s3;
	(pc) =	sbr.rel @p2 .LBB2_10-.Ltmp6, $4  }
0x79: {  	[tilespmem:s6+$0x10080] =	vst v0;
	s6 =	sor.u32 $0x230, s3;
	s3 =	sadd.s32 s5, s1  }
0x7a: {  	s5 =	sor.u32 $0x200, s3;
	[tilespmem:s6+$0x10080] =	vst v0  }
0x7b: {  	[tilespmem:s5+$0x10080] =	vst v0  }
0x7c: {  	s4 =	sadd.s32 $0x40, s4;
	p1 =	por !p1, !p1  }
0x7d: {  	s1 =	sor.u32 $0x210, s3  }
0x7e: {  	s29 =	sor.u32 $0x220, s3;
	[tilespmem:s1+$0x10080] =	vst v0  }
0x7f: {  	s30 =	sor.u32 $0x230, s3;
	s2 =	sadd.s32 $0x0, s2;
	[tilespmem:s29+$0x10080] =	vst v0  }
0x80: {  	p0 =	por !p0, !p0;
	s31 =	sor.u32 $0x280, s2;
	[tilespmem:s30+$0x10080] =	vst v0  }
0x81: {  	s3 =	simm.s32 $0x40;
	s4 =	simm.s32 $0x0;
	s1 =	simm.s32 $0x0;
	[tilespmem:s31+$0x10080] =	vst v0  }
.LBB2_12:
0x82: {  	s5 =	simm.s32 $0x1;
	s6 =	sor.u32 $0x290, s2  }
0x83: {  	s4 =	sadd.s32 $0x200, s4;
	p1 =	sne.s32 s3, $0x3C0;
	s5 =	simm.s32 @!p0 $0x0  }
.Ltmp7:
0x84: {  	s5 =	sshll.u32 s5, $0x6;
	[tilespmem:s6+$0x10080] =	vst v0;
	s6 =	sor.u32 $0x2A0, s2;
	(pc) =	sbr.rel @p1 .LBB2_12-.Ltmp7, $4  }
0x85: {  	[tilespmem:s6+$0x10080] =	vst v0;
	s6 =	sor.u32 $0x2B0, s2;
	s2 =	sadd.s32 s5, s4  }
0x86: {  	s5 =	sor.u32 $0x280, s2;
	[tilespmem:s6+$0x10080] =	vst v0  }
0x87: {  	[tilespmem:s5+$0x10080] =	vst v0  }
0x88: {  	s3 =	sadd.s32 $0x40, s3;
	p0 =	por !p0, !p0  }
0x89: {  	p0 =	por $0x0, $0x0;
	s3 =	simm.s32 $0x1  }
0x8a: {  	s4 =	sor.u32 $0x290, s2;
	s3 =	simm.s32 @!p0 $0x0  }
0x8b: {  	s30 =	sor.u32 $0x2A0, s2;
	[tilespmem:s4+$0x10080] =	vst v0;
	s3 =	sshll.u32 s3, $0x6  }
0x8c: {  	s31 =	sor.u32 $0x2B0, s2;
	[tilespmem:s30+$0x10080] =	vst v0;
	s2 =	sadd.s32 $0x0, s3  }
0x8d: {  	[tilespmem:s31+$0x10080] =	vst v0;
	s3 =	sor.u32 $0x300, s2  }
0x8e: {  	p0 =	por !p0, !p0;
	[tilespmem:s3+$0x10080] =	vst v0;
	s3 =	simm.s32 $0x40  }
.LBB2_14:
0x8f: {  	s4 =	simm.s32 $0x1;
	s5 =	sor.u32 $0x310, s2  }
0x90: {  	s1 =	sadd.s32 $0x200, s1;
	p1 =	sne.s32 s3, $0x3C0;
	s4 =	simm.s32 @!p0 $0x0  }
.Ltmp8:
0x91: {  	s4 =	sshll.u32 s4, $0x6;
	[tilespmem:s5+$0x10080] =	vst v0;
	s5 =	sor.u32 $0x320, s2;
	(pc) =	sbr.rel @p1 .LBB2_14-.Ltmp8, $4  }
0x92: {  	[tilespmem:s5+$0x10080] =	vst v0;
	s5 =	sor.u32 $0x330, s2;
	s2 =	sadd.s32 s4, s1  }
0x93: {  	s4 =	sor.u32 $0x300, s2;
	[tilespmem:s5+$0x10080] =	vst v0  }
0x94: {  	[tilespmem:s4+$0x10080] =	vst v0  }
0x95: {  	s3 =	sadd.s32 $0x40, s3;
	p0 =	por !p0, !p0  }
0x96: {  	s1 =	sor.u32 $0x310, s2  }
0x97: {  	s3 =	sor.u32 $0x320, s2;
	[tilespmem:s1+$0x10080] =	vst v0;
	s1 =	simm.s32 $0x0  }
0x98: {  	s30 =	sor.u32 $0x330, s2;
	[tilespmem:s3+$0x10080] =	vst v0;
	s2 =	sor.u32 s1, s1  }
0x99: {  	[tilespmem:s30+$0x10080] =	vst v0;
	s31 =	sor.u32 $0x380, s2  }
0x9a: {  	s4 =	sor.u32 $0x390, s2;
	[tilespmem:s31+$0x10080] =	vst v0  }
0x9b: {  	s3 =	simm.s32 $0x200;
	s5 =	sor.u32 $0x3A0, s2;
	[tilespmem:s4+$0x10080] =	vst v0;
	s4 =	simm.s32 $0x40  }
.LBB2_16:
0x9c: {  	[tilespmem:s5+$0x10080] =	vst v0;
	s5 =	sor.u32 $0x3B0, s2;
	s2 =	sor.u32 s4, s3;
	p0 =	sne.s32 s4, $0x3C0  }
.Ltmp9:
0x9d: {  	s6 =	sor.u32 $0x380, s2;
	[tilespmem:s5+$0x10080] =	vst v0;
	(pc) =	sbr.rel @p0 .LBB2_16-.Ltmp9, $3  }
0x9e: {  	[tilespmem:s6+$0x10080] =	vst v0;
	_ =	sdelay $0x1  }
0x9f: {  	s3 =	sadd.s32 $0x200, s3;
	s5 =	sor.u32 $0x390, s2  }
0xa0: {  	s4 =	sadd.s32 $0x40, s4;
	[tilespmem:s5+$0x10080] =	vst v0;
	s5 =	sor.u32 $0x3A0, s2  }
0xa1: {  	[tilespmem:s5+$0x10080] =	vst v0;
	s2 =	sor.u32 $0x3B0, s2;
	s3 =	sand.u32 $0x40, s1;
	s4 =	sand.u32 $0x1C00, s1  }
0xa2: {  	[tilespmem:s2+$0x10080] =	vst v0;
	s4 =	sor.u32 s3, s4  }
0xa3: {  	[tilespmem:s4+$0x120B0] =	vst v0  }
0xa4: {  	[tilespmem:s4+$0x12080] =	vst v0  }
0xa5: {  	s3 =	simm.s32 $0x40;
	[tilespmem:s4+$0x12090] =	vst v0  }
.LBB2_18:
0xa6: {  	s2 =	sand.u32 $0x40, s3;
	[tilespmem:s4+$0x120A0] =	vst v0;
	s1 =	sadd.s32 $0x200, s1;
	p0 =	sne.s32 s3, $0x3C0  }
.Ltmp10:
0xa7: {  	s3 =	sadd.s32 $0x40, s3;
	s4 =	sand.u32 $0x1C00, s1;
	(pc) =	sbr.rel @p0 .LBB2_18-.Ltmp10, $4  }
0xa8: {  	s4 =	sor.u32 s2, s4  }
0xa9: {  	s2 =	simm.s32 $0x0;
	[tilespmem:s4+$0x120B0] =	vst v0  }
0xaa: {  	[tilespmem:s4+$0x12080] =	vst v0  }
0xab: {  	[tilespmem:s4+$0x12090] =	vst v0  }
0xac: {  	s1 =	sand.u32 $0x40, s2;
	s3 =	sand.u32 $0x1C00, s2  }
0xad: {  	[tilespmem:s4+$0x120A0] =	vst v0;
	s6 =	sor.u32 s1, s3  }
0xae: {  	[tilespmem:s6+$0x12130] =	vst v0  }
0xaf: {  	[tilespmem:s6+$0x12100] =	vst v0  }
0xb0: {  	s4 =	simm.s32 $0x40;
	s5 =	simm.s32 $0x0;
	[tilespmem:s6+$0x12110] =	vst v0  }
.LBB2_20:
0xb1: {  	s7 =	sand.u32 $0x40, s4;
	[tilespmem:s6+$0x12120] =	vst v0;
	s5 =	sadd.s32 $0x200, s5;
	p0 =	sne.s32 s4, $0x3C0  }
.Ltmp11:
0xb2: {  	s4 =	sadd.s32 $0x40, s4;
	s6 =	sand.u32 $0x1C00, s5;
	(pc) =	sbr.rel @p0 .LBB2_20-.Ltmp11, $4  }
0xb3: {  	s6 =	sor.u32 s7, s6  }
0xb4: {  	[tilespmem:s6+$0x12130] =	vst v0  }
0xb5: {  	[tilespmem:s6+$0x12100] =	vst v0  }
0xb6: {  	[tilespmem:s6+$0x12110] =	vst v0  }
0xb7: {  	[tilespmem:s6+$0x12120] =	vst v0;
	s4 =	sor.u32 s1, s3  }
0xb8: {  	[tilespmem:s4+$0x121B0] =	vst v0  }
0xb9: {  	[tilespmem:s4+$0x12180] =	vst v0  }
0xba: {  	s3 =	simm.s32 $0x40;
	[tilespmem:s4+$0x12190] =	vst v0  }
.LBB2_22:
0xbb: {  	s1 =	sand.u32 $0x40, s3;
	[tilespmem:s4+$0x121A0] =	vst v0;
	s2 =	sadd.s32 $0x200, s2;
	p0 =	sne.s32 s3, $0x3C0  }
.Ltmp12:
0xbc: {  	s3 =	sadd.s32 $0x40, s3;
	s4 =	sand.u32 $0x1C00, s2;
	(pc) =	sbr.rel @p0 .LBB2_22-.Ltmp12, $4  }
0xbd: {  	s4 =	sor.u32 s1, s4  }
0xbe: {  	s1 =	simm.s32 $0x0;
	[tilespmem:s4+$0x121B0] =	vst v0  }
0xbf: {  	[tilespmem:s4+$0x12180] =	vst v0  }
0xc0: {  	[tilespmem:s4+$0x12190] =	vst v0  }
0xc1: {  	s2 =	sand.u32 $0x40, s1;
	s3 =	sand.u32 $0x1C00, s1  }
0xc2: {  	[tilespmem:s4+$0x121A0] =	vst v0;
	s6 =	sor.u32 s2, s3  }
0xc3: {  	[tilespmem:s6+$0x12230] =	vst v0  }
0xc4: {  	[tilespmem:s6+$0x12200] =	vst v0  }
0xc5: {  	s4 =	simm.s32 $0x40;
	s5 =	simm.s32 $0x0;
	[tilespmem:s6+$0x12210] =	vst v0  }
.LBB2_24:
0xc6: {  	s7 =	sand.u32 $0x40, s4;
	[tilespmem:s6+$0x12220] =	vst v0;
	s5 =	sadd.s32 $0x200, s5;
	p0 =	sne.s32 s4, $0x3C0  }
.Ltmp13:
0xc7: {  	s4 =	sadd.s32 $0x40, s4;
	s6 =	sand.u32 $0x1C00, s5;
	(pc) =	sbr.rel @p0 .LBB2_24-.Ltmp13, $4  }
0xc8: {  	s6 =	sor.u32 s7, s6  }
0xc9: {  	[tilespmem:s6+$0x12230] =	vst v0  }
0xca: {  	[tilespmem:s6+$0x12200] =	vst v0  }
0xcb: {  	[tilespmem:s6+$0x12210] =	vst v0  }
0xcc: {  	[tilespmem:s6+$0x12220] =	vst v0;
	s4 =	sor.u32 s2, s3  }
0xcd: {  	[tilespmem:s4+$0x122B0] =	vst v0  }
0xce: {  	[tilespmem:s4+$0x12280] =	vst v0  }
0xcf: {  	s3 =	simm.s32 $0x40;
	[tilespmem:s4+$0x12290] =	vst v0  }
.LBB2_26:
0xd0: {  	s2 =	sand.u32 $0x40, s3;
	[tilespmem:s4+$0x122A0] =	vst v0;
	s1 =	sadd.s32 $0x200, s1;
	p0 =	sne.s32 s3, $0x3C0  }
.Ltmp14:
0xd1: {  	s3 =	sadd.s32 $0x40, s3;
	s4 =	sand.u32 $0x1C00, s1;
	(pc) =	sbr.rel @p0 .LBB2_26-.Ltmp14, $4  }
0xd2: {  	s4 =	sor.u32 s2, s4  }
0xd3: {  	s2 =	simm.s32 $0x0;
	[tilespmem:s4+$0x122B0] =	vst v0  }
0xd4: {  	[tilespmem:s4+$0x12280] =	vst v0  }
0xd5: {  	[tilespmem:s4+$0x12290] =	vst v0  }
0xd6: {  	s1 =	sand.u32 $0x40, s2;
	s3 =	sand.u32 $0x1C00, s2  }
0xd7: {  	[tilespmem:s4+$0x122A0] =	vst v0;
	s6 =	sor.u32 s1, s3  }
0xd8: {  	[tilespmem:s6+$0x12330] =	vst v0  }
0xd9: {  	[tilespmem:s6+$0x12300] =	vst v0  }
0xda: {  	s4 =	simm.s32 $0x40;
	s5 =	simm.s32 $0x0;
	[tilespmem:s6+$0x12310] =	vst v0  }
.LBB2_28:
0xdb: {  	s7 =	sand.u32 $0x40, s4;
	[tilespmem:s6+$0x12320] =	vst v0;
	s5 =	sadd.s32 $0x200, s5;
	p0 =	sne.s32 s4, $0x3C0  }
.Ltmp15:
0xdc: {  	s4 =	sadd.s32 $0x40, s4;
	s6 =	sand.u32 $0x1C00, s5;
	(pc) =	sbr.rel @p0 .LBB2_28-.Ltmp15, $4  }
0xdd: {  	s6 =	sor.u32 s7, s6  }
0xde: {  	[tilespmem:s6+$0x12330] =	vst v0  }
0xdf: {  	[tilespmem:s6+$0x12300] =	vst v0  }
0xe0: {  	[tilespmem:s6+$0x12310] =	vst v0  }
0xe1: {  	[tilespmem:s6+$0x12320] =	vst v0;
	s1 =	sor.u32 s1, s3  }
0xe2: {  	[tilespmem:s1+$0x123B0] =	vst v0  }
0xe3: {  	[tilespmem:s1+$0x12380] =	vst v0  }
0xe4: {  	s3 =	simm.s32 $0x40;
	[tilespmem:s1+$0x12390] =	vst v0  }
.LBB2_30:
0xe5: {  	s4 =	sand.u32 $0x40, s3;
	[tilespmem:s1+$0x123A0] =	vst v0;
	s2 =	sadd.s32 $0x200, s2;
	p0 =	sne.s32 s3, $0x3C0  }
.Ltmp16:
0xe6: {  	s3 =	sadd.s32 $0x40, s3;
	s1 =	sand.u32 $0x1C00, s2;
	(pc) =	sbr.rel @p0 .LBB2_30-.Ltmp16, $4  }
0xe7: {  	s1 =	sor.u32 s4, s1  }
0xe8: {  	[tilespmem:s1+$0x123B0] =	vst v0  }
0xe9: {  	[tilespmem:s1+$0x12380] =	vst v0  }
0xea: {  	[tilespmem:s1+$0x12390] =	vst v0  }
0xeb: {  	s2 =	simm.s32 $0x0  }
0xec: {  	s3 =	sand.u32 $0x40, s2;
	s4 =	sand.u32 $0x1C00, s2  }
0xed: {  	[tilespmem:s1+$0x123A0] =	vst v0;
	s1 =	sor.u32 s3, s4  }
0xee: {  	[tilespmem:s1+$0x12430] =	vst v0  }
0xef: {  	[tilespmem:s1+$0x12400] =	vst v0  }
0xf0: {  	s3 =	simm.s32 $0x40;
	[tilespmem:s1+$0x12410] =	vst v0  }
.LBB2_32:
0xf1: {  	s4 =	sand.u32 $0x40, s3;
	[tilespmem:s1+$0x12420] =	vst v0;
	s2 =	sadd.s32 $0x200, s2;
	p0 =	sne.s32 s3, $0x3C0  }
.Ltmp17:
0xf2: {  	s3 =	sadd.s32 $0x40, s3;
	s1 =	sand.u32 $0x1C00, s2;
	(pc) =	sbr.rel @p0 .LBB2_32-.Ltmp17, $4  }
0xf3: {  	s1 =	sor.u32 s4, s1  }
0xf4: {  	[tilespmem:s1+$0x12430] =	vst v0  }
0xf5: {  	[tilespmem:s1+$0x12400] =	vst v0  }
0xf6: {  	[tilespmem:s1+$0x12410] =	vst v0  }
0xf7: {  	s4 =	sld [smem:$0x7F3];
	_ =	sdelay $0x2  }
0xf8: {  	p0 =	sle.s32 s0, s4;
	s0 =	simm.s32 $0x2  }
0xf9: {  	s0 =	simm.s32 @!p0 $0x1  }
0xfa: {  	s2 =	sld [smem:s0+$0x0];
	_ =	sdelay $0x1  }
0xfb: {  	s3 =	simm.s32 $0x1  }
0xfc: {  	s3 =	simm.s32 @!p0 $0x0;
	p0 =	sgt.s32 s2, s4  }
0xfd: {  	s0 =	smov.u32 @p0 s3  }
0xfe: {  	s18 =	sld [smem:s0+$0x1];
	_ =	sdelay $0x2  }
0xff: {  	s3 =	sadd.s32 $0x1, s0;
	p0 =	sgt.s32 s18, s4  }
0x100: {  	s3 =	smov.u32 @p0 s0  }
0x101: {  	s0 =	sld [smem:s3+$0x1];
	_ =	sdelay $0x2  }
0x102: {  	s2 =	sadd.s32 $0x1, s3;
	p0 =	sgt.s32 s0, s4  }
0x103: {  	s2 =	smov.u32 @p0 s3  }
0x104: {  	s19 =	sld [smem:s2+$0x1];
	_ =	sdelay $0x2  }
0x105: {  	s3 =	sadd.s32 $0x1, s2;
	p0 =	sgt.s32 s19, s4  }
0x106: {  	s3 =	smov.u32 @p0 s2  }
0x107: {  	s20 =	sld [smem:s3+$0x1];
	_ =	sdelay $0x2  }
0x108: {  	s2 =	sadd.s32 $0x1, s3;
	p0 =	sgt.s32 s20, s4  }
0x109: {  	s2 =	smov.u32 @p0 s3  }
0x10a: {  	s21 =	sld [smem:s2+$0x1];
	_ =	sdelay $0x2  }
0x10b: {  	s3 =	sadd.s32 $0x1, s2;
	p0 =	sgt.s32 s21, s4  }
0x10c: {  	s3 =	smov.u32 @p0 s2  }
0x10d: {  	s22 =	sld [smem:s3+$0x1];
	_ =	sdelay $0x2  }
0x10e: {  	s2 =	sadd.s32 $0x1, s3;
	p0 =	sgt.s32 s22, s4  }
0x10f: {  	s2 =	smov.u32 @p0 s3  }
0x110: {  	s23 =	sld [smem:s2+$0x1];
	_ =	sdelay $0x2  }
0x111: {  	s3 =	sadd.s32 $0x1, s2;
	p0 =	sgt.s32 s23, s4  }
0x112: {  	s3 =	smov.u32 @p0 s2  }
0x113: {  	s24 =	sld [smem:s3+$0x1];
	_ =	sdelay $0x2  }
0x114: {  	s2 =	sadd.s32 $0x1, s3;
	p0 =	sgt.s32 s24, s4  }
0x115: {  	s2 =	smov.u32 @p0 s3  }
0x116: {  	s25 =	sld [smem:s2+$0x1];
	_ =	sdelay $0x2  }
0x117: {  	s3 =	sadd.s32 $0x1, s2;
	p0 =	sgt.s32 s25, s4  }
0x118: {  	s3 =	smov.u32 @p0 s2  }
0x119: {  	s26 =	sld [smem:s3+$0x1];
	_ =	sdelay $0x2  }
0x11a: {  	s2 =	sadd.s32 $0x1, s3;
	p0 =	sgt.s32 s26, s4  }
0x11b: {  	s2 =	smov.u32 @p0 s3  }
0x11c: {  	s28 =	sld [smem:s2+$0x1];
	_ =	sdelay $0x2  }
0x11d: {  	s3 =	sadd.s32 $0x1, s2;
	p0 =	sgt.s32 s28, s4  }
0x11e: {  	s3 =	smov.u32 @p0 s2  }
0x11f: {  	s29 =	sld [smem:s3+$0x1];
	_ =	sdelay $0x2  }
0x120: {  	s2 =	sadd.s32 $0x1, s3;
	p0 =	sgt.s32 s29, s4  }
0x121: {  	s2 =	smov.u32 @p0 s3  }
0x122: {  	s30 =	sld [smem:s2+$0x1];
	_ =	sdelay $0x2  }
0x123: {  	s3 =	sadd.s32 $0x1, s2;
	p0 =	sgt.s32 s30, s4  }
0x124: {  	s3 =	smov.u32 @p0 s2  }
0x125: {  	s31 =	sld [smem:s3+$0x1]  }
0x126: {  	s17 =	sld [smem:$0x7FD]  }
0x127: {  	s18 =	sld [smem:$0x7FB]  }
0x128: {  	s19 =	sld [smem:$0x7FC];
	s24 =	sadd.s32 $0x1, s3;
	p0 =	sgt.s32 s31, s4  }
0x129: {  	[tilespmem:s1+$0x12420] =	vst v0;
	s16 =	simm.s32 $0x0;
	s20 =	sld [smem:$0x7FA];
	s24 =	smov.u32 @p0 s3  }
.LBB2_34:
0x12a: {  	s0 =	simm.s32 $0x1  }
0x12b: {  	_ =	swait.ge [sflag:s0], $0x8000  }
0x12c: {  	[sflag:s0] =	ssyncset.done $0x0;
	s2 =	sld [smem:$0x7F3]  }
0x12d: {  	[sflag:s0] =	ssyncadd.s32 $0xFFFF8000  }
0x12e: {  	s31 =	sshll.u32 s16, $0x6;
	s1 =	sld [smem:s24+$0x1]  }
0x12f: {  	s23 =	sor.u32 s2, s31  }
0x130: {  	s21 =	sor.u32 $0x20, s23  }
0x131: {  	p0 =	slt.s32 s1, s21  }
.Ltmp18:
0x132: {  	[smem:$0x7ED] =	sst s16;
	(pc) =	sbr.rel @p0 .LBB2_38-.Ltmp18, $4  }
0x133: {  	[smem:$0x7EE] =	sst s17  }
0x134: {  	[smem:$0x7EF] =	sst s18  }
0x135: {  	[smem:$0x7F0] =	sst s19  }
0x136: {  	[smem:$0x7F1] =	sst s20;
	s0 =	simm.s32 $0x0  }
0x137: {  	[smem:$0x7EB] =	sst s21;
	s21 =	simm.s32 $0x0;
	s2 =	simm.s32 $0x0  }
0x138: {  	s10 =	sand.u32 $0x1C00, s2;
	s2 =	sor.u32 s2, s21  }
0x139: {  	s22 =	sor.u32 $0x380, s2  }
0x13a: {  	s3 =	sand.u32 $0x40, s21;
	v1 =	vld [tilespmem:s22+$0x80]  }
0x13b: {  	s0 =	sshll.u32 s24, $0xA;
	s15 =	sor.u32 $0x80, s10;
	s9 =	sor.u32 $0x20, s3  }
0x13c: {  	s1 =	sshll.u32 s24, $0x7;
	s6 =	sor.u32 $0x10, s3;
	s16 =	sor.u32 s9, s15  }
0x13d: {  	s0 =	sand.u32 $0x7FFFE000, s0;
	s1 =	sand.u32 $0x380, s1;
	s4 =	sor.u32 s6, s15;
	v12 =	vld [tilespmem:s16+$0x180]  }
0x13e: {  	s0 =	sor.u32 s1, s0;
	v13 =	vld [tilespmem:s4+$0x100]  }
0x13f: {  	p0 =	por $0x0, $0x0;
	s17 =	simm.s32 $0x1;
	s0 =	sadd.s32 $0x10080, s0;
	[tilespmem:$0x1FF90] =	vst v1;
	v1 =	vld [tilespmem:s4+$0x180]  }
0x140: {  	s17 =	simm.s32 @!p0 $0x0;
	[dreg:$0x4] =	wrdreg s0;
	v15 =	vld [tilespmem:s4+$0x0]  }
0x141: {  	s26 =	sshll.u32 s17, $0x6;
	v10 =	vld [tilespmem:s16+$0x100];
	s0 =	rddreg [dreg:$0x4]  }
0x142: {  	s17 =	sadd.s32 $0x30, s26;
	v19 =	vld [tilespmem:s16+$0x80];
	s14 =	sadd.s32 s10, s0;
	s0 =	sor.u32 $0x4380, s10  }
0x143: {  	[smem:$0x7EA] =	sst s23;
	v11 =	vld [tilespmem:s16+$0x0];
	s18 =	sadd.s32 $0xFFFFFFE0, s17;
	s23 =	sor.u32 s9, s0  }
0x144: {  	s16 =	sadd.s32 $0xFFFFFFD0, s17;
	s19 =	sor.u32 $0x200, s18;
	[tilespmem:$0x1FF80] =	vst v1;
	v1 =	vld [tilespmem:s23+$0x0]  }
0x145: {  	s29 =	sor.u32 $0x280, s16;
	v59 =	vld [tilespmem:s19+$0x80]  }
0x146: {  	s30 =	sor.u32 $0x280, s18;
	v62 =	vld [tilespmem:s29+$0x80]  }
0x147: {  	s5 =	sor.u32 $0x4200, s10;
	s22 =	sor.u32 $0x300, s18;
	v56 =	vld [tilespmem:s30+$0x80]  }
0x148: {  	s8 =	sor.u32 s9, s5;
	v50 =	vld [tilespmem:s22+$0x80]  }
0x149: {  	s18 =	sor.u32 $0x380, s18;
	[tilespmem:$0x1FFF0] =	vst v1;
	v1 =	vld [tilespmem:s8+$0x0]  }
0x14a: {  	s13 =	sor.u32 $0x30, s3;
	v37 =	vld [tilespmem:s18+$0x80];
	s12 =	sadd.s32 s3, s14  }
0x14b: {  	s31 =	sadd.s32 s13, s14;
	v16 =	vld [tilespmem:s12+$0x0]  }
0x14c: {  	s7 =	sor.u32 $0x4100, s10;
	v6 =	vld [tilespmem:s31+$0x0];
	s8 =	sor.u32 s13, s15  }
0x14d: {  	s11 =	sor.u32 s9, s7;
	v5 =	vld [tilespmem:s8+$0x0]  }
0x14e: {  	s1 =	sadd.s32 s6, s14;
	[tilespmem:$0x1FFE0] =	vst v1;
	v1 =	vld [tilespmem:s11+$0x0]  }
0x14f: {  	v9 =	vld [tilespmem:s1+$0x0]  }
0x150: {  	v8 =	vld [tilespmem:s8+$0x80]  }
0x151: {  	s2 =	sadd.s32 $0x2400, s10;
	s15 =	sor.u32 s3, s15;
	v18 =	vld [tilespmem:s8+$0x100]  }
0x152: {  	[smem:$0x7EC] =	sst s24;
	s24 =	sor.u32 s9, s2;
	v7 =	vld [tilespmem:s15+$0x80]  }
0x153: {  	v5 =	vadd.f32 v5, v6;
	[tilespmem:$0x1FFC0] =	vst v1;
	v1 =	vld [tilespmem:s24+$0x0]  }
0x154: {  	v4 =	vld [tilespmem:s15+$0x0]  }
0x155: {  	v2 =	vld [tilespmem:s15+$0x100];
	v5 =	vadd.f32 v8, v5  }
0x156: {  	v3 =	vld [tilespmem:s15+$0x180];
	s15 =	sor.u32 s13, s0;
	s11 =	sor.u32 $0x2380, s10  }
0x157: {  	s25 =	sor.u32 s9, s11;
	v5 =	vadd.f32 v18, v5;
	v18 =	vld [tilespmem:s15+$0x0]  }
0x158: {  	s20 =	sadd.s32 $0x0, s26;
	[tilespmem:$0x1FFB0] =	vst v1;
	v1 =	vld [tilespmem:s25+$0x0];
	s25 =	sadd.s32 s9, s14;
	s14 =	sadd.s32 $0xFFFFFFF0, s17  }
0x159: {  	s17 =	sadd.s32 $0x30, s20;
	v17 =	vld [tilespmem:s25+$0x0];
	s28 =	sor.u32 $0x200, s14  }
0x15a: {  	s20 =	sor.u32 $0x200, s17;
	v24 =	vld [tilespmem:s28+$0x80]  }
0x15b: {  	s21 =	sor.u32 $0x280, s17;
	v63 =	vld [tilespmem:s20+$0x80]  }
0x15c: {  	s23 =	sor.u32 $0x300, s14;
	v61 =	vld [tilespmem:s21+$0x80]  }
0x15d: {  	s24 =	sor.u32 $0x300, s17;
	v23 =	vld [tilespmem:s23+$0x80]  }
0x15e: {  	s26 =	sor.u32 $0x380, s14;
	v44 =	vld [tilespmem:s24+$0x80]  }
0x15f: {  	s17 =	sor.u32 $0x380, s17;
	v29 =	vld [tilespmem:s26+$0x80]  }
0x160: {  	s20 =	sor.u32 $0x300, s16;
	s28 =	sor.u32 $0x2080, s10;
	v51 =	vld [tilespmem:s17+$0x80]  }
0x161: {  	v60 =	vld [tilespmem:s20+$0x80];
	s29 =	sor.u32 s3, s28  }
0x162: {  	s30 =	sor.u32 s6, s28;
	v45 =	vld [tilespmem:s29+$0x0]  }
0x163: {  	s18 =	sor.u32 s9, s28;
	v38 =	vld [tilespmem:s30+$0x0]  }
0x164: {  	s24 =	sor.u32 $0x2180, s10;
	s19 =	sor.u32 s13, s28;
	v25 =	vld [tilespmem:s18+$0x0]  }
0x165: {  	s26 =	sor.u32 s3, s24;
	v46 =	vld [tilespmem:s19+$0x0]  }
0x166: {  	s20 =	sor.u32 $0x2100, s10;
	s28 =	sor.u32 s6, s24;
	v42 =	vld [tilespmem:s26+$0x0]  }
0x167: {  	s21 =	sor.u32 s3, s20;
	v35 =	vld [tilespmem:s28+$0x0]  }
0x168: {  	s22 =	sor.u32 s6, s20;
	v41 =	vld [tilespmem:s21+$0x0]  }
0x169: {  	s23 =	sor.u32 s9, s20;
	v34 =	vld [tilespmem:s22+$0x0]  }
0x16a: {  	s18 =	sor.u32 s13, s20;
	v26 =	vld [tilespmem:s23+$0x0]  }
0x16b: {  	s29 =	sor.u32 s9, s24;
	v47 =	vld [tilespmem:s18+$0x0]  }
0x16c: {  	s30 =	sor.u32 $0x2200, s10;
	s19 =	sor.u32 s13, s24;
	v27 =	vld [tilespmem:s29+$0x0]  }
0x16d: {  	s20 =	sor.u32 s3, s30;
	v52 =	vld [tilespmem:s19+$0x0]  }
0x16e: {  	s21 =	sor.u32 s6, s30;
	v48 =	vld [tilespmem:s20+$0x0]  }
0x16f: {  	s22 =	sor.u32 s9, s30;
	v36 =	vld [tilespmem:s21+$0x0]  }
0x170: {  	s23 =	sor.u32 $0x2280, s10;
	s18 =	sor.u32 s13, s30;
	v30 =	vld [tilespmem:s22+$0x0]  }
0x171: {  	s24 =	sor.u32 s3, s23;
	v53 =	vld [tilespmem:s18+$0x0]  }
0x172: {  	s26 =	sor.u32 s6, s23;
	v49 =	vld [tilespmem:s24+$0x0]  }
0x173: {  	s29 =	sor.u32 $0x2300, s10;
	s28 =	sor.u32 s9, s23;
	v39 =	vld [tilespmem:s26+$0x0]  }
0x174: {  	s30 =	sor.u32 s3, s29;
	v31 =	vld [tilespmem:s28+$0x0]  }
0x175: {  	s19 =	sor.u32 s13, s23;
	v54 =	vld [tilespmem:s30+$0x0]  }
0x176: {  	s20 =	sor.u32 s6, s29;
	v57 =	vld [tilespmem:s19+$0x0]  }
0x177: {  	s21 =	sor.u32 s9, s29;
	v43 =	vld [tilespmem:s20+$0x0]  }
0x178: {  	s22 =	sor.u32 s3, s11;
	v32 =	vld [tilespmem:s21+$0x0]  }
0x179: {  	s23 =	sor.u32 s13, s29;
	v55 =	vld [tilespmem:s22+$0x0]  }
0x17a: {  	s29 =	sor.u32 s13, s2;
	v58 =	vld [tilespmem:s23+$0x0]  }
0x17b: {  	s24 =	sor.u32 s3, s5;
	v33 =	vld [tilespmem:s29+$0x0]  }
0x17c: {  	[tilespmem:$0x1FFA0] =	vst v1;
	s26 =	sor.u32 s13, s11;
	v1 =	vld [tilespmem:s24+$0x0]  }
0x17d: {  	v4 =	vadd.f32 v4, v16;
	s18 =	sor.u32 $0x4300, s10;
	s30 =	sor.u32 s13, s7;
	v40 =	vld [tilespmem:s26+$0x0]  }
0x17e: {  	s21 =	sor.u32 $0x4080, s10;
	s29 =	sor.u32 s13, s18;
	v22 =	vld [tilespmem:s30+$0x0]  }
0x17f: {  	v6 =	vadd.f32 v7, v4;
	v7 =	vadd.f32 v11, v17;
	s28 =	sor.u32 s9, s21;
	v17 =	vld [tilespmem:s29+$0x0]  }
0x180: {  	s20 =	sor.u32 $0x4180, s10;
	s19 =	sor.u32 s13, s21;
	v21 =	vld [tilespmem:s28+$0x0]  }
0x181: {  	s22 =	sor.u32 s9, s20;
	v28 =	vld [tilespmem:s19+$0x0]  }
0x182: {  	s23 =	sor.u32 s13, s20;
	v14 =	vld [tilespmem:s22+$0x0]  }
0x183: {  	s24 =	sor.u32 s13, s5;
	v20 =	vld [tilespmem:s23+$0x0]  }
0x184: {  	s17 =	sor.u32 $0x4280, s10;
	s26 =	sor.u32 $0x200, s16;
	v16 =	vld [tilespmem:s24+$0x0]  }
0x185: {  	v9 =	vadd.f32 v15, v9;
	s16 =	sadd.s32 $0x4400, s10;
	s28 =	sor.u32 s13, s17;
	v15 =	vld [tilespmem:s26+$0x80]  }
0x186: {  	v2 =	vadd.f32 v2, v6;
	v6 =	vadd.f32 v19, v7;
	s30 =	sor.u32 s9, s16;
	v4 =	vld [tilespmem:s28+$0x0]  }
0x187: {  	v11 =	vld [tilespmem:s30+$0x0]  }
0x188: {  	v2 =	vadd.f32 v3, v2;
	v3 =	vadd.f32 v10, v6;
	[tilespmem:$0x1FFD0] =	vst v1;
	v1 =	vld [tilespmem:s4+$0x80]  }
0x189: {  	s19 =	sor.u32 $0x280, s14;
	s14 =	sor.u32 $0x6380, s10;
	s22 =	sor.u32 s13, s16;
	v10 =	vld [tilespmem:$0x1FF80]  }
0x18a: {  	s23 =	sor.u32 s6, s14;
	v19 =	vld [tilespmem:s22+$0x0];
	v3 =	vadd.f32 v12, v3  }
0x18b: {  	v7 =	vld [tilespmem:s23+$0x0];
	s4 =	sadd.s32 $0x6400, s10;
	v2 =	vadd.f32 v15, v2  }
0x18c: {  	s24 =	sor.u32 s3, s4;
	v3 =	vadd.f32 v24, v3;
	v24 =	vld [tilespmem:$0x1FF90]  }
0x18d: {  	v8 =	vld [tilespmem:s24+$0x0];
	v2 =	vadd.f32 v62, v2;
	v1 =	vadd.f32 v1, v9  }
0x18e: {  	v9 =	vld [tilespmem:s8+$0x180];
	s8 =	sor.u32 $0x6300, s10  }
0x18f: {  	s15 =	sor.u32 $0x6280, s10;
	v2 =	vadd.f32 v60, v2;
	s29 =	sor.u32 s3, s8;
	v1 =	vadd.f32 v13, v1;
	v13 =	vld [tilespmem:s19+$0x80]  }
0x190: {  	s24 =	sor.u32 s3, s15;
	v6 =	vld [tilespmem:s29+$0x0]  }
0x191: {  	s22 =	sor.u32 s3, s14;
	v2 =	vadd.f32 v24, v2;
	v24 =	vld [tilespmem:s24+$0x0]  }
0x192: {  	s26 =	sor.u32 s6, s8;
	v1 =	vadd.f32 v10, v1;
	v10 =	vld [tilespmem:s22+$0x0]  }
0x193: {  	v2 =	vadd.f32 v45, v2;
	v5 =	vadd.f32 v9, v5;
	v9 =	vld [tilespmem:s26+$0x0]  }
0x194: {  	v1 =	vadd.f32 v59, v1;
	v59 =	vld [tilespmem:$0x1FFB0]  }
0x195: {  	s28 =	sor.u32 s6, s15;
	v2 =	vadd.f32 v41, v2;
	v41 =	vld [tilespmem:$0x1FFE0];
	v5 =	vadd.f32 v63, v5  }
0x196: {  	s19 =	sor.u32 $0x6200, s10;
	v3 =	vadd.f32 v13, v3;
	v13 =	vld [tilespmem:s28+$0x0];
	v1 =	vadd.f32 v56, v1  }
0x197: {  	s30 =	sor.u32 s6, s19;
	v2 =	vadd.f32 v42, v2;
	v56 =	vld [tilespmem:$0x1FFA0];
	v5 =	vadd.f32 v61, v5  }
0x198: {  	s11 =	sor.u32 s6, s11;
	s22 =	sor.u32 $0x6180, s10;
	v3 =	vadd.f32 v23, v3;
	v23 =	vld [tilespmem:s30+$0x0];
	v1 =	vadd.f32 v50, v1  }
0x199: {  	s26 =	sor.u32 s6, s22;
	v2 =	vadd.f32 v48, v2;
	v48 =	vld [tilespmem:s11+$0x0];
	v5 =	vadd.f32 v44, v5  }
0x19a: {  	s23 =	sor.u32 $0x6100, s10;
	s10 =	sor.u32 $0x6080, s10;
	s28 =	sor.u32 s3, s19;
	v3 =	vadd.f32 v29, v3;
	v29 =	vld [tilespmem:s26+$0x0];
	v1 =	vadd.f32 v37, v1  }
0x19b: {  	s26 =	sor.u32 s6, s10;
	v37 =	vld [tilespmem:s28+$0x0]  }
0x19c: {  	s30 =	sor.u32 s3, s22;
	v15 =	vld [tilespmem:s26+$0x0];
	v5 =	vadd.f32 v51, v5;
	v45 =	vadd.f32 v38, v1  }
0x19d: {  	s24 =	sor.u32 s3, s7;
	v3 =	vadd.f32 v25, v3;
	v25 =	vld [tilespmem:s30+$0x0]  }
0x19e: {  	s29 =	sor.u32 s6, s23;
	v51 =	vld [tilespmem:s24+$0x0];
	v5 =	vadd.f32 v46, v5;
	v12 =	vadd.f32 v34, v45  }
0x19f: {  	v2 =	vadd.f32 v49, v2;
	s30 =	sor.u32 s3, s21;
	v1 =	vld [tilespmem:s29+$0x0];
	v3 =	vadd.f32 v26, v3  }
0x1a0: {  	s26 =	sor.u32 s6, s21;
	s21 =	sor.u32 s3, s18;
	v49 =	vld [tilespmem:s30+$0x0];
	v5 =	vadd.f32 v47, v5;
	v12 =	vadd.f32 v35, v12  }
0x1a1: {  	s24 =	sor.u32 s6, s17;
	v61 =	vld [tilespmem:s21+$0x0];
	v3 =	vadd.f32 v27, v3  }
0x1a2: {  	s28 =	sor.u32 s3, s16;
	v62 =	vld [tilespmem:s24+$0x0];
	v5 =	vadd.f32 v52, v5;
	v12 =	vadd.f32 v36, v12  }
0x1a3: {  	s29 =	sor.u32 s3, s2;
	v2 =	vadd.f32 v54, v2;
	v26 =	vld [tilespmem:s28+$0x0];
	v3 =	vadd.f32 v30, v3  }
0x1a4: {  	s2 =	sor.u32 s6, s2;
	v47 =	vld [tilespmem:s29+$0x0];
	v5 =	vadd.f32 v53, v5;
	v12 =	vadd.f32 v39, v12  }
0x1a5: {  	s30 =	sor.u32 s3, s0;
	v50 =	vld [tilespmem:s2+$0x0];
	v2 =	vadd.f32 v55, v2;
	v3 =	vadd.f32 v31, v3  }
0x1a6: {  	v55 =	vld [tilespmem:s30+$0x0];
	v5 =	vadd.f32 v57, v5;
	v12 =	vadd.f32 v43, v12  }
0x1a7: {  	v52 =	vld [tilespmem:s26+$0x0];
	v3 =	vadd.f32 v32, v3  }
0x1a8: {  	v34 =	vld [tilespmem:$0x1FFC0];
	s29 =	sor.u32 s6, s7;
	v5 =	vadd.f32 v58, v5;
	v12 =	vadd.f32 v48, v12  }
0x1a9: {  	s28 =	sor.u32 s3, s20;
	v54 =	vld [tilespmem:s29+$0x0];
	v2 =	vadd.f32 v47, v2;
	v3 =	vadd.f32 v56, v3  }
0x1aa: {  	s7 =	sor.u32 s6, s20;
	v53 =	vld [tilespmem:s28+$0x0];
	v5 =	vadd.f32 v40, v5;
	v12 =	vadd.f32 v50, v12  }
0x1ab: {  	v57 =	vld [tilespmem:s7+$0x0];
	v2 =	vadd.f32 v49, v2;
	v3 =	vadd.f32 v59, v3  }
0x1ac: {  	s20 =	sor.u32 s6, s5;
	v36 =	vld [tilespmem:$0x1FFD0];
	v5 =	vadd.f32 v33, v5;
	v12 =	vadd.f32 v52, v12  }
0x1ad: {  	s11 =	sor.u32 s3, s17;
	v60 =	vld [tilespmem:s20+$0x0];
	v2 =	vadd.f32 v51, v2;
	v3 =	vadd.f32 v21, v3  }
0x1ae: {  	s2 =	sor.u32 s6, s16;
	v58 =	vld [tilespmem:s11+$0x0];
	v5 =	vadd.f32 v28, v5;
	v12 =	vadd.f32 v54, v12  }
0x1af: {  	v42 =	vld [tilespmem:s2+$0x0];
	s26 =	sor.u32 s9, s17;
	v2 =	vadd.f32 v53, v2;
	v3 =	vadd.f32 v34, v3  }
0x1b0: {  	v63 =	vld [tilespmem:s26+$0x0];
	s28 =	sor.u32 s6, s18;
	v5 =	vadd.f32 v22, v5;
	v12 =	vadd.f32 v57, v12  }
0x1b1: {  	s29 =	sor.u32 s9, s18;
	v35 =	vld [tilespmem:s28+$0x0];
	v2 =	vadd.f32 v36, v2;
	v3 =	vadd.f32 v14, v3  }
0x1b2: {  	s0 =	sor.u32 s6, s0;
	v38 =	vld [tilespmem:s29+$0x0];
	v5 =	vadd.f32 v20, v5;
	v12 =	vadd.f32 v60, v12  }
0x1b3: {  	v39 =	vld [tilespmem:s0+$0x0];
	v2 =	vadd.f32 v58, v2;
	v3 =	vadd.f32 v41, v3  }
0x1b4: {  	s5 =	sor.u32 s9, s10;
	v48 =	vld [tilespmem:$0x1FFF0];
	v5 =	vadd.f32 v16, v5;
	v12 =	vadd.f32 v62, v12  }
0x1b5: {  	s30 =	sor.u32 s3, s10;
	v44 =	vld [tilespmem:s5+$0x0];
	v2 =	vadd.f32 v61, v2;
	v3 =	vadd.f32 v63, v3  }
0x1b6: {  	s3 =	sor.u32 s3, s23;
	v40 =	vld [tilespmem:s30+$0x0];
	v4 =	vadd.f32 v4, v5;
	v12 =	vadd.f32 v35, v12  }
0x1b7: {  	s7 =	sor.u32 s13, s10;
	v43 =	vld [tilespmem:s3+$0x0];
	v2 =	vadd.f32 v55, v2;
	v3 =	vadd.f32 v38, v3  }
0x1b8: {  	s10 =	sor.u32 s9, s23;
	v45 =	vld [tilespmem:s7+$0x0];
	v4 =	vadd.f32 v17, v4;
	v12 =	vadd.f32 v39, v12  }
0x1b9: {  	s16 =	sor.u32 s9, s22;
	v46 =	vld [tilespmem:s10+$0x0];
	v2 =	vadd.f32 v26, v2;
	v3 =	vadd.f32 v48, v3  }
0x1ba: {  	v49 =	vld [tilespmem:s16+$0x0];
	s11 =	sor.u32 s13, s23;
	v4 =	vadd.f32 v18, v4;
	v12 =	vadd.f32 v42, v12  }
0x1bb: {  	s17 =	sor.u32 s13, s22;
	s22 =	sor.u32 s9, s8;
	v47 =	vld [tilespmem:s11+$0x0];
	v2 =	vadd.f32 v40, v2;
	v3 =	vadd.f32 v11, v3  }
0x1bc: {  	v56 =	vld [tilespmem:s22+$0x0];
	v4 =	vadd.f32 v19, v4;
	v51 =	vadd.f32 v15, v12  }
0x1bd: {  	s18 =	sor.u32 s9, s19;
	v50 =	vld [tilespmem:s17+$0x0];
	v2 =	vadd.f32 v43, v2;
	v3 =	vadd.f32 v44, v3  }
0x1be: {  	s19 =	sor.u32 s13, s19;
	v52 =	vld [tilespmem:s18+$0x0];
	v4 =	vadd.f32 v45, v4;
	v1 =	vadd.f32 v1, v51  }
0x1bf: {  	s20 =	sor.u32 s9, s15;
	v53 =	vld [tilespmem:s19+$0x0];
	v2 =	vadd.f32 v25, v2;
	v3 =	vadd.f32 v46, v3  }
0x1c0: {  	s21 =	sor.u32 s13, s15;
	v54 =	vld [tilespmem:s20+$0x0];
	v4 =	vadd.f32 v47, v4;
	v1 =	vadd.f32 v29, v1  }
0x1c1: {  	s26 =	sor.u32 s13, s14;
	v55 =	vld [tilespmem:s21+$0x0];
	v2 =	vadd.f32 v37, v2;
	v3 =	vadd.f32 v49, v3  }
0x1c2: {  	s23 =	sor.u32 s13, s8;
	v59 =	vld [tilespmem:s26+$0x0];
	v4 =	vadd.f32 v50, v4;
	v1 =	vadd.f32 v23, v1  }
0x1c3: {  	s24 =	sor.u32 s9, s14;
	v57 =	vld [tilespmem:s23+$0x0];
	v2 =	vadd.f32 v24, v2;
	v3 =	vadd.f32 v52, v3  }
0x1c4: {  	s28 =	sor.u32 s6, s4;
	v58 =	vld [tilespmem:s24+$0x0];
	v4 =	vadd.f32 v53, v4;
	v1 =	vadd.f32 v13, v1  }
0x1c5: {  	s29 =	sor.u32 s9, s4;
	v60 =	vld [tilespmem:s28+$0x0];
	v2 =	vadd.f32 v6, v2;
	v3 =	vadd.f32 v54, v3  }
0x1c6: {  	s30 =	sor.u32 s13, s4;
	v61 =	vld [tilespmem:s29+$0x0];
	v4 =	vadd.f32 v55, v4;
	v1 =	vadd.f32 v9, v1  }
0x1c7: {  	v62 =	vld [tilespmem:s30+$0x0];
	v2 =	vadd.f32 v10, v2;
	v3 =	vadd.f32 v56, v3  }
0x1c8: {  	v4 =	vadd.f32 v57, v4;
	v1 =	vadd.f32 v7, v1  }
0x1c9: {  	v2 =	vadd.f32 v8, v2;
	v3 =	vadd.f32 v58, v3  }
0x1ca: {  	v4 =	vadd.f32 v59, v4;
	v63 =	vadd.f32 v60, v1  }
0x1cb: {  	[tilespmem:s12+$0x0] =	vst v2  }
0x1cc: {  	p0 =	por !p0, !p0;
	s15 =	simm.s32 $0x40;
	s0 =	simm.s32 $0x230;
	v2 =	vadd.f32 v61, v3;
	v1 =	vadd.f32 v62, v4;
	[tilespmem:s1+$0x0] =	vst v63  }
.LBB2_36:
0x1cd: {  	s2 =	sadd.s32 $0xFFFFFFD0, s0;
	s3 =	smov.u32 s0  }
0x1ce: {  	s1 =	rddreg [dreg:$0x4];
	[tilespmem:s25+$0x0] =	vst v2;
	s17 =	sand.u32 $0x1C00, s2;
	s3 =	sor.u32 s2, s15  }
0x1cf: {  	s12 =	sand.u32 $0x40, s15;
	[tilespmem:s31+$0x0] =	vst v1;
	s3 =	sor.u32 $0x380, s3;
	s5 =	sadd.s32 s17, s1  }
0x1d0: {  	s10 =	sor.u32 $0x10, s12;
	v6 =	vld [tilespmem:s3+$0x80];
	s6 =	sadd.s32 s12, s5  }
0x1d1: {  	s9 =	sor.u32 $0x80, s17;
	s8 =	sadd.s32 s10, s5;
	v11 =	vld [tilespmem:s6+$0x0]  }
0x1d2: {  	s21 =	sor.u32 s10, s9;
	v9 =	vld [tilespmem:s8+$0x0]  }
0x1d3: {  	p1 =	seq.s32 s0, $0x1E30;
	s28 =	sor.u32 $0x30, s12;
	s4 =	sor.u32 $0x2380, s17;
	v7 =	vld [tilespmem:s21+$0x180]  }
0x1d4: {  	s18 =	sor.u32 $0x4180, s17;
	s23 =	sor.u32 $0x4100, s17;
	s1 =	sor.u32 $0x4380, s17;
	v8 =	vld [tilespmem:s21+$0x100]  }
0x1d5: {  	s26 =	sor.u32 $0x4200, s17;
	s20 =	sor.u32 $0x4280, s17;
	s11 =	sor.u32 s12, s9;
	v10 =	vld [tilespmem:s21+$0x0]  }
0x1d6: {  	s24 =	sadd.s32 $0x2400, s17;
	s31 =	sor.u32 $0x6080, s17;
	s7 =	sor.u32 s10, s4;
	v19 =	vld [tilespmem:s11+$0x80]  }
0x1d7: {  	s3 =	sor.u32 $0x20, s12;
	s29 =	sor.u32 s28, s4;
	[dreg:$0x10] =	wrdreg s7;
	v36 =	vld [tilespmem:s11+$0x0]  }
0x1d8: {  	s30 =	sor.u32 s28, s24;
	s22 =	sor.u32 s28, s20;
	[dreg:$0x8] =	wrdreg s6;
	v54 =	vld [tilespmem:s29+$0x0]  }
0x1d9: {  	[dreg:$0x6] =	wrdreg s8;
	s16 =	sadd.s32 s3, s5;
	s19 =	sor.u32 s3, s4;
	v53 =	vld [tilespmem:s30+$0x0]  }
0x1da: {  	s7 =	sor.u32 s3, s1;
	s25 =	sor.u32 s3, s9;
	s13 =	sor.u32 s3, s24;
	v32 =	vld [tilespmem:s21+$0x80]  }
0x1db: {  	s8 =	sor.u32 s3, s26;
	s14 =	sor.u32 s3, s23;
	s5 =	sadd.s32 s28, s5;
	v38 =	vld [tilespmem:s11+$0x100]  }
0x1dc: {  	s9 =	sor.u32 s28, s9;
	[smem:$0x7E0] =	sst s22;
	s22 =	sor.u32 s28, s1;
	v61 =	vld [tilespmem:s11+$0x180]  }
0x1dd: {  	s4 =	sor.u32 s12, s4;
	v3 =	vld [tilespmem:s14+$0x0];
	s14 =	sor.u32 s28, s26;
	[smem:$0x7E1] =	sst s22  }
0x1de: {  	s6 =	sor.u32 s3, s18;
	v1 =	vld [tilespmem:s7+$0x0];
	s22 =	sor.u32 s12, s24;
	[smem:$0x7DF] =	sst s14  }
0x1df: {  	s7 =	sor.u32 s28, s23;
	v5 =	vld [tilespmem:s19+$0x0];
	s19 =	sor.u32 s10, s31;
	[smem:$0x7E4] =	sst s22  }
0x1e0: {  	v2 =	vld [tilespmem:s8+$0x0];
	s8 =	sor.u32 s12, s26;
	s24 =	sor.u32 s10, s24;
	[smem:$0x7E3] =	sst s19  }
0x1e1: {  	v4 =	vld [tilespmem:s13+$0x0];
	s13 =	sor.u32 s28, s18;
	s26 =	sor.u32 s10, s26;
	[smem:$0x7E5] =	sst s24  }
0x1e2: {  	v12 =	vld [tilespmem:s25+$0x180];
	s22 =	sor.u32 $0x6380, s17;
	s24 =	sor.u32 s12, s23;
	[dreg:$0x1c] =	wrdreg s26  }
0x1e3: {  	v13 =	vld [tilespmem:s25+$0x100];
	s14 =	simm.s32 $0x1;
	s23 =	sor.u32 s10, s23;
	[smem:$0x7E6] =	sst s24  }
0x1e4: {  	v14 =	vld [tilespmem:s16+$0x0];
	s26 =	sor.u32 s10, s18;
	s19 =	sor.u32 s12, s22;
	[smem:$0x7E8] =	sst s23  }
0x1e5: {  	v15 =	vld [tilespmem:s9+$0x100];
	s24 =	sor.u32 s12, s18;
	s14 =	simm.s32 @!p0 $0x0;
	[smem:$0x7E2] =	sst s19  }
0x1e6: {  	v16 =	vld [tilespmem:s25+$0x80];
	s23 =	sor.u32 s12, s1;
	s18 =	sor.u32 s10, s20;
	[smem:$0x7E7] =	sst s24  }
0x1e7: {  	v34 =	vld [tilespmem:s25+$0x0];
	s19 =	sor.u32 s10, s22;
	s24 =	smov.u32 s16;
	[smem:$0x7E9] =	sst s23  }
0x1e8: {  	v17 =	vld [tilespmem:s9+$0x80];
	s14 =	sshll.u32 s14, $0x6;
	s23 =	sor.u32 s12, s20;
	[dreg:$0x1e] =	wrdreg s18  }
0x1e9: {  	v18 =	vld [tilespmem:s5+$0x0];
	s18 =	sor.u32 s3, s31;
	s20 =	sor.u32 s3, s20;
	[dreg:$0x1a] =	wrdreg s23  }
0x1ea: {  	v20 =	vld [tilespmem:s9+$0x0];
	s23 =	sor.u32 s12, s31;
	s2 =	sadd.s32 s2, s14;
	[dreg:$0x14] =	wrdreg s18  }
0x1eb: {  	v59 =	vld [tilespmem:s4+$0x0];
	s14 =	sadd.s32 s0, s14;
	[dreg:$0x1f] =	wrdreg s20;
	s18 =	sor.u32 s28, s31  }
0x1ec: {  	v63 =	vld [tilespmem:s9+$0x180];
	s31 =	smov.u32 s5;
	s20 =	sor.u32 s3, s22;
	s22 =	sor.u32 s28, s22  }
0x1ed: {  	v40 =	vld [tilespmem:s13+$0x0];
	[dreg:$0x12] =	wrdreg s23;
	s16 =	sadd.s32 $0xFFFFFFD0, s14;
	s23 =	sadd.s32 $0xFFFFFFE0, s14  }
0x1ee: {  	v11 =	vadd.f32 v36, v11;
	v36 =	vld [tilespmem:s7+$0x0];
	[dreg:$0x16] =	wrdreg s18;
	s14 =	sadd.s32 $0xFFFFFFF0, s14;
	s18 =	sor.u32 $0x200, s23  }
0x1ef: {  	v10 =	vadd.f32 v10, v9;
	s5 =	sadd.s32 $0x200, s0;
	[dreg:$0xe] =	wrdreg s20;
	s20 =	sor.u32 $0x200, s14;
	v9 =	vld [tilespmem:s18+$0x80]  }
0x1f0: {  	[dreg:$0xc] =	wrdreg s22;
	s0 =	sadd.s32 $0x30, s2;
	s22 =	sor.u32 $0x280, s16;
	v21 =	vld [tilespmem:s20+$0x80]  }
0x1f1: {  	s7 =	sld [smem:$0x7DF];
	s2 =	sor.u32 $0x200, s0;
	v37 =	vld [tilespmem:s22+$0x80]  }
0x1f2: {  	[dreg:$0xa] =	wrdreg s5;
	s5 =	sor.u32 $0x300, s16;
	v23 =	vld [tilespmem:s2+$0x80]  }
0x1f3: {  	s25 =	sor.u32 $0x200, s16;
	s16 =	sor.u32 $0x280, s0;
	v45 =	vld [tilespmem:s5+$0x80]  }
0x1f4: {  	v29 =	vld [tilespmem:s16+$0x80]  }
0x1f5: {  	v28 =	vld [tilespmem:s7+$0x0]  }
0x1f6: {  	s2 =	sor.u32 $0x280, s23;
	v62 =	vld [tilespmem:s25+$0x80]  }
0x1f7: {  	v14 =	vadd.f32 v34, v14;
	v35 =	vadd.f32 v20, v18;
	s20 =	sor.u32 $0x300, s23;
	v18 =	vld [tilespmem:s2+$0x80]  }
0x1f8: {  	s1 =	sor.u32 s10, s1;
	s5 =	sor.u32 $0x380, s23;
	v24 =	vld [tilespmem:s20+$0x80]  }
0x1f9: {  	[dreg:$0x18] =	wrdreg s1;
	s1 =	sor.u32 $0x2100, s17;
	v14 =	vadd.f32 v16, v14;
	v16 =	vadd.f32 v17, v35;
	s16 =	sor.u32 $0x380, s14;
	v17 =	vld [tilespmem:s5+$0x80]  }
0x1fa: {  	v25 =	vadd.f32 v19, v11;
	s18 =	sor.u32 $0x280, s14;
	s22 =	sor.u32 $0x300, s14;
	s14 =	sor.u32 s12, s1;
	v11 =	vld [tilespmem:s16+$0x80]  }
0x1fb: {  	s2 =	sor.u32 $0x300, s0;
	v47 =	vld [tilespmem:s14+$0x0]  }
0x1fc: {  	s0 =	sor.u32 $0x380, s0;
	v27 =	vld [tilespmem:s2+$0x80]  }
0x1fd: {  	s16 =	sor.u32 s10, s1;
	v33 =	vld [tilespmem:s0+$0x80]  }
0x1fe: {  	v20 =	vld [tilespmem:s16+$0x0]  }
0x1ff: {  	s20 =	sor.u32 $0x2080, s17;
	v13 =	vadd.f32 v13, v14;
	v14 =	vld [tilespmem:s8+$0x0]  }
0x200: {  	v60 =	vadd.f32 v15, v16;
	s23 =	sor.u32 s10, s20;
	v16 =	vld [tilespmem:s6+$0x0]  }
0x201: {  	v38 =	vadd.f32 v38, v25;
	s2 =	sor.u32 s28, s20;
	v19 =	vld [tilespmem:s23+$0x0]  }
0x202: {  	v34 =	vld [tilespmem:s2+$0x0]  }
0x203: {  	v10 =	vadd.f32 v32, v10;
	v38 =	vadd.f32 v61, v38;
	v61 =	vld [tilespmem:s18+$0x80]  }
0x204: {  	v12 =	vadd.f32 v12, v13;
	v13 =	vld [tilespmem:s22+$0x80];
	s22 =	sor.u32 s12, s20  }
0x205: {  	v8 =	vadd.f32 v8, v10;
	s5 =	sor.u32 s3, s20;
	s8 =	sld [smem:$0x7E0];
	s20 =	sor.u32 s3, s1;
	v46 =	vld [tilespmem:s22+$0x0]  }
0x206: {  	s1 =	sor.u32 s28, s1;
	v15 =	vld [tilespmem:s20+$0x0]  }
0x207: {  	v7 =	vadd.f32 v7, v8;
	v35 =	vld [tilespmem:s1+$0x0]  }
0x208: {  	v25 =	vld [tilespmem:s8+$0x0]  }
0x209: {  	s22 =	sor.u32 $0x2180, s17;
	v9 =	vadd.f32 v9, v7;
	v7 =	vld [tilespmem:s19+$0x0]  }
0x20a: {  	v22 =	vadd.f32 v21, v12;
	v12 =	vld [tilespmem:s5+$0x0];
	s23 =	sor.u32 s12, s22  }
0x20b: {  	s5 =	sor.u32 s10, s22;
	v48 =	vld [tilespmem:s23+$0x0]  }
0x20c: {  	s1 =	sor.u32 $0x2200, s17;
	s14 =	sor.u32 s3, s22;
	v26 =	vld [tilespmem:s5+$0x0]  }
0x20d: {  	s16 =	sor.u32 s12, s1;
	v21 =	vld [tilespmem:s14+$0x0]  }
0x20e: {  	s2 =	sor.u32 s28, s22;
	v49 =	vld [tilespmem:s16+$0x0]  }
0x20f: {  	s20 =	sor.u32 s10, s1;
	v42 =	vld [tilespmem:s2+$0x0]  }
0x210: {  	s22 =	sor.u32 s3, s1;
	v39 =	vld [tilespmem:s20+$0x0]  }
0x211: {  	s21 =	sadd.s32 $0x4400, s17;
	v8 =	vadd.f32 v62, v38;
	s1 =	sor.u32 s28, s1;
	v30 =	vld [tilespmem:s22+$0x0]  }
0x212: {  	s25 =	sor.u32 s28, s21;
	s2 =	sor.u32 $0x2280, s17;
	v50 =	vld [tilespmem:s1+$0x0]  }
0x213: {  	v8 =	vadd.f32 v37, v8;
	v37 =	vld [tilespmem:s25+$0x0];
	s23 =	sor.u32 s12, s2  }
0x214: {  	s5 =	sor.u32 s10, s2;
	v55 =	vld [tilespmem:s23+$0x0]  }
0x215: {  	s16 =	sor.u32 $0x2300, s17;
	s14 =	sor.u32 s3, s2;
	v43 =	vld [tilespmem:s5+$0x0]  }
0x216: {  	s20 =	sor.u32 s12, s16;
	v41 =	vld [tilespmem:s14+$0x0]  }
0x217: {  	s2 =	sor.u32 s28, s2;
	v58 =	vld [tilespmem:s20+$0x0]  }
0x218: {  	s22 =	sor.u32 s10, s16;
	v56 =	vld [tilespmem:s2+$0x0]  }
0x219: {  	s1 =	sor.u32 s28, s16;
	v52 =	vld [tilespmem:s22+$0x0]  }
0x21a: {  	s11 =	sor.u32 $0x4300, s17;
	s23 =	sor.u32 s3, s16;
	v57 =	vld [tilespmem:s1+$0x0]  }
0x21b: {  	s20 =	sor.u32 s28, s11;
	v44 =	vld [tilespmem:s23+$0x0]  }
0x21c: {  	s2 =	sor.u32 $0x4080, s17;
	s22 =	sor.u32 s3, s21;
	v32 =	vld [tilespmem:s20+$0x0]  }
0x21d: {  	s29 =	sadd.s32 $0x6400, s17;
	v60 =	vadd.f32 v63, v60;
	s5 =	sor.u32 s3, s2;
	v10 =	vld [tilespmem:s22+$0x0]  }
0x21e: {  	s30 =	sor.u32 $0x6300, s17;
	s25 =	sld [smem:$0x7E2];
	s0 =	sor.u32 s28, s2;
	v31 =	vld [tilespmem:s5+$0x0]  }
0x21f: {  	s13 =	sor.u32 s10, s11;
	s6 =	sor.u32 s3, s29;
	v23 =	vadd.f32 v23, v60;
	v45 =	vadd.f32 v45, v8;
	s22 =	sor.u32 s10, s30;
	v51 =	vld [tilespmem:s0+$0x0]  }
0x220: {  	s18 =	sor.u32 s10, s29;
	v18 =	vadd.f32 v18, v9;
	v61 =	vadd.f32 v61, v22;
	s16 =	sor.u32 s12, s11;
	s20 =	sor.u32 s3, s11;
	v9 =	vld [tilespmem:s22+$0x0]  }
0x221: {  	s11 =	sor.u32 s10, s21;
	s0 =	sor.u32 s12, s21;
	s21 =	sor.u32 s12, s29;
	v60 =	vadd.f32 v6, v45;
	v6 =	vld [tilespmem:s25+$0x0]  }
0x222: {  	v23 =	vadd.f32 v29, v23;
	s1 =	sor.u32 s28, s29;
	s23 =	sld [smem:$0x7E1];
	v63 =	vadd.f32 v13, v61;
	s29 =	sor.u32 s12, s30;
	v8 =	vld [tilespmem:s21+$0x0]  }
0x223: {  	v24 =	vadd.f32 v24, v18;
	v22 =	vld [tilespmem:s29+$0x0]  }
0x224: {  	s9 =	sor.u32 s28, s30;
	v23 =	vadd.f32 v27, v23;
	s22 =	sor.u32 $0x6200, s17;
	v29 =	vadd.f32 v11, v63;
	v63 =	vld [tilespmem:s16+$0x0]  }
0x225: {  	s8 =	sor.u32 s3, s30;
	s19 =	sor.u32 $0x6280, s17;
	v24 =	vadd.f32 v17, v24;
	s30 =	sor.u32 s10, s22;
	v38 =	vld [tilespmem:s23+$0x0]  }
0x226: {  	s21 =	sor.u32 s3, s22;
	s7 =	sor.u32 s28, s22;
	v23 =	vadd.f32 v33, v23;
	s22 =	sor.u32 s12, s22;
	v13 =	vld [tilespmem:s30+$0x0]  }
0x227: {  	s4 =	sor.u32 s12, s2;
	s14 =	sor.u32 s10, s2;
	s16 =	rddreg [dreg:$0x1e];
	v62 =	vadd.f32 v46, v60;
	v24 =	vadd.f32 v19, v24;
	v19 =	vld [tilespmem:s22+$0x0]  }
0x228: {  	s2 =	sor.u32 s28, s19;
	s5 =	sor.u32 s3, s19;
	s23 =	sor.u32 s10, s19;
	v33 =	vld [tilespmem:s16+$0x0]  }
0x229: {  	s19 =	sor.u32 s12, s19;
	v18 =	vld [tilespmem:s23+$0x0];
	s23 =	sor.u32 $0x6180, s17;
	s17 =	sor.u32 $0x6100, s17;
	v23 =	vadd.f32 v34, v23;
	v27 =	vadd.f32 v47, v62  }
0x22a: {  	v17 =	vld [tilespmem:s19+$0x0];
	v12 =	vadd.f32 v12, v29;
	s19 =	rddreg [dreg:$0x10];
	s25 =	sor.u32 s10, s23;
	s30 =	sor.u32 s3, s23;
	v20 =	vadd.f32 v20, v24  }
0x22b: {  	v11 =	vld [tilespmem:s25+$0x0];
	s25 =	smov.u32 s24;
	s24 =	sor.u32 s10, s17;
	s10 =	sor.u32 s3, s17;
	v23 =	vadd.f32 v35, v23;
	v27 =	vadd.f32 v48, v27  }
0x22c: {  	v47 =	vld [tilespmem:s19+$0x0];
	s3 =	sor.u32 s28, s17;
	s17 =	sor.u32 s12, s17;
	s12 =	sor.u32 s12, s23;
	v12 =	vadd.f32 v15, v12;
	v35 =	vadd.f32 v26, v20  }
0x22d: {  	v29 =	vld [tilespmem:s12+$0x0];
	s12 =	sld [smem:$0x7E4];
	v23 =	vadd.f32 v42, v23;
	v27 =	vadd.f32 v49, v27  }
0x22e: {  	s22 =	sld [smem:$0x7E5];
	v24 =	vld [tilespmem:s24+$0x0];
	v12 =	vadd.f32 v21, v12;
	v15 =	vadd.f32 v39, v35  }
0x22f: {  	s29 =	sor.u32 s28, s23;
	s28 =	sld [smem:$0x7E3];
	v48 =	vld [tilespmem:s4+$0x0];
	v23 =	vadd.f32 v50, v23;
	v45 =	vadd.f32 v55, v27  }
0x230: {  	v46 =	vld [tilespmem:s12+$0x0];
	v12 =	vadd.f32 v30, v12;
	v15 =	vadd.f32 v43, v15  }
0x231: {  	s23 =	sld [smem:$0x7E6];
	v49 =	vld [tilespmem:s22+$0x0];
	v23 =	vadd.f32 v56, v23;
	v26 =	vadd.f32 v58, v45  }
0x232: {  	v20 =	vld [tilespmem:s28+$0x0];
	s28 =	sld [smem:$0x7E8];
	v12 =	vadd.f32 v41, v12;
	v15 =	vadd.f32 v52, v15  }
0x233: {  	s24 =	sld [smem:$0x7E7];
	v52 =	vld [tilespmem:s14+$0x0];
	v23 =	vadd.f32 v57, v23;
	v26 =	vadd.f32 v59, v26  }
0x234: {  	v50 =	vld [tilespmem:s23+$0x0];
	v12 =	vadd.f32 v44, v12;
	v15 =	vadd.f32 v47, v15  }
0x235: {  	v56 =	vld [tilespmem:s28+$0x0];
	v23 =	vadd.f32 v54, v23;
	v21 =	vadd.f32 v46, v26  }
0x236: {  	v55 =	vld [tilespmem:s24+$0x0];
	v5 =	vadd.f32 v5, v12;
	v57 =	vadd.f32 v49, v15  }
0x237: {  	s4 =	sld [smem:$0x7E9];
	v59 =	vld [tilespmem:s26+$0x0];
	v23 =	vadd.f32 v53, v23;
	v21 =	vadd.f32 v48, v21  }
0x238: {  	v39 =	vld [tilespmem:s13+$0x0];
	s14 =	rddreg [dreg:$0x1c];
	v4 =	vadd.f32 v4, v5;
	v60 =	vadd.f32 v52, v57  }
0x239: {  	s12 =	rddreg [dreg:$0x1a];
	v62 =	vld [tilespmem:s14+$0x0];
	v23 =	vadd.f32 v51, v23;
	v21 =	vadd.f32 v50, v21  }
0x23a: {  	s22 =	rddreg [dreg:$0x12];
	v61 =	vld [tilespmem:s12+$0x0];
	v4 =	vadd.f32 v31, v4;
	v5 =	vadd.f32 v56, v60  }
0x23b: {  	v42 =	vld [tilespmem:s22+$0x0];
	v23 =	vadd.f32 v36, v23;
	v21 =	vadd.f32 v55, v21  }
0x23c: {  	s19 =	rddreg [dreg:$0x1f];
	v58 =	vld [tilespmem:s4+$0x0];
	v3 =	vadd.f32 v3, v4;
	v35 =	vadd.f32 v59, v5  }
0x23d: {  	v36 =	vld [tilespmem:s19+$0x0];
	v23 =	vadd.f32 v40, v23;
	v14 =	vadd.f32 v14, v21  }
0x23e: {  	v3 =	vadd.f32 v16, v3;
	v40 =	vld [tilespmem:s20+$0x0];
	s20 =	rddreg [dreg:$0x18];
	v4 =	vadd.f32 v62, v35  }
0x23f: {  	v41 =	vld [tilespmem:s20+$0x0];
	v23 =	vadd.f32 v28, v23;
	v12 =	vadd.f32 v61, v14  }
0x240: {  	v27 =	vld [tilespmem:s0+$0x0];
	v2 =	vadd.f32 v2, v3;
	v3 =	vadd.f32 v33, v4  }
0x241: {  	v44 =	vld [tilespmem:s11+$0x0];
	v43 =	vadd.f32 v25, v23;
	v12 =	vadd.f32 v63, v12  }
0x242: {  	s23 =	rddreg [dreg:$0x14];
	v45 =	vld [tilespmem:s17+$0x0];
	v2 =	vadd.f32 v36, v2;
	v3 =	vadd.f32 v39, v3  }
0x243: {  	s24 =	rddreg [dreg:$0x16];
	v47 =	vld [tilespmem:s23+$0x0];
	v46 =	vadd.f32 v32, v43;
	v12 =	vadd.f32 v58, v12  }
0x244: {  	v48 =	vld [tilespmem:s24+$0x0];
	v2 =	vadd.f32 v40, v2;
	v3 =	vadd.f32 v41, v3  }
0x245: {  	v54 =	vld [tilespmem:s5+$0x0];
	v14 =	vadd.f32 v38, v46;
	v12 =	vadd.f32 v27, v12  }
0x246: {  	v1 =	vadd.f32 v1, v2;
	v2 =	vadd.f32 v44, v3;
	v3 =	vld [tilespmem:s3+$0x0]  }
0x247: {  	v49 =	vld [tilespmem:s10+$0x0];
	v14 =	vadd.f32 v37, v14;
	v4 =	vadd.f32 v42, v12  }
0x248: {  	v51 =	vld [tilespmem:s29+$0x0];
	v1 =	vadd.f32 v10, v1;
	v2 =	vadd.f32 v20, v2  }
0x249: {  	v50 =	vld [tilespmem:s30+$0x0];
	v14 =	vadd.f32 v48, v14;
	v4 =	vadd.f32 v45, v4  }
0x24a: {  	v53 =	vld [tilespmem:s7+$0x0];
	v1 =	vadd.f32 v47, v1;
	v2 =	vadd.f32 v24, v2  }
0x24b: {  	v52 =	vld [tilespmem:s21+$0x0];
	v3 =	vadd.f32 v3, v14;
	v4 =	vadd.f32 v29, v4  }
0x24c: {  	v55 =	vld [tilespmem:s2+$0x0];
	v1 =	vadd.f32 v49, v1;
	v2 =	vadd.f32 v11, v2  }
0x24d: {  	v57 =	vld [tilespmem:s9+$0x0];
	v3 =	vadd.f32 v51, v3;
	v4 =	vadd.f32 v19, v4  }
0x24e: {  	v56 =	vld [tilespmem:s8+$0x0];
	v1 =	vadd.f32 v50, v1;
	v2 =	vadd.f32 v13, v2  }
0x24f: {  	s28 =	rddreg [dreg:$0xc];
	v60 =	vld [tilespmem:s18+$0x0];
	v3 =	vadd.f32 v53, v3;
	v4 =	vadd.f32 v17, v4  }
0x250: {  	s26 =	rddreg [dreg:$0xe];
	v59 =	vld [tilespmem:s28+$0x0];
	v1 =	vadd.f32 v52, v1;
	v2 =	vadd.f32 v18, v2  }
0x251: {  	v58 =	vld [tilespmem:s26+$0x0];
	v3 =	vadd.f32 v55, v3;
	v4 =	vadd.f32 v22, v4  }
0x252: {  	v62 =	vld [tilespmem:s1+$0x0];
	v1 =	vadd.f32 v54, v1;
	v2 =	vadd.f32 v9, v2  }
0x253: {  	v61 =	vld [tilespmem:s6+$0x0];
	v3 =	vadd.f32 v57, v3;
	v4 =	vadd.f32 v6, v4  }
.Ltmp19:
0x254: {  	v1 =	vadd.f32 v56, v1;
	v2 =	vadd.f32 v7, v2;
	(pc) =	sbr.rel @!p1 .LBB2_36-.Ltmp19, $4  }
0x255: {  	v3 =	vadd.f32 v59, v3;
	v4 =	vadd.f32 v8, v4  }
0x256: {  	s29 =	rddreg [dreg:$0x8];
	v1 =	vadd.f32 v58, v1;
	v63 =	vadd.f32 v60, v2  }
0x257: {  	s30 =	rddreg [dreg:$0x6];
	[tilespmem:s29+$0x0] =	vst v4  }
0x258: {  	s15 =	sadd.s32 $0x40, s15;
	p0 =	por !p0, !p0;
	s0 =	rddreg [dreg:$0xa];
	v2 =	vadd.f32 v61, v1;
	v1 =	vadd.f32 v62, v3;
	[tilespmem:s30+$0x0] =	vst v63  }
0x259: {  	s16 =	sld [smem:$0x7ED]  }
0x25a: {  	s17 =	sld [smem:$0x7EE]  }
0x25b: {  	s18 =	sld [smem:$0x7EF]  }
0x25c: {  	s19 =	sld [smem:$0x7F0]  }
0x25d: {  	s20 =	sld [smem:$0x7F1]  }
0x25e: {  	s21 =	sld [smem:$0x7EB]  }
0x25f: {  	s23 =	sld [smem:$0x7EA];
	[tilespmem:s25+$0x0] =	vst v2  }
0x260: {  	s24 =	sld [smem:$0x7EC];
	[tilespmem:s31+$0x0] =	vst v1  }
.LBB2_47:
0x261: {  	_ =	sdelay $0x1  }
0x262: {  	p0 =	slt.s32 s24, $0xF;
	s0 =	smov.u32 s24  }
0x263: {  	s0 =	simm.s32 @!p0 $0xF  }
0x264: {  	s1 =	sld [smem:s0+$0x1];
	_ =	sdelay $0x2  }
0x265: {  	s0 =	sadd.s32 $0x1, s0;
	p0 =	sgt.s32 s1, s21  }
0x266: {  	s0 =	smov.u32 @p0 s24  }
0x267: {  	p0 =	slt.s32 s0, $0xF;
	s1 =	smov.u32 s0  }
0x268: {  	s1 =	simm.s32 @!p0 $0xF  }
0x269: {  	s2 =	sld [smem:s1+$0x1];
	_ =	sdelay $0x2  }
0x26a: {  	s1 =	sadd.s32 $0x1, s1;
	p0 =	sgt.s32 s2, s21  }
0x26b: {  	s1 =	smov.u32 @p0 s0  }
0x26c: {  	p0 =	slt.s32 s1, $0xF;
	s0 =	smov.u32 s1  }
0x26d: {  	s0 =	simm.s32 @!p0 $0xF  }
0x26e: {  	s9 =	sld [smem:s0+$0x1];
	_ =	sdelay $0x2  }
0x26f: {  	s0 =	sadd.s32 $0x1, s0;
	p0 =	sgt.s32 s9, s21  }
0x270: {  	s0 =	smov.u32 @p0 s1  }
0x271: {  	p0 =	slt.s32 s0, $0xF;
	s1 =	smov.u32 s0  }
0x272: {  	s1 =	simm.s32 @!p0 $0xF  }
0x273: {  	s10 =	sld [smem:s1+$0x1];
	_ =	sdelay $0x2  }
0x274: {  	s1 =	sadd.s32 $0x1, s1;
	p0 =	sgt.s32 s10, s21  }
0x275: {  	s1 =	smov.u32 @p0 s0  }
0x276: {  	p0 =	slt.s32 s1, $0xF;
	s0 =	smov.u32 s1  }
0x277: {  	s0 =	simm.s32 @!p0 $0xF  }
0x278: {  	s11 =	sld [smem:s0+$0x1];
	_ =	sdelay $0x2  }
0x279: {  	s0 =	sadd.s32 $0x1, s0;
	p0 =	sgt.s32 s11, s21  }
0x27a: {  	s0 =	smov.u32 @p0 s1  }
0x27b: {  	p0 =	slt.s32 s0, $0xF;
	s1 =	smov.u32 s0  }
0x27c: {  	s1 =	simm.s32 @!p0 $0xF  }
0x27d: {  	s12 =	sld [smem:s1+$0x1];
	_ =	sdelay $0x2  }
0x27e: {  	s1 =	sadd.s32 $0x1, s1;
	p0 =	sgt.s32 s12, s21  }
0x27f: {  	s1 =	smov.u32 @p0 s0  }
0x280: {  	p0 =	slt.s32 s1, $0xF;
	s0 =	smov.u32 s1  }
0x281: {  	s0 =	simm.s32 @!p0 $0xF  }
0x282: {  	s13 =	sld [smem:s0+$0x1];
	_ =	sdelay $0x2  }
0x283: {  	s0 =	sadd.s32 $0x1, s0;
	p0 =	sgt.s32 s13, s21  }
0x284: {  	s0 =	smov.u32 @p0 s1  }
0x285: {  	p0 =	slt.s32 s0, $0xF;
	s1 =	smov.u32 s0  }
0x286: {  	s1 =	simm.s32 @!p0 $0xF  }
0x287: {  	s14 =	sld [smem:s1+$0x1];
	_ =	sdelay $0x2  }
0x288: {  	s1 =	sadd.s32 $0x1, s1;
	p0 =	sgt.s32 s14, s21  }
0x289: {  	s1 =	smov.u32 @p0 s0  }
0x28a: {  	p0 =	slt.s32 s1, $0xF;
	s0 =	smov.u32 s1  }
0x28b: {  	s0 =	simm.s32 @!p0 $0xF  }
0x28c: {  	s15 =	sld [smem:s0+$0x1];
	_ =	sdelay $0x2  }
0x28d: {  	s0 =	sadd.s32 $0x1, s0;
	p0 =	sgt.s32 s15, s21  }
0x28e: {  	s0 =	smov.u32 @p0 s1  }
0x28f: {  	p0 =	slt.s32 s0, $0xF;
	s1 =	smov.u32 s0  }
0x290: {  	s1 =	simm.s32 @!p0 $0xF  }
0x291: {  	s22 =	sld [smem:s1+$0x1];
	_ =	sdelay $0x2  }
0x292: {  	s1 =	sadd.s32 $0x1, s1;
	p0 =	sgt.s32 s22, s21  }
0x293: {  	s1 =	smov.u32 @p0 s0  }
0x294: {  	p0 =	slt.s32 s1, $0xF;
	s0 =	smov.u32 s1  }
0x295: {  	s0 =	simm.s32 @!p0 $0xF  }
0x296: {  	s24 =	sld [smem:s0+$0x1];
	_ =	sdelay $0x2  }
0x297: {  	s0 =	sadd.s32 $0x1, s0;
	p0 =	sgt.s32 s24, s21  }
0x298: {  	s0 =	smov.u32 @p0 s1  }
0x299: {  	p0 =	slt.s32 s0, $0xF;
	s1 =	smov.u32 s0  }
0x29a: {  	s1 =	simm.s32 @!p0 $0xF  }
0x29b: {  	s25 =	sld [smem:s1+$0x1];
	_ =	sdelay $0x2  }
0x29c: {  	s1 =	sadd.s32 $0x1, s1;
	p0 =	sgt.s32 s25, s21  }
0x29d: {  	s1 =	smov.u32 @p0 s0  }
0x29e: {  	p0 =	slt.s32 s1, $0xF;
	s0 =	smov.u32 s1  }
0x29f: {  	s0 =	simm.s32 @!p0 $0xF  }
0x2a0: {  	s26 =	sld [smem:s0+$0x1];
	_ =	sdelay $0x2  }
0x2a1: {  	s0 =	sadd.s32 $0x1, s0;
	p0 =	sgt.s32 s26, s21  }
0x2a2: {  	s0 =	smov.u32 @p0 s1  }
0x2a3: {  	p0 =	slt.s32 s0, $0xF;
	s1 =	smov.u32 s0  }
0x2a4: {  	s1 =	simm.s32 @!p0 $0xF  }
0x2a5: {  	s28 =	sld [smem:s1+$0x1];
	_ =	sdelay $0x2  }
0x2a6: {  	s1 =	sadd.s32 $0x1, s1;
	p0 =	sgt.s32 s28, s21  }
0x2a7: {  	s1 =	smov.u32 @p0 s0  }
0x2a8: {  	p0 =	slt.s32 s1, $0xF;
	s0 =	smov.u32 s1  }
0x2a9: {  	s0 =	simm.s32 @!p0 $0xF  }
0x2aa: {  	s29 =	sld [smem:s0+$0x1];
	_ =	sdelay $0x2  }
0x2ab: {  	s0 =	sadd.s32 $0x1, s0;
	p0 =	sgt.s32 s29, s21  }
0x2ac: {  	s0 =	smov.u32 @p0 s1  }
0x2ad: {  	s3 =	sld [smem:$0x7F5];
	p0 =	slt.s32 s0, $0xF;
	s1 =	smov.u32 s0  }
0x2ae: {  	s31 =	simm.s32 $0x2;
	s1 =	simm.s32 @!p0 $0xF  }
0x2af: {  	s22 =	sshll.u32 s16, $0xD;
	p0 =	seq.s32 s16, $0x3;
	s30 =	sld [smem:s1+$0x1]  }
0x2b0: {  	s3 =	sadd.s32 @!p0 s22, s3;
	s4 =	simm.s32 @!p0 $0x0;
	s5 =	simm.s32 @!p0 $0x80  }
0x2b1: {  	[tilespmem:s5], [sflag:$0x1] =	stream.linear.gather @!p0 [hbm4b:s3+s4], $0x8000, $0x38;
	[tilespmem:$0x14080] =	vst v63  }
0x2b2: {  	_ =	swait.ge [sflag:s31], $0x8000  }
0x2b3: {  	s24 =	sadd.s32 $0x1, s1;
	p1 =	sgt.s32 s30, s21;
	[sflag:s31] =	ssyncset.done $0x0  }
0x2b4: {  	s24 =	smov.u32 @p1 s0;
	[sflag:s31] =	ssyncadd.s32 $0xFFFF8000  }
0x2b5: {  	s0 =	sld [smem:s24+$0x1];
	_ =	sdelay $0x1  }
0x2b6: {  	s23 =	sadd.s32 $0x40, s23  }
0x2b7: {  	p1 =	slt.s32 s0, s23  }
.Ltmp20:
0x2b8: {  	_ = 	snop;
	(pc) =	sbr.rel @p1 .LBB2_51-.Ltmp20, $2  }
0x2b9: {  	_ =	sdelay $0x2  }
0x2ba: {  	s0 =	simm.s32 $0x0  }
0x2bb: {  	s18 =	simm.s32 $0x0;
	s2 =	simm.s32 $0x0  }
0x2bc: {  	s10 =	sand.u32 $0x1C00, s2;
	s2 =	sor.u32 s2, s18;
	s3 =	sand.u32 $0x40, s18  }
0x2bd: {  	s19 =	sor.u32 $0x380, s2;
	s15 =	sor.u32 $0x8080, s10;
	s9 =	sor.u32 $0x20, s3  }
0x2be: {  	s6 =	sor.u32 $0x10, s3;
	v1 =	vld [tilespmem:s19+$0x8080];
	s16 =	sor.u32 s9, s15  }
0x2bf: {  	p1 =	por $0x0, $0x0;
	s17 =	simm.s32 $0x1;
	s4 =	sor.u32 s6, s15;
	v12 =	vld [tilespmem:s16+$0x180]  }
0x2c0: {  	[smem:$0x7DC] =	sst s23;
	s17 =	simm.s32 @!p1 $0x0;
	v13 =	vld [tilespmem:s4+$0x100]  }
0x2c1: {  	s0 =	sshll.u32 s24, $0xA;
	s1 =	sshll.u32 s24, $0x7;
	s23 =	sshll.u32 s17, $0x6;
	v15 =	vld [tilespmem:s4+$0x0]  }
0x2c2: {  	s0 =	sand.u32 $0x7FFFE000, s0;
	s1 =	sand.u32 $0x380, s1;
	s17 =	sadd.s32 $0x30, s23;
	v10 =	vld [tilespmem:s16+$0x100]  }
0x2c3: {  	s0 =	sor.u32 s1, s0;
	v19 =	vld [tilespmem:s16+$0x80];
	s18 =	sadd.s32 $0xFFFFFFE0, s17  }
0x2c4: {  	s0 =	sadd.s32 $0x10080, s0;
	v11 =	vld [tilespmem:s16+$0x0];
	s16 =	sadd.s32 $0xFFFFFFD0, s17;
	s19 =	sor.u32 $0x200, s18  }
0x2c5: {  	[dreg:$0x5] =	wrdreg s0;
	s26 =	sor.u32 $0x280, s16;
	v59 =	vld [tilespmem:s19+$0x8080]  }
0x2c6: {  	s0 =	rddreg [dreg:$0x5];
	s28 =	sor.u32 $0x280, s18;
	v62 =	vld [tilespmem:s26+$0x8080]  }
0x2c7: {  	s29 =	sor.u32 $0x300, s16;
	s14 =	sadd.s32 s10, s0;
	v56 =	vld [tilespmem:s28+$0x8080]  }
0x2c8: {  	v60 =	vld [tilespmem:s29+$0x8080];
	s12 =	sadd.s32 s3, s14  }
0x2c9: {  	s1 =	sadd.s32 s6, s14;
	v16 =	vld [tilespmem:s12+$0x0]  }
0x2ca: {  	s13 =	sor.u32 $0x30, s3;
	v9 =	vld [tilespmem:s1+$0x0]  }
0x2cb: {  	s25 =	sadd.s32 s9, s14;
	s30 =	sadd.s32 s13, s14;
	s14 =	sadd.s32 $0xFFFFFFF0, s17;
	[tilespmem:$0x1FF10] =	vst v1;
	v1 =	vld [tilespmem:s4+$0x180]  }
0x2cc: {  	[smem:$0x7DE] =	sst s24;
	v17 =	vld [tilespmem:s25+$0x0];
	s24 =	sor.u32 $0x200, s14  }
0x2cd: {  	v24 =	vld [tilespmem:s24+$0x8080];
	s24 =	sor.u32 $0xA080, s10  }
0x2ce: {  	v6 =	vld [tilespmem:s30+$0x0];
	s26 =	sor.u32 s3, s24  }
0x2cf: {  	s28 =	sor.u32 s6, s24;
	v45 =	vld [tilespmem:s26+$0x0]  }
0x2d0: {  	s0 =	sor.u32 $0xC380, s10;
	s29 =	sor.u32 s9, s24;
	v38 =	vld [tilespmem:s28+$0x0]  }
0x2d1: {  	s20 =	sor.u32 s9, s0;
	v25 =	vld [tilespmem:s29+$0x0]  }
0x2d2: {  	s19 =	sor.u32 s13, s24;
	[tilespmem:$0x1FF00] =	vst v1;
	v1 =	vld [tilespmem:s20+$0x0];
	s20 =	sadd.s32 $0x0, s23  }
0x2d3: {  	v46 =	vld [tilespmem:s19+$0x0];
	s23 =	sor.u32 $0x380, s14;
	s17 =	sadd.s32 $0x30, s20  }
0x2d4: {  	v29 =	vld [tilespmem:s23+$0x8080];
	s20 =	sor.u32 $0x200, s17  }
0x2d5: {  	s23 =	sor.u32 $0xA180, s10;
	s31 =	sor.u32 $0x280, s17;
	v63 =	vld [tilespmem:s20+$0x8080]  }
0x2d6: {  	s24 =	sor.u32 s3, s23;
	v61 =	vld [tilespmem:s31+$0x8080]  }
0x2d7: {  	s26 =	sor.u32 s6, s23;
	v42 =	vld [tilespmem:s24+$0x0]  }
0x2d8: {  	s28 =	sor.u32 s9, s23;
	v35 =	vld [tilespmem:s26+$0x0]  }
0x2d9: {  	s19 =	sor.u32 s13, s23;
	v27 =	vld [tilespmem:s28+$0x0]  }
0x2da: {  	s20 =	sor.u32 $0x300, s18;
	v52 =	vld [tilespmem:s19+$0x0]  }
0x2db: {  	s5 =	sor.u32 $0xC200, s10;
	s18 =	sor.u32 $0x380, s18;
	v50 =	vld [tilespmem:s20+$0x8080]  }
0x2dc: {  	s8 =	sor.u32 s9, s5;
	s31 =	sor.u32 $0xA100, s10;
	v37 =	vld [tilespmem:s18+$0x8080]  }
0x2dd: {  	s20 =	sor.u32 s3, s31;
	[tilespmem:$0x1FF70] =	vst v1;
	v1 =	vld [tilespmem:s8+$0x0]  }
0x2de: {  	s18 =	sor.u32 s13, s31;
	v41 =	vld [tilespmem:s20+$0x0]  }
0x2df: {  	s8 =	sor.u32 s13, s15;
	v47 =	vld [tilespmem:s18+$0x0]  }
0x2e0: {  	v18 =	vld [tilespmem:s8+$0x100]  }
0x2e1: {  	s15 =	sor.u32 s3, s15;
	v8 =	vld [tilespmem:s8+$0x80]  }
0x2e2: {  	v7 =	vld [tilespmem:s15+$0x80]  }
0x2e3: {  	s29 =	sor.u32 $0xA200, s10;
	v4 =	vld [tilespmem:s15+$0x0]  }
0x2e4: {  	s7 =	sor.u32 $0xC100, s10;
	s20 =	sor.u32 s6, s29;
	v5 =	vld [tilespmem:s8+$0x0]  }
0x2e5: {  	s11 =	sor.u32 s9, s7;
	v36 =	vld [tilespmem:s20+$0x0]  }
0x2e6: {  	[tilespmem:$0x1FF60] =	vst v1;
	v1 =	vld [tilespmem:s11+$0x0]  }
0x2e7: {  	s18 =	sor.u32 s13, s29;
	v2 =	vld [tilespmem:s15+$0x100]  }
0x2e8: {  	s28 =	sor.u32 $0xA300, s10;
	v53 =	vld [tilespmem:s18+$0x0];
	v4 =	vadd.f32 v4, v16  }
0x2e9: {  	s2 =	sadd.s32 $0xA400, s10;
	s20 =	sor.u32 s9, s28;
	v3 =	vld [tilespmem:s15+$0x180];
	v5 =	vadd.f32 v5, v6  }
0x2ea: {  	s21 =	sor.u32 s9, s2;
	v32 =	vld [tilespmem:s20+$0x0];
	v6 =	vadd.f32 v7, v4;
	v7 =	vadd.f32 v11, v17  }
0x2eb: {  	[tilespmem:$0x1FF40] =	vst v1;
	v1 =	vld [tilespmem:s21+$0x0];
	s21 =	sor.u32 $0x300, s14  }
0x2ec: {  	v2 =	vadd.f32 v2, v6;
	v6 =	vadd.f32 v19, v7;
	v23 =	vld [tilespmem:s21+$0x8080];
	s21 =	sor.u32 s6, s31  }
0x2ed: {  	v34 =	vld [tilespmem:s21+$0x0]  }
0x2ee: {  	s11 =	sor.u32 $0xA380, s10;
	s21 =	sor.u32 s9, s29;
	v2 =	vadd.f32 v3, v2;
	v3 =	vadd.f32 v10, v6;
	v10 =	vld [tilespmem:$0x1FF00]  }
0x2ef: {  	v30 =	vld [tilespmem:s21+$0x0];
	s21 =	sor.u32 s3, s11  }
0x2f0: {  	[smem:$0x7DD] =	sst s22;
	s22 =	sor.u32 s9, s11;
	v55 =	vld [tilespmem:s21+$0x0]  }
0x2f1: {  	[tilespmem:$0x1FF30] =	vst v1;
	v1 =	vld [tilespmem:s22+$0x0];
	s22 =	sor.u32 $0x300, s17  }
0x2f2: {  	v3 =	vadd.f32 v12, v3;
	s17 =	sor.u32 $0x380, s17;
	v44 =	vld [tilespmem:s22+$0x8080]  }
0x2f3: {  	v51 =	vld [tilespmem:s17+$0x8080]  }
0x2f4: {  	s22 =	sor.u32 s9, s31;
	v3 =	vadd.f32 v24, v3;
	v24 =	vld [tilespmem:$0x1FF10]  }
0x2f5: {  	s31 =	sor.u32 s3, s29;
	v26 =	vld [tilespmem:s22+$0x0]  }
0x2f6: {  	s29 =	sor.u32 s3, s28;
	v48 =	vld [tilespmem:s31+$0x0]  }
0x2f7: {  	v54 =	vld [tilespmem:s29+$0x0];
	s31 =	sor.u32 s6, s28  }
0x2f8: {  	s22 =	sor.u32 $0xA280, s10;
	s29 =	sor.u32 s13, s7;
	v43 =	vld [tilespmem:s31+$0x0]  }
0x2f9: {  	s23 =	sor.u32 s3, s22;
	v22 =	vld [tilespmem:s29+$0x0]  }
0x2fa: {  	s24 =	sor.u32 s6, s22;
	v49 =	vld [tilespmem:s23+$0x0]  }
0x2fb: {  	s26 =	sor.u32 s9, s22;
	v39 =	vld [tilespmem:s24+$0x0]  }
0x2fc: {  	s19 =	sor.u32 s13, s22;
	v31 =	vld [tilespmem:s26+$0x0]  }
0x2fd: {  	s22 =	sor.u32 s13, s28;
	v57 =	vld [tilespmem:s19+$0x0]  }
0x2fe: {  	s21 =	sor.u32 $0xC080, s10;
	s28 =	sor.u32 s13, s2;
	v58 =	vld [tilespmem:s22+$0x0]  }
0x2ff: {  	s31 =	sor.u32 s13, s21;
	v33 =	vld [tilespmem:s28+$0x0]  }
0x300: {  	s23 =	sor.u32 s3, s5;
	v28 =	vld [tilespmem:s31+$0x0]  }
0x301: {  	s24 =	sor.u32 s13, s11;
	[tilespmem:$0x1FF20] =	vst v1;
	v1 =	vld [tilespmem:s23+$0x0]  }
0x302: {  	s20 =	sor.u32 $0xC180, s10;
	s26 =	sor.u32 s9, s21;
	v40 =	vld [tilespmem:s24+$0x0]  }
0x303: {  	s19 =	sor.u32 s9, s20;
	v21 =	vld [tilespmem:s26+$0x0]  }
0x304: {  	s18 =	sor.u32 $0xC300, s10;
	s22 =	sor.u32 s13, s20;
	v14 =	vld [tilespmem:s19+$0x0]  }
0x305: {  	v5 =	vadd.f32 v8, v5;
	s28 =	sor.u32 s13, s18;
	v20 =	vld [tilespmem:s22+$0x0]  }
0x306: {  	s31 =	sor.u32 s13, s0;
	v17 =	vld [tilespmem:s28+$0x0]  }
0x307: {  	v5 =	vadd.f32 v18, v5;
	s24 =	sor.u32 $0x200, s16;
	v18 =	vld [tilespmem:s31+$0x0]  }
0x308: {  	v9 =	vadd.f32 v15, v9;
	s23 =	sor.u32 s13, s5;
	v15 =	vld [tilespmem:s24+$0x8080]  }
0x309: {  	s17 =	sor.u32 $0xC280, s10;
	v16 =	vld [tilespmem:s23+$0x0]  }
0x30a: {  	s15 =	sor.u32 $0x280, s14;
	s14 =	sor.u32 $0xE380, s10;
	s26 =	sor.u32 s13, s17;
	[tilespmem:$0x1FF50] =	vst v1;
	v1 =	vld [tilespmem:s4+$0x80]  }
0x30b: {  	s16 =	sadd.s32 $0xC400, s10;
	s22 =	sor.u32 s6, s14;
	v4 =	vld [tilespmem:s26+$0x0]  }
0x30c: {  	s29 =	sor.u32 s9, s16;
	v7 =	vld [tilespmem:s22+$0x0]  }
0x30d: {  	s19 =	sor.u32 s13, s16;
	v11 =	vld [tilespmem:s29+$0x0];
	v2 =	vadd.f32 v15, v2  }
0x30e: {  	v19 =	vld [tilespmem:s19+$0x0];
	s4 =	sadd.s32 $0xE400, s10  }
0x30f: {  	s23 =	sor.u32 s3, s4;
	v2 =	vadd.f32 v62, v2;
	v1 =	vadd.f32 v1, v9;
	v9 =	vld [tilespmem:s8+$0x180]  }
0x310: {  	v8 =	vld [tilespmem:s23+$0x0];
	s8 =	sor.u32 $0xE300, s10  }
0x311: {  	v2 =	vadd.f32 v60, v2;
	s29 =	sor.u32 s3, s8;
	v1 =	vadd.f32 v13, v1;
	v13 =	vld [tilespmem:s15+$0x8080]  }
0x312: {  	s26 =	sor.u32 s3, s14;
	v6 =	vld [tilespmem:s29+$0x0]  }
0x313: {  	s24 =	sor.u32 s6, s8;
	s15 =	sor.u32 $0xE280, s10;
	v2 =	vadd.f32 v24, v2;
	v1 =	vadd.f32 v10, v1;
	v10 =	vld [tilespmem:s26+$0x0]  }
0x314: {  	v5 =	vadd.f32 v9, v5;
	v9 =	vld [tilespmem:s24+$0x0];
	s24 =	sor.u32 s3, s15  }
0x315: {  	v2 =	vadd.f32 v45, v2;
	v24 =	vld [tilespmem:s24+$0x0]  }
0x316: {  	v1 =	vadd.f32 v59, v1;
	v59 =	vld [tilespmem:$0x1FF30]  }
0x317: {  	s28 =	sor.u32 s6, s15;
	v2 =	vadd.f32 v41, v2;
	v41 =	vld [tilespmem:$0x1FF60];
	v5 =	vadd.f32 v63, v5  }
0x318: {  	s19 =	sor.u32 $0xE200, s10;
	v3 =	vadd.f32 v13, v3;
	v13 =	vld [tilespmem:s28+$0x0];
	v1 =	vadd.f32 v56, v1  }
0x319: {  	s31 =	sor.u32 s6, s19;
	v2 =	vadd.f32 v42, v2;
	v56 =	vld [tilespmem:$0x1FF20];
	v5 =	vadd.f32 v61, v5  }
0x31a: {  	s11 =	sor.u32 s6, s11;
	s22 =	sor.u32 $0xE180, s10;
	v3 =	vadd.f32 v23, v3;
	v23 =	vld [tilespmem:s31+$0x0];
	v1 =	vadd.f32 v50, v1  }
0x31b: {  	s26 =	sor.u32 s6, s22;
	v2 =	vadd.f32 v48, v2;
	v48 =	vld [tilespmem:s11+$0x0];
	v5 =	vadd.f32 v44, v5  }
0x31c: {  	s23 =	sor.u32 $0xE100, s10;
	s10 =	sor.u32 $0xE080, s10;
	s28 =	sor.u32 s3, s19;
	v3 =	vadd.f32 v29, v3;
	v29 =	vld [tilespmem:s26+$0x0];
	v1 =	vadd.f32 v37, v1  }
0x31d: {  	s26 =	sor.u32 s6, s10;
	v37 =	vld [tilespmem:s28+$0x0]  }
0x31e: {  	s31 =	sor.u32 s3, s22;
	v15 =	vld [tilespmem:s26+$0x0];
	v5 =	vadd.f32 v51, v5;
	v45 =	vadd.f32 v38, v1  }
0x31f: {  	s24 =	sor.u32 s3, s7;
	v3 =	vadd.f32 v25, v3;
	v25 =	vld [tilespmem:s31+$0x0]  }
0x320: {  	s29 =	sor.u32 s6, s23;
	v51 =	vld [tilespmem:s24+$0x0];
	v5 =	vadd.f32 v46, v5;
	v12 =	vadd.f32 v34, v45  }
0x321: {  	v2 =	vadd.f32 v49, v2;
	s31 =	sor.u32 s3, s21;
	v1 =	vld [tilespmem:s29+$0x0];
	v3 =	vadd.f32 v26, v3  }
0x322: {  	s26 =	sor.u32 s6, s21;
	s21 =	sor.u32 s3, s18;
	v49 =	vld [tilespmem:s31+$0x0];
	v5 =	vadd.f32 v47, v5;
	v12 =	vadd.f32 v35, v12  }
0x323: {  	s24 =	sor.u32 s6, s17;
	v61 =	vld [tilespmem:s21+$0x0];
	v3 =	vadd.f32 v27, v3  }
0x324: {  	s28 =	sor.u32 s3, s16;
	v62 =	vld [tilespmem:s24+$0x0];
	v5 =	vadd.f32 v52, v5;
	v12 =	vadd.f32 v36, v12  }
0x325: {  	s29 =	sor.u32 s3, s2;
	v2 =	vadd.f32 v54, v2;
	v26 =	vld [tilespmem:s28+$0x0];
	v3 =	vadd.f32 v30, v3  }
0x326: {  	s2 =	sor.u32 s6, s2;
	v47 =	vld [tilespmem:s29+$0x0];
	v5 =	vadd.f32 v53, v5;
	v12 =	vadd.f32 v39, v12  }
0x327: {  	s31 =	sor.u32 s3, s0;
	v50 =	vld [tilespmem:s2+$0x0];
	v2 =	vadd.f32 v55, v2;
	v3 =	vadd.f32 v31, v3  }
0x328: {  	v55 =	vld [tilespmem:s31+$0x0];
	v5 =	vadd.f32 v57, v5;
	v12 =	vadd.f32 v43, v12  }
0x329: {  	v52 =	vld [tilespmem:s26+$0x0];
	v3 =	vadd.f32 v32, v3  }
0x32a: {  	v34 =	vld [tilespmem:$0x1FF40];
	s29 =	sor.u32 s6, s7;
	v5 =	vadd.f32 v58, v5;
	v12 =	vadd.f32 v48, v12  }
0x32b: {  	s28 =	sor.u32 s3, s20;
	v54 =	vld [tilespmem:s29+$0x0];
	v2 =	vadd.f32 v47, v2;
	v3 =	vadd.f32 v56, v3  }
0x32c: {  	s7 =	sor.u32 s6, s20;
	v53 =	vld [tilespmem:s28+$0x0];
	v5 =	vadd.f32 v40, v5;
	v12 =	vadd.f32 v50, v12  }
0x32d: {  	v57 =	vld [tilespmem:s7+$0x0];
	v2 =	vadd.f32 v49, v2;
	v3 =	vadd.f32 v59, v3  }
0x32e: {  	s20 =	sor.u32 s6, s5;
	v36 =	vld [tilespmem:$0x1FF50];
	v5 =	vadd.f32 v33, v5;
	v12 =	vadd.f32 v52, v12  }
0x32f: {  	s11 =	sor.u32 s3, s17;
	v60 =	vld [tilespmem:s20+$0x0];
	v2 =	vadd.f32 v51, v2;
	v3 =	vadd.f32 v21, v3  }
0x330: {  	s2 =	sor.u32 s6, s16;
	v58 =	vld [tilespmem:s11+$0x0];
	v5 =	vadd.f32 v28, v5;
	v12 =	vadd.f32 v54, v12  }
0x331: {  	v42 =	vld [tilespmem:s2+$0x0];
	s26 =	sor.u32 s9, s17;
	v2 =	vadd.f32 v53, v2;
	v3 =	vadd.f32 v34, v3  }
0x332: {  	v63 =	vld [tilespmem:s26+$0x0];
	s28 =	sor.u32 s6, s18;
	v5 =	vadd.f32 v22, v5;
	v12 =	vadd.f32 v57, v12  }
0x333: {  	s29 =	sor.u32 s9, s18;
	v35 =	vld [tilespmem:s28+$0x0];
	v2 =	vadd.f32 v36, v2;
	v3 =	vadd.f32 v14, v3  }
0x334: {  	s0 =	sor.u32 s6, s0;
	v38 =	vld [tilespmem:s29+$0x0];
	v5 =	vadd.f32 v20, v5;
	v12 =	vadd.f32 v60, v12  }
0x335: {  	v39 =	vld [tilespmem:s0+$0x0];
	v2 =	vadd.f32 v58, v2;
	v3 =	vadd.f32 v41, v3  }
0x336: {  	s5 =	sor.u32 s9, s10;
	v48 =	vld [tilespmem:$0x1FF70];
	v5 =	vadd.f32 v16, v5;
	v12 =	vadd.f32 v62, v12  }
0x337: {  	s31 =	sor.u32 s3, s10;
	v44 =	vld [tilespmem:s5+$0x0];
	v2 =	vadd.f32 v61, v2;
	v3 =	vadd.f32 v63, v3  }
0x338: {  	s3 =	sor.u32 s3, s23;
	v40 =	vld [tilespmem:s31+$0x0];
	v4 =	vadd.f32 v4, v5;
	v12 =	vadd.f32 v35, v12  }
0x339: {  	s7 =	sor.u32 s13, s10;
	v43 =	vld [tilespmem:s3+$0x0];
	v2 =	vadd.f32 v55, v2;
	v3 =	vadd.f32 v38, v3  }
0x33a: {  	s10 =	sor.u32 s9, s23;
	v45 =	vld [tilespmem:s7+$0x0];
	v4 =	vadd.f32 v17, v4;
	v12 =	vadd.f32 v39, v12  }
0x33b: {  	s16 =	sor.u32 s9, s22;
	v46 =	vld [tilespmem:s10+$0x0];
	v2 =	vadd.f32 v26, v2;
	v3 =	vadd.f32 v48, v3  }
0x33c: {  	v49 =	vld [tilespmem:s16+$0x0];
	s11 =	sor.u32 s13, s23;
	v4 =	vadd.f32 v18, v4;
	v12 =	vadd.f32 v42, v12  }
0x33d: {  	s17 =	sor.u32 s13, s22;
	s22 =	sor.u32 s9, s8;
	v47 =	vld [tilespmem:s11+$0x0];
	v2 =	vadd.f32 v40, v2;
	v3 =	vadd.f32 v11, v3  }
0x33e: {  	v56 =	vld [tilespmem:s22+$0x0];
	v4 =	vadd.f32 v19, v4;
	v51 =	vadd.f32 v15, v12  }
0x33f: {  	s18 =	sor.u32 s9, s19;
	v50 =	vld [tilespmem:s17+$0x0];
	v2 =	vadd.f32 v43, v2;
	v3 =	vadd.f32 v44, v3  }
0x340: {  	s19 =	sor.u32 s13, s19;
	v52 =	vld [tilespmem:s18+$0x0];
	v4 =	vadd.f32 v45, v4;
	v1 =	vadd.f32 v1, v51  }
0x341: {  	s20 =	sor.u32 s9, s15;
	v53 =	vld [tilespmem:s19+$0x0];
	v2 =	vadd.f32 v25, v2;
	v3 =	vadd.f32 v46, v3  }
0x342: {  	s21 =	sor.u32 s13, s15;
	v54 =	vld [tilespmem:s20+$0x0];
	v4 =	vadd.f32 v47, v4;
	v1 =	vadd.f32 v29, v1  }
0x343: {  	s26 =	sor.u32 s13, s14;
	v55 =	vld [tilespmem:s21+$0x0];
	v2 =	vadd.f32 v37, v2;
	v3 =	vadd.f32 v49, v3  }
0x344: {  	s23 =	sor.u32 s13, s8;
	v59 =	vld [tilespmem:s26+$0x0];
	v4 =	vadd.f32 v50, v4;
	v1 =	vadd.f32 v23, v1  }
0x345: {  	s24 =	sor.u32 s9, s14;
	v57 =	vld [tilespmem:s23+$0x0];
	v2 =	vadd.f32 v24, v2;
	v3 =	vadd.f32 v52, v3  }
0x346: {  	s28 =	sor.u32 s6, s4;
	v58 =	vld [tilespmem:s24+$0x0];
	v4 =	vadd.f32 v53, v4;
	v1 =	vadd.f32 v13, v1  }
0x347: {  	s29 =	sor.u32 s9, s4;
	v60 =	vld [tilespmem:s28+$0x0];
	v2 =	vadd.f32 v6, v2;
	v3 =	vadd.f32 v54, v3  }
0x348: {  	s31 =	sor.u32 s13, s4;
	v61 =	vld [tilespmem:s29+$0x0];
	v4 =	vadd.f32 v55, v4;
	v1 =	vadd.f32 v9, v1  }
0x349: {  	v62 =	vld [tilespmem:s31+$0x0];
	v2 =	vadd.f32 v10, v2;
	v3 =	vadd.f32 v56, v3  }
0x34a: {  	v4 =	vadd.f32 v57, v4;
	v1 =	vadd.f32 v7, v1  }
0x34b: {  	v2 =	vadd.f32 v8, v2;
	v3 =	vadd.f32 v58, v3  }
0x34c: {  	v4 =	vadd.f32 v59, v4;
	v63 =	vadd.f32 v60, v1  }
0x34d: {  	[tilespmem:s12+$0x0] =	vst v2  }
0x34e: {  	p1 =	por !p1, !p1;
	s15 =	simm.s32 $0x40;
	s0 =	simm.s32 $0x230;
	v2 =	vadd.f32 v61, v3;
	v1 =	vadd.f32 v62, v4;
	[tilespmem:s1+$0x0] =	vst v63  }
.LBB2_49:
0x34f: {  	s2 =	sadd.s32 $0xFFFFFFD0, s0;
	s3 =	smov.u32 s0  }
0x350: {  	s1 =	rddreg [dreg:$0x5];
	[tilespmem:s25+$0x0] =	vst v2;
	s17 =	sand.u32 $0x1C00, s2;
	s3 =	sor.u32 s2, s15  }
0x351: {  	s12 =	sand.u32 $0x40, s15;
	[tilespmem:s30+$0x0] =	vst v1;
	s3 =	sor.u32 $0x380, s3;
	s5 =	sadd.s32 s17, s1  }
0x352: {  	s10 =	sor.u32 $0x10, s12;
	v6 =	vld [tilespmem:s3+$0x8080];
	s6 =	sadd.s32 s12, s5  }
0x353: {  	s9 =	sor.u32 $0x8080, s17;
	s8 =	sadd.s32 s10, s5;
	v11 =	vld [tilespmem:s6+$0x0]  }
0x354: {  	s21 =	sor.u32 s10, s9;
	v9 =	vld [tilespmem:s8+$0x0]  }
0x355: {  	p2 =	seq.s32 s0, $0x1E30;
	s28 =	sor.u32 $0x30, s12;
	s4 =	sor.u32 $0xA380, s17;
	v7 =	vld [tilespmem:s21+$0x180]  }
0x356: {  	s18 =	sor.u32 $0xC180, s17;
	s23 =	sor.u32 $0xC100, s17;
	s1 =	sor.u32 $0xC380, s17;
	v8 =	vld [tilespmem:s21+$0x100]  }
0x357: {  	s26 =	sor.u32 $0xC200, s17;
	s20 =	sor.u32 $0xC280, s17;
	s11 =	sor.u32 s12, s9;
	v10 =	vld [tilespmem:s21+$0x0]  }
0x358: {  	s24 =	sadd.s32 $0xA400, s17;
	s30 =	sor.u32 $0xE080, s17;
	s7 =	sor.u32 s10, s4;
	v19 =	vld [tilespmem:s11+$0x80]  }
0x359: {  	s3 =	sor.u32 $0x20, s12;
	s29 =	sor.u32 s28, s4;
	[dreg:$0x11] =	wrdreg s7;
	v36 =	vld [tilespmem:s11+$0x0]  }
0x35a: {  	s31 =	sor.u32 s28, s24;
	s22 =	sor.u32 s28, s20;
	[dreg:$0x9] =	wrdreg s6;
	v54 =	vld [tilespmem:s29+$0x0]  }
0x35b: {  	[dreg:$0x7] =	wrdreg s8;
	s16 =	sadd.s32 s3, s5;
	s19 =	sor.u32 s3, s4;
	v53 =	vld [tilespmem:s31+$0x0]  }
0x35c: {  	s7 =	sor.u32 s3, s1;
	s25 =	sor.u32 s3, s9;
	s13 =	sor.u32 s3, s24;
	v32 =	vld [tilespmem:s21+$0x80]  }
0x35d: {  	s8 =	sor.u32 s3, s26;
	s14 =	sor.u32 s3, s23;
	s5 =	sadd.s32 s28, s5;
	v38 =	vld [tilespmem:s11+$0x100]  }
0x35e: {  	s9 =	sor.u32 s28, s9;
	[smem:$0x7D0] =	sst s22;
	s22 =	sor.u32 s28, s1;
	v61 =	vld [tilespmem:s11+$0x180]  }
0x35f: {  	s4 =	sor.u32 s12, s4;
	v3 =	vld [tilespmem:s14+$0x0];
	s14 =	sor.u32 s28, s26;
	[smem:$0x7D1] =	sst s22  }
0x360: {  	s6 =	sor.u32 s3, s18;
	v1 =	vld [tilespmem:s7+$0x0];
	s22 =	sor.u32 s12, s24;
	[smem:$0x7CF] =	sst s14  }
0x361: {  	s7 =	sor.u32 s28, s23;
	v5 =	vld [tilespmem:s19+$0x0];
	s19 =	sor.u32 s10, s30;
	[smem:$0x7D4] =	sst s22  }
0x362: {  	v2 =	vld [tilespmem:s8+$0x0];
	s8 =	sor.u32 s12, s26;
	s24 =	sor.u32 s10, s24;
	[smem:$0x7D3] =	sst s19  }
0x363: {  	v4 =	vld [tilespmem:s13+$0x0];
	s13 =	sor.u32 s28, s18;
	s26 =	sor.u32 s10, s26;
	[smem:$0x7D5] =	sst s24  }
0x364: {  	v12 =	vld [tilespmem:s25+$0x180];
	s22 =	sor.u32 $0xE380, s17;
	s24 =	sor.u32 s12, s23;
	[dreg:$0x1d] =	wrdreg s26  }
0x365: {  	v13 =	vld [tilespmem:s25+$0x100];
	s14 =	simm.s32 $0x1;
	s23 =	sor.u32 s10, s23;
	[smem:$0x7D6] =	sst s24  }
0x366: {  	v14 =	vld [tilespmem:s16+$0x0];
	s26 =	sor.u32 s10, s18;
	s19 =	sor.u32 s12, s22;
	[smem:$0x7D8] =	sst s23  }
0x367: {  	v15 =	vld [tilespmem:s9+$0x100];
	s24 =	sor.u32 s12, s18;
	s14 =	simm.s32 @!p1 $0x0;
	[smem:$0x7D2] =	sst s19  }
0x368: {  	v16 =	vld [tilespmem:s25+$0x80];
	s23 =	sor.u32 s12, s1;
	s18 =	sor.u32 s10, s20;
	[smem:$0x7D7] =	sst s24  }
0x369: {  	v34 =	vld [tilespmem:s25+$0x0];
	s19 =	sor.u32 s10, s22;
	s24 =	smov.u32 s16;
	[smem:$0x7D9] =	sst s23  }
0x36a: {  	v17 =	vld [tilespmem:s9+$0x80];
	s14 =	sshll.u32 s14, $0x6;
	s23 =	sor.u32 s12, s20;
	[smem:$0x7DA] =	sst s18  }
0x36b: {  	v18 =	vld [tilespmem:s5+$0x0];
	s18 =	sor.u32 s3, s30;
	s20 =	sor.u32 s3, s20;
	[dreg:$0x1b] =	wrdreg s23  }
0x36c: {  	v20 =	vld [tilespmem:s9+$0x0];
	s23 =	sor.u32 s12, s30;
	s2 =	sadd.s32 s2, s14;
	[dreg:$0x15] =	wrdreg s18  }
0x36d: {  	v59 =	vld [tilespmem:s4+$0x0];
	s14 =	sadd.s32 s0, s14;
	[smem:$0x7DB] =	sst s20;
	s18 =	sor.u32 s28, s30  }
0x36e: {  	v63 =	vld [tilespmem:s9+$0x180];
	s30 =	smov.u32 s5;
	s20 =	sor.u32 s3, s22;
	s22 =	sor.u32 s28, s22  }
0x36f: {  	v40 =	vld [tilespmem:s13+$0x0];
	[dreg:$0x13] =	wrdreg s23;
	s16 =	sadd.s32 $0xFFFFFFD0, s14;
	s23 =	sadd.s32 $0xFFFFFFE0, s14  }
0x370: {  	v11 =	vadd.f32 v36, v11;
	v36 =	vld [tilespmem:s7+$0x0];
	[dreg:$0x17] =	wrdreg s18;
	s14 =	sadd.s32 $0xFFFFFFF0, s14;
	s18 =	sor.u32 $0x200, s23  }
0x371: {  	v10 =	vadd.f32 v10, v9;
	s5 =	sadd.s32 $0x200, s0;
	[dreg:$0xf] =	wrdreg s20;
	s20 =	sor.u32 $0x200, s14;
	v9 =	vld [tilespmem:s18+$0x8080]  }
0x372: {  	[dreg:$0xd] =	wrdreg s22;
	s0 =	sadd.s32 $0x30, s2;
	s22 =	sor.u32 $0x280, s16;
	v21 =	vld [tilespmem:s20+$0x8080]  }
0x373: {  	s7 =	sld [smem:$0x7CF];
	s2 =	sor.u32 $0x200, s0;
	v37 =	vld [tilespmem:s22+$0x8080]  }
0x374: {  	[dreg:$0xb] =	wrdreg s5;
	s5 =	sor.u32 $0x300, s16;
	v23 =	vld [tilespmem:s2+$0x8080]  }
0x375: {  	s25 =	sor.u32 $0x200, s16;
	s16 =	sor.u32 $0x280, s0;
	v45 =	vld [tilespmem:s5+$0x8080]  }
0x376: {  	v29 =	vld [tilespmem:s16+$0x8080]  }
0x377: {  	v28 =	vld [tilespmem:s7+$0x0]  }
0x378: {  	s2 =	sor.u32 $0x280, s23;
	v62 =	vld [tilespmem:s25+$0x8080]  }
0x379: {  	v14 =	vadd.f32 v34, v14;
	v35 =	vadd.f32 v20, v18;
	s20 =	sor.u32 $0x300, s23;
	v18 =	vld [tilespmem:s2+$0x8080]  }
0x37a: {  	s1 =	sor.u32 s10, s1;
	s5 =	sor.u32 $0x380, s23;
	v24 =	vld [tilespmem:s20+$0x8080]  }
0x37b: {  	[dreg:$0x19] =	wrdreg s1;
	s1 =	sor.u32 $0xA100, s17;
	v14 =	vadd.f32 v16, v14;
	v16 =	vadd.f32 v17, v35;
	s16 =	sor.u32 $0x380, s14;
	v17 =	vld [tilespmem:s5+$0x8080]  }
0x37c: {  	v25 =	vadd.f32 v19, v11;
	s18 =	sor.u32 $0x280, s14;
	s22 =	sor.u32 $0x300, s14;
	s14 =	sor.u32 s12, s1;
	v11 =	vld [tilespmem:s16+$0x8080]  }
0x37d: {  	s2 =	sor.u32 $0x300, s0;
	v47 =	vld [tilespmem:s14+$0x0]  }
0x37e: {  	s0 =	sor.u32 $0x380, s0;
	v27 =	vld [tilespmem:s2+$0x8080]  }
0x37f: {  	s16 =	sor.u32 s10, s1;
	v33 =	vld [tilespmem:s0+$0x8080]  }
0x380: {  	v20 =	vld [tilespmem:s16+$0x0]  }
0x381: {  	s20 =	sor.u32 $0xA080, s17;
	v13 =	vadd.f32 v13, v14;
	v14 =	vld [tilespmem:s8+$0x0]  }
0x382: {  	v60 =	vadd.f32 v15, v16;
	s23 =	sor.u32 s10, s20;
	v16 =	vld [tilespmem:s6+$0x0]  }
0x383: {  	v38 =	vadd.f32 v38, v25;
	s2 =	sor.u32 s28, s20;
	v19 =	vld [tilespmem:s23+$0x0]  }
0x384: {  	v34 =	vld [tilespmem:s2+$0x0]  }
0x385: {  	v10 =	vadd.f32 v32, v10;
	v38 =	vadd.f32 v61, v38;
	v61 =	vld [tilespmem:s18+$0x8080]  }
0x386: {  	v12 =	vadd.f32 v12, v13;
	v13 =	vld [tilespmem:s22+$0x8080];
	s22 =	sor.u32 s12, s20  }
0x387: {  	v8 =	vadd.f32 v8, v10;
	s5 =	sor.u32 s3, s20;
	s8 =	sld [smem:$0x7D0];
	s20 =	sor.u32 s3, s1;
	v46 =	vld [tilespmem:s22+$0x0]  }
0x388: {  	s1 =	sor.u32 s28, s1;
	v15 =	vld [tilespmem:s20+$0x0]  }
0x389: {  	v7 =	vadd.f32 v7, v8;
	v35 =	vld [tilespmem:s1+$0x0]  }
0x38a: {  	v25 =	vld [tilespmem:s8+$0x0]  }
0x38b: {  	s22 =	sor.u32 $0xA180, s17;
	v9 =	vadd.f32 v9, v7;
	v7 =	vld [tilespmem:s19+$0x0]  }
0x38c: {  	v22 =	vadd.f32 v21, v12;
	v12 =	vld [tilespmem:s5+$0x0];
	s23 =	sor.u32 s12, s22  }
0x38d: {  	s5 =	sor.u32 s10, s22;
	v48 =	vld [tilespmem:s23+$0x0]  }
0x38e: {  	s1 =	sor.u32 $0xA200, s17;
	s14 =	sor.u32 s3, s22;
	v26 =	vld [tilespmem:s5+$0x0]  }
0x38f: {  	s16 =	sor.u32 s12, s1;
	v21 =	vld [tilespmem:s14+$0x0]  }
0x390: {  	s2 =	sor.u32 s28, s22;
	v49 =	vld [tilespmem:s16+$0x0]  }
0x391: {  	s20 =	sor.u32 s10, s1;
	v42 =	vld [tilespmem:s2+$0x0]  }
0x392: {  	s22 =	sor.u32 s3, s1;
	v39 =	vld [tilespmem:s20+$0x0]  }
0x393: {  	s21 =	sadd.s32 $0xC400, s17;
	v8 =	vadd.f32 v62, v38;
	s1 =	sor.u32 s28, s1;
	v30 =	vld [tilespmem:s22+$0x0]  }
0x394: {  	s25 =	sor.u32 s28, s21;
	s2 =	sor.u32 $0xA280, s17;
	v50 =	vld [tilespmem:s1+$0x0]  }
0x395: {  	v8 =	vadd.f32 v37, v8;
	v37 =	vld [tilespmem:s25+$0x0];
	s23 =	sor.u32 s12, s2  }
0x396: {  	s5 =	sor.u32 s10, s2;
	v55 =	vld [tilespmem:s23+$0x0]  }
0x397: {  	s16 =	sor.u32 $0xA300, s17;
	s14 =	sor.u32 s3, s2;
	v43 =	vld [tilespmem:s5+$0x0]  }
0x398: {  	s20 =	sor.u32 s12, s16;
	v41 =	vld [tilespmem:s14+$0x0]  }
0x399: {  	s2 =	sor.u32 s28, s2;
	v58 =	vld [tilespmem:s20+$0x0]  }
0x39a: {  	s22 =	sor.u32 s10, s16;
	v56 =	vld [tilespmem:s2+$0x0]  }
0x39b: {  	s1 =	sor.u32 s28, s16;
	v52 =	vld [tilespmem:s22+$0x0]  }
0x39c: {  	s11 =	sor.u32 $0xC300, s17;
	s23 =	sor.u32 s3, s16;
	v57 =	vld [tilespmem:s1+$0x0]  }
0x39d: {  	s20 =	sor.u32 s28, s11;
	v44 =	vld [tilespmem:s23+$0x0]  }
0x39e: {  	s2 =	sor.u32 $0xC080, s17;
	s22 =	sor.u32 s3, s21;
	v32 =	vld [tilespmem:s20+$0x0]  }
0x39f: {  	s29 =	sadd.s32 $0xE400, s17;
	v60 =	vadd.f32 v63, v60;
	s5 =	sor.u32 s3, s2;
	v10 =	vld [tilespmem:s22+$0x0]  }
0x3a0: {  	s31 =	sor.u32 $0xE300, s17;
	s25 =	sld [smem:$0x7D2];
	s0 =	sor.u32 s28, s2;
	v31 =	vld [tilespmem:s5+$0x0]  }
0x3a1: {  	s13 =	sor.u32 s10, s11;
	s6 =	sor.u32 s3, s29;
	v23 =	vadd.f32 v23, v60;
	v45 =	vadd.f32 v45, v8;
	s22 =	sor.u32 s10, s31;
	v51 =	vld [tilespmem:s0+$0x0]  }
0x3a2: {  	s18 =	sor.u32 s10, s29;
	v18 =	vadd.f32 v18, v9;
	v61 =	vadd.f32 v61, v22;
	s16 =	sor.u32 s12, s11;
	s20 =	sor.u32 s3, s11;
	v9 =	vld [tilespmem:s22+$0x0]  }
0x3a3: {  	s11 =	sor.u32 s10, s21;
	s0 =	sor.u32 s12, s21;
	s21 =	sor.u32 s12, s29;
	v60 =	vadd.f32 v6, v45;
	v6 =	vld [tilespmem:s25+$0x0]  }
0x3a4: {  	v23 =	vadd.f32 v29, v23;
	s1 =	sor.u32 s28, s29;
	s23 =	sld [smem:$0x7D1];
	v63 =	vadd.f32 v13, v61;
	s29 =	sor.u32 s12, s31;
	v8 =	vld [tilespmem:s21+$0x0]  }
0x3a5: {  	v24 =	vadd.f32 v24, v18;
	v22 =	vld [tilespmem:s29+$0x0]  }
0x3a6: {  	s9 =	sor.u32 s28, s31;
	s8 =	sor.u32 s3, s31;
	v23 =	vadd.f32 v27, v23;
	s22 =	sor.u32 $0xE200, s17;
	v29 =	vadd.f32 v11, v63;
	v63 =	vld [tilespmem:s16+$0x0]  }
0x3a7: {  	s19 =	sor.u32 $0xE280, s17;
	s4 =	sor.u32 s12, s2;
	v24 =	vadd.f32 v17, v24;
	s31 =	sor.u32 s10, s22;
	v38 =	vld [tilespmem:s23+$0x0]  }
0x3a8: {  	s21 =	sor.u32 s3, s22;
	s7 =	sor.u32 s28, s22;
	v23 =	vadd.f32 v33, v23;
	s22 =	sor.u32 s12, s22;
	v13 =	vld [tilespmem:s31+$0x0]  }
0x3a9: {  	s14 =	sor.u32 s10, s2;
	s2 =	sor.u32 s28, s19;
	s23 =	sor.u32 s10, s19;
	v62 =	vadd.f32 v46, v60;
	v24 =	vadd.f32 v19, v24;
	v19 =	vld [tilespmem:s22+$0x0]  }
0x3aa: {  	s5 =	sor.u32 s3, s19;
	s16 =	sld [smem:$0x7DA];
	s19 =	sor.u32 s12, s19;
	v18 =	vld [tilespmem:s23+$0x0]  }
0x3ab: {  	s23 =	sor.u32 $0xE180, s17;
	v17 =	vld [tilespmem:s19+$0x0];
	v23 =	vadd.f32 v34, v23;
	s19 =	rddreg [dreg:$0x11];
	v27 =	vadd.f32 v47, v62  }
0x3ac: {  	s17 =	sor.u32 $0xE100, s17;
	v12 =	vadd.f32 v12, v29;
	s25 =	sor.u32 s10, s23;
	s31 =	sor.u32 s3, s23;
	v20 =	vadd.f32 v20, v24;
	v47 =	vld [tilespmem:s19+$0x0]  }
0x3ad: {  	v11 =	vld [tilespmem:s25+$0x0];
	s25 =	smov.u32 s24;
	s24 =	sor.u32 s10, s17;
	s10 =	sor.u32 s3, s17;
	v23 =	vadd.f32 v35, v23;
	v27 =	vadd.f32 v48, v27  }
0x3ae: {  	v33 =	vld [tilespmem:s16+$0x0];
	s3 =	sor.u32 s28, s17;
	s17 =	sor.u32 s12, s17;
	s12 =	sor.u32 s12, s23;
	v12 =	vadd.f32 v15, v12;
	v35 =	vadd.f32 v26, v20  }
0x3af: {  	v29 =	vld [tilespmem:s12+$0x0];
	s12 =	sld [smem:$0x7D4];
	v23 =	vadd.f32 v42, v23;
	v27 =	vadd.f32 v49, v27  }
0x3b0: {  	s22 =	sld [smem:$0x7D5];
	v24 =	vld [tilespmem:s24+$0x0];
	v12 =	vadd.f32 v21, v12;
	v15 =	vadd.f32 v39, v35  }
0x3b1: {  	s29 =	sor.u32 s28, s23;
	s28 =	sld [smem:$0x7D3];
	v48 =	vld [tilespmem:s4+$0x0];
	v23 =	vadd.f32 v50, v23;
	v45 =	vadd.f32 v55, v27  }
0x3b2: {  	v46 =	vld [tilespmem:s12+$0x0];
	v12 =	vadd.f32 v30, v12;
	v15 =	vadd.f32 v43, v15  }
0x3b3: {  	s23 =	sld [smem:$0x7D6];
	v49 =	vld [tilespmem:s22+$0x0];
	v23 =	vadd.f32 v56, v23;
	v26 =	vadd.f32 v58, v45  }
0x3b4: {  	v20 =	vld [tilespmem:s28+$0x0];
	s28 =	sld [smem:$0x7D8];
	v12 =	vadd.f32 v41, v12;
	v15 =	vadd.f32 v52, v15  }
0x3b5: {  	s24 =	sld [smem:$0x7D7];
	v52 =	vld [tilespmem:s14+$0x0];
	v23 =	vadd.f32 v57, v23;
	v26 =	vadd.f32 v59, v26  }
0x3b6: {  	v50 =	vld [tilespmem:s23+$0x0];
	v12 =	vadd.f32 v44, v12;
	v15 =	vadd.f32 v47, v15  }
0x3b7: {  	v56 =	vld [tilespmem:s28+$0x0];
	v23 =	vadd.f32 v54, v23;
	v21 =	vadd.f32 v46, v26  }
0x3b8: {  	s19 =	sld [smem:$0x7DB];
	v55 =	vld [tilespmem:s24+$0x0];
	v5 =	vadd.f32 v5, v12;
	v57 =	vadd.f32 v49, v15  }
0x3b9: {  	s4 =	sld [smem:$0x7D9];
	v59 =	vld [tilespmem:s26+$0x0];
	v23 =	vadd.f32 v53, v23;
	v21 =	vadd.f32 v48, v21  }
0x3ba: {  	v39 =	vld [tilespmem:s13+$0x0];
	s14 =	rddreg [dreg:$0x1d];
	v4 =	vadd.f32 v4, v5;
	v60 =	vadd.f32 v52, v57  }
0x3bb: {  	s12 =	rddreg [dreg:$0x1b];
	v62 =	vld [tilespmem:s14+$0x0];
	v23 =	vadd.f32 v51, v23;
	v21 =	vadd.f32 v50, v21  }
0x3bc: {  	s22 =	rddreg [dreg:$0x13];
	v61 =	vld [tilespmem:s12+$0x0];
	v4 =	vadd.f32 v31, v4;
	v5 =	vadd.f32 v56, v60  }
0x3bd: {  	v42 =	vld [tilespmem:s22+$0x0];
	v23 =	vadd.f32 v36, v23;
	v21 =	vadd.f32 v55, v21  }
0x3be: {  	v58 =	vld [tilespmem:s4+$0x0];
	v3 =	vadd.f32 v3, v4;
	v35 =	vadd.f32 v59, v5  }
0x3bf: {  	v36 =	vld [tilespmem:s19+$0x0];
	v23 =	vadd.f32 v40, v23;
	v14 =	vadd.f32 v14, v21  }
0x3c0: {  	v3 =	vadd.f32 v16, v3;
	v40 =	vld [tilespmem:s20+$0x0];
	s20 =	rddreg [dreg:$0x19];
	v4 =	vadd.f32 v62, v35  }
0x3c1: {  	v41 =	vld [tilespmem:s20+$0x0];
	v23 =	vadd.f32 v28, v23;
	v12 =	vadd.f32 v61, v14  }
0x3c2: {  	v27 =	vld [tilespmem:s0+$0x0];
	v2 =	vadd.f32 v2, v3;
	v3 =	vadd.f32 v33, v4  }
0x3c3: {  	v44 =	vld [tilespmem:s11+$0x0];
	v43 =	vadd.f32 v25, v23;
	v12 =	vadd.f32 v63, v12  }
0x3c4: {  	s23 =	rddreg [dreg:$0x15];
	v45 =	vld [tilespmem:s17+$0x0];
	v2 =	vadd.f32 v36, v2;
	v3 =	vadd.f32 v39, v3  }
0x3c5: {  	s24 =	rddreg [dreg:$0x17];
	v47 =	vld [tilespmem:s23+$0x0];
	v46 =	vadd.f32 v32, v43;
	v12 =	vadd.f32 v58, v12  }
0x3c6: {  	v48 =	vld [tilespmem:s24+$0x0];
	v2 =	vadd.f32 v40, v2;
	v3 =	vadd.f32 v41, v3  }
0x3c7: {  	v54 =	vld [tilespmem:s5+$0x0];
	v14 =	vadd.f32 v38, v46;
	v12 =	vadd.f32 v27, v12  }
0x3c8: {  	v1 =	vadd.f32 v1, v2;
	v2 =	vadd.f32 v44, v3;
	v3 =	vld [tilespmem:s3+$0x0]  }
0x3c9: {  	v49 =	vld [tilespmem:s10+$0x0];
	v14 =	vadd.f32 v37, v14;
	v4 =	vadd.f32 v42, v12  }
0x3ca: {  	v51 =	vld [tilespmem:s29+$0x0];
	v1 =	vadd.f32 v10, v1;
	v2 =	vadd.f32 v20, v2  }
0x3cb: {  	v50 =	vld [tilespmem:s31+$0x0];
	v14 =	vadd.f32 v48, v14;
	v4 =	vadd.f32 v45, v4  }
0x3cc: {  	v53 =	vld [tilespmem:s7+$0x0];
	v1 =	vadd.f32 v47, v1;
	v2 =	vadd.f32 v24, v2  }
0x3cd: {  	v52 =	vld [tilespmem:s21+$0x0];
	v3 =	vadd.f32 v3, v14;
	v4 =	vadd.f32 v29, v4  }
0x3ce: {  	v55 =	vld [tilespmem:s2+$0x0];
	v1 =	vadd.f32 v49, v1;
	v2 =	vadd.f32 v11, v2  }
0x3cf: {  	v57 =	vld [tilespmem:s9+$0x0];
	v3 =	vadd.f32 v51, v3;
	v4 =	vadd.f32 v19, v4  }
0x3d0: {  	v56 =	vld [tilespmem:s8+$0x0];
	v1 =	vadd.f32 v50, v1;
	v2 =	vadd.f32 v13, v2  }
0x3d1: {  	s28 =	rddreg [dreg:$0xd];
	v60 =	vld [tilespmem:s18+$0x0];
	v3 =	vadd.f32 v53, v3;
	v4 =	vadd.f32 v17, v4  }
0x3d2: {  	s26 =	rddreg [dreg:$0xf];
	v59 =	vld [tilespmem:s28+$0x0];
	v1 =	vadd.f32 v52, v1;
	v2 =	vadd.f32 v18, v2  }
0x3d3: {  	v58 =	vld [tilespmem:s26+$0x0];
	v3 =	vadd.f32 v55, v3;
	v4 =	vadd.f32 v22, v4  }
0x3d4: {  	v62 =	vld [tilespmem:s1+$0x0];
	v1 =	vadd.f32 v54, v1;
	v2 =	vadd.f32 v9, v2  }
0x3d5: {  	v61 =	vld [tilespmem:s6+$0x0];
	v3 =	vadd.f32 v57, v3;
	v4 =	vadd.f32 v6, v4  }
.Ltmp21:
0x3d6: {  	v1 =	vadd.f32 v56, v1;
	v2 =	vadd.f32 v7, v2;
	(pc) =	sbr.rel @!p2 .LBB2_49-.Ltmp21, $4  }
0x3d7: {  	v3 =	vadd.f32 v59, v3;
	v4 =	vadd.f32 v8, v4  }
0x3d8: {  	s29 =	rddreg [dreg:$0x9];
	v1 =	vadd.f32 v58, v1;
	v63 =	vadd.f32 v60, v2  }
0x3d9: {  	s31 =	rddreg [dreg:$0x7];
	[tilespmem:s29+$0x0] =	vst v4  }
0x3da: {  	s15 =	sadd.s32 $0x40, s15;
	p1 =	por !p1, !p1;
	s0 =	rddreg [dreg:$0xb];
	v2 =	vadd.f32 v61, v1;
	v1 =	vadd.f32 v62, v3;
	[tilespmem:s31+$0x0] =	vst v63  }
0x3db: {  	s16 =	sld [smem:$0x7ED]  }
0x3dc: {  	s17 =	sld [smem:$0x7EE]  }
0x3dd: {  	s18 =	sld [smem:$0x7EF]  }
0x3de: {  	s19 =	sld [smem:$0x7F0]  }
0x3df: {  	s20 =	sld [smem:$0x7F1]  }
0x3e0: {  	s22 =	sld [smem:$0x7DD]  }
0x3e1: {  	s23 =	sld [smem:$0x7DC];
	[tilespmem:s25+$0x0] =	vst v2  }
0x3e2: {  	s24 =	sld [smem:$0x7DE];
	[tilespmem:s30+$0x0] =	vst v1  }
.LBB2_60:
.Ltmp22:
0x3e3: {  	(pc) =	sbr.rel @p0 .LBB2_62-.Ltmp22, $1  }
0x3e4: {  	_ =	sdelay $0x3  }
0x3e5: {  	_ = 	snop  }
0x3e6: {  	p0 =	slt.s32 s24, $0xF;
	s0 =	smov.u32 s24  }
0x3e7: {  	s0 =	simm.s32 @!p0 $0xF  }
0x3e8: {  	s1 =	sld [smem:s0+$0x1];
	_ =	sdelay $0x2  }
0x3e9: {  	s0 =	sadd.s32 $0x1, s0;
	p0 =	sgt.s32 s1, s23  }
0x3ea: {  	s0 =	smov.u32 @p0 s24  }
0x3eb: {  	p0 =	slt.s32 s0, $0xF;
	s1 =	smov.u32 s0  }
0x3ec: {  	s1 =	simm.s32 @!p0 $0xF  }
0x3ed: {  	s2 =	sld [smem:s1+$0x1];
	_ =	sdelay $0x2  }
0x3ee: {  	s1 =	sadd.s32 $0x1, s1;
	p0 =	sgt.s32 s2, s23  }
0x3ef: {  	s1 =	smov.u32 @p0 s0  }
0x3f0: {  	p0 =	slt.s32 s1, $0xF;
	s0 =	smov.u32 s1  }
0x3f1: {  	s0 =	simm.s32 @!p0 $0xF  }
0x3f2: {  	s8 =	sld [smem:s0+$0x1];
	_ =	sdelay $0x2  }
0x3f3: {  	s0 =	sadd.s32 $0x1, s0;
	p0 =	sgt.s32 s8, s23  }
0x3f4: {  	s0 =	smov.u32 @p0 s1  }
0x3f5: {  	p0 =	slt.s32 s0, $0xF;
	s1 =	smov.u32 s0  }
0x3f6: {  	s1 =	simm.s32 @!p0 $0xF  }
0x3f7: {  	s9 =	sld [smem:s1+$0x1];
	_ =	sdelay $0x2  }
0x3f8: {  	s1 =	sadd.s32 $0x1, s1;
	p0 =	sgt.s32 s9, s23  }
0x3f9: {  	s1 =	smov.u32 @p0 s0  }
0x3fa: {  	p0 =	slt.s32 s1, $0xF;
	s0 =	smov.u32 s1  }
0x3fb: {  	s0 =	simm.s32 @!p0 $0xF  }
0x3fc: {  	s10 =	sld [smem:s0+$0x1];
	_ =	sdelay $0x2  }
0x3fd: {  	s0 =	sadd.s32 $0x1, s0;
	p0 =	sgt.s32 s10, s23  }
0x3fe: {  	s0 =	smov.u32 @p0 s1  }
0x3ff: {  	p0 =	slt.s32 s0, $0xF;
	s1 =	smov.u32 s0  }
0x400: {  	s1 =	simm.s32 @!p0 $0xF  }
0x401: {  	s11 =	sld [smem:s1+$0x1];
	_ =	sdelay $0x2  }
0x402: {  	s1 =	sadd.s32 $0x1, s1;
	p0 =	sgt.s32 s11, s23  }
0x403: {  	s1 =	smov.u32 @p0 s0  }
0x404: {  	p0 =	slt.s32 s1, $0xF;
	s0 =	smov.u32 s1  }
0x405: {  	s0 =	simm.s32 @!p0 $0xF  }
0x406: {  	s12 =	sld [smem:s0+$0x1];
	_ =	sdelay $0x2  }
0x407: {  	s0 =	sadd.s32 $0x1, s0;
	p0 =	sgt.s32 s12, s23  }
0x408: {  	s0 =	smov.u32 @p0 s1  }
0x409: {  	p0 =	slt.s32 s0, $0xF;
	s1 =	smov.u32 s0  }
0x40a: {  	s1 =	simm.s32 @!p0 $0xF  }
0x40b: {  	s13 =	sld [smem:s1+$0x1];
	_ =	sdelay $0x2  }
0x40c: {  	s1 =	sadd.s32 $0x1, s1;
	p0 =	sgt.s32 s13, s23  }
0x40d: {  	s1 =	smov.u32 @p0 s0  }
0x40e: {  	p0 =	slt.s32 s1, $0xF;
	s0 =	smov.u32 s1  }
0x40f: {  	s0 =	simm.s32 @!p0 $0xF  }
0x410: {  	s14 =	sld [smem:s0+$0x1];
	_ =	sdelay $0x2  }
0x411: {  	s0 =	sadd.s32 $0x1, s0;
	p0 =	sgt.s32 s14, s23  }
0x412: {  	s0 =	smov.u32 @p0 s1  }
0x413: {  	p0 =	slt.s32 s0, $0xF;
	s1 =	smov.u32 s0  }
0x414: {  	s1 =	simm.s32 @!p0 $0xF  }
0x415: {  	s15 =	sld [smem:s1+$0x1];
	_ =	sdelay $0x2  }
0x416: {  	s1 =	sadd.s32 $0x1, s1;
	p0 =	sgt.s32 s15, s23  }
0x417: {  	s1 =	smov.u32 @p0 s0  }
0x418: {  	p0 =	slt.s32 s1, $0xF;
	s0 =	smov.u32 s1  }
0x419: {  	s0 =	simm.s32 @!p0 $0xF  }
0x41a: {  	s21 =	sld [smem:s0+$0x1];
	_ =	sdelay $0x2  }
0x41b: {  	s0 =	sadd.s32 $0x1, s0;
	p0 =	sgt.s32 s21, s23  }
0x41c: {  	s0 =	smov.u32 @p0 s1  }
0x41d: {  	p0 =	slt.s32 s0, $0xF;
	s1 =	smov.u32 s0  }
0x41e: {  	s1 =	simm.s32 @!p0 $0xF  }
0x41f: {  	s24 =	sld [smem:s1+$0x1];
	_ =	sdelay $0x2  }
0x420: {  	s1 =	sadd.s32 $0x1, s1;
	p0 =	sgt.s32 s24, s23  }
0x421: {  	s1 =	smov.u32 @p0 s0  }
0x422: {  	p0 =	slt.s32 s1, $0xF;
	s0 =	smov.u32 s1  }
0x423: {  	s0 =	simm.s32 @!p0 $0xF  }
0x424: {  	s25 =	sld [smem:s0+$0x1];
	_ =	sdelay $0x2  }
0x425: {  	s0 =	sadd.s32 $0x1, s0;
	p0 =	sgt.s32 s25, s23  }
0x426: {  	s0 =	smov.u32 @p0 s1  }
0x427: {  	p0 =	slt.s32 s0, $0xF;
	s1 =	smov.u32 s0  }
0x428: {  	s1 =	simm.s32 @!p0 $0xF  }
0x429: {  	s26 =	sld [smem:s1+$0x1];
	_ =	sdelay $0x2  }
0x42a: {  	s1 =	sadd.s32 $0x1, s1;
	p0 =	sgt.s32 s26, s23  }
0x42b: {  	s1 =	smov.u32 @p0 s0  }
0x42c: {  	p0 =	slt.s32 s1, $0xF;
	s0 =	smov.u32 s1  }
0x42d: {  	s0 =	simm.s32 @!p0 $0xF  }
0x42e: {  	s28 =	sld [smem:s0+$0x1];
	_ =	sdelay $0x2  }
0x42f: {  	s0 =	sadd.s32 $0x1, s0;
	p0 =	sgt.s32 s28, s23  }
0x430: {  	s0 =	smov.u32 @p0 s1  }
0x431: {  	s30 =	sld [smem:$0x7F7];
	p0 =	slt.s32 s0, $0xF;
	s1 =	smov.u32 s0  }
0x432: {  	s31 =	simm.s32 $0x0;
	s1 =	simm.s32 @!p0 $0xF  }
.Ltmp23:
0x433: {  	s3 =	simm.s32 $0x8080;
	s29 =	sld [smem:s1+$0x1];
	(pc) =	sbr.rel .LBB2_34-.Ltmp23, $4  }
0x434: {  	s16 =	sadd.s32 $0x1, s16;
	s24 =	sadd.s32 $0x1, s1;
	s1 =	sadd.s32 s22, s30  }
0x435: {  	[tilespmem:s3], [sflag:$0x2] =	stream.linear.gather [hbm4b:s1+s31], $0x8000, $0x38;
	[tilespmem:$0x14080] =	vst v63  }
0x436: {  	s20 =	sadd.s32 $0xFFFFFFC0, s20;
	s19 =	sadd.s32 $0x40, s19;
	p0 =	sgt.s32 s29, s23  }
0x437: {  	s18 =	sadd.s32 $0xFFFFFFC0, s18;
	s17 =	sadd.s32 $0x40, s17;
	s24 =	smov.u32 @p0 s0  }
.LBB2_46:
0x438: {  	s0 =	sadd.s32 $0x1, s0  }
0x439: {  	p0 =	sne.s32 s0, $0x10  }
.Ltmp24:
0x43a: {  	_ = 	snop;
	(pc) =	sbr.rel @!p0 .LBB2_47-.Ltmp24, $1  }
0x43b: {  	_ =	sdelay $0x3  }
.LBB2_38:
0x43c: {  	s3 =	sadd.s32 s24, s0  }
0x43d: {  	p0 =	slt.s32 s3, $0xF  }
0x43e: {  	p1 =	sgt.s32 s3, $0xF;
	s3 =	simm.s32 @!p0 $0xF  }
0x43f: {  	s2 =	sld [smem:s3+$0x0]  }
0x440: {  	s1 =	sld [smem:s3+$0x1];
	_ =	sdelay $0x1  }
0x441: {  	s4 =	smov.u32 s23  }
0x442: {  	s5 =	smov.u32 s21;
	p0 =	sgt.s32 s2, s23;
	p2 =	slt.s32 s1, s21  }
0x443: {  	s4 =	smov.u32 @p0 s2;
	s5 =	smov.u32 @p2 s1  }
0x444: {  	s1 =	ssub.s32 s5, s4  }
0x445: {  	p0 =	slt.s32 @!p1 s1, $0x1  }
0x446: {  	p0 =	por p1, p0  }
.Ltmp25:
0x447: {  	_ = 	snop;
	(pc) =	sbr.rel @p0 .LBB2_46-.Ltmp25, $1  }
0x448: {  	_ =	sdelay $0x3  }
0x449: {  	s4 =	sshll.u32 s3, $0xA  }
0x44a: {  	s30 =	sshll.u32 s3, $0x7;
	p0 =	sgt.s32 s2, s19;
	s5 =	smov.u32 s19  }
0x44b: {  	s4 =	sand.u32 $0xFFFFE000, s4;
	s3 =	sand.u32 $0x380, s30;
	s5 =	smov.u32 @p0 s2  }
0x44c: {  	s3 =	sor.u32 s3, s4;
	s31 =	sadd.s32 s5, s20;
	s5 =	simm.s32 $0x0  }
0x44d: {  	s2 =	sadd.s32 $0x10080, s3;
	s3 =	sshll.u32 s31, $0x7;
	s4 =	sshll.u32 s31, $0xA  }
.LBB2_40:
0x44e: {  	s6 =	sshll.u32 s5, $0x9;
	s7 =	sshll.u32 s5, $0x6  }
0x44f: {  	s10 =	sand.u32 $0x1C00, s6;
	s12 =	sand.u32 $0x40, s7  }
0x450: {  	p1 =	sgt.s32 s1, $0x1;
	s9 =	sadd.s32 s10, s2;
	s13 =	sor.u32 $0x10, s12  }
.Ltmp26:
0x451: {  	s15 =	sor.u32 $0x30, s12;
	s6 =	sadd.s32 s12, s9;
	(pc) =	sbr.rel @!p1 .LBB2_41-.Ltmp26, $4  }
0x452: {  	s14 =	sor.u32 $0x20, s12;
	s8 =	sadd.s32 s13, s9;
	v7 =	vmov s15;
	v1 =	vld [tilespmem:s6+$0x0]  }
0x453: {  	s30 =	sand.u32 $0xFFFFE000, s4;
	s11 =	sor.u32 $0x80, s10;
	s7 =	sadd.s32 s14, s9;
	v8 =	vmov s14;
	v2 =	vld [tilespmem:s8+$0x0]  }
0x454: {  	s31 =	sand.u32 $0x380, s3;
	s9 =	sadd.s32 s15, s9;
	s10 =	sor.u32 s30, s11;
	v6 =	vmov s13;
	v3 =	vld [tilespmem:s7+$0x0]  }
0x455: {  	p0 =	por $0x0, $0x0;
	v5 =	vmov s12;
	v4 =	vld [tilespmem:s9+$0x0];
	s10 =	sadd.s32 s31, s10  }
0x456: {  	_ =	sdelay $0x1  }
0x457: {  	p1 =	sgt.s32 s1, $0x2  }
.Ltmp27:
0x458: {  	_ = 	snop;
	(pc) =	sbr.rel @!p1 .LBB2_43-.Ltmp27, $4  }
0x459: {  	v9 =	vld.idx.msk [tilespmem:v7+s10+$0x0 ss:$0x1], $0xffff;
	s12 =	sadd.s32 $0x400, s4  }
0x45a: {  	v10 =	vld.idx.msk [tilespmem:v8+s10+$0x0 ss:$0x1], $0xffff;
	s13 =	sadd.s32 $0x80, s3;
	s14 =	sand.u32 $0xFFFFE000, s12  }
0x45b: {  	v11 =	vld.idx.msk [tilespmem:v6+s10+$0x0 ss:$0x1], $0xffff;
	s31 =	sand.u32 $0x380, s13;
	s15 =	sor.u32 s14, s11  }
0x45c: {  	v13 =	vld.idx.msk [tilespmem:v5+s10+$0x0 ss:$0x1], $0xffff;
	p0 =	por $0x1, $0x1;
	v16 =	vmovc v1;
	s14 =	simm.s32 $0x2;
	v15 =	vmov v2;
	s10 =	sadd.s32 s31, s15;
	v14 =	vmov v3;
	v12 =	vmov v4  }
.LBB2_44:
0x45d: {  	s14 =	sadd.s32 $0x1, s14  }
0x45e: {  	v12 =	vadd.f32 v9, v12;
	v9 =	vld.idx.msk [tilespmem:v7+s10+$0x0 ss:$0x1], $0xffff;
	p1 =	sgt.s32 s1, s14  }
.Ltmp28:
0x45f: {  	v14 =	vadd.f32 v10, v14;
	v10 =	vld.idx.msk [tilespmem:v8+s10+$0x0 ss:$0x1], $0xffff;
	(pc) =	sbr.rel @p1 .LBB2_44-.Ltmp28, $4  }
0x460: {  	s12 =	sadd.s32 $0x400, s12;
	v15 =	vadd.f32 v11, v15;
	v11 =	vld.idx.msk [tilespmem:v6+s10+$0x0 ss:$0x1], $0xffff  }
0x461: {  	s13 =	sadd.s32 $0x80, s13;
	s15 =	sand.u32 $0xFFFFE000, s12;
	v16 =	vadd.f32 v13, v16;
	v13 =	vld.idx.msk [tilespmem:v5+s10+$0x0 ss:$0x1], $0xffff  }
0x462: {  	s15 =	sor.u32 s15, s11;
	s10 =	sand.u32 $0x380, s13  }
0x463: {  	s10 =	sadd.s32 s10, s15  }
.LBB2_45:
0x464: {  	_ =	sdelay $0x3  }
0x465: {  	v5 =	vld.idx.msk [tilespmem:v5+s10+$0x0 ss:$0x1], $0xffff  }
0x466: {  	v6 =	vld.idx.msk [tilespmem:v6+s10+$0x0 ss:$0x1], $0xffff  }
0x467: {  	v8 =	vld.idx.msk [tilespmem:v8+s10+$0x0 ss:$0x1], $0xffff;
	v10 =	vadd.f32 @p0 v10, v14;
	v13 =	vadd.f32 @p0 v13, v16  }
0x468: {  	v7 =	vld.idx.msk [tilespmem:v7+s10+$0x0 ss:$0x1], $0xffff;
	v9 =	vadd.f32 @p0 v9, v12;
	v11 =	vadd.f32 @p0 v11, v15  }
0x469: {  	s5 =	sadd.s32 $0x1, s5;
	v3 =	vpsel p0, v10, v3;
	v1 =	vpsel p0, v13, v1  }
0x46a: {  	v4 =	vpsel p0, v9, v4;
	v2 =	vpsel p0, v11, v2;
	p0 =	sne.s32 s5, $0x10;
	v1 =	vadd.f32 v5, v1  }
.Ltmp29:
0x46b: {  	v2 =	vadd.f32 v6, v2;
	(pc) =	sbr.rel @p0 .LBB2_40-.Ltmp29, $4  }
.Ltmp30:
0x46c: {  	v3 =	vadd.f32 v8, v3;
	[tilespmem:s6+$0x0] =	vst v1;
	(pc) =	sbr.rel @!p0 .LBB2_46-.Ltmp30, $4  }
0x46d: {  	v1 =	vadd.f32 v7, v4;
	[tilespmem:s8+$0x0] =	vst v2  }
0x46e: {  	[tilespmem:s7+$0x0] =	vst v3  }
0x46f: {  	[tilespmem:s9+$0x0] =	vst v1  }
0x470: {  	_ = 	snop  }
.LBB2_41:
.Ltmp31:
0x471: {  	_ = 	snop;
	(pc) =	sbr.rel .LBB2_45-.Ltmp31, $2  }
0x472: {  	_ =	sdelay $0x2  }
0x473: {  	v16 =	vmovc v1;
	v15 =	vmov v2;
	v14 =	vmov v3;
	v12 =	vmov v4  }
.LBB2_43:
.Ltmp32:
0x474: {  	(pc) =	sbr.rel .LBB2_45-.Ltmp32, $2  }
0x475: {  	_ =	sdelay $0x2  }
0x476: {  	v12 =	vmovc v4;
	v14 =	vmov v3;
	v15 =	vmov v2;
	v16 =	vmov v1  }
.LBB2_59:
0x477: {  	s0 =	sadd.s32 $0x1, s0  }
0x478: {  	p1 =	sne.s32 s0, $0x10  }
.Ltmp33:
0x479: {  	_ = 	snop;
	(pc) =	sbr.rel @!p1 .LBB2_60-.Ltmp33, $1  }
0x47a: {  	_ =	sdelay $0x3  }
.LBB2_51:
0x47b: {  	s3 =	sadd.s32 s24, s0  }
0x47c: {  	p1 =	slt.s32 s3, $0xF  }
0x47d: {  	p2 =	sgt.s32 s3, $0xF;
	s3 =	simm.s32 @!p1 $0xF  }
0x47e: {  	s2 =	sld [smem:s3+$0x0]  }
0x47f: {  	s1 =	sld [smem:s3+$0x1];
	_ =	sdelay $0x1  }
0x480: {  	s4 =	smov.u32 s21  }
0x481: {  	s5 =	smov.u32 s23;
	p1 =	sgt.s32 s2, s21;
	p3 =	slt.s32 s1, s23  }
0x482: {  	s4 =	smov.u32 @p1 s2;
	s5 =	smov.u32 @p3 s1  }
0x483: {  	s1 =	ssub.s32 s5, s4  }
0x484: {  	p1 =	slt.s32 @!p2 s1, $0x1  }
0x485: {  	p1 =	por p2, p1  }
.Ltmp34:
0x486: {  	_ = 	snop;
	(pc) =	sbr.rel @p1 .LBB2_59-.Ltmp34, $1  }
0x487: {  	_ =	sdelay $0x3  }
0x488: {  	s4 =	sshll.u32 s3, $0xA  }
0x489: {  	s30 =	sshll.u32 s3, $0x7;
	p1 =	sgt.s32 s2, s17;
	s5 =	smov.u32 s17  }
0x48a: {  	s4 =	sand.u32 $0xFFFFE000, s4;
	s3 =	sand.u32 $0x380, s30;
	s5 =	smov.u32 @p1 s2  }
0x48b: {  	s3 =	sor.u32 s3, s4;
	s31 =	sadd.s32 s5, s18;
	s5 =	simm.s32 $0x0  }
0x48c: {  	s2 =	sadd.s32 $0x10080, s3;
	s3 =	sshll.u32 s31, $0x7;
	s4 =	sshll.u32 s31, $0xA  }
.LBB2_53:
0x48d: {  	s6 =	sshll.u32 s5, $0x9;
	s7 =	sshll.u32 s5, $0x6  }
0x48e: {  	s10 =	sand.u32 $0x1C00, s6;
	s12 =	sand.u32 $0x40, s7  }
0x48f: {  	p2 =	sgt.s32 s1, $0x1;
	s9 =	sadd.s32 s10, s2;
	s13 =	sor.u32 $0x10, s12  }
.Ltmp35:
0x490: {  	s15 =	sor.u32 $0x30, s12;
	s6 =	sadd.s32 s12, s9;
	(pc) =	sbr.rel @!p2 .LBB2_54-.Ltmp35, $4  }
0x491: {  	s14 =	sor.u32 $0x20, s12;
	s8 =	sadd.s32 s13, s9;
	v7 =	vmov s15;
	v1 =	vld [tilespmem:s6+$0x0]  }
0x492: {  	s30 =	sand.u32 $0xFFFFE000, s4;
	s11 =	sor.u32 $0x8080, s10;
	s7 =	sadd.s32 s14, s9;
	v8 =	vmov s14;
	v2 =	vld [tilespmem:s8+$0x0]  }
0x493: {  	s31 =	sand.u32 $0x380, s3;
	s9 =	sadd.s32 s15, s9;
	s10 =	sadd.s32 s30, s11;
	v6 =	vmov s13;
	v3 =	vld [tilespmem:s7+$0x0]  }
0x494: {  	p1 =	por $0x0, $0x0;
	v5 =	vmov s12;
	v4 =	vld [tilespmem:s9+$0x0];
	s10 =	sadd.s32 s31, s10  }
0x495: {  	_ =	sdelay $0x1  }
0x496: {  	p2 =	sgt.s32 s1, $0x2  }
.Ltmp36:
0x497: {  	_ = 	snop;
	(pc) =	sbr.rel @!p2 .LBB2_56-.Ltmp36, $4  }
0x498: {  	v9 =	vld.idx.msk [tilespmem:v7+s10+$0x0 ss:$0x1], $0xffff;
	s12 =	sadd.s32 $0x400, s4  }
0x499: {  	v10 =	vld.idx.msk [tilespmem:v8+s10+$0x0 ss:$0x1], $0xffff;
	s13 =	sadd.s32 $0x80, s3;
	s14 =	sand.u32 $0xFFFFE000, s12  }
0x49a: {  	v11 =	vld.idx.msk [tilespmem:v6+s10+$0x0 ss:$0x1], $0xffff;
	s31 =	sand.u32 $0x380, s13;
	s15 =	sadd.s32 s14, s11  }
0x49b: {  	v13 =	vld.idx.msk [tilespmem:v5+s10+$0x0 ss:$0x1], $0xffff;
	p1 =	por $0x1, $0x1;
	v16 =	vmovc v1;
	s14 =	simm.s32 $0x2;
	v15 =	vmov v2;
	s10 =	sadd.s32 s31, s15;
	v14 =	vmov v3;
	v12 =	vmov v4  }
.LBB2_57:
0x49c: {  	s14 =	sadd.s32 $0x1, s14  }
0x49d: {  	v12 =	vadd.f32 v9, v12;
	v9 =	vld.idx.msk [tilespmem:v7+s10+$0x0 ss:$0x1], $0xffff;
	p2 =	sgt.s32 s1, s14  }
.Ltmp37:
0x49e: {  	v14 =	vadd.f32 v10, v14;
	v10 =	vld.idx.msk [tilespmem:v8+s10+$0x0 ss:$0x1], $0xffff;
	(pc) =	sbr.rel @p2 .LBB2_57-.Ltmp37, $4  }
0x49f: {  	s12 =	sadd.s32 $0x400, s12;
	v15 =	vadd.f32 v11, v15;
	v11 =	vld.idx.msk [tilespmem:v6+s10+$0x0 ss:$0x1], $0xffff  }
0x4a0: {  	s13 =	sadd.s32 $0x80, s13;
	s15 =	sand.u32 $0xFFFFE000, s12;
	v16 =	vadd.f32 v13, v16;
	v13 =	vld.idx.msk [tilespmem:v5+s10+$0x0 ss:$0x1], $0xffff  }
0x4a1: {  	s15 =	sadd.s32 s15, s11;
	s10 =	sand.u32 $0x380, s13  }
0x4a2: {  	s10 =	sadd.s32 s10, s15  }
.LBB2_58:
0x4a3: {  	_ =	sdelay $0x3  }
0x4a4: {  	v5 =	vld.idx.msk [tilespmem:v5+s10+$0x0 ss:$0x1], $0xffff  }
0x4a5: {  	v6 =	vld.idx.msk [tilespmem:v6+s10+$0x0 ss:$0x1], $0xffff  }
0x4a6: {  	v8 =	vld.idx.msk [tilespmem:v8+s10+$0x0 ss:$0x1], $0xffff;
	v10 =	vadd.f32 @p1 v10, v14;
	v13 =	vadd.f32 @p1 v13, v16  }
0x4a7: {  	v7 =	vld.idx.msk [tilespmem:v7+s10+$0x0 ss:$0x1], $0xffff;
	v9 =	vadd.f32 @p1 v9, v12;
	v11 =	vadd.f32 @p1 v11, v15  }
0x4a8: {  	s5 =	sadd.s32 $0x1, s5;
	v3 =	vpsel p1, v10, v3;
	v1 =	vpsel p1, v13, v1  }
0x4a9: {  	v4 =	vpsel p1, v9, v4;
	v2 =	vpsel p1, v11, v2;
	p1 =	sne.s32 s5, $0x10;
	v1 =	vadd.f32 v5, v1  }
.Ltmp38:
0x4aa: {  	v2 =	vadd.f32 v6, v2;
	(pc) =	sbr.rel @p1 .LBB2_53-.Ltmp38, $4  }
.Ltmp39:
0x4ab: {  	v3 =	vadd.f32 v8, v3;
	[tilespmem:s6+$0x0] =	vst v1;
	(pc) =	sbr.rel @!p1 .LBB2_59-.Ltmp39, $4  }
0x4ac: {  	v1 =	vadd.f32 v7, v4;
	[tilespmem:s8+$0x0] =	vst v2  }
0x4ad: {  	[tilespmem:s7+$0x0] =	vst v3  }
0x4ae: {  	[tilespmem:s9+$0x0] =	vst v1  }
0x4af: {  	_ = 	snop  }
.LBB2_54:
.Ltmp40:
0x4b0: {  	_ = 	snop;
	(pc) =	sbr.rel .LBB2_58-.Ltmp40, $2  }
0x4b1: {  	_ =	sdelay $0x2  }
0x4b2: {  	v16 =	vmovc v1;
	v15 =	vmov v2;
	v14 =	vmov v3;
	v12 =	vmov v4  }
.LBB2_56:
.Ltmp41:
0x4b3: {  	(pc) =	sbr.rel .LBB2_58-.Ltmp41, $2  }
0x4b4: {  	_ =	sdelay $0x2  }
0x4b5: {  	v12 =	vmovc v4;
	v14 =	vmov v3;
	v15 =	vmov v2;
	v16 =	vmov v1  }
.LBB2_63:
0x4b6: {  	_ =	sfence.sel $0x180000  }
0x4b7: {  	[bflag:$0x0] =	sbarrier.arrive $0xFFFF  }
0x4b8: {  	_ =	strace $0x90000047  }
0x4b9: {  	s0 =	stileid.u32;
	[bflag:$0x2] =	sbarrier.arrive $0xFFFF  }
0x4ba: {  	p0 =	sne.s32 s0, $0x0;
	s0 =	rddreg [dreg:$0x3]  }
0x4bb: {  	s0 =	sadd.s32 @!p0 $0x100000, s0  }
0x4bc: {  	[sflag:s0] =	ssyncadd.tile.s32 @!p0 $0x1;
	_ =	shalt  }
.Lfunc_end2:
_tile_overlayer_lowered:
.L_overlay_start_2:
0x4bd: {  	(tag) =	ssettag $0x2  }
0x4be: {  	s0 =	rddreg [dreg:$0x0];
	s2 =	stileid.u32  }
0x4bf: {  	s1 =	rddreg [dreg:$0x1];
	p0 =	sne.s32 s2, $0x0  }
0x4c0: {  	s3 =	rddreg [dreg:$0x2];
	[bflag:$0x3] =	sbarrier.arrive $0xFFFF;
	s2 =	simm.s32 @!p0 $0x1C03  }
0x4c1: {  	[timem:s3], [sflag:s2] =	dma.local @!p0 [hbm:s0], s1  }
0x4c2: {  	s0 =	simm.s32 @!p0 $0x3  }
0x4c3: {  	_ =	swait.ge @!p0 [sflag:s0], s1  }
0x4c4: {  	s1 =	ssub.s32 @!p0 $0x0, s1;
	[sflag:s0] =	ssyncset.done @!p0 $0x0  }
0x4c5: {  	[sflag:s0] =	ssyncadd.s32 @!p0 s1  }
0x4c6: {  	[bflag:$0x3] =	sbarrier.arrive $0xFFFF  }
0x4c7: {  	_ =	shalt  }

</sc_bundles>
